<compile_context>
chip_gen: v7x
topology: tpu7x:2x2x1
jax: 0.10.2.dev20260603
libtpu: 0.0.44.dev20260713+nightly
codegen_flags: <defaults>
</compile_context>

<pallas_src>
import functools

import numpy as np
import jax
import jax.numpy as jnp
from jax import lax
from jax.experimental import pallas as pl
from jax.experimental.pallas import tpu as pltpu
from jax.experimental.pallas import tpu_sc as plsc

_GRID_SIZE = 5
_K = 3
_NC = 2
_NS = 16
_NW = _NC * _NS
_CH = 128

_F32 = jnp.float32
_HI = lax.Precision.HIGHEST

_GRID_NP = np.arange(-_K, _GRID_SIZE + _K + 1, dtype=np.float32) \
    * np.float32(2.0 / _GRID_SIZE) - np.float32(1.0)


def _dot(a, b):
    return jnp.dot(a, b, preferred_element_type=_F32)


def _silu(x):
    return x / (1.0 + jnp.exp(-x))


def _bspline_bases(x):
    g = [float(v) for v in _GRID_NP]
    n = len(g) - 1
    bases = [jnp.where((x >= g[j]) & (x < g[j + 1]), 1.0, 0.0).astype(_F32)
             for j in range(n)]
    for p in range(1, _K + 1):
        nxt = []
        for j in range(n - p):
            rl = 1.0 / (g[j + p] - g[j])
            rr = 1.0 / (g[j + p + 1] - g[j + 1])
            nxt.append(((x - g[j]) * rl) * bases[j]
                       + ((g[j + p + 1] - x) * rr) * bases[j + 1])
        bases = nxt
    return bases



def _sc_accumulate(tbl, idx, ts, td, acc, scur, dcur, rowbuf, sem,
                   wid, nch, E):
    dbase = td * E
    sbase = ts * E
    rem_ch = (E // _CH) % _NW

    def step(j, carry):
        off = (j * _NW + wid) * _CH
        pltpu.sync_copy(idx.at[pl.ds(dbase + off, _CH)], dcur)
        if tbl is not None:
            pltpu.sync_copy(idx.at[pl.ds(sbase + off, _CH)], scur)
            pltpu.async_copy(tbl.at[scur], rowbuf, sem).wait()
        pltpu.sync_copy(rowbuf, acc.at[dcur], add=True)
        return carry

    lax.fori_loop(0, nch + jnp.where(wid < rem_ch, 1, 0), step, 0)


def _row_split(R):
    step = (R // _NS) // 8 * 8
    rem = R - _NS * step
    return step, rem


def _sc_zero(z, ref, sid, rows):
    step, rem = _row_split(rows)
    pltpu.sync_copy(z.at[pl.ds(sid * step, step)],
                    ref.at[pl.ds(sid * step, step)])
    if rem:
        @pl.when(sid == 0)
        def _tail():
            pltpu.sync_copy(z.at[pl.ds(_NS * step, rem)],
                            ref.at[pl.ds(_NS * step, rem)])


def _sc_flush(ref, out, cid, sid, base, rows, RT):
    step, rem = _row_split(rows)
    b0 = cid * RT + base
    pltpu.sync_copy(ref.at[pl.ds(sid * step, step)],
                    out.at[pl.ds(b0 + sid * step, step)])
    if rem:
        @pl.when(sid == 0)
        def _tail():
            pltpu.sync_copy(ref.at[pl.ds(_NS * step, rem)],
                            out.at[pl.ds(b0 + _NS * step, rem)])


def _make_sc_layer1(E, H, R1, R2):
    nch = E // _NW // _CH
    RT = 2 * (2 * R1 + 2 * R2)
    mesh = plsc.VectorSubcoreMesh(core_axis_name="c", subcore_axis_name="s")
    out_type = jax.ShapeDtypeStruct((_NC * RT, H), _F32)
    scratch = [
        pltpu.VMEM_SHARED((R1, H), _F32),
        pltpu.VMEM((_CH,), jnp.int32),
        pltpu.VMEM((_CH,), jnp.int32),
        pltpu.VMEM((_CH, H), _F32),
        pltpu.VMEM((_CH, H), _F32),
        pltpu.SemaphoreType.DMA,
    ]
    bases = [0, R1, 2 * R1, 2 * R1 + R2]
    zrows = [R1, R1, R2, R2]
    tblsel = [0, 1, 0, 1]
    half = 2 * R1 + 2 * R2

    @functools.partial(pl.kernel, mesh=mesh, out_type=out_type,
                       scratch_types=scratch)
    def sc1(tbl_sd, tbl_e, idx, z128, ones128, sums,
            acc, scur, dcur, rowbuf, onesbuf, sem):
        cid = lax.axis_index("c")
        sid = lax.axis_index("s")
        wid = sid * _NC + cid
        pltpu.sync_copy(ones128, onesbuf)
        for t in range(8):
            p = t % 4
            _sc_zero(z128, acc, sid, zrows[p])
            plsc.subcore_barrier()
            if t < 4:
                tbl = tbl_sd if tblsel[p] == 0 else tbl_e
                _sc_accumulate(tbl, idx, 2 * p, 2 * p + 1, acc,
                               scur, dcur, rowbuf, sem, wid, nch, E)
            else:
                _sc_accumulate(None, idx, 2 * p, 2 * p + 1, acc,
                               scur, dcur, onesbuf, sem, wid, nch, E)
            plsc.subcore_barrier()
            base = bases[p] if t < 4 else half + bases[p]
            _sc_flush(acc, sums, cid, sid, base, zrows[p], RT)
            plsc.subcore_barrier()

    return sc1


def _make_sc_layer2(E, H, R1, R2):
    nch = E // _NW // _CH
    mesh = plsc.VectorSubcoreMesh(core_axis_name="c", subcore_axis_name="s")
    out_type = jax.ShapeDtypeStruct((_NC * (R1 + R2), H), _F32)
    scratch = [
        pltpu.VMEM_SHARED((R1, H), _F32),
        pltpu.VMEM((_CH,), jnp.int32),
        pltpu.VMEM((_CH,), jnp.int32),
        pltpu.VMEM((_CH, H), _F32),
        pltpu.SemaphoreType.DMA,
    ]
    phases = [(0, 1, 0, R1), (4, 5, R1, R2)]

    @functools.partial(pl.kernel, mesh=mesh, out_type=out_type,
                       scratch_types=scratch)
    def sc2(tbl, idx, z128, sums, acc, scur, dcur, rowbuf, sem):
        cid = lax.axis_index("c")
        sid = lax.axis_index("s")
        wid = sid * _NC + cid
        for ts, td, base, rows in phases:
            _sc_zero(z128, acc, sid, rows)
            plsc.subcore_barrier()
            _sc_accumulate(tbl, idx, ts, td, acc,
                           scur, dcur, rowbuf, sem, wid, nch, E)
            plsc.subcore_barrier()
            _sc_flush(acc, sums, cid, sid, base, rows, R1 + R2)
            plsc.subcore_barrier()

    return sc2



_B = 1000


def _proj_body(x_ref, w_ref, b_ref, o_ref):
    o_ref[...] = _dot(x_ref[...], w_ref[...]) + b_ref[...]


def _proj(x, wT, b):
    N, D = x.shape
    H = wT.shape[1]
    return pl.pallas_call(
        _proj_body,
        grid=(N // _B,),
        in_specs=[
            pl.BlockSpec((_B, D), lambda i: (i, 0)),
            pl.BlockSpec((D, H), lambda i: (0, 0)),
            pl.BlockSpec((1, H), lambda i: (0, 0)),
        ],
        out_specs=pl.BlockSpec((_B, H), lambda i: (i, 0)),
        out_shape=jax.ShapeDtypeStruct((N, H), _F32),
    )(x, wT, b)


def _mean(s_blk, c_blk, g=None):
    s = s_blk[0] + s_blk[1]
    c = c_blk[0, :, :1] + c_blk[1, :, :1]
    m = s / jnp.maximum(c, 1.0)
    if g is not None:
        m = g * m
    return m


def _packed_spec(w, b0, nb):
    return pl.BlockSpec((2, _B, w),
                        lambda i: (0, b0 + jnp.minimum(i, nb - 1), 0))


def _sage_pair_body(x_ref, s_ref, c_ref, wl0_ref, wl1_ref, wr0_ref, wr1_ref,
                    b0_ref, b1_ref, o_ref, *, nb0):
    i = pl.program_id(0)
    sel = jnp.where(i < nb0, 1.0, 0.0).astype(_F32)
    wl = sel * wl0_ref[...] + (1.0 - sel) * wl1_ref[...]
    wr = sel * wr0_ref[...] + (1.0 - sel) * wr1_ref[...]
    b = sel * b0_ref[...] + (1.0 - sel) * b1_ref[...]
    o = _dot(_mean(s_ref[...], c_ref[...]), wl) + b + _dot(x_ref[...], wr)
    o_ref[...] = jnp.maximum(o, 0.0)


def _sage_pair(x_sd, sums, es_b0, nb0, ed_b0, ces_b0, ced_b0,
               wl0T, wl1T, wr0T, wr1T, b0, b1):
    N, H = x_sd.shape

    def smap(b_s, b_d):
        return lambda i: (0, jnp.where(i < nb0, b_s + i, b_d + i - nb0), 0)

    return pl.pallas_call(
        functools.partial(_sage_pair_body, nb0=nb0),
        grid=(N // _B,),
        in_specs=[
            pl.BlockSpec((_B, H), lambda i: (i, 0)),
            pl.BlockSpec((2, _B, H), smap(es_b0, ed_b0)),
            pl.BlockSpec((2, _B, H), smap(ces_b0, ced_b0)),
            pl.BlockSpec((H, H), lambda i: (0, 0)),
            pl.BlockSpec((H, H), lambda i: (0, 0)),
            pl.BlockSpec((H, H), lambda i: (0, 0)),
            pl.BlockSpec((H, H), lambda i: (0, 0)),
            pl.BlockSpec((1, H), lambda i: (0, 0)),
            pl.BlockSpec((1, H), lambda i: (0, 0)),
        ],
        out_specs=pl.BlockSpec((_B, H), lambda i: (i, 0)),
        out_shape=jax.ShapeDtypeStruct((N, H), _F32),
    )(x_sd, sums, sums, wl0T, wl1T, wr0T, wr1T, b0, b1)


def _email_body(x_ref, sse_ref, cse_ref, sde_ref, cde_ref, wlse_ref,
                wlde_ref, wrse_ref, wrde_ref, bse_ref, bde_ref,
                nb_se, nb_de):
    i = pl.program_id(0)
    xv = x_ref[...]
    g_se = jnp.where(i < nb_se, 1.0, 0.0).astype(_F32)
    g_de = jnp.where(i < nb_de, 1.0, 0.0).astype(_F32)
    t_se = _dot(_mean(sse_ref[...], cse_ref[...], g_se), wlse_ref[...]) \
        + bse_ref[...] + _dot(xv, wrse_ref[...])
    t_de = _dot(_mean(sde_ref[...], cde_ref[...], g_de), wlde_ref[...]) \
        + bde_ref[...] + _dot(xv, wrde_ref[...])
    return jnp.maximum(t_se + t_de, 0.0)


def _email_specs(H, se_b0, nb_se, de_b0, nb_de, cse_b0, cde_b0):
    return [
        pl.BlockSpec((_B, H), lambda i: (i, 0)),
        _packed_spec(H, se_b0, nb_se),
        _packed_spec(H, cse_b0, nb_se),
        _packed_spec(H, de_b0, nb_de),
        _packed_spec(H, cde_b0, nb_de),
        pl.BlockSpec((H, H), lambda i: (0, 0)),
        pl.BlockSpec((H, H), lambda i: (0, 0)),
        pl.BlockSpec((H, H), lambda i: (0, 0)),
        pl.BlockSpec((H, H), lambda i: (0, 0)),
        pl.BlockSpec((1, H), lambda i: (0, 0)),
        pl.BlockSpec((1, H), lambda i: (0, 0)),
    ]


def _email_dense(x, sums, cnts, se_b0, nb_se, de_b0, nb_de, cse_b0, cde_b0,
                 wlseT, wldeT, wrseT, wrdeT, bse, bde):
    N, H = x.shape
    in_specs = _email_specs(H, se_b0, nb_se, de_b0, nb_de, cse_b0, cde_b0)

    def body(x_ref, sse_ref, cse_ref, sde_ref, cde_ref, wlse_ref, wlde_ref,
             wrse_ref, wrde_ref, bse_ref, bde_ref, o_ref):
        o_ref[...] = _email_body(x_ref, sse_ref, cse_ref, sde_ref, cde_ref,
                                 wlse_ref, wlde_ref, wrse_ref, wrde_ref,
                                 bse_ref, bde_ref, nb_se, nb_de)

    return pl.pallas_call(
        body,
        grid=(N // _B,),
        in_specs=in_specs,
        out_specs=pl.BlockSpec((_B, H), lambda i: (i, 0)),
        out_shape=jax.ShapeDtypeStruct((N, H), _F32),
    )(x, sums, cnts, sums, cnts, wlseT, wldeT, wrseT, wrdeT, bse, bde)


def _email_kan(x, sums2, cnts, se_b0, nb_se, de_b0, nb_de, cse_b0, cde_b0,
               wlseT, wldeT, wrseT, wrdeT, bse, bde, bw1T, s1p, bw2T, s2p):
    N, H = x.shape
    OUTP = bw2T.shape[1]
    in_specs = _email_specs(H, se_b0, nb_se, de_b0, nb_de, cse_b0, cde_b0)
    in_specs += [
        pl.BlockSpec(bw1T.shape, lambda i: (0, 0)),
        pl.BlockSpec(s1p.shape, lambda i: (0, 0, 0)),
        pl.BlockSpec(bw2T.shape, lambda i: (0, 0)),
        pl.BlockSpec(s2p.shape, lambda i: (0, 0, 0)),
    ]

    def body(x_ref, sse_ref, cse_ref, sde_ref, cde_ref, wlse_ref, wlde_ref,
             wrse_ref, wrde_ref, bse_ref, bde_ref,
             bw1_ref, s1_ref, bw2_ref, s2_ref, o_ref):
        e = _email_body(x_ref, sse_ref, cse_ref, sde_ref, cde_ref,
                        wlse_ref, wlde_ref, wrse_ref, wrde_ref,
                        bse_ref, bde_ref, nb_se, nb_de)
        h = _dot(_silu(e), bw1_ref[...])
        for k, bk in enumerate(_bspline_bases(e)):
            h = h + _dot(bk, s1_ref[k])
        o = _dot(_silu(h), bw2_ref[...])
        for k, bk in enumerate(_bspline_bases(h)):
            o = o + _dot(bk, s2_ref[k])
        o_ref[...] = o

    return pl.pallas_call(
        body,
        grid=(N // _B,),
        in_specs=in_specs,
        out_specs=pl.BlockSpec((_B, OUTP), lambda i: (i, 0)),
        out_shape=jax.ShapeDtypeStruct((N, OUTP), _F32),
    )(x, sums2, cnts, sums2, cnts, wlseT, wldeT, wrseT, wrdeT, bse, bde,
      bw1T, s1p, bw2T, s2p)



def kernel(x_email, ei_se, ei_es, ei_de, ei_ed, email_W, email_b,
           sender_emb, domain_emb, Wl, bl, Wr,
           base_w1, spline_w1, scaler1, base_w2, spline_w2, scaler2):
    Ne, Din = x_email.shape
    H = email_W.shape[0]
    Ns = sender_emb.shape[0]
    Nd = domain_emb.shape[0]
    E = ei_se.shape[1]

    idx = jnp.concatenate([
        ei_se[0], ei_se[1], ei_es[0], ei_es[1],
        ei_de[0] + Ns, ei_de[1], ei_ed[0], ei_ed[1],
    ])

    tbl_sd = jnp.concatenate([sender_emb, domain_emb], axis=0)
    z128 = jnp.zeros((Ns, H), _F32)
    ones128 = jnp.ones((_CH, H), _F32)

    x_e = _proj(x_email, email_W.T, email_b.reshape(1, H))

    half = 2 * Ns + 2 * Nd
    sc1 = _make_sc_layer1(E, H, Ns, Nd)
    sums1 = sc1(tbl_sd, x_e, idx, z128, ones128).reshape(_NC, 2 * half, H)
    nb_se, nb_de = Ns // _B, Nd // _B
    hb = half // _B
    se_b0, es_b0, de_b0, ed_b0 = (0, Ns // _B, 2 * Ns // _B,
                                  (2 * Ns + Nd) // _B)

    e1 = _email_dense(x_e, sums1, sums1, se_b0, nb_se, de_b0, nb_de,
                      hb + se_b0, hb + de_b0,
                      Wl[0, 0].T, Wl[0, 2].T, Wr[0, 0].T, Wr[0, 2].T,
                      bl[0, 0].reshape(1, H), bl[0, 2].reshape(1, H))
    sd1 = _sage_pair(tbl_sd, sums1, es_b0, nb_se, ed_b0,
                     hb + es_b0, hb + ed_b0,
                     Wl[0, 1].T, Wl[0, 3].T, Wr[0, 1].T, Wr[0, 3].T,
                     bl[0, 1].reshape(1, H), bl[0, 3].reshape(1, H))

    sc2 = _make_sc_layer2(E, H, Ns, Nd)
    sums2 = sc2(sd1, idx, z128).reshape(_NC, Ns + Nd, H)

    s1p = jnp.transpose(spline_w1 * scaler1[..., None], (2, 1, 0))
    s2p = jnp.transpose(spline_w2 * scaler2[..., None], (2, 1, 0))
    out = _email_kan(e1, sums2, sums1, 0, nb_se, Ns // _B, nb_de,
                     hb + se_b0, hb + de_b0,
                     Wl[1, 0].T, Wl[1, 2].T, Wr[1, 0].T, Wr[1, 2].T,
                     bl[1, 0].reshape(1, H), bl[1, 2].reshape(1, H),
                     base_w1.T, s1p, base_w2.T, s2p)
    return out

# --- scband reference (transcript-rebuilt; emitter-appended) ---
"""Pipeline reference for scband-hetero-kanguard-45921790329236 (READ-ONLY COPY).

The authoritative reference and input builder live on the scoring server;
editing this copy changes nothing except your own understanding.
"""

import jax, jax.numpy as jnp
import numpy as np

N_EMAIL = 50000
N_SENDER = 10000
N_DOMAIN = 2000
D_IN = 128
H = 128
OUT = 2
E = 160000
GRID_SIZE = 5
K = 3


def setup_inputs(seed: int = 0):
    key = jax.random.key(seed)
    ks = jax.random.split(key, 20)
    s = 1.0 / np.sqrt(H)
    inp = {}
    inp['x_email'] = jax.random.normal(ks[0], (N_EMAIL, D_IN), jnp.float32)
    inp['ei_se'] = jax.random.randint(ks[1], (2, E), 0, N_SENDER)
    inp['ei_es'] = jax.random.randint(ks[2], (2, E), 0, N_SENDER)
    inp['ei_de'] = jax.random.randint(ks[3], (2, E), 0, N_DOMAIN)
    inp['ei_ed'] = jax.random.randint(ks[4], (2, E), 0, N_DOMAIN)
    inp['email_W'] = jax.random.uniform(ks[5], (H, D_IN), jnp.float32, -s, s)
    inp['email_b'] = jnp.zeros((H,), jnp.float32)
    inp['sender_emb'] = jax.random.normal(ks[6], (N_SENDER, H), jnp.float32)
    inp['domain_emb'] = jax.random.normal(ks[7], (N_DOMAIN, H), jnp.float32)
    # per-layer (2), per-edge-type (4) SAGEConv weights: lin_l (with bias) on aggregated src, lin_r (no bias) on dst
    inp['Wl'] = jax.random.uniform(ks[8], (2, 4, H, H), jnp.float32, -s, s)
    inp['bl'] = jnp.zeros((2, 4, H), jnp.float32)
    inp['Wr'] = jax.random.uniform(ks[9], (2, 4, H, H), jnp.float32, -s, s)
    # KAN([H, 64, OUT]) params (efficient-kan style KANLinear)
    s1 = 1.0 / np.sqrt(H)
    s2 = 1.0 / np.sqrt(64)
    inp['base_w1'] = jax.random.uniform(ks[10], (64, H), jnp.float32, -s1, s1)
    inp['spline_w1'] = jax.random.normal(ks[11], (64, H, GRID_SIZE + K), jnp.float32) * 0.1
    inp['scaler1'] = jnp.ones((64, H), jnp.float32)
    inp['base_w2'] = jax.random.uniform(ks[12], (OUT, 64), jnp.float32, -s2, s2)
    inp['spline_w2'] = jax.random.normal(ks[13], (OUT, 64, GRID_SIZE + K), jnp.float32) * 0.1
    inp['scaler2'] = jnp.ones((OUT, 64), jnp.float32)
    return inp


def _sage(x_src, x_dst, ei, Wl_, bl_, Wr_):
    # PyG SAGEConv: mean-aggregate src neighbors, lin_l(aggr) + lin_r(x_dst)
    src, dst = ei[0], ei[1]
    n_dst = x_dst.shape[0]
    msgs = jnp.take(x_src, src, axis=0)
    summed = jax.ops.segment_sum(msgs, dst, num_segments=n_dst)
    cnt = jax.ops.segment_sum(jnp.ones((ei.shape[1],), x_src.dtype), dst, num_segments=n_dst)
    mean = summed / jnp.maximum(cnt, 1.0)[:, None]
    return mean @ Wl_.T + bl_ + x_dst @ Wr_.T


def _b_splines(x, grid):
    xg = x[..., None]
    bases = ((xg >= grid[:-1]) & (xg < grid[1:])).astype(x.dtype)
    for p in range(1, K + 1):
        left = (xg - grid[:-(p + 1)]) / (grid[p:-1] - grid[:-(p + 1)])
        right = (grid[p + 1:] - xg) / (grid[p + 1:] - grid[1:-p])
        bases = left * bases[..., :-1] + right * bases[..., 1:]
    return bases


def _kan_linear(x, base_w, spline_w, scaler, grid):
    base = jax.nn.silu(x) @ base_w.T
    bs = _b_splines(x, grid).reshape(x.shape[0], -1)
    sw = (spline_w * scaler[..., None]).reshape(base_w.shape[0], -1)
    return base + bs @ sw.T


def reference(x_email, ei_se, ei_es, ei_de, ei_ed, email_W, email_b, sender_emb, domain_emb, Wl, bl, Wr, base_w1, spline_w1, scaler1, base_w2, spline_w2, scaler2):
    grid = jnp.arange(-K, GRID_SIZE + K + 1, dtype=jnp.float32) * (2.0 / GRID_SIZE) - 1.0
    x = {'email': x_email @ email_W.T + email_b, 'sender': sender_emb, 'domain': domain_emb}
    for l in range(2):
        e = jax.nn.relu(_sage(x['sender'], x['email'], ei_se, Wl[l, 0], bl[l, 0], Wr[l, 0])
                        + _sage(x['domain'], x['email'], ei_de, Wl[l, 2], bl[l, 2], Wr[l, 2]))
        sd = jax.nn.relu(_sage(x['email'], x['sender'], ei_es, Wl[l, 1], bl[l, 1], Wr[l, 1]))
        d = jax.nn.relu(_sage(x['email'], x['domain'], ei_ed, Wl[l, 3], bl[l, 3], Wr[l, 3]))
        x = {'email': e, 'sender': sd, 'domain': d}
    h = _kan_linear(x['email'], base_w1, spline_w1, scaler1, grid)
    out = _kan_linear(h, base_w2, spline_w2, scaler2, grid)
    return out

if __name__ == "__main__":
    import jax
    _d = setup_inputs()
    print(jax.jit(kernel)(*tuple(_d.values())))

</pallas_src>

<mosaic_0001>
#map = affine_map<(d0, d1) -> (0, 0)>
#map1 = affine_map<(d0, d1) -> (0)>
module attributes {stable_mosaic.version = 14 : i64} {
  func.func @sc1(%arg0: i32, %arg1: i32, %arg2: memref<12000x128xf32, #tpu.memory_space<hbm>>, %arg3: memref<50000x128xf32, #tpu.memory_space<hbm>>, %arg4: memref<1280000xi32, #tpu.memory_space<hbm>>, %arg5: memref<10000x128xf32, #tpu.memory_space<hbm>>, %arg6: memref<128x128xf32, #tpu.memory_space<hbm>>, %arg7: memref<96000x128xf32, #tpu.memory_space<hbm>>, %arg8: memref<10000x128xf32, #tpu.memory_space<vmem_shared>>, %arg9: memref<128xi32, #tpu.memory_space<vmem>>, %arg10: memref<128xi32, #tpu.memory_space<vmem>>, %arg11: memref<128x128xf32, #tpu.memory_space<vmem>>, %arg12: memref<128x128xf32, #tpu.memory_space<vmem>>, %arg13: memref<!tpu.dma_semaphore, #tpu.memory_space<semaphore_mem>>) attributes {dimension_semantics = [#tpu.dimension_semantics<core_parallel>, #tpu.dimension_semantics<subcore_parallel>], iteration_bounds = array<i64: 2, 16>, scalar_prefetch = 0 : i64, scratch_operands = 6 : i64, tpu.core_type = #tpu.core_type<sc_vector_subcore>, window_params = [{transform_indices = #map}, {transform_indices = #map}, {transform_indices = #map1}, {transform_indices = #map}, {transform_indices = #map}, {transform_indices = #map}]} {
    %mul3A = arith.constant 2 : i32
    %mul3A_0 = arith.muli %arg1, %mul3A : i32
    %add3A = arith.addi %mul3A_0, %arg0 : i32
    "tpu.region"() ({
      %run_scoped3A = tpu.sem_alloc : memref<!tpu.dma_semaphore, #tpu.memory_space<semaphore_mem>>
      tpu.enqueue_dma source(%arg6 : memref<128x128xf32, #tpu.memory_space<hbm>>) target(%arg12 : memref<128x128xf32, #tpu.memory_space<vmem>>) target_semaphore(%run_scoped3A : memref<!tpu.dma_semaphore, #tpu.memory_space<semaphore_mem>>)
      tpu.wait_dma2 semaphore(%run_scoped3A : memref<!tpu.dma_semaphore, #tpu.memory_space<semaphore_mem>>) src(%arg6 : memref<128x128xf32, #tpu.memory_space<hbm>>) dst(%arg12 : memref<128x128xf32, #tpu.memory_space<vmem>>)
      tpu.yield
    }) : () -> ()
    %mul3A_1 = arith.constant 624 : i32
    %mul3A_2 = arith.muli %arg1, %mul3A_1 : i32
    %mul3A_3 = arith.constant 624 : i32
    %mul3A_4 = arith.muli %arg1, %mul3A_3 : i32
    "tpu.region"() ({
      %run_scoped3A = tpu.sem_alloc : memref<!tpu.dma_semaphore, #tpu.memory_space<semaphore_mem>>
      %dma_start3A = arith.constant 0 : i32
      %dma_start3A_337 = tpu.memref_slice %arg8[%mul3A_4, %dma_start3A] : memref<10000x128xf32, #tpu.memory_space<vmem_shared>> -> memref<624x128xf32, #tpu.memory_space<vmem_shared>>
      %dma_start3A_338 = arith.constant 0 : i32
      %dma_start3A_339 = tpu.memref_slice %arg5[%mul3A_2, %dma_start3A_338] : memref<10000x128xf32, #tpu.memory_space<hbm>> -> memref<624x128xf32, #tpu.memory_space<hbm>>
      tpu.enqueue_dma source(%dma_start3A_339 : memref<624x128xf32, #tpu.memory_space<hbm>>) target(%dma_start3A_337 : memref<624x128xf32, #tpu.memory_space<vmem_shared>>) target_semaphore(%run_scoped3A : memref<!tpu.dma_semaphore, #tpu.memory_space<semaphore_mem>>)
      %dma_wait3A = arith.constant 0 : i32
      %dma_wait3A_340 = tpu.memref_slice %arg8[%mul3A_4, %dma_wait3A] : memref<10000x128xf32, #tpu.memory_space<vmem_shared>> -> memref<624x128xf32, #tpu.memory_space<vmem_shared>>
      %dma_wait3A_341 = arith.constant 0 : i32
      %dma_wait3A_342 = tpu.memref_slice %arg5[%mul3A_2, %dma_wait3A_341] : memref<10000x128xf32, #tpu.memory_space<hbm>> -> memref<624x128xf32, #tpu.memory_space<hbm>>
      tpu.wait_dma2 semaphore(%run_scoped3A : memref<!tpu.dma_semaphore, #tpu.memory_space<semaphore_mem>>) src(%dma_wait3A_342 : memref<624x128xf32, #tpu.memory_space<hbm>>) dst(%dma_wait3A_340 : memref<624x128xf32, #tpu.memory_space<vmem_shared>>)
      tpu.yield
    }) : () -> ()
    %eq3A = arith.constant 0 : i32
    %eq3A_5 = arith.cmpi eq, %arg1, %eq3A : i32
    %convert_element_type3A = arith.extui %eq3A_5 : i1 to i32
    %cond3A = arith.constant 0 : i32
    %cond3A_6 = arith.cmpi ne, %convert_element_type3A, %cond3A : i32
    scf.if %cond3A_6 {
      "tpu.region"() ({
        %run_scoped3A = tpu.sem_alloc : memref<!tpu.dma_semaphore, #tpu.memory_space<semaphore_mem>>
        %dma_start3A = arith.constant 9984 : i32
        %dma_start3A_337 = arith.constant 0 : i32
        %dma_start3A_338 = tpu.memref_slice %arg8[%dma_start3A, %dma_start3A_337] : memref<10000x128xf32, #tpu.memory_space<vmem_shared>> -> memref<16x128xf32, #tpu.memory_space<vmem_shared>>
        %dma_start3A_339 = arith.constant 9984 : i32
        %dma_start3A_340 = arith.constant 0 : i32
        %dma_start3A_341 = tpu.memref_slice %arg5[%dma_start3A_339, %dma_start3A_340] : memref<10000x128xf32, #tpu.memory_space<hbm>> -> memref<16x128xf32, #tpu.memory_space<hbm>>
        tpu.enqueue_dma source(%dma_start3A_341 : memref<16x128xf32, #tpu.memory_space<hbm>>) target(%dma_start3A_338 : memref<16x128xf32, #tpu.memory_space<vmem_shared>>) target_semaphore(%run_scoped3A : memref<!tpu.dma_semaphore, #tpu.memory_space<semaphore_mem>>)
        %dma_wait3A = arith.constant 9984 : i32
        %dma_wait3A_342 = arith.constant 0 : i32
        %dma_wait3A_343 = tpu.memref_slice %arg8[%dma_wait3A, %dma_wait3A_342] : memref<10000x128xf32, #tpu.memory_space<vmem_shared>> -> memref<16x128xf32, #tpu.memory_space<vmem_shared>>
        %dma_wait3A_344 = arith.constant 9984 : i32
        %dma_wait3A_345 = arith.constant 0 : i32
        %dma_wait3A_346 = tpu.memref_slice %arg5[%dma_wait3A_344, %dma_wait3A_345] : memref<10000x128xf32, #tpu.memory_space<hbm>> -> memref<16x128xf32, #tpu.memory_space<hbm>>
        tpu.wait_dma2 semaphore(%run_scoped3A : memref<!tpu.dma_semaphore, #tpu.memory_space<semaphore_mem>>) src(%dma_wait3A_346 : memref<16x128xf32, #tpu.memory_space<hbm>>) dst(%dma_wait3A_343 : memref<16x128xf32, #tpu.memory_space<vmem_shared>>)
        tpu.yield
      }) : () -> ()
    } else {
    }
    %barrier3A = arith.constant 0 : index
    tpu.barrier barrier_id(%barrier3A)
    %lt3A = arith.constant 2 : i32
    %lt3A_7 = arith.cmpi slt, %add3A, %lt3A : i32
    %jit3A = arith.constant 1 : i32
    %jit3A_8 = arith.constant 0 : i32
    %select_n3A = arith.select %lt3A_7, %jit3A, %jit3A_8 : i32
    %add3A_9 = arith.constant 39 : i32
    %add3A_10 = arith.addi %add3A_9, %select_n3A : i32
    %while3A = arith.constant 0 : i32
    %while3A_11 = arith.constant 0 : i32
    %while3A_12 = arith.subi %add3A_10, %while3A_11 : i32
    %while3A_13 = arith.addi %while3A_11, %while3A_12 : i32
    %while3A_14 = arith.constant 1 : i32
    %while3A_15 = arith.divsi %while3A_12, %while3A_14 : i32
    %while3A_16 = arith.muli %while3A_15, %while3A_14 : i32
    %while3A_17 = arith.addi %while3A_11, %while3A_16 : i32
    %while3A_18 = arith.constant 1 : i32
    scf.for %while3A_337 = %while3A_11 to %while3A_17 step %while3A_18  : i32 {
      %mul3A_338 = arith.constant 32 : i32
      %mul3A_339 = arith.muli %while3A_337, %mul3A_338 : i32
      %add3A_340 = arith.addi %mul3A_339, %add3A : i32
      %mul3A_341 = arith.constant 128 : i32
      %mul3A_342 = arith.muli %add3A_340, %mul3A_341 : i32
      %add3A_343 = arith.constant 160000 : i32
      %add3A_344 = arith.addi %add3A_343, %mul3A_342 : i32
      "tpu.region"() ({
        %run_scoped3A = tpu.sem_alloc : memref<!tpu.dma_semaphore, #tpu.memory_space<semaphore_mem>>
        %dma_start3A_351 = tpu.memref_slice %arg4[%add3A_344] : memref<1280000xi32, #tpu.memory_space<hbm>> -> memref<128xi32, #tpu.memory_space<hbm>>
        %dma_start3A_352 = tpu.memref_slice %arg4[%add3A_344] : memref<1280000xi32, #tpu.memory_space<hbm>> -> memref<128xi32, #tpu.memory_space<hbm>>
        tpu.enqueue_dma source(%dma_start3A_352 : memref<128xi32, #tpu.memory_space<hbm>>) target(%arg10 : memref<128xi32, #tpu.memory_space<vmem>>) target_semaphore(%run_scoped3A : memref<!tpu.dma_semaphore, #tpu.memory_space<semaphore_mem>>)
        %dma_wait3A_353 = tpu.memref_slice %arg4[%add3A_344] : memref<1280000xi32, #tpu.memory_space<hbm>> -> memref<128xi32, #tpu.memory_space<hbm>>
        %dma_wait3A_354 = tpu.memref_slice %arg4[%add3A_344] : memref<1280000xi32, #tpu.memory_space<hbm>> -> memref<128xi32, #tpu.memory_space<hbm>>
        tpu.wait_dma2 semaphore(%run_scoped3A : memref<!tpu.dma_semaphore, #tpu.memory_space<semaphore_mem>>) src(%dma_wait3A_354 : memref<128xi32, #tpu.memory_space<hbm>>) dst(%arg10 : memref<128xi32, #tpu.memory_space<vmem>>)
        tpu.yield
      }) : () -> ()
      %add3A_345 = arith.constant 0 : i32
      %add3A_346 = arith.addi %add3A_345, %mul3A_342 : i32
      "tpu.region"() ({
        %run_scoped3A = tpu.sem_alloc : memref<!tpu.dma_semaphore, #tpu.memory_space<semaphore_mem>>
        %dma_start3A_351 = tpu.memref_slice %arg4[%add3A_346] : memref<1280000xi32, #tpu.memory_space<hbm>> -> memref<128xi32, #tpu.memory_space<hbm>>
        %dma_start3A_352 = tpu.memref_slice %arg4[%add3A_346] : memref<1280000xi32, #tpu.memory_space<hbm>> -> memref<128xi32, #tpu.memory_space<hbm>>
        tpu.enqueue_dma source(%dma_start3A_352 : memref<128xi32, #tpu.memory_space<hbm>>) target(%arg9 : memref<128xi32, #tpu.memory_space<vmem>>) target_semaphore(%run_scoped3A : memref<!tpu.dma_semaphore, #tpu.memory_space<semaphore_mem>>)
        %dma_wait3A_353 = tpu.memref_slice %arg4[%add3A_346] : memref<1280000xi32, #tpu.memory_space<hbm>> -> memref<128xi32, #tpu.memory_space<hbm>>
        %dma_wait3A_354 = tpu.memref_slice %arg4[%add3A_346] : memref<1280000xi32, #tpu.memory_space<hbm>> -> memref<128xi32, #tpu.memory_space<hbm>>
        tpu.wait_dma2 semaphore(%run_scoped3A : memref<!tpu.dma_semaphore, #tpu.memory_space<semaphore_mem>>) src(%dma_wait3A_354 : memref<128xi32, #tpu.memory_space<hbm>>) dst(%arg9 : memref<128xi32, #tpu.memory_space<vmem>>)
        tpu.yield
      }) : () -> ()
      %dma_start3A = arith.constant 0 : i32
      %dma_start3A_347 = arith.constant 0 : i32
      %dma_start3A_348 = tpu.memref_slice %arg2[%dma_start3A, %dma_start3A_347] : memref<12000x128xf32, #tpu.memory_space<hbm>> -> memref<12000x128xf32, #tpu.memory_space<hbm>>
      tpu.enqueue_indirect_dma source(%dma_start3A_348 : memref<12000x128xf32, #tpu.memory_space<hbm>>) target(%arg11 : memref<128x128xf32, #tpu.memory_space<vmem>>) offsets(%arg9 : memref<128xi32, #tpu.memory_space<vmem>>) semaphore(%arg13 : memref<!tpu.dma_semaphore, #tpu.memory_space<semaphore_mem>>)
      %dma_wait3A = arith.constant 0 : i32
      %dma_wait3A_349 = arith.constant 0 : i32
      %dma_wait3A_350 = tpu.memref_slice %arg2[%dma_wait3A, %dma_wait3A_349] : memref<12000x128xf32, #tpu.memory_space<hbm>> -> memref<12000x128xf32, #tpu.memory_space<hbm>>
      tpu.wait_indirect_dma semaphore(%arg13 : memref<!tpu.dma_semaphore, #tpu.memory_space<semaphore_mem>>) src(%dma_wait3A_350 : memref<12000x128xf32, #tpu.memory_space<hbm>>) dst(%arg11 : memref<128x128xf32, #tpu.memory_space<vmem>>)
      "tpu.region"() ({
        %run_scoped3A = tpu.sem_alloc : memref<!tpu.dma_semaphore, #tpu.memory_space<semaphore_mem>>
        %dma_start3A_351 = arith.constant 0 : i32
        %dma_start3A_352 = arith.constant 0 : i32
        %dma_start3A_353 = tpu.memref_slice %arg8[%dma_start3A_351, %dma_start3A_352] : memref<10000x128xf32, #tpu.memory_space<vmem_shared>> -> memref<10000x128xf32, #tpu.memory_space<vmem_shared>>
        tpu.enqueue_indirect_dma source(%arg11 : memref<128x128xf32, #tpu.memory_space<vmem>>) target(%dma_start3A_353 : memref<10000x128xf32, #tpu.memory_space<vmem_shared>>) offsets(%arg10 : memref<128xi32, #tpu.memory_space<vmem>>) semaphore(%run_scoped3A : memref<!tpu.dma_semaphore, #tpu.memory_space<semaphore_mem>>) {add = true}
        %dma_wait3A_354 = arith.constant 0 : i32
        %dma_wait3A_355 = arith.constant 0 : i32
        %dma_wait3A_356 = tpu.memref_slice %arg8[%dma_wait3A_354, %dma_wait3A_355] : memref<10000x128xf32, #tpu.memory_space<vmem_shared>> -> memref<10000x128xf32, #tpu.memory_space<vmem_shared>>
        tpu.wait_indirect_dma semaphore(%run_scoped3A : memref<!tpu.dma_semaphore, #tpu.memory_space<semaphore_mem>>) src(%arg11 : memref<128x128xf32, #tpu.memory_space<vmem>>) dst(%dma_wait3A_356 : memref<10000x128xf32, #tpu.memory_space<vmem_shared>>)
        tpu.yield
      }) : () -> ()
    }
    %while3A_19 = arith.constant 1 : i32
    scf.for %while3A_337 = %while3A_17 to %while3A_13 step %while3A_19  : i32 {
      %mul3A_338 = arith.constant 32 : i32
      %mul3A_339 = arith.muli %while3A_337, %mul3A_338 : i32
      %add3A_340 = arith.addi %mul3A_339, %add3A : i32
      %mul3A_341 = arith.constant 128 : i32
      %mul3A_342 = arith.muli %add3A_340, %mul3A_341 : i32
      %add3A_343 = arith.constant 160000 : i32
      %add3A_344 = arith.addi %add3A_343, %mul3A_342 : i32
      "tpu.region"() ({
        %run_scoped3A = tpu.sem_alloc : memref<!tpu.dma_semaphore, #tpu.memory_space<semaphore_mem>>
        %dma_start3A_351 = tpu.memref_slice %arg4[%add3A_344] : memref<1280000xi32, #tpu.memory_space<hbm>> -> memref<128xi32, #tpu.memory_space<hbm>>
        %dma_start3A_352 = tpu.memref_slice %arg4[%add3A_344] : memref<1280000xi32, #tpu.memory_space<hbm>> -> memref<128xi32, #tpu.memory_space<hbm>>
        tpu.enqueue_dma source(%dma_start3A_352 : memref<128xi32, #tpu.memory_space<hbm>>) target(%arg10 : memref<128xi32, #tpu.memory_space<vmem>>) target_semaphore(%run_scoped3A : memref<!tpu.dma_semaphore, #tpu.memory_space<semaphore_mem>>)
        %dma_wait3A_353 = tpu.memref_slice %arg4[%add3A_344] : memref<1280000xi32, #tpu.memory_space<hbm>> -> memref<128xi32, #tpu.memory_space<hbm>>
        %dma_wait3A_354 = tpu.memref_slice %arg4[%add3A_344] : memref<1280000xi32, #tpu.memory_space<hbm>> -> memref<128xi32, #tpu.memory_space<hbm>>
        tpu.wait_dma2 semaphore(%run_scoped3A : memref<!tpu.dma_semaphore, #tpu.memory_space<semaphore_mem>>) src(%dma_wait3A_354 : memref<128xi32, #tpu.memory_space<hbm>>) dst(%arg10 : memref<128xi32, #tpu.memory_space<vmem>>)
        tpu.yield
      }) : () -> ()
      %add3A_345 = arith.constant 0 : i32
      %add3A_346 = arith.addi %add3A_345, %mul3A_342 : i32
      "tpu.region"() ({
        %run_scoped3A = tpu.sem_alloc : memref<!tpu.dma_semaphore, #tpu.memory_space<semaphore_mem>>
        %dma_start3A_351 = tpu.memref_slice %arg4[%add3A_346] : memref<1280000xi32, #tpu.memory_space<hbm>> -> memref<128xi32, #tpu.memory_space<hbm>>
        %dma_start3A_352 = tpu.memref_slice %arg4[%add3A_346] : memref<1280000xi32, #tpu.memory_space<hbm>> -> memref<128xi32, #tpu.memory_space<hbm>>
        tpu.enqueue_dma source(%dma_start3A_352 : memref<128xi32, #tpu.memory_space<hbm>>) target(%arg9 : memref<128xi32, #tpu.memory_space<vmem>>) target_semaphore(%run_scoped3A : memref<!tpu.dma_semaphore, #tpu.memory_space<semaphore_mem>>)
        %dma_wait3A_353 = tpu.memref_slice %arg4[%add3A_346] : memref<1280000xi32, #tpu.memory_space<hbm>> -> memref<128xi32, #tpu.memory_space<hbm>>
        %dma_wait3A_354 = tpu.memref_slice %arg4[%add3A_346] : memref<1280000xi32, #tpu.memory_space<hbm>> -> memref<128xi32, #tpu.memory_space<hbm>>
        tpu.wait_dma2 semaphore(%run_scoped3A : memref<!tpu.dma_semaphore, #tpu.memory_space<semaphore_mem>>) src(%dma_wait3A_354 : memref<128xi32, #tpu.memory_space<hbm>>) dst(%arg9 : memref<128xi32, #tpu.memory_space<vmem>>)
        tpu.yield
      }) : () -> ()
      %dma_start3A = arith.constant 0 : i32
      %dma_start3A_347 = arith.constant 0 : i32
      %dma_start3A_348 = tpu.memref_slice %arg2[%dma_start3A, %dma_start3A_347] : memref<12000x128xf32, #tpu.memory_space<hbm>> -> memref<12000x128xf32, #tpu.memory_space<hbm>>
      tpu.enqueue_indirect_dma source(%dma_start3A_348 : memref<12000x128xf32, #tpu.memory_space<hbm>>) target(%arg11 : memref<128x128xf32, #tpu.memory_space<vmem>>) offsets(%arg9 : memref<128xi32, #tpu.memory_space<vmem>>) semaphore(%arg13 : memref<!tpu.dma_semaphore, #tpu.memory_space<semaphore_mem>>)
      %dma_wait3A = arith.constant 0 : i32
      %dma_wait3A_349 = arith.constant 0 : i32
      %dma_wait3A_350 = tpu.memref_slice %arg2[%dma_wait3A, %dma_wait3A_349] : memref<12000x128xf32, #tpu.memory_space<hbm>> -> memref<12000x128xf32, #tpu.memory_space<hbm>>
      tpu.wait_indirect_dma semaphore(%arg13 : memref<!tpu.dma_semaphore, #tpu.memory_space<semaphore_mem>>) src(%dma_wait3A_350 : memref<12000x128xf32, #tpu.memory_space<hbm>>) dst(%arg11 : memref<128x128xf32, #tpu.memory_space<vmem>>)
      "tpu.region"() ({
        %run_scoped3A = tpu.sem_alloc : memref<!tpu.dma_semaphore, #tpu.memory_space<semaphore_mem>>
        %dma_start3A_351 = arith.constant 0 : i32
        %dma_start3A_352 = arith.constant 0 : i32
        %dma_start3A_353 = tpu.memref_slice %arg8[%dma_start3A_351, %dma_start3A_352] : memref<10000x128xf32, #tpu.memory_space<vmem_shared>> -> memref<10000x128xf32, #tpu.memory_space<vmem_shared>>
        tpu.enqueue_indirect_dma source(%arg11 : memref<128x128xf32, #tpu.memory_space<vmem>>) target(%dma_start3A_353 : memref<10000x128xf32, #tpu.memory_space<vmem_shared>>) offsets(%arg10 : memref<128xi32, #tpu.memory_space<vmem>>) semaphore(%run_scoped3A : memref<!tpu.dma_semaphore, #tpu.memory_space<semaphore_mem>>) {add = true}
        %dma_wait3A_354 = arith.constant 0 : i32
        %dma_wait3A_355 = arith.constant 0 : i32
        %dma_wait3A_356 = tpu.memref_slice %arg8[%dma_wait3A_354, %dma_wait3A_355] : memref<10000x128xf32, #tpu.memory_space<vmem_shared>> -> memref<10000x128xf32, #tpu.memory_space<vmem_shared>>
        tpu.wait_indirect_dma semaphore(%run_scoped3A : memref<!tpu.dma_semaphore, #tpu.memory_space<semaphore_mem>>) src(%arg11 : memref<128x128xf32, #tpu.memory_space<vmem>>) dst(%dma_wait3A_356 : memref<10000x128xf32, #tpu.memory_space<vmem_shared>>)
        tpu.yield
      }) : () -> ()
    }
    %barrier3A_20 = arith.constant 0 : index
    tpu.barrier barrier_id(%barrier3A_20)
    %mul3A_21 = arith.constant 48000 : i32
    %mul3A_22 = arith.muli %arg0, %mul3A_21 : i32
    %add3A_23 = arith.constant 0 : i32
    %add3A_24 = arith.addi %mul3A_22, %add3A_23 : i32
    %mul3A_25 = arith.constant 624 : i32
    %mul3A_26 = arith.muli %arg1, %mul3A_25 : i32
    %mul3A_27 = arith.constant 624 : i32
    %mul3A_28 = arith.muli %arg1, %mul3A_27 : i32
    %add3A_29 = arith.addi %add3A_24, %mul3A_28 : i32
    "tpu.region"() ({
      %run_scoped3A = tpu.sem_alloc : memref<!tpu.dma_semaphore, #tpu.memory_space<semaphore_mem>>
      %dma_start3A = arith.constant 0 : i32
      %dma_start3A_337 = tpu.memref_slice %arg7[%add3A_29, %dma_start3A] : memref<96000x128xf32, #tpu.memory_space<hbm>> -> memref<624x128xf32, #tpu.memory_space<hbm>>
      %dma_start3A_338 = arith.constant 0 : i32
      %dma_start3A_339 = tpu.memref_slice %arg8[%mul3A_26, %dma_start3A_338] : memref<10000x128xf32, #tpu.memory_space<vmem_shared>> -> memref<624x128xf32, #tpu.memory_space<vmem_shared>>
      tpu.enqueue_dma source(%dma_start3A_339 : memref<624x128xf32, #tpu.memory_space<vmem_shared>>) target(%dma_start3A_337 : memref<624x128xf32, #tpu.memory_space<hbm>>) target_semaphore(%run_scoped3A : memref<!tpu.dma_semaphore, #tpu.memory_space<semaphore_mem>>)
      %dma_wait3A = arith.constant 0 : i32
      %dma_wait3A_340 = tpu.memref_slice %arg7[%add3A_29, %dma_wait3A] : memref<96000x128xf32, #tpu.memory_space<hbm>> -> memref<624x128xf32, #tpu.memory_space<hbm>>
      %dma_wait3A_341 = arith.constant 0 : i32
      %dma_wait3A_342 = tpu.memref_slice %arg8[%mul3A_26, %dma_wait3A_341] : memref<10000x128xf32, #tpu.memory_space<vmem_shared>> -> memref<624x128xf32, #tpu.memory_space<vmem_shared>>
      tpu.wait_dma2 semaphore(%run_scoped3A : memref<!tpu.dma_semaphore, #tpu.memory_space<semaphore_mem>>) src(%dma_wait3A_342 : memref<624x128xf32, #tpu.memory_space<vmem_shared>>) dst(%dma_wait3A_340 : memref<624x128xf32, #tpu.memory_space<hbm>>)
      tpu.yield
    }) : () -> ()
    %eq3A_30 = arith.constant 0 : i32
    %eq3A_31 = arith.cmpi eq, %arg1, %eq3A_30 : i32
    %convert_element_type3A_32 = arith.extui %eq3A_31 : i1 to i32
    %cond3A_33 = arith.constant 0 : i32
    %cond3A_34 = arith.cmpi ne, %convert_element_type3A_32, %cond3A_33 : i32
    scf.if %cond3A_34 {
      %add3A_337 = arith.constant 9984 : i32
      %add3A_338 = arith.addi %add3A_24, %add3A_337 : i32
      "tpu.region"() ({
        %run_scoped3A = tpu.sem_alloc : memref<!tpu.dma_semaphore, #tpu.memory_space<semaphore_mem>>
        %dma_start3A = arith.constant 0 : i32
        %dma_start3A_339 = tpu.memref_slice %arg7[%add3A_338, %dma_start3A] : memref<96000x128xf32, #tpu.memory_space<hbm>> -> memref<16x128xf32, #tpu.memory_space<hbm>>
        %dma_start3A_340 = arith.constant 9984 : i32
        %dma_start3A_341 = arith.constant 0 : i32
        %dma_start3A_342 = tpu.memref_slice %arg8[%dma_start3A_340, %dma_start3A_341] : memref<10000x128xf32, #tpu.memory_space<vmem_shared>> -> memref<16x128xf32, #tpu.memory_space<vmem_shared>>
        tpu.enqueue_dma source(%dma_start3A_342 : memref<16x128xf32, #tpu.memory_space<vmem_shared>>) target(%dma_start3A_339 : memref<16x128xf32, #tpu.memory_space<hbm>>) target_semaphore(%run_scoped3A : memref<!tpu.dma_semaphore, #tpu.memory_space<semaphore_mem>>)
        %dma_wait3A = arith.constant 0 : i32
        %dma_wait3A_343 = tpu.memref_slice %arg7[%add3A_338, %dma_wait3A] : memref<96000x128xf32, #tpu.memory_space<hbm>> -> memref<16x128xf32, #tpu.memory_space<hbm>>
        %dma_wait3A_344 = arith.constant 9984 : i32
        %dma_wait3A_345 = arith.constant 0 : i32
        %dma_wait3A_346 = tpu.memref_slice %arg8[%dma_wait3A_344, %dma_wait3A_345] : memref<10000x128xf32, #tpu.memory_space<vmem_shared>> -> memref<16x128xf32, #tpu.memory_space<vmem_shared>>
        tpu.wait_dma2 semaphore(%run_scoped3A : memref<!tpu.dma_semaphore, #tpu.memory_space<semaphore_mem>>) src(%dma_wait3A_346 : memref<16x128xf32, #tpu.memory_space<vmem_shared>>) dst(%dma_wait3A_343 : memref<16x128xf32, #tpu.memory_space<hbm>>)
        tpu.yield
      }) : () -> ()
    } else {
    }
    %barrier3A_35 = arith.constant 0 : index
    tpu.barrier barrier_id(%barrier3A_35)
    %mul3A_36 = arith.constant 624 : i32
    %mul3A_37 = arith.muli %arg1, %mul3A_36 : i32
    %mul3A_38 = arith.constant 624 : i32
    %mul3A_39 = arith.muli %arg1, %mul3A_38 : i32
    "tpu.region"() ({
      %run_scoped3A = tpu.sem_alloc : memref<!tpu.dma_semaphore, #tpu.memory_space<semaphore_mem>>
      %dma_start3A = arith.constant 0 : i32
      %dma_start3A_337 = tpu.memref_slice %arg8[%mul3A_39, %dma_start3A] : memref<10000x128xf32, #tpu.memory_space<vmem_shared>> -> memref<624x128xf32, #tpu.memory_space<vmem_shared>>
      %dma_start3A_338 = arith.constant 0 : i32
      %dma_start3A_339 = tpu.memref_slice %arg5[%mul3A_37, %dma_start3A_338] : memref<10000x128xf32, #tpu.memory_space<hbm>> -> memref<624x128xf32, #tpu.memory_space<hbm>>
      tpu.enqueue_dma source(%dma_start3A_339 : memref<624x128xf32, #tpu.memory_space<hbm>>) target(%dma_start3A_337 : memref<624x128xf32, #tpu.memory_space<vmem_shared>>) target_semaphore(%run_scoped3A : memref<!tpu.dma_semaphore, #tpu.memory_space<semaphore_mem>>)
      %dma_wait3A = arith.constant 0 : i32
      %dma_wait3A_340 = tpu.memref_slice %arg8[%mul3A_39, %dma_wait3A] : memref<10000x128xf32, #tpu.memory_space<vmem_shared>> -> memref<624x128xf32, #tpu.memory_space<vmem_shared>>
      %dma_wait3A_341 = arith.constant 0 : i32
      %dma_wait3A_342 = tpu.memref_slice %arg5[%mul3A_37, %dma_wait3A_341] : memref<10000x128xf32, #tpu.memory_space<hbm>> -> memref<624x128xf32, #tpu.memory_space<hbm>>
      tpu.wait_dma2 semaphore(%run_scoped3A : memref<!tpu.dma_semaphore, #tpu.memory_space<semaphore_mem>>) src(%dma_wait3A_342 : memref<624x128xf32, #tpu.memory_space<hbm>>) dst(%dma_wait3A_340 : memref<624x128xf32, #tpu.memory_space<vmem_shared>>)
      tpu.yield
    }) : () -> ()
    %eq3A_40 = arith.constant 0 : i32
    %eq3A_41 = arith.cmpi eq, %arg1, %eq3A_40 : i32
    %convert_element_type3A_42 = arith.extui %eq3A_41 : i1 to i32
    %cond3A_43 = arith.constant 0 : i32
    %cond3A_44 = arith.cmpi ne, %convert_element_type3A_42, %cond3A_43 : i32
    scf.if %cond3A_44 {
      "tpu.region"() ({
        %run_scoped3A = tpu.sem_alloc : memref<!tpu.dma_semaphore, #tpu.memory_space<semaphore_mem>>
        %dma_start3A = arith.constant 9984 : i32
        %dma_start3A_337 = arith.constant 0 : i32
        %dma_start3A_338 = tpu.memref_slice %arg8[%dma_start3A, %dma_start3A_337] : memref<10000x128xf32, #tpu.memory_space<vmem_shared>> -> memref<16x128xf32, #tpu.memory_space<vmem_shared>>
        %dma_start3A_339 = arith.constant 9984 : i32
        %dma_start3A_340 = arith.constant 0 : i32
        %dma_start3A_341 = tpu.memref_slice %arg5[%dma_start3A_339, %dma_start3A_340] : memref<10000x128xf32, #tpu.memory_space<hbm>> -> memref<16x128xf32, #tpu.memory_space<hbm>>
        tpu.enqueue_dma source(%dma_start3A_341 : memref<16x128xf32, #tpu.memory_space<hbm>>) target(%dma_start3A_338 : memref<16x128xf32, #tpu.memory_space<vmem_shared>>) target_semaphore(%run_scoped3A : memref<!tpu.dma_semaphore, #tpu.memory_space<semaphore_mem>>)
        %dma_wait3A = arith.constant 9984 : i32
        %dma_wait3A_342 = arith.constant 0 : i32
        %dma_wait3A_343 = tpu.memref_slice %arg8[%dma_wait3A, %dma_wait3A_342] : memref<10000x128xf32, #tpu.memory_space<vmem_shared>> -> memref<16x128xf32, #tpu.memory_space<vmem_shared>>
        %dma_wait3A_344 = arith.constant 9984 : i32
        %dma_wait3A_345 = arith.constant 0 : i32
        %dma_wait3A_346 = tpu.memref_slice %arg5[%dma_wait3A_344, %dma_wait3A_345] : memref<10000x128xf32, #tpu.memory_space<hbm>> -> memref<16x128xf32, #tpu.memory_space<hbm>>
        tpu.wait_dma2 semaphore(%run_scoped3A : memref<!tpu.dma_semaphore, #tpu.memory_space<semaphore_mem>>) src(%dma_wait3A_346 : memref<16x128xf32, #tpu.memory_space<hbm>>) dst(%dma_wait3A_343 : memref<16x128xf32, #tpu.memory_space<vmem_shared>>)
        tpu.yield
      }) : () -> ()
    } else {
    }
    %barrier3A_45 = arith.constant 0 : index
    tpu.barrier barrier_id(%barrier3A_45)
    %lt3A_46 = arith.constant 2 : i32
    %lt3A_47 = arith.cmpi slt, %add3A, %lt3A_46 : i32
    %jit3A_48 = arith.constant 1 : i32
    %jit3A_49 = arith.constant 0 : i32
    %select_n3A_50 = arith.select %lt3A_47, %jit3A_48, %jit3A_49 : i32
    %add3A_51 = arith.constant 39 : i32
    %add3A_52 = arith.addi %add3A_51, %select_n3A_50 : i32
    %while3A_53 = arith.constant 0 : i32
    %while3A_54 = arith.constant 0 : i32
    %while3A_55 = arith.subi %add3A_52, %while3A_54 : i32
    %while3A_56 = arith.addi %while3A_54, %while3A_55 : i32
    %while3A_57 = arith.constant 1 : i32
    %while3A_58 = arith.divsi %while3A_55, %while3A_57 : i32
    %while3A_59 = arith.muli %while3A_58, %while3A_57 : i32
    %while3A_60 = arith.addi %while3A_54, %while3A_59 : i32
    %while3A_61 = arith.constant 1 : i32
    scf.for %while3A_337 = %while3A_54 to %while3A_60 step %while3A_61  : i32 {
      %mul3A_338 = arith.constant 32 : i32
      %mul3A_339 = arith.muli %while3A_337, %mul3A_338 : i32
      %add3A_340 = arith.addi %mul3A_339, %add3A : i32
      %mul3A_341 = arith.constant 128 : i32
      %mul3A_342 = arith.muli %add3A_340, %mul3A_341 : i32
      %add3A_343 = arith.constant 480000 : i32
      %add3A_344 = arith.addi %add3A_343, %mul3A_342 : i32
      "tpu.region"() ({
        %run_scoped3A = tpu.sem_alloc : memref<!tpu.dma_semaphore, #tpu.memory_space<semaphore_mem>>
        %dma_start3A_351 = tpu.memref_slice %arg4[%add3A_344] : memref<1280000xi32, #tpu.memory_space<hbm>> -> memref<128xi32, #tpu.memory_space<hbm>>
        %dma_start3A_352 = tpu.memref_slice %arg4[%add3A_344] : memref<1280000xi32, #tpu.memory_space<hbm>> -> memref<128xi32, #tpu.memory_space<hbm>>
        tpu.enqueue_dma source(%dma_start3A_352 : memref<128xi32, #tpu.memory_space<hbm>>) target(%arg10 : memref<128xi32, #tpu.memory_space<vmem>>) target_semaphore(%run_scoped3A : memref<!tpu.dma_semaphore, #tpu.memory_space<semaphore_mem>>)
        %dma_wait3A_353 = tpu.memref_slice %arg4[%add3A_344] : memref<1280000xi32, #tpu.memory_space<hbm>> -> memref<128xi32, #tpu.memory_space<hbm>>
        %dma_wait3A_354 = tpu.memref_slice %arg4[%add3A_344] : memref<1280000xi32, #tpu.memory_space<hbm>> -> memref<128xi32, #tpu.memory_space<hbm>>
        tpu.wait_dma2 semaphore(%run_scoped3A : memref<!tpu.dma_semaphore, #tpu.memory_space<semaphore_mem>>) src(%dma_wait3A_354 : memref<128xi32, #tpu.memory_space<hbm>>) dst(%arg10 : memref<128xi32, #tpu.memory_space<vmem>>)
        tpu.yield
      }) : () -> ()
      %add3A_345 = arith.constant 320000 : i32
      %add3A_346 = arith.addi %add3A_345, %mul3A_342 : i32
      "tpu.region"() ({
        %run_scoped3A = tpu.sem_alloc : memref<!tpu.dma_semaphore, #tpu.memory_space<semaphore_mem>>
        %dma_start3A_351 = tpu.memref_slice %arg4[%add3A_346] : memref<1280000xi32, #tpu.memory_space<hbm>> -> memref<128xi32, #tpu.memory_space<hbm>>
        %dma_start3A_352 = tpu.memref_slice %arg4[%add3A_346] : memref<1280000xi32, #tpu.memory_space<hbm>> -> memref<128xi32, #tpu.memory_space<hbm>>
        tpu.enqueue_dma source(%dma_start3A_352 : memref<128xi32, #tpu.memory_space<hbm>>) target(%arg9 : memref<128xi32, #tpu.memory_space<vmem>>) target_semaphore(%run_scoped3A : memref<!tpu.dma_semaphore, #tpu.memory_space<semaphore_mem>>)
        %dma_wait3A_353 = tpu.memref_slice %arg4[%add3A_346] : memref<1280000xi32, #tpu.memory_space<hbm>> -> memref<128xi32, #tpu.memory_space<hbm>>
        %dma_wait3A_354 = tpu.memref_slice %arg4[%add3A_346] : memref<1280000xi32, #tpu.memory_space<hbm>> -> memref<128xi32, #tpu.memory_space<hbm>>
        tpu.wait_dma2 semaphore(%run_scoped3A : memref<!tpu.dma_semaphore, #tpu.memory_space<semaphore_mem>>) src(%dma_wait3A_354 : memref<128xi32, #tpu.memory_space<hbm>>) dst(%arg9 : memref<128xi32, #tpu.memory_space<vmem>>)
        tpu.yield
      }) : () -> ()
      %dma_start3A = arith.constant 0 : i32
      %dma_start3A_347 = arith.constant 0 : i32
      %dma_start3A_348 = tpu.memref_slice %arg3[%dma_start3A, %dma_start3A_347] : memref<50000x128xf32, #tpu.memory_space<hbm>> -> memref<50000x128xf32, #tpu.memory_space<hbm>>
      tpu.enqueue_indirect_dma source(%dma_start3A_348 : memref<50000x128xf32, #tpu.memory_space<hbm>>) target(%arg11 : memref<128x128xf32, #tpu.memory_space<vmem>>) offsets(%arg9 : memref<128xi32, #tpu.memory_space<vmem>>) semaphore(%arg13 : memref<!tpu.dma_semaphore, #tpu.memory_space<semaphore_mem>>)
      %dma_wait3A = arith.constant 0 : i32
      %dma_wait3A_349 = arith.constant 0 : i32
      %dma_wait3A_350 = tpu.memref_slice %arg3[%dma_wait3A, %dma_wait3A_349] : memref<50000x128xf32, #tpu.memory_space<hbm>> -> memref<50000x128xf32, #tpu.memory_space<hbm>>
      tpu.wait_indirect_dma semaphore(%arg13 : memref<!tpu.dma_semaphore, #tpu.memory_space<semaphore_mem>>) src(%dma_wait3A_350 : memref<50000x128xf32, #tpu.memory_space<hbm>>) dst(%arg11 : memref<128x128xf32, #tpu.memory_space<vmem>>)
      "tpu.region"() ({
        %run_scoped3A = tpu.sem_alloc : memref<!tpu.dma_semaphore, #tpu.memory_space<semaphore_mem>>
        %dma_start3A_351 = arith.constant 0 : i32
        %dma_start3A_352 = arith.constant 0 : i32
        %dma_start3A_353 = tpu.memref_slice %arg8[%dma_start3A_351, %dma_start3A_352] : memref<10000x128xf32, #tpu.memory_space<vmem_shared>> -> memref<10000x128xf32, #tpu.memory_space<vmem_shared>>
        tpu.enqueue_indirect_dma source(%arg11 : memref<128x128xf32, #tpu.memory_space<vmem>>) target(%dma_start3A_353 : memref<10000x128xf32, #tpu.memory_space<vmem_shared>>) offsets(%arg10 : memref<128xi32, #tpu.memory_space<vmem>>) semaphore(%run_scoped3A : memref<!tpu.dma_semaphore, #tpu.memory_space<semaphore_mem>>) {add = true}
        %dma_wait3A_354 = arith.constant 0 : i32
        %dma_wait3A_355 = arith.constant 0 : i32
        %dma_wait3A_356 = tpu.memref_slice %arg8[%dma_wait3A_354, %dma_wait3A_355] : memref<10000x128xf32, #tpu.memory_space<vmem_shared>> -> memref<10000x128xf32, #tpu.memory_space<vmem_shared>>
        tpu.wait_indirect_dma semaphore(%run_scoped3A : memref<!tpu.dma_semaphore, #tpu.memory_space<semaphore_mem>>) src(%arg11 : memref<128x128xf32, #tpu.memory_space<vmem>>) dst(%dma_wait3A_356 : memref<10000x128xf32, #tpu.memory_space<vmem_shared>>)
        tpu.yield
      }) : () -> ()
    }
    %while3A_62 = arith.constant 1 : i32
    scf.for %while3A_337 = %while3A_60 to %while3A_56 step %while3A_62  : i32 {
      %mul3A_338 = arith.constant 32 : i32
      %mul3A_339 = arith.muli %while3A_337, %mul3A_338 : i32
      %add3A_340 = arith.addi %mul3A_339, %add3A : i32
      %mul3A_341 = arith.constant 128 : i32
      %mul3A_342 = arith.muli %add3A_340, %mul3A_341 : i32
      %add3A_343 = arith.constant 480000 : i32
      %add3A_344 = arith.addi %add3A_343, %mul3A_342 : i32
      "tpu.region"() ({
        %run_scoped3A = tpu.sem_alloc : memref<!tpu.dma_semaphore, #tpu.memory_space<semaphore_mem>>
        %dma_start3A_351 = tpu.memref_slice %arg4[%add3A_344] : memref<1280000xi32, #tpu.memory_space<hbm>> -> memref<128xi32, #tpu.memory_space<hbm>>
        %dma_start3A_352 = tpu.memref_slice %arg4[%add3A_344] : memref<1280000xi32, #tpu.memory_space<hbm>> -> memref<128xi32, #tpu.memory_space<hbm>>
        tpu.enqueue_dma source(%dma_start3A_352 : memref<128xi32, #tpu.memory_space<hbm>>) target(%arg10 : memref<128xi32, #tpu.memory_space<vmem>>) target_semaphore(%run_scoped3A : memref<!tpu.dma_semaphore, #tpu.memory_space<semaphore_mem>>)
        %dma_wait3A_353 = tpu.memref_slice %arg4[%add3A_344] : memref<1280000xi32, #tpu.memory_space<hbm>> -> memref<128xi32, #tpu.memory_space<hbm>>
        %dma_wait3A_354 = tpu.memref_slice %arg4[%add3A_344] : memref<1280000xi32, #tpu.memory_space<hbm>> -> memref<128xi32, #tpu.memory_space<hbm>>
        tpu.wait_dma2 semaphore(%run_scoped3A : memref<!tpu.dma_semaphore, #tpu.memory_space<semaphore_mem>>) src(%dma_wait3A_354 : memref<128xi32, #tpu.memory_space<hbm>>) dst(%arg10 : memref<128xi32, #tpu.memory_space<vmem>>)
        tpu.yield
      }) : () -> ()
      %add3A_345 = arith.constant 320000 : i32
      %add3A_346 = arith.addi %add3A_345, %mul3A_342 : i32
      "tpu.region"() ({
        %run_scoped3A = tpu.sem_alloc : memref<!tpu.dma_semaphore, #tpu.memory_space<semaphore_mem>>
        %dma_start3A_351 = tpu.memref_slice %arg4[%add3A_346] : memref<1280000xi32, #tpu.memory_space<hbm>> -> memref<128xi32, #tpu.memory_space<hbm>>
        %dma_start3A_352 = tpu.memref_slice %arg4[%add3A_346] : memref<1280000xi32, #tpu.memory_space<hbm>> -> memref<128xi32, #tpu.memory_space<hbm>>
        tpu.enqueue_dma source(%dma_start3A_352 : memref<128xi32, #tpu.memory_space<hbm>>) target(%arg9 : memref<128xi32, #tpu.memory_space<vmem>>) target_semaphore(%run_scoped3A : memref<!tpu.dma_semaphore, #tpu.memory_space<semaphore_mem>>)
        %dma_wait3A_353 = tpu.memref_slice %arg4[%add3A_346] : memref<1280000xi32, #tpu.memory_space<hbm>> -> memref<128xi32, #tpu.memory_space<hbm>>
        %dma_wait3A_354 = tpu.memref_slice %arg4[%add3A_346] : memref<1280000xi32, #tpu.memory_space<hbm>> -> memref<128xi32, #tpu.memory_space<hbm>>
        tpu.wait_dma2 semaphore(%run_scoped3A : memref<!tpu.dma_semaphore, #tpu.memory_space<semaphore_mem>>) src(%dma_wait3A_354 : memref<128xi32, #tpu.memory_space<hbm>>) dst(%arg9 : memref<128xi32, #tpu.memory_space<vmem>>)
        tpu.yield
      }) : () -> ()
      %dma_start3A = arith.constant 0 : i32
      %dma_start3A_347 = arith.constant 0 : i32
      %dma_start3A_348 = tpu.memref_slice %arg3[%dma_start3A, %dma_start3A_347] : memref<50000x128xf32, #tpu.memory_space<hbm>> -> memref<50000x128xf32, #tpu.memory_space<hbm>>
      tpu.enqueue_indirect_dma source(%dma_start3A_348 : memref<50000x128xf32, #tpu.memory_space<hbm>>) target(%arg11 : memref<128x128xf32, #tpu.memory_space<vmem>>) offsets(%arg9 : memref<128xi32, #tpu.memory_space<vmem>>) semaphore(%arg13 : memref<!tpu.dma_semaphore, #tpu.memory_space<semaphore_mem>>)
      %dma_wait3A = arith.constant 0 : i32
      %dma_wait3A_349 = arith.constant 0 : i32
      %dma_wait3A_350 = tpu.memref_slice %arg3[%dma_wait3A, %dma_wait3A_349] : memref<50000x128xf32, #tpu.memory_space<hbm>> -> memref<50000x128xf32, #tpu.memory_space<hbm>>
      tpu.wait_indirect_dma semaphore(%arg13 : memref<!tpu.dma_semaphore, #tpu.memory_space<semaphore_mem>>) src(%dma_wait3A_350 : memref<50000x128xf32, #tpu.memory_space<hbm>>) dst(%arg11 : memref<128x128xf32, #tpu.memory_space<vmem>>)
      "tpu.region"() ({
        %run_scoped3A = tpu.sem_alloc : memref<!tpu.dma_semaphore, #tpu.memory_space<semaphore_mem>>
        %dma_start3A_351 = arith.constant 0 : i32
        %dma_start3A_352 = arith.constant 0 : i32
        %dma_start3A_353 = tpu.memref_slice %arg8[%dma_start3A_351, %dma_start3A_352] : memref<10000x128xf32, #tpu.memory_space<vmem_shared>> -> memref<10000x128xf32, #tpu.memory_space<vmem_shared>>
        tpu.enqueue_indirect_dma source(%arg11 : memref<128x128xf32, #tpu.memory_space<vmem>>) target(%dma_start3A_353 : memref<10000x128xf32, #tpu.memory_space<vmem_shared>>) offsets(%arg10 : memref<128xi32, #tpu.memory_space<vmem>>) semaphore(%run_scoped3A : memref<!tpu.dma_semaphore, #tpu.memory_space<semaphore_mem>>) {add = true}
        %dma_wait3A_354 = arith.constant 0 : i32
        %dma_wait3A_355 = arith.constant 0 : i32
        %dma_wait3A_356 = tpu.memref_slice %arg8[%dma_wait3A_354, %dma_wait3A_355] : memref<10000x128xf32, #tpu.memory_space<vmem_shared>> -> memref<10000x128xf32, #tpu.memory_space<vmem_shared>>
        tpu.wait_indirect_dma semaphore(%run_scoped3A : memref<!tpu.dma_semaphore, #tpu.memory_space<semaphore_mem>>) src(%arg11 : memref<128x128xf32, #tpu.memory_space<vmem>>) dst(%dma_wait3A_356 : memref<10000x128xf32, #tpu.memory_space<vmem_shared>>)
        tpu.yield
      }) : () -> ()
    }
    %barrier3A_63 = arith.constant 0 : index
    tpu.barrier barrier_id(%barrier3A_63)
    %mul3A_64 = arith.constant 48000 : i32
    %mul3A_65 = arith.muli %arg0, %mul3A_64 : i32
    %add3A_66 = arith.constant 10000 : i32
    %add3A_67 = arith.addi %mul3A_65, %add3A_66 : i32
    %mul3A_68 = arith.constant 624 : i32
    %mul3A_69 = arith.muli %arg1, %mul3A_68 : i32
    %mul3A_70 = arith.constant 624 : i32
    %mul3A_71 = arith.muli %arg1, %mul3A_70 : i32
    %add3A_72 = arith.addi %add3A_67, %mul3A_71 : i32
    "tpu.region"() ({
      %run_scoped3A = tpu.sem_alloc : memref<!tpu.dma_semaphore, #tpu.memory_space<semaphore_mem>>
      %dma_start3A = arith.constant 0 : i32
      %dma_start3A_337 = tpu.memref_slice %arg7[%add3A_72, %dma_start3A] : memref<96000x128xf32, #tpu.memory_space<hbm>> -> memref<624x128xf32, #tpu.memory_space<hbm>>
      %dma_start3A_338 = arith.constant 0 : i32
      %dma_start3A_339 = tpu.memref_slice %arg8[%mul3A_69, %dma_start3A_338] : memref<10000x128xf32, #tpu.memory_space<vmem_shared>> -> memref<624x128xf32, #tpu.memory_space<vmem_shared>>
      tpu.enqueue_dma source(%dma_start3A_339 : memref<624x128xf32, #tpu.memory_space<vmem_shared>>) target(%dma_start3A_337 : memref<624x128xf32, #tpu.memory_space<hbm>>) target_semaphore(%run_scoped3A : memref<!tpu.dma_semaphore, #tpu.memory_space<semaphore_mem>>)
      %dma_wait3A = arith.constant 0 : i32
      %dma_wait3A_340 = tpu.memref_slice %arg7[%add3A_72, %dma_wait3A] : memref<96000x128xf32, #tpu.memory_space<hbm>> -> memref<624x128xf32, #tpu.memory_space<hbm>>
      %dma_wait3A_341 = arith.constant 0 : i32
      %dma_wait3A_342 = tpu.memref_slice %arg8[%mul3A_69, %dma_wait3A_341] : memref<10000x128xf32, #tpu.memory_space<vmem_shared>> -> memref<624x128xf32, #tpu.memory_space<vmem_shared>>
      tpu.wait_dma2 semaphore(%run_scoped3A : memref<!tpu.dma_semaphore, #tpu.memory_space<semaphore_mem>>) src(%dma_wait3A_342 : memref<624x128xf32, #tpu.memory_space<vmem_shared>>) dst(%dma_wait3A_340 : memref<624x128xf32, #tpu.memory_space<hbm>>)
      tpu.yield
    }) : () -> ()
    %eq3A_73 = arith.constant 0 : i32
    %eq3A_74 = arith.cmpi eq, %arg1, %eq3A_73 : i32
    %convert_element_type3A_75 = arith.extui %eq3A_74 : i1 to i32
    %cond3A_76 = arith.constant 0 : i32
    %cond3A_77 = arith.cmpi ne, %convert_element_type3A_75, %cond3A_76 : i32
    scf.if %cond3A_77 {
      %add3A_337 = arith.constant 9984 : i32
      %add3A_338 = arith.addi %add3A_67, %add3A_337 : i32
      "tpu.region"() ({
        %run_scoped3A = tpu.sem_alloc : memref<!tpu.dma_semaphore, #tpu.memory_space<semaphore_mem>>
        %dma_start3A = arith.constant 0 : i32
        %dma_start3A_339 = tpu.memref_slice %arg7[%add3A_338, %dma_start3A] : memref<96000x128xf32, #tpu.memory_space<hbm>> -> memref<16x128xf32, #tpu.memory_space<hbm>>
        %dma_start3A_340 = arith.constant 9984 : i32
        %dma_start3A_341 = arith.constant 0 : i32
        %dma_start3A_342 = tpu.memref_slice %arg8[%dma_start3A_340, %dma_start3A_341] : memref<10000x128xf32, #tpu.memory_space<vmem_shared>> -> memref<16x128xf32, #tpu.memory_space<vmem_shared>>
        tpu.enqueue_dma source(%dma_start3A_342 : memref<16x128xf32, #tpu.memory_space<vmem_shared>>) target(%dma_start3A_339 : memref<16x128xf32, #tpu.memory_space<hbm>>) target_semaphore(%run_scoped3A : memref<!tpu.dma_semaphore, #tpu.memory_space<semaphore_mem>>)
        %dma_wait3A = arith.constant 0 : i32
        %dma_wait3A_343 = tpu.memref_slice %arg7[%add3A_338, %dma_wait3A] : memref<96000x128xf32, #tpu.memory_space<hbm>> -> memref<16x128xf32, #tpu.memory_space<hbm>>
        %dma_wait3A_344 = arith.constant 9984 : i32
        %dma_wait3A_345 = arith.constant 0 : i32
        %dma_wait3A_346 = tpu.memref_slice %arg8[%dma_wait3A_344, %dma_wait3A_345] : memref<10000x128xf32, #tpu.memory_space<vmem_shared>> -> memref<16x128xf32, #tpu.memory_space<vmem_shared>>
        tpu.wait_dma2 semaphore(%run_scoped3A : memref<!tpu.dma_semaphore, #tpu.memory_space<semaphore_mem>>) src(%dma_wait3A_346 : memref<16x128xf32, #tpu.memory_space<vmem_shared>>) dst(%dma_wait3A_343 : memref<16x128xf32, #tpu.memory_space<hbm>>)
        tpu.yield
      }) : () -> ()
    } else {
    }
    %barrier3A_78 = arith.constant 0 : index
    tpu.barrier barrier_id(%barrier3A_78)
    %mul3A_79 = arith.constant 120 : i32
    %mul3A_80 = arith.muli %arg1, %mul3A_79 : i32
    %mul3A_81 = arith.constant 120 : i32
    %mul3A_82 = arith.muli %arg1, %mul3A_81 : i32
    "tpu.region"() ({
      %run_scoped3A = tpu.sem_alloc : memref<!tpu.dma_semaphore, #tpu.memory_space<semaphore_mem>>
      %dma_start3A = arith.constant 0 : i32
      %dma_start3A_337 = tpu.memref_slice %arg8[%mul3A_82, %dma_start3A] : memref<10000x128xf32, #tpu.memory_space<vmem_shared>> -> memref<120x128xf32, #tpu.memory_space<vmem_shared>>
      %dma_start3A_338 = arith.constant 0 : i32
      %dma_start3A_339 = tpu.memref_slice %arg5[%mul3A_80, %dma_start3A_338] : memref<10000x128xf32, #tpu.memory_space<hbm>> -> memref<120x128xf32, #tpu.memory_space<hbm>>
      tpu.enqueue_dma source(%dma_start3A_339 : memref<120x128xf32, #tpu.memory_space<hbm>>) target(%dma_start3A_337 : memref<120x128xf32, #tpu.memory_space<vmem_shared>>) target_semaphore(%run_scoped3A : memref<!tpu.dma_semaphore, #tpu.memory_space<semaphore_mem>>)
      %dma_wait3A = arith.constant 0 : i32
      %dma_wait3A_340 = tpu.memref_slice %arg8[%mul3A_82, %dma_wait3A] : memref<10000x128xf32, #tpu.memory_space<vmem_shared>> -> memref<120x128xf32, #tpu.memory_space<vmem_shared>>
      %dma_wait3A_341 = arith.constant 0 : i32
      %dma_wait3A_342 = tpu.memref_slice %arg5[%mul3A_80, %dma_wait3A_341] : memref<10000x128xf32, #tpu.memory_space<hbm>> -> memref<120x128xf32, #tpu.memory_space<hbm>>
      tpu.wait_dma2 semaphore(%run_scoped3A : memref<!tpu.dma_semaphore, #tpu.memory_space<semaphore_mem>>) src(%dma_wait3A_342 : memref<120x128xf32, #tpu.memory_space<hbm>>) dst(%dma_wait3A_340 : memref<120x128xf32, #tpu.memory_space<vmem_shared>>)
      tpu.yield
    }) : () -> ()
    %eq3A_83 = arith.constant 0 : i32
    %eq3A_84 = arith.cmpi eq, %arg1, %eq3A_83 : i32
    %convert_element_type3A_85 = arith.extui %eq3A_84 : i1 to i32
    %cond3A_86 = arith.constant 0 : i32
    %cond3A_87 = arith.cmpi ne, %convert_element_type3A_85, %cond3A_86 : i32
    scf.if %cond3A_87 {
      "tpu.region"() ({
        %run_scoped3A = tpu.sem_alloc : memref<!tpu.dma_semaphore, #tpu.memory_space<semaphore_mem>>
        %dma_start3A = arith.constant 1920 : i32
        %dma_start3A_337 = arith.constant 0 : i32
        %dma_start3A_338 = tpu.memref_slice %arg8[%dma_start3A, %dma_start3A_337] : memref<10000x128xf32, #tpu.memory_space<vmem_shared>> -> memref<80x128xf32, #tpu.memory_space<vmem_shared>>
        %dma_start3A_339 = arith.constant 1920 : i32
        %dma_start3A_340 = arith.constant 0 : i32
        %dma_start3A_341 = tpu.memref_slice %arg5[%dma_start3A_339, %dma_start3A_340] : memref<10000x128xf32, #tpu.memory_space<hbm>> -> memref<80x128xf32, #tpu.memory_space<hbm>>
        tpu.enqueue_dma source(%dma_start3A_341 : memref<80x128xf32, #tpu.memory_space<hbm>>) target(%dma_start3A_338 : memref<80x128xf32, #tpu.memory_space<vmem_shared>>) target_semaphore(%run_scoped3A : memref<!tpu.dma_semaphore, #tpu.memory_space<semaphore_mem>>)
        %dma_wait3A = arith.constant 1920 : i32
        %dma_wait3A_342 = arith.constant 0 : i32
        %dma_wait3A_343 = tpu.memref_slice %arg8[%dma_wait3A, %dma_wait3A_342] : memref<10000x128xf32, #tpu.memory_space<vmem_shared>> -> memref<80x128xf32, #tpu.memory_space<vmem_shared>>
        %dma_wait3A_344 = arith.constant 1920 : i32
        %dma_wait3A_345 = arith.constant 0 : i32
        %dma_wait3A_346 = tpu.memref_slice %arg5[%dma_wait3A_344, %dma_wait3A_345] : memref<10000x128xf32, #tpu.memory_space<hbm>> -> memref<80x128xf32, #tpu.memory_space<hbm>>
        tpu.wait_dma2 semaphore(%run_scoped3A : memref<!tpu.dma_semaphore, #tpu.memory_space<semaphore_mem>>) src(%dma_wait3A_346 : memref<80x128xf32, #tpu.memory_space<hbm>>) dst(%dma_wait3A_343 : memref<80x128xf32, #tpu.memory_space<vmem_shared>>)
        tpu.yield
      }) : () -> ()
    } else {
    }
    %barrier3A_88 = arith.constant 0 : index
    tpu.barrier barrier_id(%barrier3A_88)
    %lt3A_89 = arith.constant 2 : i32
    %lt3A_90 = arith.cmpi slt, %add3A, %lt3A_89 : i32
    %jit3A_91 = arith.constant 1 : i32
    %jit3A_92 = arith.constant 0 : i32
    %select_n3A_93 = arith.select %lt3A_90, %jit3A_91, %jit3A_92 : i32
    %add3A_94 = arith.constant 39 : i32
    %add3A_95 = arith.addi %add3A_94, %select_n3A_93 : i32
    %while3A_96 = arith.constant 0 : i32
    %while3A_97 = arith.constant 0 : i32
    %while3A_98 = arith.subi %add3A_95, %while3A_97 : i32
    %while3A_99 = arith.addi %while3A_97, %while3A_98 : i32
    %while3A_100 = arith.constant 1 : i32
    %while3A_101 = arith.divsi %while3A_98, %while3A_100 : i32
    %while3A_102 = arith.muli %while3A_101, %while3A_100 : i32
    %while3A_103 = arith.addi %while3A_97, %while3A_102 : i32
    %while3A_104 = arith.constant 1 : i32
    scf.for %while3A_337 = %while3A_97 to %while3A_103 step %while3A_104  : i32 {
      %mul3A_338 = arith.constant 32 : i32
      %mul3A_339 = arith.muli %while3A_337, %mul3A_338 : i32
      %add3A_340 = arith.addi %mul3A_339, %add3A : i32
      %mul3A_341 = arith.constant 128 : i32
      %mul3A_342 = arith.muli %add3A_340, %mul3A_341 : i32
      %add3A_343 = arith.constant 800000 : i32
      %add3A_344 = arith.addi %add3A_343, %mul3A_342 : i32
      "tpu.region"() ({
        %run_scoped3A = tpu.sem_alloc : memref<!tpu.dma_semaphore, #tpu.memory_space<semaphore_mem>>
        %dma_start3A_351 = tpu.memref_slice %arg4[%add3A_344] : memref<1280000xi32, #tpu.memory_space<hbm>> -> memref<128xi32, #tpu.memory_space<hbm>>
        %dma_start3A_352 = tpu.memref_slice %arg4[%add3A_344] : memref<1280000xi32, #tpu.memory_space<hbm>> -> memref<128xi32, #tpu.memory_space<hbm>>
        tpu.enqueue_dma source(%dma_start3A_352 : memref<128xi32, #tpu.memory_space<hbm>>) target(%arg10 : memref<128xi32, #tpu.memory_space<vmem>>) target_semaphore(%run_scoped3A : memref<!tpu.dma_semaphore, #tpu.memory_space<semaphore_mem>>)
        %dma_wait3A_353 = tpu.memref_slice %arg4[%add3A_344] : memref<1280000xi32, #tpu.memory_space<hbm>> -> memref<128xi32, #tpu.memory_space<hbm>>
        %dma_wait3A_354 = tpu.memref_slice %arg4[%add3A_344] : memref<1280000xi32, #tpu.memory_space<hbm>> -> memref<128xi32, #tpu.memory_space<hbm>>
        tpu.wait_dma2 semaphore(%run_scoped3A : memref<!tpu.dma_semaphore, #tpu.memory_space<semaphore_mem>>) src(%dma_wait3A_354 : memref<128xi32, #tpu.memory_space<hbm>>) dst(%arg10 : memref<128xi32, #tpu.memory_space<vmem>>)
        tpu.yield
      }) : () -> ()
      %add3A_345 = arith.constant 640000 : i32
      %add3A_346 = arith.addi %add3A_345, %mul3A_342 : i32
      "tpu.region"() ({
        %run_scoped3A = tpu.sem_alloc : memref<!tpu.dma_semaphore, #tpu.memory_space<semaphore_mem>>
        %dma_start3A_351 = tpu.memref_slice %arg4[%add3A_346] : memref<1280000xi32, #tpu.memory_space<hbm>> -> memref<128xi32, #tpu.memory_space<hbm>>
        %dma_start3A_352 = tpu.memref_slice %arg4[%add3A_346] : memref<1280000xi32, #tpu.memory_space<hbm>> -> memref<128xi32, #tpu.memory_space<hbm>>
        tpu.enqueue_dma source(%dma_start3A_352 : memref<128xi32, #tpu.memory_space<hbm>>) target(%arg9 : memref<128xi32, #tpu.memory_space<vmem>>) target_semaphore(%run_scoped3A : memref<!tpu.dma_semaphore, #tpu.memory_space<semaphore_mem>>)
        %dma_wait3A_353 = tpu.memref_slice %arg4[%add3A_346] : memref<1280000xi32, #tpu.memory_space<hbm>> -> memref<128xi32, #tpu.memory_space<hbm>>
        %dma_wait3A_354 = tpu.memref_slice %arg4[%add3A_346] : memref<1280000xi32, #tpu.memory_space<hbm>> -> memref<128xi32, #tpu.memory_space<hbm>>
        tpu.wait_dma2 semaphore(%run_scoped3A : memref<!tpu.dma_semaphore, #tpu.memory_space<semaphore_mem>>) src(%dma_wait3A_354 : memref<128xi32, #tpu.memory_space<hbm>>) dst(%arg9 : memref<128xi32, #tpu.memory_space<vmem>>)
        tpu.yield
      }) : () -> ()
      %dma_start3A = arith.constant 0 : i32
      %dma_start3A_347 = arith.constant 0 : i32
      %dma_start3A_348 = tpu.memref_slice %arg2[%dma_start3A, %dma_start3A_347] : memref<12000x128xf32, #tpu.memory_space<hbm>> -> memref<12000x128xf32, #tpu.memory_space<hbm>>
      tpu.enqueue_indirect_dma source(%dma_start3A_348 : memref<12000x128xf32, #tpu.memory_space<hbm>>) target(%arg11 : memref<128x128xf32, #tpu.memory_space<vmem>>) offsets(%arg9 : memref<128xi32, #tpu.memory_space<vmem>>) semaphore(%arg13 : memref<!tpu.dma_semaphore, #tpu.memory_space<semaphore_mem>>)
      %dma_wait3A = arith.constant 0 : i32
      %dma_wait3A_349 = arith.constant 0 : i32
      %dma_wait3A_350 = tpu.memref_slice %arg2[%dma_wait3A, %dma_wait3A_349] : memref<12000x128xf32, #tpu.memory_space<hbm>> -> memref<12000x128xf32, #tpu.memory_space<hbm>>
      tpu.wait_indirect_dma semaphore(%arg13 : memref<!tpu.dma_semaphore, #tpu.memory_space<semaphore_mem>>) src(%dma_wait3A_350 : memref<12000x128xf32, #tpu.memory_space<hbm>>) dst(%arg11 : memref<128x128xf32, #tpu.memory_space<vmem>>)
      "tpu.region"() ({
        %run_scoped3A = tpu.sem_alloc : memref<!tpu.dma_semaphore, #tpu.memory_space<semaphore_mem>>
        %dma_start3A_351 = arith.constant 0 : i32
        %dma_start3A_352 = arith.constant 0 : i32
        %dma_start3A_353 = tpu.memref_slice %arg8[%dma_start3A_351, %dma_start3A_352] : memref<10000x128xf32, #tpu.memory_space<vmem_shared>> -> memref<10000x128xf32, #tpu.memory_space<vmem_shared>>
        tpu.enqueue_indirect_dma source(%arg11 : memref<128x128xf32, #tpu.memory_space<vmem>>) target(%dma_start3A_353 : memref<10000x128xf32, #tpu.memory_space<vmem_shared>>) offsets(%arg10 : memref<128xi32, #tpu.memory_space<vmem>>) semaphore(%run_scoped3A : memref<!tpu.dma_semaphore, #tpu.memory_space<semaphore_mem>>) {add = true}
        %dma_wait3A_354 = arith.constant 0 : i32
        %dma_wait3A_355 = arith.constant 0 : i32
        %dma_wait3A_356 = tpu.memref_slice %arg8[%dma_wait3A_354, %dma_wait3A_355] : memref<10000x128xf32, #tpu.memory_space<vmem_shared>> -> memref<10000x128xf32, #tpu.memory_space<vmem_shared>>
        tpu.wait_indirect_dma semaphore(%run_scoped3A : memref<!tpu.dma_semaphore, #tpu.memory_space<semaphore_mem>>) src(%arg11 : memref<128x128xf32, #tpu.memory_space<vmem>>) dst(%dma_wait3A_356 : memref<10000x128xf32, #tpu.memory_space<vmem_shared>>)
        tpu.yield
      }) : () -> ()
    }
    %while3A_105 = arith.constant 1 : i32
    scf.for %while3A_337 = %while3A_103 to %while3A_99 step %while3A_105  : i32 {
      %mul3A_338 = arith.constant 32 : i32
      %mul3A_339 = arith.muli %while3A_337, %mul3A_338 : i32
      %add3A_340 = arith.addi %mul3A_339, %add3A : i32
      %mul3A_341 = arith.constant 128 : i32
      %mul3A_342 = arith.muli %add3A_340, %mul3A_341 : i32
      %add3A_343 = arith.constant 800000 : i32
      %add3A_344 = arith.addi %add3A_343, %mul3A_342 : i32
      "tpu.region"() ({
        %run_scoped3A = tpu.sem_alloc : memref<!tpu.dma_semaphore, #tpu.memory_space<semaphore_mem>>
        %dma_start3A_351 = tpu.memref_slice %arg4[%add3A_344] : memref<1280000xi32, #tpu.memory_space<hbm>> -> memref<128xi32, #tpu.memory_space<hbm>>
        %dma_start3A_352 = tpu.memref_slice %arg4[%add3A_344] : memref<1280000xi32, #tpu.memory_space<hbm>> -> memref<128xi32, #tpu.memory_space<hbm>>
        tpu.enqueue_dma source(%dma_start3A_352 : memref<128xi32, #tpu.memory_space<hbm>>) target(%arg10 : memref<128xi32, #tpu.memory_space<vmem>>) target_semaphore(%run_scoped3A : memref<!tpu.dma_semaphore, #tpu.memory_space<semaphore_mem>>)
        %dma_wait3A_353 = tpu.memref_slice %arg4[%add3A_344] : memref<1280000xi32, #tpu.memory_space<hbm>> -> memref<128xi32, #tpu.memory_space<hbm>>
        %dma_wait3A_354 = tpu.memref_slice %arg4[%add3A_344] : memref<1280000xi32, #tpu.memory_space<hbm>> -> memref<128xi32, #tpu.memory_space<hbm>>
        tpu.wait_dma2 semaphore(%run_scoped3A : memref<!tpu.dma_semaphore, #tpu.memory_space<semaphore_mem>>) src(%dma_wait3A_354 : memref<128xi32, #tpu.memory_space<hbm>>) dst(%arg10 : memref<128xi32, #tpu.memory_space<vmem>>)
        tpu.yield
      }) : () -> ()
      %add3A_345 = arith.constant 640000 : i32
      %add3A_346 = arith.addi %add3A_345, %mul3A_342 : i32
      "tpu.region"() ({
        %run_scoped3A = tpu.sem_alloc : memref<!tpu.dma_semaphore, #tpu.memory_space<semaphore_mem>>
        %dma_start3A_351 = tpu.memref_slice %arg4[%add3A_346] : memref<1280000xi32, #tpu.memory_space<hbm>> -> memref<128xi32, #tpu.memory_space<hbm>>
        %dma_start3A_352 = tpu.memref_slice %arg4[%add3A_346] : memref<1280000xi32, #tpu.memory_space<hbm>> -> memref<128xi32, #tpu.memory_space<hbm>>
        tpu.enqueue_dma source(%dma_start3A_352 : memref<128xi32, #tpu.memory_space<hbm>>) target(%arg9 : memref<128xi32, #tpu.memory_space<vmem>>) target_semaphore(%run_scoped3A : memref<!tpu.dma_semaphore, #tpu.memory_space<semaphore_mem>>)
        %dma_wait3A_353 = tpu.memref_slice %arg4[%add3A_346] : memref<1280000xi32, #tpu.memory_space<hbm>> -> memref<128xi32, #tpu.memory_space<hbm>>
        %dma_wait3A_354 = tpu.memref_slice %arg4[%add3A_346] : memref<1280000xi32, #tpu.memory_space<hbm>> -> memref<128xi32, #tpu.memory_space<hbm>>
        tpu.wait_dma2 semaphore(%run_scoped3A : memref<!tpu.dma_semaphore, #tpu.memory_space<semaphore_mem>>) src(%dma_wait3A_354 : memref<128xi32, #tpu.memory_space<hbm>>) dst(%arg9 : memref<128xi32, #tpu.memory_space<vmem>>)
        tpu.yield
      }) : () -> ()
      %dma_start3A = arith.constant 0 : i32
      %dma_start3A_347 = arith.constant 0 : i32
      %dma_start3A_348 = tpu.memref_slice %arg2[%dma_start3A, %dma_start3A_347] : memref<12000x128xf32, #tpu.memory_space<hbm>> -> memref<12000x128xf32, #tpu.memory_space<hbm>>
      tpu.enqueue_indirect_dma source(%dma_start3A_348 : memref<12000x128xf32, #tpu.memory_space<hbm>>) target(%arg11 : memref<128x128xf32, #tpu.memory_space<vmem>>) offsets(%arg9 : memref<128xi32, #tpu.memory_space<vmem>>) semaphore(%arg13 : memref<!tpu.dma_semaphore, #tpu.memory_space<semaphore_mem>>)
      %dma_wait3A = arith.constant 0 : i32
      %dma_wait3A_349 = arith.constant 0 : i32
      %dma_wait3A_350 = tpu.memref_slice %arg2[%dma_wait3A, %dma_wait3A_349] : memref<12000x128xf32, #tpu.memory_space<hbm>> -> memref<12000x128xf32, #tpu.memory_space<hbm>>
      tpu.wait_indirect_dma semaphore(%arg13 : memref<!tpu.dma_semaphore, #tpu.memory_space<semaphore_mem>>) src(%dma_wait3A_350 : memref<12000x128xf32, #tpu.memory_space<hbm>>) dst(%arg11 : memref<128x128xf32, #tpu.memory_space<vmem>>)
      "tpu.region"() ({
        %run_scoped3A = tpu.sem_alloc : memref<!tpu.dma_semaphore, #tpu.memory_space<semaphore_mem>>
        %dma_start3A_351 = arith.constant 0 : i32
        %dma_start3A_352 = arith.constant 0 : i32
        %dma_start3A_353 = tpu.memref_slice %arg8[%dma_start3A_351, %dma_start3A_352] : memref<10000x128xf32, #tpu.memory_space<vmem_shared>> -> memref<10000x128xf32, #tpu.memory_space<vmem_shared>>
        tpu.enqueue_indirect_dma source(%arg11 : memref<128x128xf32, #tpu.memory_space<vmem>>) target(%dma_start3A_353 : memref<10000x128xf32, #tpu.memory_space<vmem_shared>>) offsets(%arg10 : memref<128xi32, #tpu.memory_space<vmem>>) semaphore(%run_scoped3A : memref<!tpu.dma_semaphore, #tpu.memory_space<semaphore_mem>>) {add = true}
        %dma_wait3A_354 = arith.constant 0 : i32
        %dma_wait3A_355 = arith.constant 0 : i32
        %dma_wait3A_356 = tpu.memref_slice %arg8[%dma_wait3A_354, %dma_wait3A_355] : memref<10000x128xf32, #tpu.memory_space<vmem_shared>> -> memref<10000x128xf32, #tpu.memory_space<vmem_shared>>
        tpu.wait_indirect_dma semaphore(%run_scoped3A : memref<!tpu.dma_semaphore, #tpu.memory_space<semaphore_mem>>) src(%arg11 : memref<128x128xf32, #tpu.memory_space<vmem>>) dst(%dma_wait3A_356 : memref<10000x128xf32, #tpu.memory_space<vmem_shared>>)
        tpu.yield
      }) : () -> ()
    }
    %barrier3A_106 = arith.constant 0 : index
    tpu.barrier barrier_id(%barrier3A_106)
    %mul3A_107 = arith.constant 48000 : i32
    %mul3A_108 = arith.muli %arg0, %mul3A_107 : i32
    %add3A_109 = arith.constant 20000 : i32
    %add3A_110 = arith.addi %mul3A_108, %add3A_109 : i32
    %mul3A_111 = arith.constant 120 : i32
    %mul3A_112 = arith.muli %arg1, %mul3A_111 : i32
    %mul3A_113 = arith.constant 120 : i32
    %mul3A_114 = arith.muli %arg1, %mul3A_113 : i32
    %add3A_115 = arith.addi %add3A_110, %mul3A_114 : i32
    "tpu.region"() ({
      %run_scoped3A = tpu.sem_alloc : memref<!tpu.dma_semaphore, #tpu.memory_space<semaphore_mem>>
      %dma_start3A = arith.constant 0 : i32
      %dma_start3A_337 = tpu.memref_slice %arg7[%add3A_115, %dma_start3A] : memref<96000x128xf32, #tpu.memory_space<hbm>> -> memref<120x128xf32, #tpu.memory_space<hbm>>
      %dma_start3A_338 = arith.constant 0 : i32
      %dma_start3A_339 = tpu.memref_slice %arg8[%mul3A_112, %dma_start3A_338] : memref<10000x128xf32, #tpu.memory_space<vmem_shared>> -> memref<120x128xf32, #tpu.memory_space<vmem_shared>>
      tpu.enqueue_dma source(%dma_start3A_339 : memref<120x128xf32, #tpu.memory_space<vmem_shared>>) target(%dma_start3A_337 : memref<120x128xf32, #tpu.memory_space<hbm>>) target_semaphore(%run_scoped3A : memref<!tpu.dma_semaphore, #tpu.memory_space<semaphore_mem>>)
      %dma_wait3A = arith.constant 0 : i32
      %dma_wait3A_340 = tpu.memref_slice %arg7[%add3A_115, %dma_wait3A] : memref<96000x128xf32, #tpu.memory_space<hbm>> -> memref<120x128xf32, #tpu.memory_space<hbm>>
      %dma_wait3A_341 = arith.constant 0 : i32
      %dma_wait3A_342 = tpu.memref_slice %arg8[%mul3A_112, %dma_wait3A_341] : memref<10000x128xf32, #tpu.memory_space<vmem_shared>> -> memref<120x128xf32, #tpu.memory_space<vmem_shared>>
      tpu.wait_dma2 semaphore(%run_scoped3A : memref<!tpu.dma_semaphore, #tpu.memory_space<semaphore_mem>>) src(%dma_wait3A_342 : memref<120x128xf32, #tpu.memory_space<vmem_shared>>) dst(%dma_wait3A_340 : memref<120x128xf32, #tpu.memory_space<hbm>>)
      tpu.yield
    }) : () -> ()
    %eq3A_116 = arith.constant 0 : i32
    %eq3A_117 = arith.cmpi eq, %arg1, %eq3A_116 : i32
    %convert_element_type3A_118 = arith.extui %eq3A_117 : i1 to i32
    %cond3A_119 = arith.constant 0 : i32
    %cond3A_120 = arith.cmpi ne, %convert_element_type3A_118, %cond3A_119 : i32
    scf.if %cond3A_120 {
      %add3A_337 = arith.constant 1920 : i32
      %add3A_338 = arith.addi %add3A_110, %add3A_337 : i32
      "tpu.region"() ({
        %run_scoped3A = tpu.sem_alloc : memref<!tpu.dma_semaphore, #tpu.memory_space<semaphore_mem>>
        %dma_start3A = arith.constant 0 : i32
        %dma_start3A_339 = tpu.memref_slice %arg7[%add3A_338, %dma_start3A] : memref<96000x128xf32, #tpu.memory_space<hbm>> -> memref<80x128xf32, #tpu.memory_space<hbm>>
        %dma_start3A_340 = arith.constant 1920 : i32
        %dma_start3A_341 = arith.constant 0 : i32
        %dma_start3A_342 = tpu.memref_slice %arg8[%dma_start3A_340, %dma_start3A_341] : memref<10000x128xf32, #tpu.memory_space<vmem_shared>> -> memref<80x128xf32, #tpu.memory_space<vmem_shared>>
        tpu.enqueue_dma source(%dma_start3A_342 : memref<80x128xf32, #tpu.memory_space<vmem_shared>>) target(%dma_start3A_339 : memref<80x128xf32, #tpu.memory_space<hbm>>) target_semaphore(%run_scoped3A : memref<!tpu.dma_semaphore, #tpu.memory_space<semaphore_mem>>)
        %dma_wait3A = arith.constant 0 : i32
        %dma_wait3A_343 = tpu.memref_slice %arg7[%add3A_338, %dma_wait3A] : memref<96000x128xf32, #tpu.memory_space<hbm>> -> memref<80x128xf32, #tpu.memory_space<hbm>>
        %dma_wait3A_344 = arith.constant 1920 : i32
        %dma_wait3A_345 = arith.constant 0 : i32
        %dma_wait3A_346 = tpu.memref_slice %arg8[%dma_wait3A_344, %dma_wait3A_345] : memref<10000x128xf32, #tpu.memory_space<vmem_shared>> -> memref<80x128xf32, #tpu.memory_space<vmem_shared>>
        tpu.wait_dma2 semaphore(%run_scoped3A : memref<!tpu.dma_semaphore, #tpu.memory_space<semaphore_mem>>) src(%dma_wait3A_346 : memref<80x128xf32, #tpu.memory_space<vmem_shared>>) dst(%dma_wait3A_343 : memref<80x128xf32, #tpu.memory_space<hbm>>)
        tpu.yield
      }) : () -> ()
    } else {
    }
    %barrier3A_121 = arith.constant 0 : index
    tpu.barrier barrier_id(%barrier3A_121)
    %mul3A_122 = arith.constant 120 : i32
    %mul3A_123 = arith.muli %arg1, %mul3A_122 : i32
    %mul3A_124 = arith.constant 120 : i32
    %mul3A_125 = arith.muli %arg1, %mul3A_124 : i32
    "tpu.region"() ({
      %run_scoped3A = tpu.sem_alloc : memref<!tpu.dma_semaphore, #tpu.memory_space<semaphore_mem>>
      %dma_start3A = arith.constant 0 : i32
      %dma_start3A_337 = tpu.memref_slice %arg8[%mul3A_125, %dma_start3A] : memref<10000x128xf32, #tpu.memory_space<vmem_shared>> -> memref<120x128xf32, #tpu.memory_space<vmem_shared>>
      %dma_start3A_338 = arith.constant 0 : i32
      %dma_start3A_339 = tpu.memref_slice %arg5[%mul3A_123, %dma_start3A_338] : memref<10000x128xf32, #tpu.memory_space<hbm>> -> memref<120x128xf32, #tpu.memory_space<hbm>>
      tpu.enqueue_dma source(%dma_start3A_339 : memref<120x128xf32, #tpu.memory_space<hbm>>) target(%dma_start3A_337 : memref<120x128xf32, #tpu.memory_space<vmem_shared>>) target_semaphore(%run_scoped3A : memref<!tpu.dma_semaphore, #tpu.memory_space<semaphore_mem>>)
      %dma_wait3A = arith.constant 0 : i32
      %dma_wait3A_340 = tpu.memref_slice %arg8[%mul3A_125, %dma_wait3A] : memref<10000x128xf32, #tpu.memory_space<vmem_shared>> -> memref<120x128xf32, #tpu.memory_space<vmem_shared>>
      %dma_wait3A_341 = arith.constant 0 : i32
      %dma_wait3A_342 = tpu.memref_slice %arg5[%mul3A_123, %dma_wait3A_341] : memref<10000x128xf32, #tpu.memory_space<hbm>> -> memref<120x128xf32, #tpu.memory_space<hbm>>
      tpu.wait_dma2 semaphore(%run_scoped3A : memref<!tpu.dma_semaphore, #tpu.memory_space<semaphore_mem>>) src(%dma_wait3A_342 : memref<120x128xf32, #tpu.memory_space<hbm>>) dst(%dma_wait3A_340 : memref<120x128xf32, #tpu.memory_space<vmem_shared>>)
      tpu.yield
    }) : () -> ()
    %eq3A_126 = arith.constant 0 : i32
    %eq3A_127 = arith.cmpi eq, %arg1, %eq3A_126 : i32
    %convert_element_type3A_128 = arith.extui %eq3A_127 : i1 to i32
    %cond3A_129 = arith.constant 0 : i32
    %cond3A_130 = arith.cmpi ne, %convert_element_type3A_128, %cond3A_129 : i32
    scf.if %cond3A_130 {
      "tpu.region"() ({
        %run_scoped3A = tpu.sem_alloc : memref<!tpu.dma_semaphore, #tpu.memory_space<semaphore_mem>>
        %dma_start3A = arith.constant 1920 : i32
        %dma_start3A_337 = arith.constant 0 : i32
        %dma_start3A_338 = tpu.memref_slice %arg8[%dma_start3A, %dma_start3A_337] : memref<10000x128xf32, #tpu.memory_space<vmem_shared>> -> memref<80x128xf32, #tpu.memory_space<vmem_shared>>
        %dma_start3A_339 = arith.constant 1920 : i32
        %dma_start3A_340 = arith.constant 0 : i32
        %dma_start3A_341 = tpu.memref_slice %arg5[%dma_start3A_339, %dma_start3A_340] : memref<10000x128xf32, #tpu.memory_space<hbm>> -> memref<80x128xf32, #tpu.memory_space<hbm>>
        tpu.enqueue_dma source(%dma_start3A_341 : memref<80x128xf32, #tpu.memory_space<hbm>>) target(%dma_start3A_338 : memref<80x128xf32, #tpu.memory_space<vmem_shared>>) target_semaphore(%run_scoped3A : memref<!tpu.dma_semaphore, #tpu.memory_space<semaphore_mem>>)
        %dma_wait3A = arith.constant 1920 : i32
        %dma_wait3A_342 = arith.constant 0 : i32
        %dma_wait3A_343 = tpu.memref_slice %arg8[%dma_wait3A, %dma_wait3A_342] : memref<10000x128xf32, #tpu.memory_space<vmem_shared>> -> memref<80x128xf32, #tpu.memory_space<vmem_shared>>
        %dma_wait3A_344 = arith.constant 1920 : i32
        %dma_wait3A_345 = arith.constant 0 : i32
        %dma_wait3A_346 = tpu.memref_slice %arg5[%dma_wait3A_344, %dma_wait3A_345] : memref<10000x128xf32, #tpu.memory_space<hbm>> -> memref<80x128xf32, #tpu.memory_space<hbm>>
        tpu.wait_dma2 semaphore(%run_scoped3A : memref<!tpu.dma_semaphore, #tpu.memory_space<semaphore_mem>>) src(%dma_wait3A_346 : memref<80x128xf32, #tpu.memory_space<hbm>>) dst(%dma_wait3A_343 : memref<80x128xf32, #tpu.memory_space<vmem_shared>>)
        tpu.yield
      }) : () -> ()
    } else {
    }
    %barrier3A_131 = arith.constant 0 : index
    tpu.barrier barrier_id(%barrier3A_131)
    %lt3A_132 = arith.constant 2 : i32
    %lt3A_133 = arith.cmpi slt, %add3A, %lt3A_132 : i32
    %jit3A_134 = arith.constant 1 : i32
    %jit3A_135 = arith.constant 0 : i32
    %select_n3A_136 = arith.select %lt3A_133, %jit3A_134, %jit3A_135 : i32
    %add3A_137 = arith.constant 39 : i32
    %add3A_138 = arith.addi %add3A_137, %select_n3A_136 : i32
    %while3A_139 = arith.constant 0 : i32
    %while3A_140 = arith.constant 0 : i32
    %while3A_141 = arith.subi %add3A_138, %while3A_140 : i32
    %while3A_142 = arith.addi %while3A_140, %while3A_141 : i32
    %while3A_143 = arith.constant 1 : i32
    %while3A_144 = arith.divsi %while3A_141, %while3A_143 : i32
    %while3A_145 = arith.muli %while3A_144, %while3A_143 : i32
    %while3A_146 = arith.addi %while3A_140, %while3A_145 : i32
    %while3A_147 = arith.constant 1 : i32
    scf.for %while3A_337 = %while3A_140 to %while3A_146 step %while3A_147  : i32 {
      %mul3A_338 = arith.constant 32 : i32
      %mul3A_339 = arith.muli %while3A_337, %mul3A_338 : i32
      %add3A_340 = arith.addi %mul3A_339, %add3A : i32
      %mul3A_341 = arith.constant 128 : i32
      %mul3A_342 = arith.muli %add3A_340, %mul3A_341 : i32
      %add3A_343 = arith.constant 1120000 : i32
      %add3A_344 = arith.addi %add3A_343, %mul3A_342 : i32
      "tpu.region"() ({
        %run_scoped3A = tpu.sem_alloc : memref<!tpu.dma_semaphore, #tpu.memory_space<semaphore_mem>>
        %dma_start3A_351 = tpu.memref_slice %arg4[%add3A_344] : memref<1280000xi32, #tpu.memory_space<hbm>> -> memref<128xi32, #tpu.memory_space<hbm>>
        %dma_start3A_352 = tpu.memref_slice %arg4[%add3A_344] : memref<1280000xi32, #tpu.memory_space<hbm>> -> memref<128xi32, #tpu.memory_space<hbm>>
        tpu.enqueue_dma source(%dma_start3A_352 : memref<128xi32, #tpu.memory_space<hbm>>) target(%arg10 : memref<128xi32, #tpu.memory_space<vmem>>) target_semaphore(%run_scoped3A : memref<!tpu.dma_semaphore, #tpu.memory_space<semaphore_mem>>)
        %dma_wait3A_353 = tpu.memref_slice %arg4[%add3A_344] : memref<1280000xi32, #tpu.memory_space<hbm>> -> memref<128xi32, #tpu.memory_space<hbm>>
        %dma_wait3A_354 = tpu.memref_slice %arg4[%add3A_344] : memref<1280000xi32, #tpu.memory_space<hbm>> -> memref<128xi32, #tpu.memory_space<hbm>>
        tpu.wait_dma2 semaphore(%run_scoped3A : memref<!tpu.dma_semaphore, #tpu.memory_space<semaphore_mem>>) src(%dma_wait3A_354 : memref<128xi32, #tpu.memory_space<hbm>>) dst(%arg10 : memref<128xi32, #tpu.memory_space<vmem>>)
        tpu.yield
      }) : () -> ()
      %add3A_345 = arith.constant 960000 : i32
      %add3A_346 = arith.addi %add3A_345, %mul3A_342 : i32
      "tpu.region"() ({
        %run_scoped3A = tpu.sem_alloc : memref<!tpu.dma_semaphore, #tpu.memory_space<semaphore_mem>>
        %dma_start3A_351 = tpu.memref_slice %arg4[%add3A_346] : memref<1280000xi32, #tpu.memory_space<hbm>> -> memref<128xi32, #tpu.memory_space<hbm>>
        %dma_start3A_352 = tpu.memref_slice %arg4[%add3A_346] : memref<1280000xi32, #tpu.memory_space<hbm>> -> memref<128xi32, #tpu.memory_space<hbm>>
        tpu.enqueue_dma source(%dma_start3A_352 : memref<128xi32, #tpu.memory_space<hbm>>) target(%arg9 : memref<128xi32, #tpu.memory_space<vmem>>) target_semaphore(%run_scoped3A : memref<!tpu.dma_semaphore, #tpu.memory_space<semaphore_mem>>)
        %dma_wait3A_353 = tpu.memref_slice %arg4[%add3A_346] : memref<1280000xi32, #tpu.memory_space<hbm>> -> memref<128xi32, #tpu.memory_space<hbm>>
        %dma_wait3A_354 = tpu.memref_slice %arg4[%add3A_346] : memref<1280000xi32, #tpu.memory_space<hbm>> -> memref<128xi32, #tpu.memory_space<hbm>>
        tpu.wait_dma2 semaphore(%run_scoped3A : memref<!tpu.dma_semaphore, #tpu.memory_space<semaphore_mem>>) src(%dma_wait3A_354 : memref<128xi32, #tpu.memory_space<hbm>>) dst(%arg9 : memref<128xi32, #tpu.memory_space<vmem>>)
        tpu.yield
      }) : () -> ()
      %dma_start3A = arith.constant 0 : i32
      %dma_start3A_347 = arith.constant 0 : i32
      %dma_start3A_348 = tpu.memref_slice %arg3[%dma_start3A, %dma_start3A_347] : memref<50000x128xf32, #tpu.memory_space<hbm>> -> memref<50000x128xf32, #tpu.memory_space<hbm>>
      tpu.enqueue_indirect_dma source(%dma_start3A_348 : memref<50000x128xf32, #tpu.memory_space<hbm>>) target(%arg11 : memref<128x128xf32, #tpu.memory_space<vmem>>) offsets(%arg9 : memref<128xi32, #tpu.memory_space<vmem>>) semaphore(%arg13 : memref<!tpu.dma_semaphore, #tpu.memory_space<semaphore_mem>>)
      %dma_wait3A = arith.constant 0 : i32
      %dma_wait3A_349 = arith.constant 0 : i32
      %dma_wait3A_350 = tpu.memref_slice %arg3[%dma_wait3A, %dma_wait3A_349] : memref<50000x128xf32, #tpu.memory_space<hbm>> -> memref<50000x128xf32, #tpu.memory_space<hbm>>
      tpu.wait_indirect_dma semaphore(%arg13 : memref<!tpu.dma_semaphore, #tpu.memory_space<semaphore_mem>>) src(%dma_wait3A_350 : memref<50000x128xf32, #tpu.memory_space<hbm>>) dst(%arg11 : memref<128x128xf32, #tpu.memory_space<vmem>>)
      "tpu.region"() ({
        %run_scoped3A = tpu.sem_alloc : memref<!tpu.dma_semaphore, #tpu.memory_space<semaphore_mem>>
        %dma_start3A_351 = arith.constant 0 : i32
        %dma_start3A_352 = arith.constant 0 : i32
        %dma_start3A_353 = tpu.memref_slice %arg8[%dma_start3A_351, %dma_start3A_352] : memref<10000x128xf32, #tpu.memory_space<vmem_shared>> -> memref<10000x128xf32, #tpu.memory_space<vmem_shared>>
        tpu.enqueue_indirect_dma source(%arg11 : memref<128x128xf32, #tpu.memory_space<vmem>>) target(%dma_start3A_353 : memref<10000x128xf32, #tpu.memory_space<vmem_shared>>) offsets(%arg10 : memref<128xi32, #tpu.memory_space<vmem>>) semaphore(%run_scoped3A : memref<!tpu.dma_semaphore, #tpu.memory_space<semaphore_mem>>) {add = true}
        %dma_wait3A_354 = arith.constant 0 : i32
        %dma_wait3A_355 = arith.constant 0 : i32
        %dma_wait3A_356 = tpu.memref_slice %arg8[%dma_wait3A_354, %dma_wait3A_355] : memref<10000x128xf32, #tpu.memory_space<vmem_shared>> -> memref<10000x128xf32, #tpu.memory_space<vmem_shared>>
        tpu.wait_indirect_dma semaphore(%run_scoped3A : memref<!tpu.dma_semaphore, #tpu.memory_space<semaphore_mem>>) src(%arg11 : memref<128x128xf32, #tpu.memory_space<vmem>>) dst(%dma_wait3A_356 : memref<10000x128xf32, #tpu.memory_space<vmem_shared>>)
        tpu.yield
      }) : () -> ()
    }
    %while3A_148 = arith.constant 1 : i32
    scf.for %while3A_337 = %while3A_146 to %while3A_142 step %while3A_148  : i32 {
      %mul3A_338 = arith.constant 32 : i32
      %mul3A_339 = arith.muli %while3A_337, %mul3A_338 : i32
      %add3A_340 = arith.addi %mul3A_339, %add3A : i32
      %mul3A_341 = arith.constant 128 : i32
      %mul3A_342 = arith.muli %add3A_340, %mul3A_341 : i32
      %add3A_343 = arith.constant 1120000 : i32
      %add3A_344 = arith.addi %add3A_343, %mul3A_342 : i32
      "tpu.region"() ({
        %run_scoped3A = tpu.sem_alloc : memref<!tpu.dma_semaphore, #tpu.memory_space<semaphore_mem>>
        %dma_start3A_351 = tpu.memref_slice %arg4[%add3A_344] : memref<1280000xi32, #tpu.memory_space<hbm>> -> memref<128xi32, #tpu.memory_space<hbm>>
        %dma_start3A_352 = tpu.memref_slice %arg4[%add3A_344] : memref<1280000xi32, #tpu.memory_space<hbm>> -> memref<128xi32, #tpu.memory_space<hbm>>
        tpu.enqueue_dma source(%dma_start3A_352 : memref<128xi32, #tpu.memory_space<hbm>>) target(%arg10 : memref<128xi32, #tpu.memory_space<vmem>>) target_semaphore(%run_scoped3A : memref<!tpu.dma_semaphore, #tpu.memory_space<semaphore_mem>>)
        %dma_wait3A_353 = tpu.memref_slice %arg4[%add3A_344] : memref<1280000xi32, #tpu.memory_space<hbm>> -> memref<128xi32, #tpu.memory_space<hbm>>
        %dma_wait3A_354 = tpu.memref_slice %arg4[%add3A_344] : memref<1280000xi32, #tpu.memory_space<hbm>> -> memref<128xi32, #tpu.memory_space<hbm>>
        tpu.wait_dma2 semaphore(%run_scoped3A : memref<!tpu.dma_semaphore, #tpu.memory_space<semaphore_mem>>) src(%dma_wait3A_354 : memref<128xi32, #tpu.memory_space<hbm>>) dst(%arg10 : memref<128xi32, #tpu.memory_space<vmem>>)
        tpu.yield
      }) : () -> ()
      %add3A_345 = arith.constant 960000 : i32
      %add3A_346 = arith.addi %add3A_345, %mul3A_342 : i32
      "tpu.region"() ({
        %run_scoped3A = tpu.sem_alloc : memref<!tpu.dma_semaphore, #tpu.memory_space<semaphore_mem>>
        %dma_start3A_351 = tpu.memref_slice %arg4[%add3A_346] : memref<1280000xi32, #tpu.memory_space<hbm>> -> memref<128xi32, #tpu.memory_space<hbm>>
        %dma_start3A_352 = tpu.memref_slice %arg4[%add3A_346] : memref<1280000xi32, #tpu.memory_space<hbm>> -> memref<128xi32, #tpu.memory_space<hbm>>
        tpu.enqueue_dma source(%dma_start3A_352 : memref<128xi32, #tpu.memory_space<hbm>>) target(%arg9 : memref<128xi32, #tpu.memory_space<vmem>>) target_semaphore(%run_scoped3A : memref<!tpu.dma_semaphore, #tpu.memory_space<semaphore_mem>>)
        %dma_wait3A_353 = tpu.memref_slice %arg4[%add3A_346] : memref<1280000xi32, #tpu.memory_space<hbm>> -> memref<128xi32, #tpu.memory_space<hbm>>
        %dma_wait3A_354 = tpu.memref_slice %arg4[%add3A_346] : memref<1280000xi32, #tpu.memory_space<hbm>> -> memref<128xi32, #tpu.memory_space<hbm>>
        tpu.wait_dma2 semaphore(%run_scoped3A : memref<!tpu.dma_semaphore, #tpu.memory_space<semaphore_mem>>) src(%dma_wait3A_354 : memref<128xi32, #tpu.memory_space<hbm>>) dst(%arg9 : memref<128xi32, #tpu.memory_space<vmem>>)
        tpu.yield
      }) : () -> ()
      %dma_start3A = arith.constant 0 : i32
      %dma_start3A_347 = arith.constant 0 : i32
      %dma_start3A_348 = tpu.memref_slice %arg3[%dma_start3A, %dma_start3A_347] : memref<50000x128xf32, #tpu.memory_space<hbm>> -> memref<50000x128xf32, #tpu.memory_space<hbm>>
      tpu.enqueue_indirect_dma source(%dma_start3A_348 : memref<50000x128xf32, #tpu.memory_space<hbm>>) target(%arg11 : memref<128x128xf32, #tpu.memory_space<vmem>>) offsets(%arg9 : memref<128xi32, #tpu.memory_space<vmem>>) semaphore(%arg13 : memref<!tpu.dma_semaphore, #tpu.memory_space<semaphore_mem>>)
      %dma_wait3A = arith.constant 0 : i32
      %dma_wait3A_349 = arith.constant 0 : i32
      %dma_wait3A_350 = tpu.memref_slice %arg3[%dma_wait3A, %dma_wait3A_349] : memref<50000x128xf32, #tpu.memory_space<hbm>> -> memref<50000x128xf32, #tpu.memory_space<hbm>>
      tpu.wait_indirect_dma semaphore(%arg13 : memref<!tpu.dma_semaphore, #tpu.memory_space<semaphore_mem>>) src(%dma_wait3A_350 : memref<50000x128xf32, #tpu.memory_space<hbm>>) dst(%arg11 : memref<128x128xf32, #tpu.memory_space<vmem>>)
      "tpu.region"() ({
        %run_scoped3A = tpu.sem_alloc : memref<!tpu.dma_semaphore, #tpu.memory_space<semaphore_mem>>
        %dma_start3A_351 = arith.constant 0 : i32
        %dma_start3A_352 = arith.constant 0 : i32
        %dma_start3A_353 = tpu.memref_slice %arg8[%dma_start3A_351, %dma_start3A_352] : memref<10000x128xf32, #tpu.memory_space<vmem_shared>> -> memref<10000x128xf32, #tpu.memory_space<vmem_shared>>
        tpu.enqueue_indirect_dma source(%arg11 : memref<128x128xf32, #tpu.memory_space<vmem>>) target(%dma_start3A_353 : memref<10000x128xf32, #tpu.memory_space<vmem_shared>>) offsets(%arg10 : memref<128xi32, #tpu.memory_space<vmem>>) semaphore(%run_scoped3A : memref<!tpu.dma_semaphore, #tpu.memory_space<semaphore_mem>>) {add = true}
        %dma_wait3A_354 = arith.constant 0 : i32
        %dma_wait3A_355 = arith.constant 0 : i32
        %dma_wait3A_356 = tpu.memref_slice %arg8[%dma_wait3A_354, %dma_wait3A_355] : memref<10000x128xf32, #tpu.memory_space<vmem_shared>> -> memref<10000x128xf32, #tpu.memory_space<vmem_shared>>
        tpu.wait_indirect_dma semaphore(%run_scoped3A : memref<!tpu.dma_semaphore, #tpu.memory_space<semaphore_mem>>) src(%arg11 : memref<128x128xf32, #tpu.memory_space<vmem>>) dst(%dma_wait3A_356 : memref<10000x128xf32, #tpu.memory_space<vmem_shared>>)
        tpu.yield
      }) : () -> ()
    }
    %barrier3A_149 = arith.constant 0 : index
    tpu.barrier barrier_id(%barrier3A_149)
    %mul3A_150 = arith.constant 48000 : i32
    %mul3A_151 = arith.muli %arg0, %mul3A_150 : i32
    %add3A_152 = arith.constant 22000 : i32
    %add3A_153 = arith.addi %mul3A_151, %add3A_152 : i32
    %mul3A_154 = arith.constant 120 : i32
    %mul3A_155 = arith.muli %arg1, %mul3A_154 : i32
    %mul3A_156 = arith.constant 120 : i32
    %mul3A_157 = arith.muli %arg1, %mul3A_156 : i32
    %add3A_158 = arith.addi %add3A_153, %mul3A_157 : i32
    "tpu.region"() ({
      %run_scoped3A = tpu.sem_alloc : memref<!tpu.dma_semaphore, #tpu.memory_space<semaphore_mem>>
      %dma_start3A = arith.constant 0 : i32
      %dma_start3A_337 = tpu.memref_slice %arg7[%add3A_158, %dma_start3A] : memref<96000x128xf32, #tpu.memory_space<hbm>> -> memref<120x128xf32, #tpu.memory_space<hbm>>
      %dma_start3A_338 = arith.constant 0 : i32
      %dma_start3A_339 = tpu.memref_slice %arg8[%mul3A_155, %dma_start3A_338] : memref<10000x128xf32, #tpu.memory_space<vmem_shared>> -> memref<120x128xf32, #tpu.memory_space<vmem_shared>>
      tpu.enqueue_dma source(%dma_start3A_339 : memref<120x128xf32, #tpu.memory_space<vmem_shared>>) target(%dma_start3A_337 : memref<120x128xf32, #tpu.memory_space<hbm>>) target_semaphore(%run_scoped3A : memref<!tpu.dma_semaphore, #tpu.memory_space<semaphore_mem>>)
      %dma_wait3A = arith.constant 0 : i32
      %dma_wait3A_340 = tpu.memref_slice %arg7[%add3A_158, %dma_wait3A] : memref<96000x128xf32, #tpu.memory_space<hbm>> -> memref<120x128xf32, #tpu.memory_space<hbm>>
      %dma_wait3A_341 = arith.constant 0 : i32
      %dma_wait3A_342 = tpu.memref_slice %arg8[%mul3A_155, %dma_wait3A_341] : memref<10000x128xf32, #tpu.memory_space<vmem_shared>> -> memref<120x128xf32, #tpu.memory_space<vmem_shared>>
      tpu.wait_dma2 semaphore(%run_scoped3A : memref<!tpu.dma_semaphore, #tpu.memory_space<semaphore_mem>>) src(%dma_wait3A_342 : memref<120x128xf32, #tpu.memory_space<vmem_shared>>) dst(%dma_wait3A_340 : memref<120x128xf32, #tpu.memory_space<hbm>>)
      tpu.yield
    }) : () -> ()
    %eq3A_159 = arith.constant 0 : i32
    %eq3A_160 = arith.cmpi eq, %arg1, %eq3A_159 : i32
    %convert_element_type3A_161 = arith.extui %eq3A_160 : i1 to i32
    %cond3A_162 = arith.constant 0 : i32
    %cond3A_163 = arith.cmpi ne, %convert_element_type3A_161, %cond3A_162 : i32
    scf.if %cond3A_163 {
      %add3A_337 = arith.constant 1920 : i32
      %add3A_338 = arith.addi %add3A_153, %add3A_337 : i32
      "tpu.region"() ({
        %run_scoped3A = tpu.sem_alloc : memref<!tpu.dma_semaphore, #tpu.memory_space<semaphore_mem>>
        %dma_start3A = arith.constant 0 : i32
        %dma_start3A_339 = tpu.memref_slice %arg7[%add3A_338, %dma_start3A] : memref<96000x128xf32, #tpu.memory_space<hbm>> -> memref<80x128xf32, #tpu.memory_space<hbm>>
        %dma_start3A_340 = arith.constant 1920 : i32
        %dma_start3A_341 = arith.constant 0 : i32
        %dma_start3A_342 = tpu.memref_slice %arg8[%dma_start3A_340, %dma_start3A_341] : memref<10000x128xf32, #tpu.memory_space<vmem_shared>> -> memref<80x128xf32, #tpu.memory_space<vmem_shared>>
        tpu.enqueue_dma source(%dma_start3A_342 : memref<80x128xf32, #tpu.memory_space<vmem_shared>>) target(%dma_start3A_339 : memref<80x128xf32, #tpu.memory_space<hbm>>) target_semaphore(%run_scoped3A : memref<!tpu.dma_semaphore, #tpu.memory_space<semaphore_mem>>)
        %dma_wait3A = arith.constant 0 : i32
        %dma_wait3A_343 = tpu.memref_slice %arg7[%add3A_338, %dma_wait3A] : memref<96000x128xf32, #tpu.memory_space<hbm>> -> memref<80x128xf32, #tpu.memory_space<hbm>>
        %dma_wait3A_344 = arith.constant 1920 : i32
        %dma_wait3A_345 = arith.constant 0 : i32
        %dma_wait3A_346 = tpu.memref_slice %arg8[%dma_wait3A_344, %dma_wait3A_345] : memref<10000x128xf32, #tpu.memory_space<vmem_shared>> -> memref<80x128xf32, #tpu.memory_space<vmem_shared>>
        tpu.wait_dma2 semaphore(%run_scoped3A : memref<!tpu.dma_semaphore, #tpu.memory_space<semaphore_mem>>) src(%dma_wait3A_346 : memref<80x128xf32, #tpu.memory_space<vmem_shared>>) dst(%dma_wait3A_343 : memref<80x128xf32, #tpu.memory_space<hbm>>)
        tpu.yield
      }) : () -> ()
    } else {
    }
    %barrier3A_164 = arith.constant 0 : index
    tpu.barrier barrier_id(%barrier3A_164)
    %mul3A_165 = arith.constant 624 : i32
    %mul3A_166 = arith.muli %arg1, %mul3A_165 : i32
    %mul3A_167 = arith.constant 624 : i32
    %mul3A_168 = arith.muli %arg1, %mul3A_167 : i32
    "tpu.region"() ({
      %run_scoped3A = tpu.sem_alloc : memref<!tpu.dma_semaphore, #tpu.memory_space<semaphore_mem>>
      %dma_start3A = arith.constant 0 : i32
      %dma_start3A_337 = tpu.memref_slice %arg8[%mul3A_168, %dma_start3A] : memref<10000x128xf32, #tpu.memory_space<vmem_shared>> -> memref<624x128xf32, #tpu.memory_space<vmem_shared>>
      %dma_start3A_338 = arith.constant 0 : i32
      %dma_start3A_339 = tpu.memref_slice %arg5[%mul3A_166, %dma_start3A_338] : memref<10000x128xf32, #tpu.memory_space<hbm>> -> memref<624x128xf32, #tpu.memory_space<hbm>>
      tpu.enqueue_dma source(%dma_start3A_339 : memref<624x128xf32, #tpu.memory_space<hbm>>) target(%dma_start3A_337 : memref<624x128xf32, #tpu.memory_space<vmem_shared>>) target_semaphore(%run_scoped3A : memref<!tpu.dma_semaphore, #tpu.memory_space<semaphore_mem>>)
      %dma_wait3A = arith.constant 0 : i32
      %dma_wait3A_340 = tpu.memref_slice %arg8[%mul3A_168, %dma_wait3A] : memref<10000x128xf32, #tpu.memory_space<vmem_shared>> -> memref<624x128xf32, #tpu.memory_space<vmem_shared>>
      %dma_wait3A_341 = arith.constant 0 : i32
      %dma_wait3A_342 = tpu.memref_slice %arg5[%mul3A_166, %dma_wait3A_341] : memref<10000x128xf32, #tpu.memory_space<hbm>> -> memref<624x128xf32, #tpu.memory_space<hbm>>
      tpu.wait_dma2 semaphore(%run_scoped3A : memref<!tpu.dma_semaphore, #tpu.memory_space<semaphore_mem>>) src(%dma_wait3A_342 : memref<624x128xf32, #tpu.memory_space<hbm>>) dst(%dma_wait3A_340 : memref<624x128xf32, #tpu.memory_space<vmem_shared>>)
      tpu.yield
    }) : () -> ()
    %eq3A_169 = arith.constant 0 : i32
    %eq3A_170 = arith.cmpi eq, %arg1, %eq3A_169 : i32
    %convert_element_type3A_171 = arith.extui %eq3A_170 : i1 to i32
    %cond3A_172 = arith.constant 0 : i32
    %cond3A_173 = arith.cmpi ne, %convert_element_type3A_171, %cond3A_172 : i32
    scf.if %cond3A_173 {
      "tpu.region"() ({
        %run_scoped3A = tpu.sem_alloc : memref<!tpu.dma_semaphore, #tpu.memory_space<semaphore_mem>>
        %dma_start3A = arith.constant 9984 : i32
        %dma_start3A_337 = arith.constant 0 : i32
        %dma_start3A_338 = tpu.memref_slice %arg8[%dma_start3A, %dma_start3A_337] : memref<10000x128xf32, #tpu.memory_space<vmem_shared>> -> memref<16x128xf32, #tpu.memory_space<vmem_shared>>
        %dma_start3A_339 = arith.constant 9984 : i32
        %dma_start3A_340 = arith.constant 0 : i32
        %dma_start3A_341 = tpu.memref_slice %arg5[%dma_start3A_339, %dma_start3A_340] : memref<10000x128xf32, #tpu.memory_space<hbm>> -> memref<16x128xf32, #tpu.memory_space<hbm>>
        tpu.enqueue_dma source(%dma_start3A_341 : memref<16x128xf32, #tpu.memory_space<hbm>>) target(%dma_start3A_338 : memref<16x128xf32, #tpu.memory_space<vmem_shared>>) target_semaphore(%run_scoped3A : memref<!tpu.dma_semaphore, #tpu.memory_space<semaphore_mem>>)
        %dma_wait3A = arith.constant 9984 : i32
        %dma_wait3A_342 = arith.constant 0 : i32
        %dma_wait3A_343 = tpu.memref_slice %arg8[%dma_wait3A, %dma_wait3A_342] : memref<10000x128xf32, #tpu.memory_space<vmem_shared>> -> memref<16x128xf32, #tpu.memory_space<vmem_shared>>
        %dma_wait3A_344 = arith.constant 9984 : i32
        %dma_wait3A_345 = arith.constant 0 : i32
        %dma_wait3A_346 = tpu.memref_slice %arg5[%dma_wait3A_344, %dma_wait3A_345] : memref<10000x128xf32, #tpu.memory_space<hbm>> -> memref<16x128xf32, #tpu.memory_space<hbm>>
        tpu.wait_dma2 semaphore(%run_scoped3A : memref<!tpu.dma_semaphore, #tpu.memory_space<semaphore_mem>>) src(%dma_wait3A_346 : memref<16x128xf32, #tpu.memory_space<hbm>>) dst(%dma_wait3A_343 : memref<16x128xf32, #tpu.memory_space<vmem_shared>>)
        tpu.yield
      }) : () -> ()
    } else {
    }
    %barrier3A_174 = arith.constant 0 : index
    tpu.barrier barrier_id(%barrier3A_174)
    %lt3A_175 = arith.constant 2 : i32
    %lt3A_176 = arith.cmpi slt, %add3A, %lt3A_175 : i32
    %jit3A_177 = arith.constant 1 : i32
    %jit3A_178 = arith.constant 0 : i32
    %select_n3A_179 = arith.select %lt3A_176, %jit3A_177, %jit3A_178 : i32
    %add3A_180 = arith.constant 39 : i32
    %add3A_181 = arith.addi %add3A_180, %select_n3A_179 : i32
    %while3A_182 = arith.constant 0 : i32
    %while3A_183 = arith.constant 0 : i32
    %while3A_184 = arith.subi %add3A_181, %while3A_183 : i32
    %while3A_185 = arith.addi %while3A_183, %while3A_184 : i32
    %while3A_186 = arith.constant 1 : i32
    %while3A_187 = arith.divsi %while3A_184, %while3A_186 : i32
    %while3A_188 = arith.muli %while3A_187, %while3A_186 : i32
    %while3A_189 = arith.addi %while3A_183, %while3A_188 : i32
    %while3A_190 = arith.constant 1 : i32
    scf.for %while3A_337 = %while3A_183 to %while3A_189 step %while3A_190  : i32 {
      %mul3A_338 = arith.constant 32 : i32
      %mul3A_339 = arith.muli %while3A_337, %mul3A_338 : i32
      %add3A_340 = arith.addi %mul3A_339, %add3A : i32
      %mul3A_341 = arith.constant 128 : i32
      %mul3A_342 = arith.muli %add3A_340, %mul3A_341 : i32
      %add3A_343 = arith.constant 160000 : i32
      %add3A_344 = arith.addi %add3A_343, %mul3A_342 : i32
      "tpu.region"() ({
        %run_scoped3A = tpu.sem_alloc : memref<!tpu.dma_semaphore, #tpu.memory_space<semaphore_mem>>
        %dma_start3A = tpu.memref_slice %arg4[%add3A_344] : memref<1280000xi32, #tpu.memory_space<hbm>> -> memref<128xi32, #tpu.memory_space<hbm>>
        %dma_start3A_345 = tpu.memref_slice %arg4[%add3A_344] : memref<1280000xi32, #tpu.memory_space<hbm>> -> memref<128xi32, #tpu.memory_space<hbm>>
        tpu.enqueue_dma source(%dma_start3A_345 : memref<128xi32, #tpu.memory_space<hbm>>) target(%arg10 : memref<128xi32, #tpu.memory_space<vmem>>) target_semaphore(%run_scoped3A : memref<!tpu.dma_semaphore, #tpu.memory_space<semaphore_mem>>)
        %dma_wait3A = tpu.memref_slice %arg4[%add3A_344] : memref<1280000xi32, #tpu.memory_space<hbm>> -> memref<128xi32, #tpu.memory_space<hbm>>
        %dma_wait3A_346 = tpu.memref_slice %arg4[%add3A_344] : memref<1280000xi32, #tpu.memory_space<hbm>> -> memref<128xi32, #tpu.memory_space<hbm>>
        tpu.wait_dma2 semaphore(%run_scoped3A : memref<!tpu.dma_semaphore, #tpu.memory_space<semaphore_mem>>) src(%dma_wait3A_346 : memref<128xi32, #tpu.memory_space<hbm>>) dst(%arg10 : memref<128xi32, #tpu.memory_space<vmem>>)
        tpu.yield
      }) : () -> ()
      "tpu.region"() ({
        %run_scoped3A = tpu.sem_alloc : memref<!tpu.dma_semaphore, #tpu.memory_space<semaphore_mem>>
        %dma_start3A = arith.constant 0 : i32
        %dma_start3A_345 = arith.constant 0 : i32
        %dma_start3A_346 = tpu.memref_slice %arg8[%dma_start3A, %dma_start3A_345] : memref<10000x128xf32, #tpu.memory_space<vmem_shared>> -> memref<10000x128xf32, #tpu.memory_space<vmem_shared>>
        tpu.enqueue_indirect_dma source(%arg12 : memref<128x128xf32, #tpu.memory_space<vmem>>) target(%dma_start3A_346 : memref<10000x128xf32, #tpu.memory_space<vmem_shared>>) offsets(%arg10 : memref<128xi32, #tpu.memory_space<vmem>>) semaphore(%run_scoped3A : memref<!tpu.dma_semaphore, #tpu.memory_space<semaphore_mem>>) {add = true}
        %dma_wait3A = arith.constant 0 : i32
        %dma_wait3A_347 = arith.constant 0 : i32
        %dma_wait3A_348 = tpu.memref_slice %arg8[%dma_wait3A, %dma_wait3A_347] : memref<10000x128xf32, #tpu.memory_space<vmem_shared>> -> memref<10000x128xf32, #tpu.memory_space<vmem_shared>>
        tpu.wait_indirect_dma semaphore(%run_scoped3A : memref<!tpu.dma_semaphore, #tpu.memory_space<semaphore_mem>>) src(%arg12 : memref<128x128xf32, #tpu.memory_space<vmem>>) dst(%dma_wait3A_348 : memref<10000x128xf32, #tpu.memory_space<vmem_shared>>)
        tpu.yield
      }) : () -> ()
    }
    %while3A_191 = arith.constant 1 : i32
    scf.for %while3A_337 = %while3A_189 to %while3A_185 step %while3A_191  : i32 {
      %mul3A_338 = arith.constant 32 : i32
      %mul3A_339 = arith.muli %while3A_337, %mul3A_338 : i32
      %add3A_340 = arith.addi %mul3A_339, %add3A : i32
      %mul3A_341 = arith.constant 128 : i32
      %mul3A_342 = arith.muli %add3A_340, %mul3A_341 : i32
      %add3A_343 = arith.constant 160000 : i32
      %add3A_344 = arith.addi %add3A_343, %mul3A_342 : i32
      "tpu.region"() ({
        %run_scoped3A = tpu.sem_alloc : memref<!tpu.dma_semaphore, #tpu.memory_space<semaphore_mem>>
        %dma_start3A = tpu.memref_slice %arg4[%add3A_344] : memref<1280000xi32, #tpu.memory_space<hbm>> -> memref<128xi32, #tpu.memory_space<hbm>>
        %dma_start3A_345 = tpu.memref_slice %arg4[%add3A_344] : memref<1280000xi32, #tpu.memory_space<hbm>> -> memref<128xi32, #tpu.memory_space<hbm>>
        tpu.enqueue_dma source(%dma_start3A_345 : memref<128xi32, #tpu.memory_space<hbm>>) target(%arg10 : memref<128xi32, #tpu.memory_space<vmem>>) target_semaphore(%run_scoped3A : memref<!tpu.dma_semaphore, #tpu.memory_space<semaphore_mem>>)
        %dma_wait3A = tpu.memref_slice %arg4[%add3A_344] : memref<1280000xi32, #tpu.memory_space<hbm>> -> memref<128xi32, #tpu.memory_space<hbm>>
        %dma_wait3A_346 = tpu.memref_slice %arg4[%add3A_344] : memref<1280000xi32, #tpu.memory_space<hbm>> -> memref<128xi32, #tpu.memory_space<hbm>>
        tpu.wait_dma2 semaphore(%run_scoped3A : memref<!tpu.dma_semaphore, #tpu.memory_space<semaphore_mem>>) src(%dma_wait3A_346 : memref<128xi32, #tpu.memory_space<hbm>>) dst(%arg10 : memref<128xi32, #tpu.memory_space<vmem>>)
        tpu.yield
      }) : () -> ()
      "tpu.region"() ({
        %run_scoped3A = tpu.sem_alloc : memref<!tpu.dma_semaphore, #tpu.memory_space<semaphore_mem>>
        %dma_start3A = arith.constant 0 : i32
        %dma_start3A_345 = arith.constant 0 : i32
        %dma_start3A_346 = tpu.memref_slice %arg8[%dma_start3A, %dma_start3A_345] : memref<10000x128xf32, #tpu.memory_space<vmem_shared>> -> memref<10000x128xf32, #tpu.memory_space<vmem_shared>>
        tpu.enqueue_indirect_dma source(%arg12 : memref<128x128xf32, #tpu.memory_space<vmem>>) target(%dma_start3A_346 : memref<10000x128xf32, #tpu.memory_space<vmem_shared>>) offsets(%arg10 : memref<128xi32, #tpu.memory_space<vmem>>) semaphore(%run_scoped3A : memref<!tpu.dma_semaphore, #tpu.memory_space<semaphore_mem>>) {add = true}
        %dma_wait3A = arith.constant 0 : i32
        %dma_wait3A_347 = arith.constant 0 : i32
        %dma_wait3A_348 = tpu.memref_slice %arg8[%dma_wait3A, %dma_wait3A_347] : memref<10000x128xf32, #tpu.memory_space<vmem_shared>> -> memref<10000x128xf32, #tpu.memory_space<vmem_shared>>
        tpu.wait_indirect_dma semaphore(%run_scoped3A : memref<!tpu.dma_semaphore, #tpu.memory_space<semaphore_mem>>) src(%arg12 : memref<128x128xf32, #tpu.memory_space<vmem>>) dst(%dma_wait3A_348 : memref<10000x128xf32, #tpu.memory_space<vmem_shared>>)
        tpu.yield
      }) : () -> ()
    }
    %barrier3A_192 = arith.constant 0 : index
    tpu.barrier barrier_id(%barrier3A_192)
    %mul3A_193 = arith.constant 48000 : i32
    %mul3A_194 = arith.muli %arg0, %mul3A_193 : i32
    %add3A_195 = arith.constant 24000 : i32
    %add3A_196 = arith.addi %mul3A_194, %add3A_195 : i32
    %mul3A_197 = arith.constant 624 : i32
    %mul3A_198 = arith.muli %arg1, %mul3A_197 : i32
    %mul3A_199 = arith.constant 624 : i32
    %mul3A_200 = arith.muli %arg1, %mul3A_199 : i32
    %add3A_201 = arith.addi %add3A_196, %mul3A_200 : i32
    "tpu.region"() ({
      %run_scoped3A = tpu.sem_alloc : memref<!tpu.dma_semaphore, #tpu.memory_space<semaphore_mem>>
      %dma_start3A = arith.constant 0 : i32
      %dma_start3A_337 = tpu.memref_slice %arg7[%add3A_201, %dma_start3A] : memref<96000x128xf32, #tpu.memory_space<hbm>> -> memref<624x128xf32, #tpu.memory_space<hbm>>
      %dma_start3A_338 = arith.constant 0 : i32
      %dma_start3A_339 = tpu.memref_slice %arg8[%mul3A_198, %dma_start3A_338] : memref<10000x128xf32, #tpu.memory_space<vmem_shared>> -> memref<624x128xf32, #tpu.memory_space<vmem_shared>>
      tpu.enqueue_dma source(%dma_start3A_339 : memref<624x128xf32, #tpu.memory_space<vmem_shared>>) target(%dma_start3A_337 : memref<624x128xf32, #tpu.memory_space<hbm>>) target_semaphore(%run_scoped3A : memref<!tpu.dma_semaphore, #tpu.memory_space<semaphore_mem>>)
      %dma_wait3A = arith.constant 0 : i32
      %dma_wait3A_340 = tpu.memref_slice %arg7[%add3A_201, %dma_wait3A] : memref<96000x128xf32, #tpu.memory_space<hbm>> -> memref<624x128xf32, #tpu.memory_space<hbm>>
      %dma_wait3A_341 = arith.constant 0 : i32
      %dma_wait3A_342 = tpu.memref_slice %arg8[%mul3A_198, %dma_wait3A_341] : memref<10000x128xf32, #tpu.memory_space<vmem_shared>> -> memref<624x128xf32, #tpu.memory_space<vmem_shared>>
      tpu.wait_dma2 semaphore(%run_scoped3A : memref<!tpu.dma_semaphore, #tpu.memory_space<semaphore_mem>>) src(%dma_wait3A_342 : memref<624x128xf32, #tpu.memory_space<vmem_shared>>) dst(%dma_wait3A_340 : memref<624x128xf32, #tpu.memory_space<hbm>>)
      tpu.yield
    }) : () -> ()
    %eq3A_202 = arith.constant 0 : i32
    %eq3A_203 = arith.cmpi eq, %arg1, %eq3A_202 : i32
    %convert_element_type3A_204 = arith.extui %eq3A_203 : i1 to i32
    %cond3A_205 = arith.constant 0 : i32
    %cond3A_206 = arith.cmpi ne, %convert_element_type3A_204, %cond3A_205 : i32
    scf.if %cond3A_206 {
      %add3A_337 = arith.constant 9984 : i32
      %add3A_338 = arith.addi %add3A_196, %add3A_337 : i32
      "tpu.region"() ({
        %run_scoped3A = tpu.sem_alloc : memref<!tpu.dma_semaphore, #tpu.memory_space<semaphore_mem>>
        %dma_start3A = arith.constant 0 : i32
        %dma_start3A_339 = tpu.memref_slice %arg7[%add3A_338, %dma_start3A] : memref<96000x128xf32, #tpu.memory_space<hbm>> -> memref<16x128xf32, #tpu.memory_space<hbm>>
        %dma_start3A_340 = arith.constant 9984 : i32
        %dma_start3A_341 = arith.constant 0 : i32
        %dma_start3A_342 = tpu.memref_slice %arg8[%dma_start3A_340, %dma_start3A_341] : memref<10000x128xf32, #tpu.memory_space<vmem_shared>> -> memref<16x128xf32, #tpu.memory_space<vmem_shared>>
        tpu.enqueue_dma source(%dma_start3A_342 : memref<16x128xf32, #tpu.memory_space<vmem_shared>>) target(%dma_start3A_339 : memref<16x128xf32, #tpu.memory_space<hbm>>) target_semaphore(%run_scoped3A : memref<!tpu.dma_semaphore, #tpu.memory_space<semaphore_mem>>)
        %dma_wait3A = arith.constant 0 : i32
        %dma_wait3A_343 = tpu.memref_slice %arg7[%add3A_338, %dma_wait3A] : memref<96000x128xf32, #tpu.memory_space<hbm>> -> memref<16x128xf32, #tpu.memory_space<hbm>>
        %dma_wait3A_344 = arith.constant 9984 : i32
        %dma_wait3A_345 = arith.constant 0 : i32
        %dma_wait3A_346 = tpu.memref_slice %arg8[%dma_wait3A_344, %dma_wait3A_345] : memref<10000x128xf32, #tpu.memory_space<vmem_shared>> -> memref<16x128xf32, #tpu.memory_space<vmem_shared>>
        tpu.wait_dma2 semaphore(%run_scoped3A : memref<!tpu.dma_semaphore, #tpu.memory_space<semaphore_mem>>) src(%dma_wait3A_346 : memref<16x128xf32, #tpu.memory_space<vmem_shared>>) dst(%dma_wait3A_343 : memref<16x128xf32, #tpu.memory_space<hbm>>)
        tpu.yield
      }) : () -> ()
    } else {
    }
    %barrier3A_207 = arith.constant 0 : index
    tpu.barrier barrier_id(%barrier3A_207)
    %mul3A_208 = arith.constant 624 : i32
    %mul3A_209 = arith.muli %arg1, %mul3A_208 : i32
    %mul3A_210 = arith.constant 624 : i32
    %mul3A_211 = arith.muli %arg1, %mul3A_210 : i32
    "tpu.region"() ({
      %run_scoped3A = tpu.sem_alloc : memref<!tpu.dma_semaphore, #tpu.memory_space<semaphore_mem>>
      %dma_start3A = arith.constant 0 : i32
      %dma_start3A_337 = tpu.memref_slice %arg8[%mul3A_211, %dma_start3A] : memref<10000x128xf32, #tpu.memory_space<vmem_shared>> -> memref<624x128xf32, #tpu.memory_space<vmem_shared>>
      %dma_start3A_338 = arith.constant 0 : i32
      %dma_start3A_339 = tpu.memref_slice %arg5[%mul3A_209, %dma_start3A_338] : memref<10000x128xf32, #tpu.memory_space<hbm>> -> memref<624x128xf32, #tpu.memory_space<hbm>>
      tpu.enqueue_dma source(%dma_start3A_339 : memref<624x128xf32, #tpu.memory_space<hbm>>) target(%dma_start3A_337 : memref<624x128xf32, #tpu.memory_space<vmem_shared>>) target_semaphore(%run_scoped3A : memref<!tpu.dma_semaphore, #tpu.memory_space<semaphore_mem>>)
      %dma_wait3A = arith.constant 0 : i32
      %dma_wait3A_340 = tpu.memref_slice %arg8[%mul3A_211, %dma_wait3A] : memref<10000x128xf32, #tpu.memory_space<vmem_shared>> -> memref<624x128xf32, #tpu.memory_space<vmem_shared>>
      %dma_wait3A_341 = arith.constant 0 : i32
      %dma_wait3A_342 = tpu.memref_slice %arg5[%mul3A_209, %dma_wait3A_341] : memref<10000x128xf32, #tpu.memory_space<hbm>> -> memref<624x128xf32, #tpu.memory_space<hbm>>
      tpu.wait_dma2 semaphore(%run_scoped3A : memref<!tpu.dma_semaphore, #tpu.memory_space<semaphore_mem>>) src(%dma_wait3A_342 : memref<624x128xf32, #tpu.memory_space<hbm>>) dst(%dma_wait3A_340 : memref<624x128xf32, #tpu.memory_space<vmem_shared>>)
      tpu.yield
    }) : () -> ()
    %eq3A_212 = arith.constant 0 : i32
    %eq3A_213 = arith.cmpi eq, %arg1, %eq3A_212 : i32
    %convert_element_type3A_214 = arith.extui %eq3A_213 : i1 to i32
    %cond3A_215 = arith.constant 0 : i32
    %cond3A_216 = arith.cmpi ne, %convert_element_type3A_214, %cond3A_215 : i32
    scf.if %cond3A_216 {
      "tpu.region"() ({
        %run_scoped3A = tpu.sem_alloc : memref<!tpu.dma_semaphore, #tpu.memory_space<semaphore_mem>>
        %dma_start3A = arith.constant 9984 : i32
        %dma_start3A_337 = arith.constant 0 : i32
        %dma_start3A_338 = tpu.memref_slice %arg8[%dma_start3A, %dma_start3A_337] : memref<10000x128xf32, #tpu.memory_space<vmem_shared>> -> memref<16x128xf32, #tpu.memory_space<vmem_shared>>
        %dma_start3A_339 = arith.constant 9984 : i32
        %dma_start3A_340 = arith.constant 0 : i32
        %dma_start3A_341 = tpu.memref_slice %arg5[%dma_start3A_339, %dma_start3A_340] : memref<10000x128xf32, #tpu.memory_space<hbm>> -> memref<16x128xf32, #tpu.memory_space<hbm>>
        tpu.enqueue_dma source(%dma_start3A_341 : memref<16x128xf32, #tpu.memory_space<hbm>>) target(%dma_start3A_338 : memref<16x128xf32, #tpu.memory_space<vmem_shared>>) target_semaphore(%run_scoped3A : memref<!tpu.dma_semaphore, #tpu.memory_space<semaphore_mem>>)
        %dma_wait3A = arith.constant 9984 : i32
        %dma_wait3A_342 = arith.constant 0 : i32
        %dma_wait3A_343 = tpu.memref_slice %arg8[%dma_wait3A, %dma_wait3A_342] : memref<10000x128xf32, #tpu.memory_space<vmem_shared>> -> memref<16x128xf32, #tpu.memory_space<vmem_shared>>
        %dma_wait3A_344 = arith.constant 9984 : i32
        %dma_wait3A_345 = arith.constant 0 : i32
        %dma_wait3A_346 = tpu.memref_slice %arg5[%dma_wait3A_344, %dma_wait3A_345] : memref<10000x128xf32, #tpu.memory_space<hbm>> -> memref<16x128xf32, #tpu.memory_space<hbm>>
        tpu.wait_dma2 semaphore(%run_scoped3A : memref<!tpu.dma_semaphore, #tpu.memory_space<semaphore_mem>>) src(%dma_wait3A_346 : memref<16x128xf32, #tpu.memory_space<hbm>>) dst(%dma_wait3A_343 : memref<16x128xf32, #tpu.memory_space<vmem_shared>>)
        tpu.yield
      }) : () -> ()
    } else {
    }
    %barrier3A_217 = arith.constant 0 : index
    tpu.barrier barrier_id(%barrier3A_217)
    %lt3A_218 = arith.constant 2 : i32
    %lt3A_219 = arith.cmpi slt, %add3A, %lt3A_218 : i32
    %jit3A_220 = arith.constant 1 : i32
    %jit3A_221 = arith.constant 0 : i32
    %select_n3A_222 = arith.select %lt3A_219, %jit3A_220, %jit3A_221 : i32
    %add3A_223 = arith.constant 39 : i32
    %add3A_224 = arith.addi %add3A_223, %select_n3A_222 : i32
    %while3A_225 = arith.constant 0 : i32
    %while3A_226 = arith.constant 0 : i32
    %while3A_227 = arith.subi %add3A_224, %while3A_226 : i32
    %while3A_228 = arith.addi %while3A_226, %while3A_227 : i32
    %while3A_229 = arith.constant 1 : i32
    %while3A_230 = arith.divsi %while3A_227, %while3A_229 : i32
    %while3A_231 = arith.muli %while3A_230, %while3A_229 : i32
    %while3A_232 = arith.addi %while3A_226, %while3A_231 : i32
    %while3A_233 = arith.constant 1 : i32
    scf.for %while3A_337 = %while3A_226 to %while3A_232 step %while3A_233  : i32 {
      %mul3A_338 = arith.constant 32 : i32
      %mul3A_339 = arith.muli %while3A_337, %mul3A_338 : i32
      %add3A_340 = arith.addi %mul3A_339, %add3A : i32
      %mul3A_341 = arith.constant 128 : i32
      %mul3A_342 = arith.muli %add3A_340, %mul3A_341 : i32
      %add3A_343 = arith.constant 480000 : i32
      %add3A_344 = arith.addi %add3A_343, %mul3A_342 : i32
      "tpu.region"() ({
        %run_scoped3A = tpu.sem_alloc : memref<!tpu.dma_semaphore, #tpu.memory_space<semaphore_mem>>
        %dma_start3A = tpu.memref_slice %arg4[%add3A_344] : memref<1280000xi32, #tpu.memory_space<hbm>> -> memref<128xi32, #tpu.memory_space<hbm>>
        %dma_start3A_345 = tpu.memref_slice %arg4[%add3A_344] : memref<1280000xi32, #tpu.memory_space<hbm>> -> memref<128xi32, #tpu.memory_space<hbm>>
        tpu.enqueue_dma source(%dma_start3A_345 : memref<128xi32, #tpu.memory_space<hbm>>) target(%arg10 : memref<128xi32, #tpu.memory_space<vmem>>) target_semaphore(%run_scoped3A : memref<!tpu.dma_semaphore, #tpu.memory_space<semaphore_mem>>)
        %dma_wait3A = tpu.memref_slice %arg4[%add3A_344] : memref<1280000xi32, #tpu.memory_space<hbm>> -> memref<128xi32, #tpu.memory_space<hbm>>
        %dma_wait3A_346 = tpu.memref_slice %arg4[%add3A_344] : memref<1280000xi32, #tpu.memory_space<hbm>> -> memref<128xi32, #tpu.memory_space<hbm>>
        tpu.wait_dma2 semaphore(%run_scoped3A : memref<!tpu.dma_semaphore, #tpu.memory_space<semaphore_mem>>) src(%dma_wait3A_346 : memref<128xi32, #tpu.memory_space<hbm>>) dst(%arg10 : memref<128xi32, #tpu.memory_space<vmem>>)
        tpu.yield
      }) : () -> ()
      "tpu.region"() ({
        %run_scoped3A = tpu.sem_alloc : memref<!tpu.dma_semaphore, #tpu.memory_space<semaphore_mem>>
        %dma_start3A = arith.constant 0 : i32
        %dma_start3A_345 = arith.constant 0 : i32
        %dma_start3A_346 = tpu.memref_slice %arg8[%dma_start3A, %dma_start3A_345] : memref<10000x128xf32, #tpu.memory_space<vmem_shared>> -> memref<10000x128xf32, #tpu.memory_space<vmem_shared>>
        tpu.enqueue_indirect_dma source(%arg12 : memref<128x128xf32, #tpu.memory_space<vmem>>) target(%dma_start3A_346 : memref<10000x128xf32, #tpu.memory_space<vmem_shared>>) offsets(%arg10 : memref<128xi32, #tpu.memory_space<vmem>>) semaphore(%run_scoped3A : memref<!tpu.dma_semaphore, #tpu.memory_space<semaphore_mem>>) {add = true}
        %dma_wait3A = arith.constant 0 : i32
        %dma_wait3A_347 = arith.constant 0 : i32
        %dma_wait3A_348 = tpu.memref_slice %arg8[%dma_wait3A, %dma_wait3A_347] : memref<10000x128xf32, #tpu.memory_space<vmem_shared>> -> memref<10000x128xf32, #tpu.memory_space<vmem_shared>>
        tpu.wait_indirect_dma semaphore(%run_scoped3A : memref<!tpu.dma_semaphore, #tpu.memory_space<semaphore_mem>>) src(%arg12 : memref<128x128xf32, #tpu.memory_space<vmem>>) dst(%dma_wait3A_348 : memref<10000x128xf32, #tpu.memory_space<vmem_shared>>)
        tpu.yield
      }) : () -> ()
    }
    %while3A_234 = arith.constant 1 : i32
    scf.for %while3A_337 = %while3A_232 to %while3A_228 step %while3A_234  : i32 {
      %mul3A_338 = arith.constant 32 : i32
      %mul3A_339 = arith.muli %while3A_337, %mul3A_338 : i32
      %add3A_340 = arith.addi %mul3A_339, %add3A : i32
      %mul3A_341 = arith.constant 128 : i32
      %mul3A_342 = arith.muli %add3A_340, %mul3A_341 : i32
      %add3A_343 = arith.constant 480000 : i32
      %add3A_344 = arith.addi %add3A_343, %mul3A_342 : i32
      "tpu.region"() ({
        %run_scoped3A = tpu.sem_alloc : memref<!tpu.dma_semaphore, #tpu.memory_space<semaphore_mem>>
        %dma_start3A = tpu.memref_slice %arg4[%add3A_344] : memref<1280000xi32, #tpu.memory_space<hbm>> -> memref<128xi32, #tpu.memory_space<hbm>>
        %dma_start3A_345 = tpu.memref_slice %arg4[%add3A_344] : memref<1280000xi32, #tpu.memory_space<hbm>> -> memref<128xi32, #tpu.memory_space<hbm>>
        tpu.enqueue_dma source(%dma_start3A_345 : memref<128xi32, #tpu.memory_space<hbm>>) target(%arg10 : memref<128xi32, #tpu.memory_space<vmem>>) target_semaphore(%run_scoped3A : memref<!tpu.dma_semaphore, #tpu.memory_space<semaphore_mem>>)
        %dma_wait3A = tpu.memref_slice %arg4[%add3A_344] : memref<1280000xi32, #tpu.memory_space<hbm>> -> memref<128xi32, #tpu.memory_space<hbm>>
        %dma_wait3A_346 = tpu.memref_slice %arg4[%add3A_344] : memref<1280000xi32, #tpu.memory_space<hbm>> -> memref<128xi32, #tpu.memory_space<hbm>>
        tpu.wait_dma2 semaphore(%run_scoped3A : memref<!tpu.dma_semaphore, #tpu.memory_space<semaphore_mem>>) src(%dma_wait3A_346 : memref<128xi32, #tpu.memory_space<hbm>>) dst(%arg10 : memref<128xi32, #tpu.memory_space<vmem>>)
        tpu.yield
      }) : () -> ()
      "tpu.region"() ({
        %run_scoped3A = tpu.sem_alloc : memref<!tpu.dma_semaphore, #tpu.memory_space<semaphore_mem>>
        %dma_start3A = arith.constant 0 : i32
        %dma_start3A_345 = arith.constant 0 : i32
        %dma_start3A_346 = tpu.memref_slice %arg8[%dma_start3A, %dma_start3A_345] : memref<10000x128xf32, #tpu.memory_space<vmem_shared>> -> memref<10000x128xf32, #tpu.memory_space<vmem_shared>>
        tpu.enqueue_indirect_dma source(%arg12 : memref<128x128xf32, #tpu.memory_space<vmem>>) target(%dma_start3A_346 : memref<10000x128xf32, #tpu.memory_space<vmem_shared>>) offsets(%arg10 : memref<128xi32, #tpu.memory_space<vmem>>) semaphore(%run_scoped3A : memref<!tpu.dma_semaphore, #tpu.memory_space<semaphore_mem>>) {add = true}
        %dma_wait3A = arith.constant 0 : i32
        %dma_wait3A_347 = arith.constant 0 : i32
        %dma_wait3A_348 = tpu.memref_slice %arg8[%dma_wait3A, %dma_wait3A_347] : memref<10000x128xf32, #tpu.memory_space<vmem_shared>> -> memref<10000x128xf32, #tpu.memory_space<vmem_shared>>
        tpu.wait_indirect_dma semaphore(%run_scoped3A : memref<!tpu.dma_semaphore, #tpu.memory_space<semaphore_mem>>) src(%arg12 : memref<128x128xf32, #tpu.memory_space<vmem>>) dst(%dma_wait3A_348 : memref<10000x128xf32, #tpu.memory_space<vmem_shared>>)
        tpu.yield
      }) : () -> ()
    }
    %barrier3A_235 = arith.constant 0 : index
    tpu.barrier barrier_id(%barrier3A_235)
    %mul3A_236 = arith.constant 48000 : i32
    %mul3A_237 = arith.muli %arg0, %mul3A_236 : i32
    %add3A_238 = arith.constant 34000 : i32
    %add3A_239 = arith.addi %mul3A_237, %add3A_238 : i32
    %mul3A_240 = arith.constant 624 : i32
    %mul3A_241 = arith.muli %arg1, %mul3A_240 : i32
    %mul3A_242 = arith.constant 624 : i32
    %mul3A_243 = arith.muli %arg1, %mul3A_242 : i32
    %add3A_244 = arith.addi %add3A_239, %mul3A_243 : i32
    "tpu.region"() ({
      %run_scoped3A = tpu.sem_alloc : memref<!tpu.dma_semaphore, #tpu.memory_space<semaphore_mem>>
      %dma_start3A = arith.constant 0 : i32
      %dma_start3A_337 = tpu.memref_slice %arg7[%add3A_244, %dma_start3A] : memref<96000x128xf32, #tpu.memory_space<hbm>> -> memref<624x128xf32, #tpu.memory_space<hbm>>
      %dma_start3A_338 = arith.constant 0 : i32
      %dma_start3A_339 = tpu.memref_slice %arg8[%mul3A_241, %dma_start3A_338] : memref<10000x128xf32, #tpu.memory_space<vmem_shared>> -> memref<624x128xf32, #tpu.memory_space<vmem_shared>>
      tpu.enqueue_dma source(%dma_start3A_339 : memref<624x128xf32, #tpu.memory_space<vmem_shared>>) target(%dma_start3A_337 : memref<624x128xf32, #tpu.memory_space<hbm>>) target_semaphore(%run_scoped3A : memref<!tpu.dma_semaphore, #tpu.memory_space<semaphore_mem>>)
      %dma_wait3A = arith.constant 0 : i32
      %dma_wait3A_340 = tpu.memref_slice %arg7[%add3A_244, %dma_wait3A] : memref<96000x128xf32, #tpu.memory_space<hbm>> -> memref<624x128xf32, #tpu.memory_space<hbm>>
      %dma_wait3A_341 = arith.constant 0 : i32
      %dma_wait3A_342 = tpu.memref_slice %arg8[%mul3A_241, %dma_wait3A_341] : memref<10000x128xf32, #tpu.memory_space<vmem_shared>> -> memref<624x128xf32, #tpu.memory_space<vmem_shared>>
      tpu.wait_dma2 semaphore(%run_scoped3A : memref<!tpu.dma_semaphore, #tpu.memory_space<semaphore_mem>>) src(%dma_wait3A_342 : memref<624x128xf32, #tpu.memory_space<vmem_shared>>) dst(%dma_wait3A_340 : memref<624x128xf32, #tpu.memory_space<hbm>>)
      tpu.yield
    }) : () -> ()
    %eq3A_245 = arith.constant 0 : i32
    %eq3A_246 = arith.cmpi eq, %arg1, %eq3A_245 : i32
    %convert_element_type3A_247 = arith.extui %eq3A_246 : i1 to i32
    %cond3A_248 = arith.constant 0 : i32
    %cond3A_249 = arith.cmpi ne, %convert_element_type3A_247, %cond3A_248 : i32
    scf.if %cond3A_249 {
      %add3A_337 = arith.constant 9984 : i32
      %add3A_338 = arith.addi %add3A_239, %add3A_337 : i32
      "tpu.region"() ({
        %run_scoped3A = tpu.sem_alloc : memref<!tpu.dma_semaphore, #tpu.memory_space<semaphore_mem>>
        %dma_start3A = arith.constant 0 : i32
        %dma_start3A_339 = tpu.memref_slice %arg7[%add3A_338, %dma_start3A] : memref<96000x128xf32, #tpu.memory_space<hbm>> -> memref<16x128xf32, #tpu.memory_space<hbm>>
        %dma_start3A_340 = arith.constant 9984 : i32
        %dma_start3A_341 = arith.constant 0 : i32
        %dma_start3A_342 = tpu.memref_slice %arg8[%dma_start3A_340, %dma_start3A_341] : memref<10000x128xf32, #tpu.memory_space<vmem_shared>> -> memref<16x128xf32, #tpu.memory_space<vmem_shared>>
        tpu.enqueue_dma source(%dma_start3A_342 : memref<16x128xf32, #tpu.memory_space<vmem_shared>>) target(%dma_start3A_339 : memref<16x128xf32, #tpu.memory_space<hbm>>) target_semaphore(%run_scoped3A : memref<!tpu.dma_semaphore, #tpu.memory_space<semaphore_mem>>)
        %dma_wait3A = arith.constant 0 : i32
        %dma_wait3A_343 = tpu.memref_slice %arg7[%add3A_338, %dma_wait3A] : memref<96000x128xf32, #tpu.memory_space<hbm>> -> memref<16x128xf32, #tpu.memory_space<hbm>>
        %dma_wait3A_344 = arith.constant 9984 : i32
        %dma_wait3A_345 = arith.constant 0 : i32
        %dma_wait3A_346 = tpu.memref_slice %arg8[%dma_wait3A_344, %dma_wait3A_345] : memref<10000x128xf32, #tpu.memory_space<vmem_shared>> -> memref<16x128xf32, #tpu.memory_space<vmem_shared>>
        tpu.wait_dma2 semaphore(%run_scoped3A : memref<!tpu.dma_semaphore, #tpu.memory_space<semaphore_mem>>) src(%dma_wait3A_346 : memref<16x128xf32, #tpu.memory_space<vmem_shared>>) dst(%dma_wait3A_343 : memref<16x128xf32, #tpu.memory_space<hbm>>)
        tpu.yield
      }) : () -> ()
    } else {
    }
    %barrier3A_250 = arith.constant 0 : index
    tpu.barrier barrier_id(%barrier3A_250)
    %mul3A_251 = arith.constant 120 : i32
    %mul3A_252 = arith.muli %arg1, %mul3A_251 : i32
    %mul3A_253 = arith.constant 120 : i32
    %mul3A_254 = arith.muli %arg1, %mul3A_253 : i32
    "tpu.region"() ({
      %run_scoped3A = tpu.sem_alloc : memref<!tpu.dma_semaphore, #tpu.memory_space<semaphore_mem>>
      %dma_start3A = arith.constant 0 : i32
      %dma_start3A_337 = tpu.memref_slice %arg8[%mul3A_254, %dma_start3A] : memref<10000x128xf32, #tpu.memory_space<vmem_shared>> -> memref<120x128xf32, #tpu.memory_space<vmem_shared>>
      %dma_start3A_338 = arith.constant 0 : i32
      %dma_start3A_339 = tpu.memref_slice %arg5[%mul3A_252, %dma_start3A_338] : memref<10000x128xf32, #tpu.memory_space<hbm>> -> memref<120x128xf32, #tpu.memory_space<hbm>>
      tpu.enqueue_dma source(%dma_start3A_339 : memref<120x128xf32, #tpu.memory_space<hbm>>) target(%dma_start3A_337 : memref<120x128xf32, #tpu.memory_space<vmem_shared>>) target_semaphore(%run_scoped3A : memref<!tpu.dma_semaphore, #tpu.memory_space<semaphore_mem>>)
      %dma_wait3A = arith.constant 0 : i32
      %dma_wait3A_340 = tpu.memref_slice %arg8[%mul3A_254, %dma_wait3A] : memref<10000x128xf32, #tpu.memory_space<vmem_shared>> -> memref<120x128xf32, #tpu.memory_space<vmem_shared>>
      %dma_wait3A_341 = arith.constant 0 : i32
      %dma_wait3A_342 = tpu.memref_slice %arg5[%mul3A_252, %dma_wait3A_341] : memref<10000x128xf32, #tpu.memory_space<hbm>> -> memref<120x128xf32, #tpu.memory_space<hbm>>
      tpu.wait_dma2 semaphore(%run_scoped3A : memref<!tpu.dma_semaphore, #tpu.memory_space<semaphore_mem>>) src(%dma_wait3A_342 : memref<120x128xf32, #tpu.memory_space<hbm>>) dst(%dma_wait3A_340 : memref<120x128xf32, #tpu.memory_space<vmem_shared>>)
      tpu.yield
    }) : () -> ()
    %eq3A_255 = arith.constant 0 : i32
    %eq3A_256 = arith.cmpi eq, %arg1, %eq3A_255 : i32
    %convert_element_type3A_257 = arith.extui %eq3A_256 : i1 to i32
    %cond3A_258 = arith.constant 0 : i32
    %cond3A_259 = arith.cmpi ne, %convert_element_type3A_257, %cond3A_258 : i32
    scf.if %cond3A_259 {
      "tpu.region"() ({
        %run_scoped3A = tpu.sem_alloc : memref<!tpu.dma_semaphore, #tpu.memory_space<semaphore_mem>>
        %dma_start3A = arith.constant 1920 : i32
        %dma_start3A_337 = arith.constant 0 : i32
        %dma_start3A_338 = tpu.memref_slice %arg8[%dma_start3A, %dma_start3A_337] : memref<10000x128xf32, #tpu.memory_space<vmem_shared>> -> memref<80x128xf32, #tpu.memory_space<vmem_shared>>
        %dma_start3A_339 = arith.constant 1920 : i32
        %dma_start3A_340 = arith.constant 0 : i32
        %dma_start3A_341 = tpu.memref_slice %arg5[%dma_start3A_339, %dma_start3A_340] : memref<10000x128xf32, #tpu.memory_space<hbm>> -> memref<80x128xf32, #tpu.memory_space<hbm>>
        tpu.enqueue_dma source(%dma_start3A_341 : memref<80x128xf32, #tpu.memory_space<hbm>>) target(%dma_start3A_338 : memref<80x128xf32, #tpu.memory_space<vmem_shared>>) target_semaphore(%run_scoped3A : memref<!tpu.dma_semaphore, #tpu.memory_space<semaphore_mem>>)
        %dma_wait3A = arith.constant 1920 : i32
        %dma_wait3A_342 = arith.constant 0 : i32
        %dma_wait3A_343 = tpu.memref_slice %arg8[%dma_wait3A, %dma_wait3A_342] : memref<10000x128xf32, #tpu.memory_space<vmem_shared>> -> memref<80x128xf32, #tpu.memory_space<vmem_shared>>
        %dma_wait3A_344 = arith.constant 1920 : i32
        %dma_wait3A_345 = arith.constant 0 : i32
        %dma_wait3A_346 = tpu.memref_slice %arg5[%dma_wait3A_344, %dma_wait3A_345] : memref<10000x128xf32, #tpu.memory_space<hbm>> -> memref<80x128xf32, #tpu.memory_space<hbm>>
        tpu.wait_dma2 semaphore(%run_scoped3A : memref<!tpu.dma_semaphore, #tpu.memory_space<semaphore_mem>>) src(%dma_wait3A_346 : memref<80x128xf32, #tpu.memory_space<hbm>>) dst(%dma_wait3A_343 : memref<80x128xf32, #tpu.memory_space<vmem_shared>>)
        tpu.yield
      }) : () -> ()
    } else {
    }
    %barrier3A_260 = arith.constant 0 : index
    tpu.barrier barrier_id(%barrier3A_260)
    %lt3A_261 = arith.constant 2 : i32
    %lt3A_262 = arith.cmpi slt, %add3A, %lt3A_261 : i32
    %jit3A_263 = arith.constant 1 : i32
    %jit3A_264 = arith.constant 0 : i32
    %select_n3A_265 = arith.select %lt3A_262, %jit3A_263, %jit3A_264 : i32
    %add3A_266 = arith.constant 39 : i32
    %add3A_267 = arith.addi %add3A_266, %select_n3A_265 : i32
    %while3A_268 = arith.constant 0 : i32
    %while3A_269 = arith.constant 0 : i32
    %while3A_270 = arith.subi %add3A_267, %while3A_269 : i32
    %while3A_271 = arith.addi %while3A_269, %while3A_270 : i32
    %while3A_272 = arith.constant 1 : i32
    %while3A_273 = arith.divsi %while3A_270, %while3A_272 : i32
    %while3A_274 = arith.muli %while3A_273, %while3A_272 : i32
    %while3A_275 = arith.addi %while3A_269, %while3A_274 : i32
    %while3A_276 = arith.constant 1 : i32
    scf.for %while3A_337 = %while3A_269 to %while3A_275 step %while3A_276  : i32 {
      %mul3A_338 = arith.constant 32 : i32
      %mul3A_339 = arith.muli %while3A_337, %mul3A_338 : i32
      %add3A_340 = arith.addi %mul3A_339, %add3A : i32
      %mul3A_341 = arith.constant 128 : i32
      %mul3A_342 = arith.muli %add3A_340, %mul3A_341 : i32
      %add3A_343 = arith.constant 800000 : i32
      %add3A_344 = arith.addi %add3A_343, %mul3A_342 : i32
      "tpu.region"() ({
        %run_scoped3A = tpu.sem_alloc : memref<!tpu.dma_semaphore, #tpu.memory_space<semaphore_mem>>
        %dma_start3A = tpu.memref_slice %arg4[%add3A_344] : memref<1280000xi32, #tpu.memory_space<hbm>> -> memref<128xi32, #tpu.memory_space<hbm>>
        %dma_start3A_345 = tpu.memref_slice %arg4[%add3A_344] : memref<1280000xi32, #tpu.memory_space<hbm>> -> memref<128xi32, #tpu.memory_space<hbm>>
        tpu.enqueue_dma source(%dma_start3A_345 : memref<128xi32, #tpu.memory_space<hbm>>) target(%arg10 : memref<128xi32, #tpu.memory_space<vmem>>) target_semaphore(%run_scoped3A : memref<!tpu.dma_semaphore, #tpu.memory_space<semaphore_mem>>)
        %dma_wait3A = tpu.memref_slice %arg4[%add3A_344] : memref<1280000xi32, #tpu.memory_space<hbm>> -> memref<128xi32, #tpu.memory_space<hbm>>
        %dma_wait3A_346 = tpu.memref_slice %arg4[%add3A_344] : memref<1280000xi32, #tpu.memory_space<hbm>> -> memref<128xi32, #tpu.memory_space<hbm>>
        tpu.wait_dma2 semaphore(%run_scoped3A : memref<!tpu.dma_semaphore, #tpu.memory_space<semaphore_mem>>) src(%dma_wait3A_346 : memref<128xi32, #tpu.memory_space<hbm>>) dst(%arg10 : memref<128xi32, #tpu.memory_space<vmem>>)
        tpu.yield
      }) : () -> ()
      "tpu.region"() ({
        %run_scoped3A = tpu.sem_alloc : memref<!tpu.dma_semaphore, #tpu.memory_space<semaphore_mem>>
        %dma_start3A = arith.constant 0 : i32
        %dma_start3A_345 = arith.constant 0 : i32
        %dma_start3A_346 = tpu.memref_slice %arg8[%dma_start3A, %dma_start3A_345] : memref<10000x128xf32, #tpu.memory_space<vmem_shared>> -> memref<10000x128xf32, #tpu.memory_space<vmem_shared>>
        tpu.enqueue_indirect_dma source(%arg12 : memref<128x128xf32, #tpu.memory_space<vmem>>) target(%dma_start3A_346 : memref<10000x128xf32, #tpu.memory_space<vmem_shared>>) offsets(%arg10 : memref<128xi32, #tpu.memory_space<vmem>>) semaphore(%run_scoped3A : memref<!tpu.dma_semaphore, #tpu.memory_space<semaphore_mem>>) {add = true}
        %dma_wait3A = arith.constant 0 : i32
        %dma_wait3A_347 = arith.constant 0 : i32
        %dma_wait3A_348 = tpu.memref_slice %arg8[%dma_wait3A, %dma_wait3A_347] : memref<10000x128xf32, #tpu.memory_space<vmem_shared>> -> memref<10000x128xf32, #tpu.memory_space<vmem_shared>>
        tpu.wait_indirect_dma semaphore(%run_scoped3A : memref<!tpu.dma_semaphore, #tpu.memory_space<semaphore_mem>>) src(%arg12 : memref<128x128xf32, #tpu.memory_space<vmem>>) dst(%dma_wait3A_348 : memref<10000x128xf32, #tpu.memory_space<vmem_shared>>)
        tpu.yield
      }) : () -> ()
    }
    %while3A_277 = arith.constant 1 : i32
    scf.for %while3A_337 = %while3A_275 to %while3A_271 step %while3A_277  : i32 {
      %mul3A_338 = arith.constant 32 : i32
      %mul3A_339 = arith.muli %while3A_337, %mul3A_338 : i32
      %add3A_340 = arith.addi %mul3A_339, %add3A : i32
      %mul3A_341 = arith.constant 128 : i32
      %mul3A_342 = arith.muli %add3A_340, %mul3A_341 : i32
      %add3A_343 = arith.constant 800000 : i32
      %add3A_344 = arith.addi %add3A_343, %mul3A_342 : i32
      "tpu.region"() ({
        %run_scoped3A = tpu.sem_alloc : memref<!tpu.dma_semaphore, #tpu.memory_space<semaphore_mem>>
        %dma_start3A = tpu.memref_slice %arg4[%add3A_344] : memref<1280000xi32, #tpu.memory_space<hbm>> -> memref<128xi32, #tpu.memory_space<hbm>>
        %dma_start3A_345 = tpu.memref_slice %arg4[%add3A_344] : memref<1280000xi32, #tpu.memory_space<hbm>> -> memref<128xi32, #tpu.memory_space<hbm>>
        tpu.enqueue_dma source(%dma_start3A_345 : memref<128xi32, #tpu.memory_space<hbm>>) target(%arg10 : memref<128xi32, #tpu.memory_space<vmem>>) target_semaphore(%run_scoped3A : memref<!tpu.dma_semaphore, #tpu.memory_space<semaphore_mem>>)
        %dma_wait3A = tpu.memref_slice %arg4[%add3A_344] : memref<1280000xi32, #tpu.memory_space<hbm>> -> memref<128xi32, #tpu.memory_space<hbm>>
        %dma_wait3A_346 = tpu.memref_slice %arg4[%add3A_344] : memref<1280000xi32, #tpu.memory_space<hbm>> -> memref<128xi32, #tpu.memory_space<hbm>>
        tpu.wait_dma2 semaphore(%run_scoped3A : memref<!tpu.dma_semaphore, #tpu.memory_space<semaphore_mem>>) src(%dma_wait3A_346 : memref<128xi32, #tpu.memory_space<hbm>>) dst(%arg10 : memref<128xi32, #tpu.memory_space<vmem>>)
        tpu.yield
      }) : () -> ()
      "tpu.region"() ({
        %run_scoped3A = tpu.sem_alloc : memref<!tpu.dma_semaphore, #tpu.memory_space<semaphore_mem>>
        %dma_start3A = arith.constant 0 : i32
        %dma_start3A_345 = arith.constant 0 : i32
        %dma_start3A_346 = tpu.memref_slice %arg8[%dma_start3A, %dma_start3A_345] : memref<10000x128xf32, #tpu.memory_space<vmem_shared>> -> memref<10000x128xf32, #tpu.memory_space<vmem_shared>>
        tpu.enqueue_indirect_dma source(%arg12 : memref<128x128xf32, #tpu.memory_space<vmem>>) target(%dma_start3A_346 : memref<10000x128xf32, #tpu.memory_space<vmem_shared>>) offsets(%arg10 : memref<128xi32, #tpu.memory_space<vmem>>) semaphore(%run_scoped3A : memref<!tpu.dma_semaphore, #tpu.memory_space<semaphore_mem>>) {add = true}
        %dma_wait3A = arith.constant 0 : i32
        %dma_wait3A_347 = arith.constant 0 : i32
        %dma_wait3A_348 = tpu.memref_slice %arg8[%dma_wait3A, %dma_wait3A_347] : memref<10000x128xf32, #tpu.memory_space<vmem_shared>> -> memref<10000x128xf32, #tpu.memory_space<vmem_shared>>
        tpu.wait_indirect_dma semaphore(%run_scoped3A : memref<!tpu.dma_semaphore, #tpu.memory_space<semaphore_mem>>) src(%arg12 : memref<128x128xf32, #tpu.memory_space<vmem>>) dst(%dma_wait3A_348 : memref<10000x128xf32, #tpu.memory_space<vmem_shared>>)
        tpu.yield
      }) : () -> ()
    }
    %barrier3A_278 = arith.constant 0 : index
    tpu.barrier barrier_id(%barrier3A_278)
    %mul3A_279 = arith.constant 48000 : i32
    %mul3A_280 = arith.muli %arg0, %mul3A_279 : i32
    %add3A_281 = arith.constant 44000 : i32
    %add3A_282 = arith.addi %mul3A_280, %add3A_281 : i32
    %mul3A_283 = arith.constant 120 : i32
    %mul3A_284 = arith.muli %arg1, %mul3A_283 : i32
    %mul3A_285 = arith.constant 120 : i32
    %mul3A_286 = arith.muli %arg1, %mul3A_285 : i32
    %add3A_287 = arith.addi %add3A_282, %mul3A_286 : i32
    "tpu.region"() ({
      %run_scoped3A = tpu.sem_alloc : memref<!tpu.dma_semaphore, #tpu.memory_space<semaphore_mem>>
      %dma_start3A = arith.constant 0 : i32
      %dma_start3A_337 = tpu.memref_slice %arg7[%add3A_287, %dma_start3A] : memref<96000x128xf32, #tpu.memory_space<hbm>> -> memref<120x128xf32, #tpu.memory_space<hbm>>
      %dma_start3A_338 = arith.constant 0 : i32
      %dma_start3A_339 = tpu.memref_slice %arg8[%mul3A_284, %dma_start3A_338] : memref<10000x128xf32, #tpu.memory_space<vmem_shared>> -> memref<120x128xf32, #tpu.memory_space<vmem_shared>>
      tpu.enqueue_dma source(%dma_start3A_339 : memref<120x128xf32, #tpu.memory_space<vmem_shared>>) target(%dma_start3A_337 : memref<120x128xf32, #tpu.memory_space<hbm>>) target_semaphore(%run_scoped3A : memref<!tpu.dma_semaphore, #tpu.memory_space<semaphore_mem>>)
      %dma_wait3A = arith.constant 0 : i32
      %dma_wait3A_340 = tpu.memref_slice %arg7[%add3A_287, %dma_wait3A] : memref<96000x128xf32, #tpu.memory_space<hbm>> -> memref<120x128xf32, #tpu.memory_space<hbm>>
      %dma_wait3A_341 = arith.constant 0 : i32
      %dma_wait3A_342 = tpu.memref_slice %arg8[%mul3A_284, %dma_wait3A_341] : memref<10000x128xf32, #tpu.memory_space<vmem_shared>> -> memref<120x128xf32, #tpu.memory_space<vmem_shared>>
      tpu.wait_dma2 semaphore(%run_scoped3A : memref<!tpu.dma_semaphore, #tpu.memory_space<semaphore_mem>>) src(%dma_wait3A_342 : memref<120x128xf32, #tpu.memory_space<vmem_shared>>) dst(%dma_wait3A_340 : memref<120x128xf32, #tpu.memory_space<hbm>>)
      tpu.yield
    }) : () -> ()
    %eq3A_288 = arith.constant 0 : i32
    %eq3A_289 = arith.cmpi eq, %arg1, %eq3A_288 : i32
    %convert_element_type3A_290 = arith.extui %eq3A_289 : i1 to i32
    %cond3A_291 = arith.constant 0 : i32
    %cond3A_292 = arith.cmpi ne, %convert_element_type3A_290, %cond3A_291 : i32
    scf.if %cond3A_292 {
      %add3A_337 = arith.constant 1920 : i32
      %add3A_338 = arith.addi %add3A_282, %add3A_337 : i32
      "tpu.region"() ({
        %run_scoped3A = tpu.sem_alloc : memref<!tpu.dma_semaphore, #tpu.memory_space<semaphore_mem>>
        %dma_start3A = arith.constant 0 : i32
        %dma_start3A_339 = tpu.memref_slice %arg7[%add3A_338, %dma_start3A] : memref<96000x128xf32, #tpu.memory_space<hbm>> -> memref<80x128xf32, #tpu.memory_space<hbm>>
        %dma_start3A_340 = arith.constant 1920 : i32
        %dma_start3A_341 = arith.constant 0 : i32
        %dma_start3A_342 = tpu.memref_slice %arg8[%dma_start3A_340, %dma_start3A_341] : memref<10000x128xf32, #tpu.memory_space<vmem_shared>> -> memref<80x128xf32, #tpu.memory_space<vmem_shared>>
        tpu.enqueue_dma source(%dma_start3A_342 : memref<80x128xf32, #tpu.memory_space<vmem_shared>>) target(%dma_start3A_339 : memref<80x128xf32, #tpu.memory_space<hbm>>) target_semaphore(%run_scoped3A : memref<!tpu.dma_semaphore, #tpu.memory_space<semaphore_mem>>)
        %dma_wait3A = arith.constant 0 : i32
        %dma_wait3A_343 = tpu.memref_slice %arg7[%add3A_338, %dma_wait3A] : memref<96000x128xf32, #tpu.memory_space<hbm>> -> memref<80x128xf32, #tpu.memory_space<hbm>>
        %dma_wait3A_344 = arith.constant 1920 : i32
        %dma_wait3A_345 = arith.constant 0 : i32
        %dma_wait3A_346 = tpu.memref_slice %arg8[%dma_wait3A_344, %dma_wait3A_345] : memref<10000x128xf32, #tpu.memory_space<vmem_shared>> -> memref<80x128xf32, #tpu.memory_space<vmem_shared>>
        tpu.wait_dma2 semaphore(%run_scoped3A : memref<!tpu.dma_semaphore, #tpu.memory_space<semaphore_mem>>) src(%dma_wait3A_346 : memref<80x128xf32, #tpu.memory_space<vmem_shared>>) dst(%dma_wait3A_343 : memref<80x128xf32, #tpu.memory_space<hbm>>)
        tpu.yield
      }) : () -> ()
    } else {
    }
    %barrier3A_293 = arith.constant 0 : index
    tpu.barrier barrier_id(%barrier3A_293)
    %mul3A_294 = arith.constant 120 : i32
    %mul3A_295 = arith.muli %arg1, %mul3A_294 : i32
    %mul3A_296 = arith.constant 120 : i32
    %mul3A_297 = arith.muli %arg1, %mul3A_296 : i32
    "tpu.region"() ({
      %run_scoped3A = tpu.sem_alloc : memref<!tpu.dma_semaphore, #tpu.memory_space<semaphore_mem>>
      %dma_start3A = arith.constant 0 : i32
      %dma_start3A_337 = tpu.memref_slice %arg8[%mul3A_297, %dma_start3A] : memref<10000x128xf32, #tpu.memory_space<vmem_shared>> -> memref<120x128xf32, #tpu.memory_space<vmem_shared>>
      %dma_start3A_338 = arith.constant 0 : i32
      %dma_start3A_339 = tpu.memref_slice %arg5[%mul3A_295, %dma_start3A_338] : memref<10000x128xf32, #tpu.memory_space<hbm>> -> memref<120x128xf32, #tpu.memory_space<hbm>>
      tpu.enqueue_dma source(%dma_start3A_339 : memref<120x128xf32, #tpu.memory_space<hbm>>) target(%dma_start3A_337 : memref<120x128xf32, #tpu.memory_space<vmem_shared>>) target_semaphore(%run_scoped3A : memref<!tpu.dma_semaphore, #tpu.memory_space<semaphore_mem>>)
      %dma_wait3A = arith.constant 0 : i32
      %dma_wait3A_340 = tpu.memref_slice %arg8[%mul3A_297, %dma_wait3A] : memref<10000x128xf32, #tpu.memory_space<vmem_shared>> -> memref<120x128xf32, #tpu.memory_space<vmem_shared>>
      %dma_wait3A_341 = arith.constant 0 : i32
      %dma_wait3A_342 = tpu.memref_slice %arg5[%mul3A_295, %dma_wait3A_341] : memref<10000x128xf32, #tpu.memory_space<hbm>> -> memref<120x128xf32, #tpu.memory_space<hbm>>
      tpu.wait_dma2 semaphore(%run_scoped3A : memref<!tpu.dma_semaphore, #tpu.memory_space<semaphore_mem>>) src(%dma_wait3A_342 : memref<120x128xf32, #tpu.memory_space<hbm>>) dst(%dma_wait3A_340 : memref<120x128xf32, #tpu.memory_space<vmem_shared>>)
      tpu.yield
    }) : () -> ()
    %eq3A_298 = arith.constant 0 : i32
    %eq3A_299 = arith.cmpi eq, %arg1, %eq3A_298 : i32
    %convert_element_type3A_300 = arith.extui %eq3A_299 : i1 to i32
    %cond3A_301 = arith.constant 0 : i32
    %cond3A_302 = arith.cmpi ne, %convert_element_type3A_300, %cond3A_301 : i32
    scf.if %cond3A_302 {
      "tpu.region"() ({
        %run_scoped3A = tpu.sem_alloc : memref<!tpu.dma_semaphore, #tpu.memory_space<semaphore_mem>>
        %dma_start3A = arith.constant 1920 : i32
        %dma_start3A_337 = arith.constant 0 : i32
        %dma_start3A_338 = tpu.memref_slice %arg8[%dma_start3A, %dma_start3A_337] : memref<10000x128xf32, #tpu.memory_space<vmem_shared>> -> memref<80x128xf32, #tpu.memory_space<vmem_shared>>
        %dma_start3A_339 = arith.constant 1920 : i32
        %dma_start3A_340 = arith.constant 0 : i32
        %dma_start3A_341 = tpu.memref_slice %arg5[%dma_start3A_339, %dma_start3A_340] : memref<10000x128xf32, #tpu.memory_space<hbm>> -> memref<80x128xf32, #tpu.memory_space<hbm>>
        tpu.enqueue_dma source(%dma_start3A_341 : memref<80x128xf32, #tpu.memory_space<hbm>>) target(%dma_start3A_338 : memref<80x128xf32, #tpu.memory_space<vmem_shared>>) target_semaphore(%run_scoped3A : memref<!tpu.dma_semaphore, #tpu.memory_space<semaphore_mem>>)
        %dma_wait3A = arith.constant 1920 : i32
        %dma_wait3A_342 = arith.constant 0 : i32
        %dma_wait3A_343 = tpu.memref_slice %arg8[%dma_wait3A, %dma_wait3A_342] : memref<10000x128xf32, #tpu.memory_space<vmem_shared>> -> memref<80x128xf32, #tpu.memory_space<vmem_shared>>
        %dma_wait3A_344 = arith.constant 1920 : i32
        %dma_wait3A_345 = arith.constant 0 : i32
        %dma_wait3A_346 = tpu.memref_slice %arg5[%dma_wait3A_344, %dma_wait3A_345] : memref<10000x128xf32, #tpu.memory_space<hbm>> -> memref<80x128xf32, #tpu.memory_space<hbm>>
        tpu.wait_dma2 semaphore(%run_scoped3A : memref<!tpu.dma_semaphore, #tpu.memory_space<semaphore_mem>>) src(%dma_wait3A_346 : memref<80x128xf32, #tpu.memory_space<hbm>>) dst(%dma_wait3A_343 : memref<80x128xf32, #tpu.memory_space<vmem_shared>>)
        tpu.yield
      }) : () -> ()
    } else {
    }
    %barrier3A_303 = arith.constant 0 : index
    tpu.barrier barrier_id(%barrier3A_303)
    %lt3A_304 = arith.constant 2 : i32
    %lt3A_305 = arith.cmpi slt, %add3A, %lt3A_304 : i32
    %jit3A_306 = arith.constant 1 : i32
    %jit3A_307 = arith.constant 0 : i32
    %select_n3A_308 = arith.select %lt3A_305, %jit3A_306, %jit3A_307 : i32
    %add3A_309 = arith.constant 39 : i32
    %add3A_310 = arith.addi %add3A_309, %select_n3A_308 : i32
    %while3A_311 = arith.constant 0 : i32
    %while3A_312 = arith.constant 0 : i32
    %while3A_313 = arith.subi %add3A_310, %while3A_312 : i32
    %while3A_314 = arith.addi %while3A_312, %while3A_313 : i32
    %while3A_315 = arith.constant 1 : i32
    %while3A_316 = arith.divsi %while3A_313, %while3A_315 : i32
    %while3A_317 = arith.muli %while3A_316, %while3A_315 : i32
    %while3A_318 = arith.addi %while3A_312, %while3A_317 : i32
    %while3A_319 = arith.constant 1 : i32
    scf.for %while3A_337 = %while3A_312 to %while3A_318 step %while3A_319  : i32 {
      %mul3A_338 = arith.constant 32 : i32
      %mul3A_339 = arith.muli %while3A_337, %mul3A_338 : i32
      %add3A_340 = arith.addi %mul3A_339, %add3A : i32
      %mul3A_341 = arith.constant 128 : i32
      %mul3A_342 = arith.muli %add3A_340, %mul3A_341 : i32
      %add3A_343 = arith.constant 1120000 : i32
      %add3A_344 = arith.addi %add3A_343, %mul3A_342 : i32
      "tpu.region"() ({
        %run_scoped3A = tpu.sem_alloc : memref<!tpu.dma_semaphore, #tpu.memory_space<semaphore_mem>>
        %dma_start3A = tpu.memref_slice %arg4[%add3A_344] : memref<1280000xi32, #tpu.memory_space<hbm>> -> memref<128xi32, #tpu.memory_space<hbm>>
        %dma_start3A_345 = tpu.memref_slice %arg4[%add3A_344] : memref<1280000xi32, #tpu.memory_space<hbm>> -> memref<128xi32, #tpu.memory_space<hbm>>
        tpu.enqueue_dma source(%dma_start3A_345 : memref<128xi32, #tpu.memory_space<hbm>>) target(%arg10 : memref<128xi32, #tpu.memory_space<vmem>>) target_semaphore(%run_scoped3A : memref<!tpu.dma_semaphore, #tpu.memory_space<semaphore_mem>>)
        %dma_wait3A = tpu.memref_slice %arg4[%add3A_344] : memref<1280000xi32, #tpu.memory_space<hbm>> -> memref<128xi32, #tpu.memory_space<hbm>>
        %dma_wait3A_346 = tpu.memref_slice %arg4[%add3A_344] : memref<1280000xi32, #tpu.memory_space<hbm>> -> memref<128xi32, #tpu.memory_space<hbm>>
        tpu.wait_dma2 semaphore(%run_scoped3A : memref<!tpu.dma_semaphore, #tpu.memory_space<semaphore_mem>>) src(%dma_wait3A_346 : memref<128xi32, #tpu.memory_space<hbm>>) dst(%arg10 : memref<128xi32, #tpu.memory_space<vmem>>)
        tpu.yield
      }) : () -> ()
      "tpu.region"() ({
        %run_scoped3A = tpu.sem_alloc : memref<!tpu.dma_semaphore, #tpu.memory_space<semaphore_mem>>
        %dma_start3A = arith.constant 0 : i32
        %dma_start3A_345 = arith.constant 0 : i32
        %dma_start3A_346 = tpu.memref_slice %arg8[%dma_start3A, %dma_start3A_345] : memref<10000x128xf32, #tpu.memory_space<vmem_shared>> -> memref<10000x128xf32, #tpu.memory_space<vmem_shared>>
        tpu.enqueue_indirect_dma source(%arg12 : memref<128x128xf32, #tpu.memory_space<vmem>>) target(%dma_start3A_346 : memref<10000x128xf32, #tpu.memory_space<vmem_shared>>) offsets(%arg10 : memref<128xi32, #tpu.memory_space<vmem>>) semaphore(%run_scoped3A : memref<!tpu.dma_semaphore, #tpu.memory_space<semaphore_mem>>) {add = true}
        %dma_wait3A = arith.constant 0 : i32
        %dma_wait3A_347 = arith.constant 0 : i32
        %dma_wait3A_348 = tpu.memref_slice %arg8[%dma_wait3A, %dma_wait3A_347] : memref<10000x128xf32, #tpu.memory_space<vmem_shared>> -> memref<10000x128xf32, #tpu.memory_space<vmem_shared>>
        tpu.wait_indirect_dma semaphore(%run_scoped3A : memref<!tpu.dma_semaphore, #tpu.memory_space<semaphore_mem>>) src(%arg12 : memref<128x128xf32, #tpu.memory_space<vmem>>) dst(%dma_wait3A_348 : memref<10000x128xf32, #tpu.memory_space<vmem_shared>>)
        tpu.yield
      }) : () -> ()
    }
    %while3A_320 = arith.constant 1 : i32
    scf.for %while3A_337 = %while3A_318 to %while3A_314 step %while3A_320  : i32 {
      %mul3A_338 = arith.constant 32 : i32
      %mul3A_339 = arith.muli %while3A_337, %mul3A_338 : i32
      %add3A_340 = arith.addi %mul3A_339, %add3A : i32
      %mul3A_341 = arith.constant 128 : i32
      %mul3A_342 = arith.muli %add3A_340, %mul3A_341 : i32
      %add3A_343 = arith.constant 1120000 : i32
      %add3A_344 = arith.addi %add3A_343, %mul3A_342 : i32
      "tpu.region"() ({
        %run_scoped3A = tpu.sem_alloc : memref<!tpu.dma_semaphore, #tpu.memory_space<semaphore_mem>>
        %dma_start3A = tpu.memref_slice %arg4[%add3A_344] : memref<1280000xi32, #tpu.memory_space<hbm>> -> memref<128xi32, #tpu.memory_space<hbm>>
        %dma_start3A_345 = tpu.memref_slice %arg4[%add3A_344] : memref<1280000xi32, #tpu.memory_space<hbm>> -> memref<128xi32, #tpu.memory_space<hbm>>
        tpu.enqueue_dma source(%dma_start3A_345 : memref<128xi32, #tpu.memory_space<hbm>>) target(%arg10 : memref<128xi32, #tpu.memory_space<vmem>>) target_semaphore(%run_scoped3A : memref<!tpu.dma_semaphore, #tpu.memory_space<semaphore_mem>>)
        %dma_wait3A = tpu.memref_slice %arg4[%add3A_344] : memref<1280000xi32, #tpu.memory_space<hbm>> -> memref<128xi32, #tpu.memory_space<hbm>>
        %dma_wait3A_346 = tpu.memref_slice %arg4[%add3A_344] : memref<1280000xi32, #tpu.memory_space<hbm>> -> memref<128xi32, #tpu.memory_space<hbm>>
        tpu.wait_dma2 semaphore(%run_scoped3A : memref<!tpu.dma_semaphore, #tpu.memory_space<semaphore_mem>>) src(%dma_wait3A_346 : memref<128xi32, #tpu.memory_space<hbm>>) dst(%arg10 : memref<128xi32, #tpu.memory_space<vmem>>)
        tpu.yield
      }) : () -> ()
      "tpu.region"() ({
        %run_scoped3A = tpu.sem_alloc : memref<!tpu.dma_semaphore, #tpu.memory_space<semaphore_mem>>
        %dma_start3A = arith.constant 0 : i32
        %dma_start3A_345 = arith.constant 0 : i32
        %dma_start3A_346 = tpu.memref_slice %arg8[%dma_start3A, %dma_start3A_345] : memref<10000x128xf32, #tpu.memory_space<vmem_shared>> -> memref<10000x128xf32, #tpu.memory_space<vmem_shared>>
        tpu.enqueue_indirect_dma source(%arg12 : memref<128x128xf32, #tpu.memory_space<vmem>>) target(%dma_start3A_346 : memref<10000x128xf32, #tpu.memory_space<vmem_shared>>) offsets(%arg10 : memref<128xi32, #tpu.memory_space<vmem>>) semaphore(%run_scoped3A : memref<!tpu.dma_semaphore, #tpu.memory_space<semaphore_mem>>) {add = true}
        %dma_wait3A = arith.constant 0 : i32
        %dma_wait3A_347 = arith.constant 0 : i32
        %dma_wait3A_348 = tpu.memref_slice %arg8[%dma_wait3A, %dma_wait3A_347] : memref<10000x128xf32, #tpu.memory_space<vmem_shared>> -> memref<10000x128xf32, #tpu.memory_space<vmem_shared>>
        tpu.wait_indirect_dma semaphore(%run_scoped3A : memref<!tpu.dma_semaphore, #tpu.memory_space<semaphore_mem>>) src(%arg12 : memref<128x128xf32, #tpu.memory_space<vmem>>) dst(%dma_wait3A_348 : memref<10000x128xf32, #tpu.memory_space<vmem_shared>>)
        tpu.yield
      }) : () -> ()
    }
    %barrier3A_321 = arith.constant 0 : index
    tpu.barrier barrier_id(%barrier3A_321)
    %mul3A_322 = arith.constant 48000 : i32
    %mul3A_323 = arith.muli %arg0, %mul3A_322 : i32
    %add3A_324 = arith.constant 46000 : i32
    %add3A_325 = arith.addi %mul3A_323, %add3A_324 : i32
    %mul3A_326 = arith.constant 120 : i32
    %mul3A_327 = arith.muli %arg1, %mul3A_326 : i32
    %mul3A_328 = arith.constant 120 : i32
    %mul3A_329 = arith.muli %arg1, %mul3A_328 : i32
    %add3A_330 = arith.addi %add3A_325, %mul3A_329 : i32
    "tpu.region"() ({
      %run_scoped3A = tpu.sem_alloc : memref<!tpu.dma_semaphore, #tpu.memory_space<semaphore_mem>>
      %dma_start3A = arith.constant 0 : i32
      %dma_start3A_337 = tpu.memref_slice %arg7[%add3A_330, %dma_start3A] : memref<96000x128xf32, #tpu.memory_space<hbm>> -> memref<120x128xf32, #tpu.memory_space<hbm>>
      %dma_start3A_338 = arith.constant 0 : i32
      %dma_start3A_339 = tpu.memref_slice %arg8[%mul3A_327, %dma_start3A_338] : memref<10000x128xf32, #tpu.memory_space<vmem_shared>> -> memref<120x128xf32, #tpu.memory_space<vmem_shared>>
      tpu.enqueue_dma source(%dma_start3A_339 : memref<120x128xf32, #tpu.memory_space<vmem_shared>>) target(%dma_start3A_337 : memref<120x128xf32, #tpu.memory_space<hbm>>) target_semaphore(%run_scoped3A : memref<!tpu.dma_semaphore, #tpu.memory_space<semaphore_mem>>)
      %dma_wait3A = arith.constant 0 : i32
      %dma_wait3A_340 = tpu.memref_slice %arg7[%add3A_330, %dma_wait3A] : memref<96000x128xf32, #tpu.memory_space<hbm>> -> memref<120x128xf32, #tpu.memory_space<hbm>>
      %dma_wait3A_341 = arith.constant 0 : i32
      %dma_wait3A_342 = tpu.memref_slice %arg8[%mul3A_327, %dma_wait3A_341] : memref<10000x128xf32, #tpu.memory_space<vmem_shared>> -> memref<120x128xf32, #tpu.memory_space<vmem_shared>>
      tpu.wait_dma2 semaphore(%run_scoped3A : memref<!tpu.dma_semaphore, #tpu.memory_space<semaphore_mem>>) src(%dma_wait3A_342 : memref<120x128xf32, #tpu.memory_space<vmem_shared>>) dst(%dma_wait3A_340 : memref<120x128xf32, #tpu.memory_space<hbm>>)
      tpu.yield
    }) : () -> ()
    %eq3A_331 = arith.constant 0 : i32
    %eq3A_332 = arith.cmpi eq, %arg1, %eq3A_331 : i32
    %convert_element_type3A_333 = arith.extui %eq3A_332 : i1 to i32
    %cond3A_334 = arith.constant 0 : i32
    %cond3A_335 = arith.cmpi ne, %convert_element_type3A_333, %cond3A_334 : i32
    scf.if %cond3A_335 {
      %add3A_337 = arith.constant 1920 : i32
      %add3A_338 = arith.addi %add3A_325, %add3A_337 : i32
      "tpu.region"() ({
        %run_scoped3A = tpu.sem_alloc : memref<!tpu.dma_semaphore, #tpu.memory_space<semaphore_mem>>
        %dma_start3A = arith.constant 0 : i32
        %dma_start3A_339 = tpu.memref_slice %arg7[%add3A_338, %dma_start3A] : memref<96000x128xf32, #tpu.memory_space<hbm>> -> memref<80x128xf32, #tpu.memory_space<hbm>>
        %dma_start3A_340 = arith.constant 1920 : i32
        %dma_start3A_341 = arith.constant 0 : i32
        %dma_start3A_342 = tpu.memref_slice %arg8[%dma_start3A_340, %dma_start3A_341] : memref<10000x128xf32, #tpu.memory_space<vmem_shared>> -> memref<80x128xf32, #tpu.memory_space<vmem_shared>>
        tpu.enqueue_dma source(%dma_start3A_342 : memref<80x128xf32, #tpu.memory_space<vmem_shared>>) target(%dma_start3A_339 : memref<80x128xf32, #tpu.memory_space<hbm>>) target_semaphore(%run_scoped3A : memref<!tpu.dma_semaphore, #tpu.memory_space<semaphore_mem>>)
        %dma_wait3A = arith.constant 0 : i32
        %dma_wait3A_343 = tpu.memref_slice %arg7[%add3A_338, %dma_wait3A] : memref<96000x128xf32, #tpu.memory_space<hbm>> -> memref<80x128xf32, #tpu.memory_space<hbm>>
        %dma_wait3A_344 = arith.constant 1920 : i32
        %dma_wait3A_345 = arith.constant 0 : i32
        %dma_wait3A_346 = tpu.memref_slice %arg8[%dma_wait3A_344, %dma_wait3A_345] : memref<10000x128xf32, #tpu.memory_space<vmem_shared>> -> memref<80x128xf32, #tpu.memory_space<vmem_shared>>
        tpu.wait_dma2 semaphore(%run_scoped3A : memref<!tpu.dma_semaphore, #tpu.memory_space<semaphore_mem>>) src(%dma_wait3A_346 : memref<80x128xf32, #tpu.memory_space<vmem_shared>>) dst(%dma_wait3A_343 : memref<80x128xf32, #tpu.memory_space<hbm>>)
        tpu.yield
      }) : () -> ()
    } else {
    }
    %barrier3A_336 = arith.constant 0 : index
    tpu.barrier barrier_id(%barrier3A_336)
    return
  }
}

#map = affine_map<(d0, d1) -> (0, 0)>
#map1 = affine_map<(d0, d1) -> (0)>
module attributes {stable_mosaic.version = 14 : i64} {
  func.func @sc2(%arg0: i32, %arg1: i32, %arg2: memref<12000x128xf32, #tpu.memory_space<hbm>>, %arg3: memref<1280000xi32, #tpu.memory_space<hbm>>, %arg4: memref<10000x128xf32, #tpu.memory_space<hbm>>, %arg5: memref<24000x128xf32, #tpu.memory_space<hbm>>, %arg6: memref<10000x128xf32, #tpu.memory_space<vmem_shared>>, %arg7: memref<128xi32, #tpu.memory_space<vmem>>, %arg8: memref<128xi32, #tpu.memory_space<vmem>>, %arg9: memref<128x128xf32, #tpu.memory_space<vmem>>, %arg10: memref<!tpu.dma_semaphore, #tpu.memory_space<semaphore_mem>>) attributes {dimension_semantics = [#tpu.dimension_semantics<core_parallel>, #tpu.dimension_semantics<subcore_parallel>], iteration_bounds = array<i64: 2, 16>, scalar_prefetch = 0 : i64, scratch_operands = 5 : i64, tpu.core_type = #tpu.core_type<sc_vector_subcore>, window_params = [{transform_indices = #map}, {transform_indices = #map1}, {transform_indices = #map}, {transform_indices = #map}]} {
    %mul3A = arith.constant 2 : i32
    %mul3A_0 = arith.muli %arg1, %mul3A : i32
    %add3A = arith.addi %mul3A_0, %arg0 : i32
    %mul3A_1 = arith.constant 624 : i32
    %mul3A_2 = arith.muli %arg1, %mul3A_1 : i32
    %mul3A_3 = arith.constant 624 : i32
    %mul3A_4 = arith.muli %arg1, %mul3A_3 : i32
    "tpu.region"() ({
      %run_scoped3A = tpu.sem_alloc : memref<!tpu.dma_semaphore, #tpu.memory_space<semaphore_mem>>
      %dma_start3A = arith.constant 0 : i32
      %dma_start3A_79 = tpu.memref_slice %arg6[%mul3A_4, %dma_start3A] : memref<10000x128xf32, #tpu.memory_space<vmem_shared>> -> memref<624x128xf32, #tpu.memory_space<vmem_shared>>
      %dma_start3A_80 = arith.constant 0 : i32
      %dma_start3A_81 = tpu.memref_slice %arg4[%mul3A_2, %dma_start3A_80] : memref<10000x128xf32, #tpu.memory_space<hbm>> -> memref<624x128xf32, #tpu.memory_space<hbm>>
      tpu.enqueue_dma source(%dma_start3A_81 : memref<624x128xf32, #tpu.memory_space<hbm>>) target(%dma_start3A_79 : memref<624x128xf32, #tpu.memory_space<vmem_shared>>) target_semaphore(%run_scoped3A : memref<!tpu.dma_semaphore, #tpu.memory_space<semaphore_mem>>)
      %dma_wait3A = arith.constant 0 : i32
      %dma_wait3A_82 = tpu.memref_slice %arg6[%mul3A_4, %dma_wait3A] : memref<10000x128xf32, #tpu.memory_space<vmem_shared>> -> memref<624x128xf32, #tpu.memory_space<vmem_shared>>
      %dma_wait3A_83 = arith.constant 0 : i32
      %dma_wait3A_84 = tpu.memref_slice %arg4[%mul3A_2, %dma_wait3A_83] : memref<10000x128xf32, #tpu.memory_space<hbm>> -> memref<624x128xf32, #tpu.memory_space<hbm>>
      tpu.wait_dma2 semaphore(%run_scoped3A : memref<!tpu.dma_semaphore, #tpu.memory_space<semaphore_mem>>) src(%dma_wait3A_84 : memref<624x128xf32, #tpu.memory_space<hbm>>) dst(%dma_wait3A_82 : memref<624x128xf32, #tpu.memory_space<vmem_shared>>)
      tpu.yield
    }) : () -> ()
    %eq3A = arith.constant 0 : i32
    %eq3A_5 = arith.cmpi eq, %arg1, %eq3A : i32
    %convert_element_type3A = arith.extui %eq3A_5 : i1 to i32
    %cond3A = arith.constant 0 : i32
    %cond3A_6 = arith.cmpi ne, %convert_element_type3A, %cond3A : i32
    scf.if %cond3A_6 {
      "tpu.region"() ({
        %run_scoped3A = tpu.sem_alloc : memref<!tpu.dma_semaphore, #tpu.memory_space<semaphore_mem>>
        %dma_start3A = arith.constant 9984 : i32
        %dma_start3A_79 = arith.constant 0 : i32
        %dma_start3A_80 = tpu.memref_slice %arg6[%dma_start3A, %dma_start3A_79] : memref<10000x128xf32, #tpu.memory_space<vmem_shared>> -> memref<16x128xf32, #tpu.memory_space<vmem_shared>>
        %dma_start3A_81 = arith.constant 9984 : i32
        %dma_start3A_82 = arith.constant 0 : i32
        %dma_start3A_83 = tpu.memref_slice %arg4[%dma_start3A_81, %dma_start3A_82] : memref<10000x128xf32, #tpu.memory_space<hbm>> -> memref<16x128xf32, #tpu.memory_space<hbm>>
        tpu.enqueue_dma source(%dma_start3A_83 : memref<16x128xf32, #tpu.memory_space<hbm>>) target(%dma_start3A_80 : memref<16x128xf32, #tpu.memory_space<vmem_shared>>) target_semaphore(%run_scoped3A : memref<!tpu.dma_semaphore, #tpu.memory_space<semaphore_mem>>)
        %dma_wait3A = arith.constant 9984 : i32
        %dma_wait3A_84 = arith.constant 0 : i32
        %dma_wait3A_85 = tpu.memref_slice %arg6[%dma_wait3A, %dma_wait3A_84] : memref<10000x128xf32, #tpu.memory_space<vmem_shared>> -> memref<16x128xf32, #tpu.memory_space<vmem_shared>>
        %dma_wait3A_86 = arith.constant 9984 : i32
        %dma_wait3A_87 = arith.constant 0 : i32
        %dma_wait3A_88 = tpu.memref_slice %arg4[%dma_wait3A_86, %dma_wait3A_87] : memref<10000x128xf32, #tpu.memory_space<hbm>> -> memref<16x128xf32, #tpu.memory_space<hbm>>
        tpu.wait_dma2 semaphore(%run_scoped3A : memref<!tpu.dma_semaphore, #tpu.memory_space<semaphore_mem>>) src(%dma_wait3A_88 : memref<16x128xf32, #tpu.memory_space<hbm>>) dst(%dma_wait3A_85 : memref<16x128xf32, #tpu.memory_space<vmem_shared>>)
        tpu.yield
      }) : () -> ()
    } else {
    }
    %barrier3A = arith.constant 0 : index
    tpu.barrier barrier_id(%barrier3A)
    %lt3A = arith.constant 2 : i32
    %lt3A_7 = arith.cmpi slt, %add3A, %lt3A : i32
    %jit3A = arith.constant 1 : i32
    %jit3A_8 = arith.constant 0 : i32
    %select_n3A = arith.select %lt3A_7, %jit3A, %jit3A_8 : i32
    %add3A_9 = arith.constant 39 : i32
    %add3A_10 = arith.addi %add3A_9, %select_n3A : i32
    %while3A = arith.constant 0 : i32
    %while3A_11 = arith.constant 0 : i32
    %while3A_12 = arith.subi %add3A_10, %while3A_11 : i32
    %while3A_13 = arith.addi %while3A_11, %while3A_12 : i32
    %while3A_14 = arith.constant 1 : i32
    %while3A_15 = arith.divsi %while3A_12, %while3A_14 : i32
    %while3A_16 = arith.muli %while3A_15, %while3A_14 : i32
    %while3A_17 = arith.addi %while3A_11, %while3A_16 : i32
    %while3A_18 = arith.constant 1 : i32
    scf.for %while3A_79 = %while3A_11 to %while3A_17 step %while3A_18  : i32 {
      %mul3A_80 = arith.constant 32 : i32
      %mul3A_81 = arith.muli %while3A_79, %mul3A_80 : i32
      %add3A_82 = arith.addi %mul3A_81, %add3A : i32
      %mul3A_83 = arith.constant 128 : i32
      %mul3A_84 = arith.muli %add3A_82, %mul3A_83 : i32
      %add3A_85 = arith.constant 160000 : i32
      %add3A_86 = arith.addi %add3A_85, %mul3A_84 : i32
      "tpu.region"() ({
        %run_scoped3A = tpu.sem_alloc : memref<!tpu.dma_semaphore, #tpu.memory_space<semaphore_mem>>
        %dma_start3A_93 = tpu.memref_slice %arg3[%add3A_86] : memref<1280000xi32, #tpu.memory_space<hbm>> -> memref<128xi32, #tpu.memory_space<hbm>>
        %dma_start3A_94 = tpu.memref_slice %arg3[%add3A_86] : memref<1280000xi32, #tpu.memory_space<hbm>> -> memref<128xi32, #tpu.memory_space<hbm>>
        tpu.enqueue_dma source(%dma_start3A_94 : memref<128xi32, #tpu.memory_space<hbm>>) target(%arg8 : memref<128xi32, #tpu.memory_space<vmem>>) target_semaphore(%run_scoped3A : memref<!tpu.dma_semaphore, #tpu.memory_space<semaphore_mem>>)
        %dma_wait3A_95 = tpu.memref_slice %arg3[%add3A_86] : memref<1280000xi32, #tpu.memory_space<hbm>> -> memref<128xi32, #tpu.memory_space<hbm>>
        %dma_wait3A_96 = tpu.memref_slice %arg3[%add3A_86] : memref<1280000xi32, #tpu.memory_space<hbm>> -> memref<128xi32, #tpu.memory_space<hbm>>
        tpu.wait_dma2 semaphore(%run_scoped3A : memref<!tpu.dma_semaphore, #tpu.memory_space<semaphore_mem>>) src(%dma_wait3A_96 : memref<128xi32, #tpu.memory_space<hbm>>) dst(%arg8 : memref<128xi32, #tpu.memory_space<vmem>>)
        tpu.yield
      }) : () -> ()
      %add3A_87 = arith.constant 0 : i32
      %add3A_88 = arith.addi %add3A_87, %mul3A_84 : i32
      "tpu.region"() ({
        %run_scoped3A = tpu.sem_alloc : memref<!tpu.dma_semaphore, #tpu.memory_space<semaphore_mem>>
        %dma_start3A_93 = tpu.memref_slice %arg3[%add3A_88] : memref<1280000xi32, #tpu.memory_space<hbm>> -> memref<128xi32, #tpu.memory_space<hbm>>
        %dma_start3A_94 = tpu.memref_slice %arg3[%add3A_88] : memref<1280000xi32, #tpu.memory_space<hbm>> -> memref<128xi32, #tpu.memory_space<hbm>>
        tpu.enqueue_dma source(%dma_start3A_94 : memref<128xi32, #tpu.memory_space<hbm>>) target(%arg7 : memref<128xi32, #tpu.memory_space<vmem>>) target_semaphore(%run_scoped3A : memref<!tpu.dma_semaphore, #tpu.memory_space<semaphore_mem>>)
        %dma_wait3A_95 = tpu.memref_slice %arg3[%add3A_88] : memref<1280000xi32, #tpu.memory_space<hbm>> -> memref<128xi32, #tpu.memory_space<hbm>>
        %dma_wait3A_96 = tpu.memref_slice %arg3[%add3A_88] : memref<1280000xi32, #tpu.memory_space<hbm>> -> memref<128xi32, #tpu.memory_space<hbm>>
        tpu.wait_dma2 semaphore(%run_scoped3A : memref<!tpu.dma_semaphore, #tpu.memory_space<semaphore_mem>>) src(%dma_wait3A_96 : memref<128xi32, #tpu.memory_space<hbm>>) dst(%arg7 : memref<128xi32, #tpu.memory_space<vmem>>)
        tpu.yield
      }) : () -> ()
      %dma_start3A = arith.constant 0 : i32
      %dma_start3A_89 = arith.constant 0 : i32
      %dma_start3A_90 = tpu.memref_slice %arg2[%dma_start3A, %dma_start3A_89] : memref<12000x128xf32, #tpu.memory_space<hbm>> -> memref<12000x128xf32, #tpu.memory_space<hbm>>
      tpu.enqueue_indirect_dma source(%dma_start3A_90 : memref<12000x128xf32, #tpu.memory_space<hbm>>) target(%arg9 : memref<128x128xf32, #tpu.memory_space<vmem>>) offsets(%arg7 : memref<128xi32, #tpu.memory_space<vmem>>) semaphore(%arg10 : memref<!tpu.dma_semaphore, #tpu.memory_space<semaphore_mem>>)
      %dma_wait3A = arith.constant 0 : i32
      %dma_wait3A_91 = arith.constant 0 : i32
      %dma_wait3A_92 = tpu.memref_slice %arg2[%dma_wait3A, %dma_wait3A_91] : memref<12000x128xf32, #tpu.memory_space<hbm>> -> memref<12000x128xf32, #tpu.memory_space<hbm>>
      tpu.wait_indirect_dma semaphore(%arg10 : memref<!tpu.dma_semaphore, #tpu.memory_space<semaphore_mem>>) src(%dma_wait3A_92 : memref<12000x128xf32, #tpu.memory_space<hbm>>) dst(%arg9 : memref<128x128xf32, #tpu.memory_space<vmem>>)
      "tpu.region"() ({
        %run_scoped3A = tpu.sem_alloc : memref<!tpu.dma_semaphore, #tpu.memory_space<semaphore_mem>>
        %dma_start3A_93 = arith.constant 0 : i32
        %dma_start3A_94 = arith.constant 0 : i32
        %dma_start3A_95 = tpu.memref_slice %arg6[%dma_start3A_93, %dma_start3A_94] : memref<10000x128xf32, #tpu.memory_space<vmem_shared>> -> memref<10000x128xf32, #tpu.memory_space<vmem_shared>>
        tpu.enqueue_indirect_dma source(%arg9 : memref<128x128xf32, #tpu.memory_space<vmem>>) target(%dma_start3A_95 : memref<10000x128xf32, #tpu.memory_space<vmem_shared>>) offsets(%arg8 : memref<128xi32, #tpu.memory_space<vmem>>) semaphore(%run_scoped3A : memref<!tpu.dma_semaphore, #tpu.memory_space<semaphore_mem>>) {add = true}
        %dma_wait3A_96 = arith.constant 0 : i32
        %dma_wait3A_97 = arith.constant 0 : i32
        %dma_wait3A_98 = tpu.memref_slice %arg6[%dma_wait3A_96, %dma_wait3A_97] : memref<10000x128xf32, #tpu.memory_space<vmem_shared>> -> memref<10000x128xf32, #tpu.memory_space<vmem_shared>>
        tpu.wait_indirect_dma semaphore(%run_scoped3A : memref<!tpu.dma_semaphore, #tpu.memory_space<semaphore_mem>>) src(%arg9 : memref<128x128xf32, #tpu.memory_space<vmem>>) dst(%dma_wait3A_98 : memref<10000x128xf32, #tpu.memory_space<vmem_shared>>)
        tpu.yield
      }) : () -> ()
    }
    %while3A_19 = arith.constant 1 : i32
    scf.for %while3A_79 = %while3A_17 to %while3A_13 step %while3A_19  : i32 {
      %mul3A_80 = arith.constant 32 : i32
      %mul3A_81 = arith.muli %while3A_79, %mul3A_80 : i32
      %add3A_82 = arith.addi %mul3A_81, %add3A : i32
      %mul3A_83 = arith.constant 128 : i32
      %mul3A_84 = arith.muli %add3A_82, %mul3A_83 : i32
      %add3A_85 = arith.constant 160000 : i32
      %add3A_86 = arith.addi %add3A_85, %mul3A_84 : i32
      "tpu.region"() ({
        %run_scoped3A = tpu.sem_alloc : memref<!tpu.dma_semaphore, #tpu.memory_space<semaphore_mem>>
        %dma_start3A_93 = tpu.memref_slice %arg3[%add3A_86] : memref<1280000xi32, #tpu.memory_space<hbm>> -> memref<128xi32, #tpu.memory_space<hbm>>
        %dma_start3A_94 = tpu.memref_slice %arg3[%add3A_86] : memref<1280000xi32, #tpu.memory_space<hbm>> -> memref<128xi32, #tpu.memory_space<hbm>>
        tpu.enqueue_dma source(%dma_start3A_94 : memref<128xi32, #tpu.memory_space<hbm>>) target(%arg8 : memref<128xi32, #tpu.memory_space<vmem>>) target_semaphore(%run_scoped3A : memref<!tpu.dma_semaphore, #tpu.memory_space<semaphore_mem>>)
        %dma_wait3A_95 = tpu.memref_slice %arg3[%add3A_86] : memref<1280000xi32, #tpu.memory_space<hbm>> -> memref<128xi32, #tpu.memory_space<hbm>>
        %dma_wait3A_96 = tpu.memref_slice %arg3[%add3A_86] : memref<1280000xi32, #tpu.memory_space<hbm>> -> memref<128xi32, #tpu.memory_space<hbm>>
        tpu.wait_dma2 semaphore(%run_scoped3A : memref<!tpu.dma_semaphore, #tpu.memory_space<semaphore_mem>>) src(%dma_wait3A_96 : memref<128xi32, #tpu.memory_space<hbm>>) dst(%arg8 : memref<128xi32, #tpu.memory_space<vmem>>)
        tpu.yield
      }) : () -> ()
      %add3A_87 = arith.constant 0 : i32
      %add3A_88 = arith.addi %add3A_87, %mul3A_84 : i32
      "tpu.region"() ({
        %run_scoped3A = tpu.sem_alloc : memref<!tpu.dma_semaphore, #tpu.memory_space<semaphore_mem>>
        %dma_start3A_93 = tpu.memref_slice %arg3[%add3A_88] : memref<1280000xi32, #tpu.memory_space<hbm>> -> memref<128xi32, #tpu.memory_space<hbm>>
        %dma_start3A_94 = tpu.memref_slice %arg3[%add3A_88] : memref<1280000xi32, #tpu.memory_space<hbm>> -> memref<128xi32, #tpu.memory_space<hbm>>
        tpu.enqueue_dma source(%dma_start3A_94 : memref<128xi32, #tpu.memory_space<hbm>>) target(%arg7 : memref<128xi32, #tpu.memory_space<vmem>>) target_semaphore(%run_scoped3A : memref<!tpu.dma_semaphore, #tpu.memory_space<semaphore_mem>>)
        %dma_wait3A_95 = tpu.memref_slice %arg3[%add3A_88] : memref<1280000xi32, #tpu.memory_space<hbm>> -> memref<128xi32, #tpu.memory_space<hbm>>
        %dma_wait3A_96 = tpu.memref_slice %arg3[%add3A_88] : memref<1280000xi32, #tpu.memory_space<hbm>> -> memref<128xi32, #tpu.memory_space<hbm>>
        tpu.wait_dma2 semaphore(%run_scoped3A : memref<!tpu.dma_semaphore, #tpu.memory_space<semaphore_mem>>) src(%dma_wait3A_96 : memref<128xi32, #tpu.memory_space<hbm>>) dst(%arg7 : memref<128xi32, #tpu.memory_space<vmem>>)
        tpu.yield
      }) : () -> ()
      %dma_start3A = arith.constant 0 : i32
      %dma_start3A_89 = arith.constant 0 : i32
      %dma_start3A_90 = tpu.memref_slice %arg2[%dma_start3A, %dma_start3A_89] : memref<12000x128xf32, #tpu.memory_space<hbm>> -> memref<12000x128xf32, #tpu.memory_space<hbm>>
      tpu.enqueue_indirect_dma source(%dma_start3A_90 : memref<12000x128xf32, #tpu.memory_space<hbm>>) target(%arg9 : memref<128x128xf32, #tpu.memory_space<vmem>>) offsets(%arg7 : memref<128xi32, #tpu.memory_space<vmem>>) semaphore(%arg10 : memref<!tpu.dma_semaphore, #tpu.memory_space<semaphore_mem>>)
      %dma_wait3A = arith.constant 0 : i32
      %dma_wait3A_91 = arith.constant 0 : i32
      %dma_wait3A_92 = tpu.memref_slice %arg2[%dma_wait3A, %dma_wait3A_91] : memref<12000x128xf32, #tpu.memory_space<hbm>> -> memref<12000x128xf32, #tpu.memory_space<hbm>>
      tpu.wait_indirect_dma semaphore(%arg10 : memref<!tpu.dma_semaphore, #tpu.memory_space<semaphore_mem>>) src(%dma_wait3A_92 : memref<12000x128xf32, #tpu.memory_space<hbm>>) dst(%arg9 : memref<128x128xf32, #tpu.memory_space<vmem>>)
      "tpu.region"() ({
        %run_scoped3A = tpu.sem_alloc : memref<!tpu.dma_semaphore, #tpu.memory_space<semaphore_mem>>
        %dma_start3A_93 = arith.constant 0 : i32
        %dma_start3A_94 = arith.constant 0 : i32
        %dma_start3A_95 = tpu.memref_slice %arg6[%dma_start3A_93, %dma_start3A_94] : memref<10000x128xf32, #tpu.memory_space<vmem_shared>> -> memref<10000x128xf32, #tpu.memory_space<vmem_shared>>
        tpu.enqueue_indirect_dma source(%arg9 : memref<128x128xf32, #tpu.memory_space<vmem>>) target(%dma_start3A_95 : memref<10000x128xf32, #tpu.memory_space<vmem_shared>>) offsets(%arg8 : memref<128xi32, #tpu.memory_space<vmem>>) semaphore(%run_scoped3A : memref<!tpu.dma_semaphore, #tpu.memory_space<semaphore_mem>>) {add = true}
        %dma_wait3A_96 = arith.constant 0 : i32
        %dma_wait3A_97 = arith.constant 0 : i32
        %dma_wait3A_98 = tpu.memref_slice %arg6[%dma_wait3A_96, %dma_wait3A_97] : memref<10000x128xf32, #tpu.memory_space<vmem_shared>> -> memref<10000x128xf32, #tpu.memory_space<vmem_shared>>
        tpu.wait_indirect_dma semaphore(%run_scoped3A : memref<!tpu.dma_semaphore, #tpu.memory_space<semaphore_mem>>) src(%arg9 : memref<128x128xf32, #tpu.memory_space<vmem>>) dst(%dma_wait3A_98 : memref<10000x128xf32, #tpu.memory_space<vmem_shared>>)
        tpu.yield
      }) : () -> ()
    }
    %barrier3A_20 = arith.constant 0 : index
    tpu.barrier barrier_id(%barrier3A_20)
    %mul3A_21 = arith.constant 12000 : i32
    %mul3A_22 = arith.muli %arg0, %mul3A_21 : i32
    %add3A_23 = arith.constant 0 : i32
    %add3A_24 = arith.addi %mul3A_22, %add3A_23 : i32
    %mul3A_25 = arith.constant 624 : i32
    %mul3A_26 = arith.muli %arg1, %mul3A_25 : i32
    %mul3A_27 = arith.constant 624 : i32
    %mul3A_28 = arith.muli %arg1, %mul3A_27 : i32
    %add3A_29 = arith.addi %add3A_24, %mul3A_28 : i32
    "tpu.region"() ({
      %run_scoped3A = tpu.sem_alloc : memref<!tpu.dma_semaphore, #tpu.memory_space<semaphore_mem>>
      %dma_start3A = arith.constant 0 : i32
      %dma_start3A_79 = tpu.memref_slice %arg5[%add3A_29, %dma_start3A] : memref<24000x128xf32, #tpu.memory_space<hbm>> -> memref<624x128xf32, #tpu.memory_space<hbm>>
      %dma_start3A_80 = arith.constant 0 : i32
      %dma_start3A_81 = tpu.memref_slice %arg6[%mul3A_26, %dma_start3A_80] : memref<10000x128xf32, #tpu.memory_space<vmem_shared>> -> memref<624x128xf32, #tpu.memory_space<vmem_shared>>
      tpu.enqueue_dma source(%dma_start3A_81 : memref<624x128xf32, #tpu.memory_space<vmem_shared>>) target(%dma_start3A_79 : memref<624x128xf32, #tpu.memory_space<hbm>>) target_semaphore(%run_scoped3A : memref<!tpu.dma_semaphore, #tpu.memory_space<semaphore_mem>>)
      %dma_wait3A = arith.constant 0 : i32
      %dma_wait3A_82 = tpu.memref_slice %arg5[%add3A_29, %dma_wait3A] : memref<24000x128xf32, #tpu.memory_space<hbm>> -> memref<624x128xf32, #tpu.memory_space<hbm>>
      %dma_wait3A_83 = arith.constant 0 : i32
      %dma_wait3A_84 = tpu.memref_slice %arg6[%mul3A_26, %dma_wait3A_83] : memref<10000x128xf32, #tpu.memory_space<vmem_shared>> -> memref<624x128xf32, #tpu.memory_space<vmem_shared>>
      tpu.wait_dma2 semaphore(%run_scoped3A : memref<!tpu.dma_semaphore, #tpu.memory_space<semaphore_mem>>) src(%dma_wait3A_84 : memref<624x128xf32, #tpu.memory_space<vmem_shared>>) dst(%dma_wait3A_82 : memref<624x128xf32, #tpu.memory_space<hbm>>)
      tpu.yield
    }) : () -> ()
    %eq3A_30 = arith.constant 0 : i32
    %eq3A_31 = arith.cmpi eq, %arg1, %eq3A_30 : i32
    %convert_element_type3A_32 = arith.extui %eq3A_31 : i1 to i32
    %cond3A_33 = arith.constant 0 : i32
    %cond3A_34 = arith.cmpi ne, %convert_element_type3A_32, %cond3A_33 : i32
    scf.if %cond3A_34 {
      %add3A_79 = arith.constant 9984 : i32
      %add3A_80 = arith.addi %add3A_24, %add3A_79 : i32
      "tpu.region"() ({
        %run_scoped3A = tpu.sem_alloc : memref<!tpu.dma_semaphore, #tpu.memory_space<semaphore_mem>>
        %dma_start3A = arith.constant 0 : i32
        %dma_start3A_81 = tpu.memref_slice %arg5[%add3A_80, %dma_start3A] : memref<24000x128xf32, #tpu.memory_space<hbm>> -> memref<16x128xf32, #tpu.memory_space<hbm>>
        %dma_start3A_82 = arith.constant 9984 : i32
        %dma_start3A_83 = arith.constant 0 : i32
        %dma_start3A_84 = tpu.memref_slice %arg6[%dma_start3A_82, %dma_start3A_83] : memref<10000x128xf32, #tpu.memory_space<vmem_shared>> -> memref<16x128xf32, #tpu.memory_space<vmem_shared>>
        tpu.enqueue_dma source(%dma_start3A_84 : memref<16x128xf32, #tpu.memory_space<vmem_shared>>) target(%dma_start3A_81 : memref<16x128xf32, #tpu.memory_space<hbm>>) target_semaphore(%run_scoped3A : memref<!tpu.dma_semaphore, #tpu.memory_space<semaphore_mem>>)
        %dma_wait3A = arith.constant 0 : i32
        %dma_wait3A_85 = tpu.memref_slice %arg5[%add3A_80, %dma_wait3A] : memref<24000x128xf32, #tpu.memory_space<hbm>> -> memref<16x128xf32, #tpu.memory_space<hbm>>
        %dma_wait3A_86 = arith.constant 9984 : i32
        %dma_wait3A_87 = arith.constant 0 : i32
        %dma_wait3A_88 = tpu.memref_slice %arg6[%dma_wait3A_86, %dma_wait3A_87] : memref<10000x128xf32, #tpu.memory_space<vmem_shared>> -> memref<16x128xf32, #tpu.memory_space<vmem_shared>>
        tpu.wait_dma2 semaphore(%run_scoped3A : memref<!tpu.dma_semaphore, #tpu.memory_space<semaphore_mem>>) src(%dma_wait3A_88 : memref<16x128xf32, #tpu.memory_space<vmem_shared>>) dst(%dma_wait3A_85 : memref<16x128xf32, #tpu.memory_space<hbm>>)
        tpu.yield
      }) : () -> ()
    } else {
    }
    %barrier3A_35 = arith.constant 0 : index
    tpu.barrier barrier_id(%barrier3A_35)
    %mul3A_36 = arith.constant 120 : i32
    %mul3A_37 = arith.muli %arg1, %mul3A_36 : i32
    %mul3A_38 = arith.constant 120 : i32
    %mul3A_39 = arith.muli %arg1, %mul3A_38 : i32
    "tpu.region"() ({
      %run_scoped3A = tpu.sem_alloc : memref<!tpu.dma_semaphore, #tpu.memory_space<semaphore_mem>>
      %dma_start3A = arith.constant 0 : i32
      %dma_start3A_79 = tpu.memref_slice %arg6[%mul3A_39, %dma_start3A] : memref<10000x128xf32, #tpu.memory_space<vmem_shared>> -> memref<120x128xf32, #tpu.memory_space<vmem_shared>>
      %dma_start3A_80 = arith.constant 0 : i32
      %dma_start3A_81 = tpu.memref_slice %arg4[%mul3A_37, %dma_start3A_80] : memref<10000x128xf32, #tpu.memory_space<hbm>> -> memref<120x128xf32, #tpu.memory_space<hbm>>
      tpu.enqueue_dma source(%dma_start3A_81 : memref<120x128xf32, #tpu.memory_space<hbm>>) target(%dma_start3A_79 : memref<120x128xf32, #tpu.memory_space<vmem_shared>>) target_semaphore(%run_scoped3A : memref<!tpu.dma_semaphore, #tpu.memory_space<semaphore_mem>>)
      %dma_wait3A = arith.constant 0 : i32
      %dma_wait3A_82 = tpu.memref_slice %arg6[%mul3A_39, %dma_wait3A] : memref<10000x128xf32, #tpu.memory_space<vmem_shared>> -> memref<120x128xf32, #tpu.memory_space<vmem_shared>>
      %dma_wait3A_83 = arith.constant 0 : i32
      %dma_wait3A_84 = tpu.memref_slice %arg4[%mul3A_37, %dma_wait3A_83] : memref<10000x128xf32, #tpu.memory_space<hbm>> -> memref<120x128xf32, #tpu.memory_space<hbm>>
      tpu.wait_dma2 semaphore(%run_scoped3A : memref<!tpu.dma_semaphore, #tpu.memory_space<semaphore_mem>>) src(%dma_wait3A_84 : memref<120x128xf32, #tpu.memory_space<hbm>>) dst(%dma_wait3A_82 : memref<120x128xf32, #tpu.memory_space<vmem_shared>>)
      tpu.yield
    }) : () -> ()
    %eq3A_40 = arith.constant 0 : i32
    %eq3A_41 = arith.cmpi eq, %arg1, %eq3A_40 : i32
    %convert_element_type3A_42 = arith.extui %eq3A_41 : i1 to i32
    %cond3A_43 = arith.constant 0 : i32
    %cond3A_44 = arith.cmpi ne, %convert_element_type3A_42, %cond3A_43 : i32
    scf.if %cond3A_44 {
      "tpu.region"() ({
        %run_scoped3A = tpu.sem_alloc : memref<!tpu.dma_semaphore, #tpu.memory_space<semaphore_mem>>
        %dma_start3A = arith.constant 1920 : i32
        %dma_start3A_79 = arith.constant 0 : i32
        %dma_start3A_80 = tpu.memref_slice %arg6[%dma_start3A, %dma_start3A_79] : memref<10000x128xf32, #tpu.memory_space<vmem_shared>> -> memref<80x128xf32, #tpu.memory_space<vmem_shared>>
        %dma_start3A_81 = arith.constant 1920 : i32
        %dma_start3A_82 = arith.constant 0 : i32
        %dma_start3A_83 = tpu.memref_slice %arg4[%dma_start3A_81, %dma_start3A_82] : memref<10000x128xf32, #tpu.memory_space<hbm>> -> memref<80x128xf32, #tpu.memory_space<hbm>>
        tpu.enqueue_dma source(%dma_start3A_83 : memref<80x128xf32, #tpu.memory_space<hbm>>) target(%dma_start3A_80 : memref<80x128xf32, #tpu.memory_space<vmem_shared>>) target_semaphore(%run_scoped3A : memref<!tpu.dma_semaphore, #tpu.memory_space<semaphore_mem>>)
        %dma_wait3A = arith.constant 1920 : i32
        %dma_wait3A_84 = arith.constant 0 : i32
        %dma_wait3A_85 = tpu.memref_slice %arg6[%dma_wait3A, %dma_wait3A_84] : memref<10000x128xf32, #tpu.memory_space<vmem_shared>> -> memref<80x128xf32, #tpu.memory_space<vmem_shared>>
        %dma_wait3A_86 = arith.constant 1920 : i32
        %dma_wait3A_87 = arith.constant 0 : i32
        %dma_wait3A_88 = tpu.memref_slice %arg4[%dma_wait3A_86, %dma_wait3A_87] : memref<10000x128xf32, #tpu.memory_space<hbm>> -> memref<80x128xf32, #tpu.memory_space<hbm>>
        tpu.wait_dma2 semaphore(%run_scoped3A : memref<!tpu.dma_semaphore, #tpu.memory_space<semaphore_mem>>) src(%dma_wait3A_88 : memref<80x128xf32, #tpu.memory_space<hbm>>) dst(%dma_wait3A_85 : memref<80x128xf32, #tpu.memory_space<vmem_shared>>)
        tpu.yield
      }) : () -> ()
    } else {
    }
    %barrier3A_45 = arith.constant 0 : index
    tpu.barrier barrier_id(%barrier3A_45)
    %lt3A_46 = arith.constant 2 : i32
    %lt3A_47 = arith.cmpi slt, %add3A, %lt3A_46 : i32
    %jit3A_48 = arith.constant 1 : i32
    %jit3A_49 = arith.constant 0 : i32
    %select_n3A_50 = arith.select %lt3A_47, %jit3A_48, %jit3A_49 : i32
    %add3A_51 = arith.constant 39 : i32
    %add3A_52 = arith.addi %add3A_51, %select_n3A_50 : i32
    %while3A_53 = arith.constant 0 : i32
    %while3A_54 = arith.constant 0 : i32
    %while3A_55 = arith.subi %add3A_52, %while3A_54 : i32
    %while3A_56 = arith.addi %while3A_54, %while3A_55 : i32
    %while3A_57 = arith.constant 1 : i32
    %while3A_58 = arith.divsi %while3A_55, %while3A_57 : i32
    %while3A_59 = arith.muli %while3A_58, %while3A_57 : i32
    %while3A_60 = arith.addi %while3A_54, %while3A_59 : i32
    %while3A_61 = arith.constant 1 : i32
    scf.for %while3A_79 = %while3A_54 to %while3A_60 step %while3A_61  : i32 {
      %mul3A_80 = arith.constant 32 : i32
      %mul3A_81 = arith.muli %while3A_79, %mul3A_80 : i32
      %add3A_82 = arith.addi %mul3A_81, %add3A : i32
      %mul3A_83 = arith.constant 128 : i32
      %mul3A_84 = arith.muli %add3A_82, %mul3A_83 : i32
      %add3A_85 = arith.constant 800000 : i32
      %add3A_86 = arith.addi %add3A_85, %mul3A_84 : i32
      "tpu.region"() ({
        %run_scoped3A = tpu.sem_alloc : memref<!tpu.dma_semaphore, #tpu.memory_space<semaphore_mem>>
        %dma_start3A_93 = tpu.memref_slice %arg3[%add3A_86] : memref<1280000xi32, #tpu.memory_space<hbm>> -> memref<128xi32, #tpu.memory_space<hbm>>
        %dma_start3A_94 = tpu.memref_slice %arg3[%add3A_86] : memref<1280000xi32, #tpu.memory_space<hbm>> -> memref<128xi32, #tpu.memory_space<hbm>>
        tpu.enqueue_dma source(%dma_start3A_94 : memref<128xi32, #tpu.memory_space<hbm>>) target(%arg8 : memref<128xi32, #tpu.memory_space<vmem>>) target_semaphore(%run_scoped3A : memref<!tpu.dma_semaphore, #tpu.memory_space<semaphore_mem>>)
        %dma_wait3A_95 = tpu.memref_slice %arg3[%add3A_86] : memref<1280000xi32, #tpu.memory_space<hbm>> -> memref<128xi32, #tpu.memory_space<hbm>>
        %dma_wait3A_96 = tpu.memref_slice %arg3[%add3A_86] : memref<1280000xi32, #tpu.memory_space<hbm>> -> memref<128xi32, #tpu.memory_space<hbm>>
        tpu.wait_dma2 semaphore(%run_scoped3A : memref<!tpu.dma_semaphore, #tpu.memory_space<semaphore_mem>>) src(%dma_wait3A_96 : memref<128xi32, #tpu.memory_space<hbm>>) dst(%arg8 : memref<128xi32, #tpu.memory_space<vmem>>)
        tpu.yield
      }) : () -> ()
      %add3A_87 = arith.constant 640000 : i32
      %add3A_88 = arith.addi %add3A_87, %mul3A_84 : i32
      "tpu.region"() ({
        %run_scoped3A = tpu.sem_alloc : memref<!tpu.dma_semaphore, #tpu.memory_space<semaphore_mem>>
        %dma_start3A_93 = tpu.memref_slice %arg3[%add3A_88] : memref<1280000xi32, #tpu.memory_space<hbm>> -> memref<128xi32, #tpu.memory_space<hbm>>
        %dma_start3A_94 = tpu.memref_slice %arg3[%add3A_88] : memref<1280000xi32, #tpu.memory_space<hbm>> -> memref<128xi32, #tpu.memory_space<hbm>>
        tpu.enqueue_dma source(%dma_start3A_94 : memref<128xi32, #tpu.memory_space<hbm>>) target(%arg7 : memref<128xi32, #tpu.memory_space<vmem>>) target_semaphore(%run_scoped3A : memref<!tpu.dma_semaphore, #tpu.memory_space<semaphore_mem>>)
        %dma_wait3A_95 = tpu.memref_slice %arg3[%add3A_88] : memref<1280000xi32, #tpu.memory_space<hbm>> -> memref<128xi32, #tpu.memory_space<hbm>>
        %dma_wait3A_96 = tpu.memref_slice %arg3[%add3A_88] : memref<1280000xi32, #tpu.memory_space<hbm>> -> memref<128xi32, #tpu.memory_space<hbm>>
        tpu.wait_dma2 semaphore(%run_scoped3A : memref<!tpu.dma_semaphore, #tpu.memory_space<semaphore_mem>>) src(%dma_wait3A_96 : memref<128xi32, #tpu.memory_space<hbm>>) dst(%arg7 : memref<128xi32, #tpu.memory_space<vmem>>)
        tpu.yield
      }) : () -> ()
      %dma_start3A = arith.constant 0 : i32
      %dma_start3A_89 = arith.constant 0 : i32
      %dma_start3A_90 = tpu.memref_slice %arg2[%dma_start3A, %dma_start3A_89] : memref<12000x128xf32, #tpu.memory_space<hbm>> -> memref<12000x128xf32, #tpu.memory_space<hbm>>
      tpu.enqueue_indirect_dma source(%dma_start3A_90 : memref<12000x128xf32, #tpu.memory_space<hbm>>) target(%arg9 : memref<128x128xf32, #tpu.memory_space<vmem>>) offsets(%arg7 : memref<128xi32, #tpu.memory_space<vmem>>) semaphore(%arg10 : memref<!tpu.dma_semaphore, #tpu.memory_space<semaphore_mem>>)
      %dma_wait3A = arith.constant 0 : i32
      %dma_wait3A_91 = arith.constant 0 : i32
      %dma_wait3A_92 = tpu.memref_slice %arg2[%dma_wait3A, %dma_wait3A_91] : memref<12000x128xf32, #tpu.memory_space<hbm>> -> memref<12000x128xf32, #tpu.memory_space<hbm>>
      tpu.wait_indirect_dma semaphore(%arg10 : memref<!tpu.dma_semaphore, #tpu.memory_space<semaphore_mem>>) src(%dma_wait3A_92 : memref<12000x128xf32, #tpu.memory_space<hbm>>) dst(%arg9 : memref<128x128xf32, #tpu.memory_space<vmem>>)
      "tpu.region"() ({
        %run_scoped3A = tpu.sem_alloc : memref<!tpu.dma_semaphore, #tpu.memory_space<semaphore_mem>>
        %dma_start3A_93 = arith.constant 0 : i32
        %dma_start3A_94 = arith.constant 0 : i32
        %dma_start3A_95 = tpu.memref_slice %arg6[%dma_start3A_93, %dma_start3A_94] : memref<10000x128xf32, #tpu.memory_space<vmem_shared>> -> memref<10000x128xf32, #tpu.memory_space<vmem_shared>>
        tpu.enqueue_indirect_dma source(%arg9 : memref<128x128xf32, #tpu.memory_space<vmem>>) target(%dma_start3A_95 : memref<10000x128xf32, #tpu.memory_space<vmem_shared>>) offsets(%arg8 : memref<128xi32, #tpu.memory_space<vmem>>) semaphore(%run_scoped3A : memref<!tpu.dma_semaphore, #tpu.memory_space<semaphore_mem>>) {add = true}
        %dma_wait3A_96 = arith.constant 0 : i32
        %dma_wait3A_97 = arith.constant 0 : i32
        %dma_wait3A_98 = tpu.memref_slice %arg6[%dma_wait3A_96, %dma_wait3A_97] : memref<10000x128xf32, #tpu.memory_space<vmem_shared>> -> memref<10000x128xf32, #tpu.memory_space<vmem_shared>>
        tpu.wait_indirect_dma semaphore(%run_scoped3A : memref<!tpu.dma_semaphore, #tpu.memory_space<semaphore_mem>>) src(%arg9 : memref<128x128xf32, #tpu.memory_space<vmem>>) dst(%dma_wait3A_98 : memref<10000x128xf32, #tpu.memory_space<vmem_shared>>)
        tpu.yield
      }) : () -> ()
    }
    %while3A_62 = arith.constant 1 : i32
    scf.for %while3A_79 = %while3A_60 to %while3A_56 step %while3A_62  : i32 {
      %mul3A_80 = arith.constant 32 : i32
      %mul3A_81 = arith.muli %while3A_79, %mul3A_80 : i32
      %add3A_82 = arith.addi %mul3A_81, %add3A : i32
      %mul3A_83 = arith.constant 128 : i32
      %mul3A_84 = arith.muli %add3A_82, %mul3A_83 : i32
      %add3A_85 = arith.constant 800000 : i32
      %add3A_86 = arith.addi %add3A_85, %mul3A_84 : i32
      "tpu.region"() ({
        %run_scoped3A = tpu.sem_alloc : memref<!tpu.dma_semaphore, #tpu.memory_space<semaphore_mem>>
        %dma_start3A_93 = tpu.memref_slice %arg3[%add3A_86] : memref<1280000xi32, #tpu.memory_space<hbm>> -> memref<128xi32, #tpu.memory_space<hbm>>
        %dma_start3A_94 = tpu.memref_slice %arg3[%add3A_86] : memref<1280000xi32, #tpu.memory_space<hbm>> -> memref<128xi32, #tpu.memory_space<hbm>>
        tpu.enqueue_dma source(%dma_start3A_94 : memref<128xi32, #tpu.memory_space<hbm>>) target(%arg8 : memref<128xi32, #tpu.memory_space<vmem>>) target_semaphore(%run_scoped3A : memref<!tpu.dma_semaphore, #tpu.memory_space<semaphore_mem>>)
        %dma_wait3A_95 = tpu.memref_slice %arg3[%add3A_86] : memref<1280000xi32, #tpu.memory_space<hbm>> -> memref<128xi32, #tpu.memory_space<hbm>>
        %dma_wait3A_96 = tpu.memref_slice %arg3[%add3A_86] : memref<1280000xi32, #tpu.memory_space<hbm>> -> memref<128xi32, #tpu.memory_space<hbm>>
        tpu.wait_dma2 semaphore(%run_scoped3A : memref<!tpu.dma_semaphore, #tpu.memory_space<semaphore_mem>>) src(%dma_wait3A_96 : memref<128xi32, #tpu.memory_space<hbm>>) dst(%arg8 : memref<128xi32, #tpu.memory_space<vmem>>)
        tpu.yield
      }) : () -> ()
      %add3A_87 = arith.constant 640000 : i32
      %add3A_88 = arith.addi %add3A_87, %mul3A_84 : i32
      "tpu.region"() ({
        %run_scoped3A = tpu.sem_alloc : memref<!tpu.dma_semaphore, #tpu.memory_space<semaphore_mem>>
        %dma_start3A_93 = tpu.memref_slice %arg3[%add3A_88] : memref<1280000xi32, #tpu.memory_space<hbm>> -> memref<128xi32, #tpu.memory_space<hbm>>
        %dma_start3A_94 = tpu.memref_slice %arg3[%add3A_88] : memref<1280000xi32, #tpu.memory_space<hbm>> -> memref<128xi32, #tpu.memory_space<hbm>>
        tpu.enqueue_dma source(%dma_start3A_94 : memref<128xi32, #tpu.memory_space<hbm>>) target(%arg7 : memref<128xi32, #tpu.memory_space<vmem>>) target_semaphore(%run_scoped3A : memref<!tpu.dma_semaphore, #tpu.memory_space<semaphore_mem>>)
        %dma_wait3A_95 = tpu.memref_slice %arg3[%add3A_88] : memref<1280000xi32, #tpu.memory_space<hbm>> -> memref<128xi32, #tpu.memory_space<hbm>>
        %dma_wait3A_96 = tpu.memref_slice %arg3[%add3A_88] : memref<1280000xi32, #tpu.memory_space<hbm>> -> memref<128xi32, #tpu.memory_space<hbm>>
        tpu.wait_dma2 semaphore(%run_scoped3A : memref<!tpu.dma_semaphore, #tpu.memory_space<semaphore_mem>>) src(%dma_wait3A_96 : memref<128xi32, #tpu.memory_space<hbm>>) dst(%arg7 : memref<128xi32, #tpu.memory_space<vmem>>)
        tpu.yield
      }) : () -> ()
      %dma_start3A = arith.constant 0 : i32
      %dma_start3A_89 = arith.constant 0 : i32
      %dma_start3A_90 = tpu.memref_slice %arg2[%dma_start3A, %dma_start3A_89] : memref<12000x128xf32, #tpu.memory_space<hbm>> -> memref<12000x128xf32, #tpu.memory_space<hbm>>
      tpu.enqueue_indirect_dma source(%dma_start3A_90 : memref<12000x128xf32, #tpu.memory_space<hbm>>) target(%arg9 : memref<128x128xf32, #tpu.memory_space<vmem>>) offsets(%arg7 : memref<128xi32, #tpu.memory_space<vmem>>) semaphore(%arg10 : memref<!tpu.dma_semaphore, #tpu.memory_space<semaphore_mem>>)
      %dma_wait3A = arith.constant 0 : i32
      %dma_wait3A_91 = arith.constant 0 : i32
      %dma_wait3A_92 = tpu.memref_slice %arg2[%dma_wait3A, %dma_wait3A_91] : memref<12000x128xf32, #tpu.memory_space<hbm>> -> memref<12000x128xf32, #tpu.memory_space<hbm>>
      tpu.wait_indirect_dma semaphore(%arg10 : memref<!tpu.dma_semaphore, #tpu.memory_space<semaphore_mem>>) src(%dma_wait3A_92 : memref<12000x128xf32, #tpu.memory_space<hbm>>) dst(%arg9 : memref<128x128xf32, #tpu.memory_space<vmem>>)
      "tpu.region"() ({
        %run_scoped3A = tpu.sem_alloc : memref<!tpu.dma_semaphore, #tpu.memory_space<semaphore_mem>>
        %dma_start3A_93 = arith.constant 0 : i32
        %dma_start3A_94 = arith.constant 0 : i32
        %dma_start3A_95 = tpu.memref_slice %arg6[%dma_start3A_93, %dma_start3A_94] : memref<10000x128xf32, #tpu.memory_space<vmem_shared>> -> memref<10000x128xf32, #tpu.memory_space<vmem_shared>>
        tpu.enqueue_indirect_dma source(%arg9 : memref<128x128xf32, #tpu.memory_space<vmem>>) target(%dma_start3A_95 : memref<10000x128xf32, #tpu.memory_space<vmem_shared>>) offsets(%arg8 : memref<128xi32, #tpu.memory_space<vmem>>) semaphore(%run_scoped3A : memref<!tpu.dma_semaphore, #tpu.memory_space<semaphore_mem>>) {add = true}
        %dma_wait3A_96 = arith.constant 0 : i32
        %dma_wait3A_97 = arith.constant 0 : i32
        %dma_wait3A_98 = tpu.memref_slice %arg6[%dma_wait3A_96, %dma_wait3A_97] : memref<10000x128xf32, #tpu.memory_space<vmem_shared>> -> memref<10000x128xf32, #tpu.memory_space<vmem_shared>>
        tpu.wait_indirect_dma semaphore(%run_scoped3A : memref<!tpu.dma_semaphore, #tpu.memory_space<semaphore_mem>>) src(%arg9 : memref<128x128xf32, #tpu.memory_space<vmem>>) dst(%dma_wait3A_98 : memref<10000x128xf32, #tpu.memory_space<vmem_shared>>)
        tpu.yield
      }) : () -> ()
    }
    %barrier3A_63 = arith.constant 0 : index
    tpu.barrier barrier_id(%barrier3A_63)
    %mul3A_64 = arith.constant 12000 : i32
    %mul3A_65 = arith.muli %arg0, %mul3A_64 : i32
    %add3A_66 = arith.constant 10000 : i32
    %add3A_67 = arith.addi %mul3A_65, %add3A_66 : i32
    %mul3A_68 = arith.constant 120 : i32
    %mul3A_69 = arith.muli %arg1, %mul3A_68 : i32
    %mul3A_70 = arith.constant 120 : i32
    %mul3A_71 = arith.muli %arg1, %mul3A_70 : i32
    %add3A_72 = arith.addi %add3A_67, %mul3A_71 : i32
    "tpu.region"() ({
      %run_scoped3A = tpu.sem_alloc : memref<!tpu.dma_semaphore, #tpu.memory_space<semaphore_mem>>
      %dma_start3A = arith.constant 0 : i32
      %dma_start3A_79 = tpu.memref_slice %arg5[%add3A_72, %dma_start3A] : memref<24000x128xf32, #tpu.memory_space<hbm>> -> memref<120x128xf32, #tpu.memory_space<hbm>>
      %dma_start3A_80 = arith.constant 0 : i32
      %dma_start3A_81 = tpu.memref_slice %arg6[%mul3A_69, %dma_start3A_80] : memref<10000x128xf32, #tpu.memory_space<vmem_shared>> -> memref<120x128xf32, #tpu.memory_space<vmem_shared>>
      tpu.enqueue_dma source(%dma_start3A_81 : memref<120x128xf32, #tpu.memory_space<vmem_shared>>) target(%dma_start3A_79 : memref<120x128xf32, #tpu.memory_space<hbm>>) target_semaphore(%run_scoped3A : memref<!tpu.dma_semaphore, #tpu.memory_space<semaphore_mem>>)
      %dma_wait3A = arith.constant 0 : i32
      %dma_wait3A_82 = tpu.memref_slice %arg5[%add3A_72, %dma_wait3A] : memref<24000x128xf32, #tpu.memory_space<hbm>> -> memref<120x128xf32, #tpu.memory_space<hbm>>
      %dma_wait3A_83 = arith.constant 0 : i32
      %dma_wait3A_84 = tpu.memref_slice %arg6[%mul3A_69, %dma_wait3A_83] : memref<10000x128xf32, #tpu.memory_space<vmem_shared>> -> memref<120x128xf32, #tpu.memory_space<vmem_shared>>
      tpu.wait_dma2 semaphore(%run_scoped3A : memref<!tpu.dma_semaphore, #tpu.memory_space<semaphore_mem>>) src(%dma_wait3A_84 : memref<120x128xf32, #tpu.memory_space<vmem_shared>>) dst(%dma_wait3A_82 : memref<120x128xf32, #tpu.memory_space<hbm>>)
      tpu.yield
    }) : () -> ()
    %eq3A_73 = arith.constant 0 : i32
    %eq3A_74 = arith.cmpi eq, %arg1, %eq3A_73 : i32
    %convert_element_type3A_75 = arith.extui %eq3A_74 : i1 to i32
    %cond3A_76 = arith.constant 0 : i32
    %cond3A_77 = arith.cmpi ne, %convert_element_type3A_75, %cond3A_76 : i32
    scf.if %cond3A_77 {
      %add3A_79 = arith.constant 1920 : i32
      %add3A_80 = arith.addi %add3A_67, %add3A_79 : i32
      "tpu.region"() ({
        %run_scoped3A = tpu.sem_alloc : memref<!tpu.dma_semaphore, #tpu.memory_space<semaphore_mem>>
        %dma_start3A = arith.constant 0 : i32
        %dma_start3A_81 = tpu.memref_slice %arg5[%add3A_80, %dma_start3A] : memref<24000x128xf32, #tpu.memory_space<hbm>> -> memref<80x128xf32, #tpu.memory_space<hbm>>
        %dma_start3A_82 = arith.constant 1920 : i32
        %dma_start3A_83 = arith.constant 0 : i32
        %dma_start3A_84 = tpu.memref_slice %arg6[%dma_start3A_82, %dma_start3A_83] : memref<10000x128xf32, #tpu.memory_space<vmem_shared>> -> memref<80x128xf32, #tpu.memory_space<vmem_shared>>
        tpu.enqueue_dma source(%dma_start3A_84 : memref<80x128xf32, #tpu.memory_space<vmem_shared>>) target(%dma_start3A_81 : memref<80x128xf32, #tpu.memory_space<hbm>>) target_semaphore(%run_scoped3A : memref<!tpu.dma_semaphore, #tpu.memory_space<semaphore_mem>>)
        %dma_wait3A = arith.constant 0 : i32
        %dma_wait3A_85 = tpu.memref_slice %arg5[%add3A_80, %dma_wait3A] : memref<24000x128xf32, #tpu.memory_space<hbm>> -> memref<80x128xf32, #tpu.memory_space<hbm>>
        %dma_wait3A_86 = arith.constant 1920 : i32
        %dma_wait3A_87 = arith.constant 0 : i32
        %dma_wait3A_88 = tpu.memref_slice %arg6[%dma_wait3A_86, %dma_wait3A_87] : memref<10000x128xf32, #tpu.memory_space<vmem_shared>> -> memref<80x128xf32, #tpu.memory_space<vmem_shared>>
        tpu.wait_dma2 semaphore(%run_scoped3A : memref<!tpu.dma_semaphore, #tpu.memory_space<semaphore_mem>>) src(%dma_wait3A_88 : memref<80x128xf32, #tpu.memory_space<vmem_shared>>) dst(%dma_wait3A_85 : memref<80x128xf32, #tpu.memory_space<hbm>>)
        tpu.yield
      }) : () -> ()
    } else {
    }
    %barrier3A_78 = arith.constant 0 : index
    tpu.barrier barrier_id(%barrier3A_78)
    return
  }
}

module attributes {stable_mosaic.version = 14 : i64} {
  func.func @_proj_body(%arg0: i32, %arg1: memref<1000x128xf32, #tpu.memory_space<vmem>>, %arg2: memref<128x128xf32, #tpu.memory_space<vmem>>, %arg3: memref<1x128xf32, #tpu.memory_space<vmem>>, %arg4: memref<1000x128xf32, #tpu.memory_space<vmem>>) attributes {dimension_semantics = [#tpu.dimension_semantics<arbitrary>], iteration_bounds = array<i64: 50>, scalar_prefetch = 0 : i64, scratch_operands = 0 : i64, tpu.core_type = #tpu.core_type<tc>, window_params = [{transform_indices = @transform_0, window_bounds = array<i64: 1000, 128>}, {pipeline_mode = #tpu.pipeline_mode<synchronous>, transform_indices = @transform_1, window_bounds = array<i64: 128, 128>}, {pipeline_mode = #tpu.pipeline_mode<synchronous>, transform_indices = @transform_2, window_bounds = array<i64: 1, 128>}, {transform_indices = @transform_3, window_bounds = array<i64: 1000, 128>}]} {
    %get3A = arith.constant 0 : index
    %get3A_0 = arith.constant 0 : index
    %get3A_1 = vector.load %arg1[%get3A, %get3A_0] : memref<1000x128xf32, #tpu.memory_space<vmem>>, vector<1000x128xf32>
    %get3A_2 = arith.constant 0 : index
    %get3A_3 = arith.constant 0 : index
    %get3A_4 = vector.load %arg2[%get3A_2, %get3A_3] : memref<128x128xf32, #tpu.memory_space<vmem>>, vector<128x128xf32>
    %dot_general3A = arith.constant dense<0.000000e+00> : vector<1000x128xf32>
    %dot_general3A_5 = tpu.matmul %get3A_1, %get3A_4, %dot_general3A {dimension_numbers = #tpu.dot_dimension_numbers<[1], [0], [0], [1], [0, 0, 1, 1], [], []>, transpose_lhs_hint = false} : vector<1000x128xf32>, vector<128x128xf32>, vector<1000x128xf32> -> vector<1000x128xf32>
    %get3A_6 = arith.constant 0 : index
    %get3A_7 = arith.constant 0 : index
    %get3A_8 = vector.load %arg3[%get3A_6, %get3A_7] : memref<1x128xf32, #tpu.memory_space<vmem>>, vector<1x128xf32>
    %add3A = vector.broadcast %get3A_8 : vector<1x128xf32> to vector<1000x128xf32>
    %add3A_9 = arith.addf %dot_general3A_5, %add3A : vector<1000x128xf32>
    %swap3A = arith.constant 0 : index
    %swap3A_10 = arith.constant 0 : index
    %swap3A_11 = vector.load %arg4[%swap3A, %swap3A_10] : memref<1000x128xf32, #tpu.memory_space<vmem>>, vector<1000x128xf32>
    tpu.vector_store %arg4[%swap3A, %swap3A_10], %add3A_9 {strides = array<i32>} : memref<1000x128xf32, #tpu.memory_space<vmem>>, vector<1000x128xf32>,
    return
  }
  func.func @transform_0(%arg0: i32) -> (i32, i32) {
    %c0_i32 = arith.constant 0 : i32
    %c0_i32_0 = arith.constant 0 : i32
    return %arg0, %c0_i32 : i32, i32
  }
  func.func @transform_1(%arg0: i32) -> (i32, i32) {
    %c0_i32 = arith.constant 0 : i32
    %c0_i32_0 = arith.constant 0 : i32
    %c0_i32_1 = arith.constant 0 : i32
    return %c0_i32, %c0_i32_0 : i32, i32
  }
  func.func @transform_2(%arg0: i32) -> (i32, i32) {
    %c0_i32 = arith.constant 0 : i32
    %c0_i32_0 = arith.constant 0 : i32
    %c0_i32_1 = arith.constant 0 : i32
    return %c0_i32, %c0_i32_0 : i32, i32
  }
  func.func @transform_3(%arg0: i32) -> (i32, i32) {
    %c0_i32 = arith.constant 0 : i32
    %c0_i32_0 = arith.constant 0 : i32
    return %arg0, %c0_i32 : i32, i32
  }
}

module attributes {stable_mosaic.version = 14 : i64} {
  func.func @_sage_pair_body(%arg0: i32, %arg1: memref<1000x128xf32, #tpu.memory_space<vmem>>, %arg2: memref<2x1000x128xf32, #tpu.memory_space<vmem>>, %arg3: memref<2x1000x128xf32, #tpu.memory_space<vmem>>, %arg4: memref<128x128xf32, #tpu.memory_space<vmem>>, %arg5: memref<128x128xf32, #tpu.memory_space<vmem>>, %arg6: memref<128x128xf32, #tpu.memory_space<vmem>>, %arg7: memref<128x128xf32, #tpu.memory_space<vmem>>, %arg8: memref<1x128xf32, #tpu.memory_space<vmem>>, %arg9: memref<1x128xf32, #tpu.memory_space<vmem>>, %arg10: memref<1000x128xf32, #tpu.memory_space<vmem>>) attributes {dimension_semantics = [#tpu.dimension_semantics<arbitrary>], iteration_bounds = array<i64: 12>, scalar_prefetch = 0 : i64, scratch_operands = 0 : i64, tpu.core_type = #tpu.core_type<tc>, window_params = [{transform_indices = @transform_0, window_bounds = array<i64: 1000, 128>}, {transform_indices = @transform_1, window_bounds = array<i64: 2, 1000, 128>}, {transform_indices = @transform_2, window_bounds = array<i64: 2, 1000, 128>}, {pipeline_mode = #tpu.pipeline_mode<synchronous>, transform_indices = @transform_3, window_bounds = array<i64: 128, 128>}, {pipeline_mode = #tpu.pipeline_mode<synchronous>, transform_indices = @transform_4, window_bounds = array<i64: 128, 128>}, {pipeline_mode = #tpu.pipeline_mode<synchronous>, transform_indices = @transform_5, window_bounds = array<i64: 128, 128>}, {pipeline_mode = #tpu.pipeline_mode<synchronous>, transform_indices = @transform_6, window_bounds = array<i64: 128, 128>}, {pipeline_mode = #tpu.pipeline_mode<synchronous>, transform_indices = @transform_7, window_bounds = array<i64: 1, 128>}, {pipeline_mode = #tpu.pipeline_mode<synchronous>, transform_indices = @transform_8, window_bounds = array<i64: 1, 128>}, {transform_indices = @transform_9, window_bounds = array<i64: 1000, 128>}]} {
    %lt3A = arith.constant 10 : i32
    %lt3A_0 = arith.cmpi slt, %arg0, %lt3A : i32
    %jit3A = arith.constant 1.000000e+00 : f32
    %jit3A_1 = arith.constant 0.000000e+00 : f32
    %select_n3A = arith.select %lt3A_0, %jit3A, %jit3A_1 : f32
    %get3A = arith.constant 0 : index
    %get3A_2 = arith.constant 0 : index
    %get3A_3 = vector.load %arg4[%get3A, %get3A_2] : memref<128x128xf32, #tpu.memory_space<vmem>>, vector<128x128xf32>
    %mul3A = vector.broadcast %select_n3A : f32 to vector<128x128xf32>
    %mul3A_4 = arith.mulf %mul3A, %get3A_3 : vector<128x128xf32>
    %sub3A = arith.constant 1.000000e+00 : f32
    %sub3A_5 = arith.subf %sub3A, %select_n3A : f32
    %get3A_6 = arith.constant 0 : index
    %get3A_7 = arith.constant 0 : index
    %get3A_8 = vector.load %arg5[%get3A_6, %get3A_7] : memref<128x128xf32, #tpu.memory_space<vmem>>, vector<128x128xf32>
    %mul3A_9 = vector.broadcast %sub3A_5 : f32 to vector<128x128xf32>
    %mul3A_10 = arith.mulf %mul3A_9, %get3A_8 : vector<128x128xf32>
    %add3A = arith.addf %mul3A_4, %mul3A_10 : vector<128x128xf32>
    %get3A_11 = arith.constant 0 : index
    %get3A_12 = arith.constant 0 : index
    %get3A_13 = vector.load %arg6[%get3A_11, %get3A_12] : memref<128x128xf32, #tpu.memory_space<vmem>>, vector<128x128xf32>
    %mul3A_14 = vector.broadcast %select_n3A : f32 to vector<128x128xf32>
    %mul3A_15 = arith.mulf %mul3A_14, %get3A_13 : vector<128x128xf32>
    %sub3A_16 = arith.constant 1.000000e+00 : f32
    %sub3A_17 = arith.subf %sub3A_16, %select_n3A : f32
    %get3A_18 = arith.constant 0 : index
    %get3A_19 = arith.constant 0 : index
    %get3A_20 = vector.load %arg7[%get3A_18, %get3A_19] : memref<128x128xf32, #tpu.memory_space<vmem>>, vector<128x128xf32>
    %mul3A_21 = vector.broadcast %sub3A_17 : f32 to vector<128x128xf32>
    %mul3A_22 = arith.mulf %mul3A_21, %get3A_20 : vector<128x128xf32>
    %add3A_23 = arith.addf %mul3A_15, %mul3A_22 : vector<128x128xf32>
    %get3A_24 = arith.constant 0 : index
    %get3A_25 = arith.constant 0 : index
    %get3A_26 = vector.load %arg8[%get3A_24, %get3A_25] : memref<1x128xf32, #tpu.memory_space<vmem>>, vector<1x128xf32>
    %mul3A_27 = vector.broadcast %select_n3A : f32 to vector<1x128xf32>
    %mul3A_28 = arith.mulf %mul3A_27, %get3A_26 : vector<1x128xf32>
    %sub3A_29 = arith.constant 1.000000e+00 : f32
    %sub3A_30 = arith.subf %sub3A_29, %select_n3A : f32
    %get3A_31 = arith.constant 0 : index
    %get3A_32 = arith.constant 0 : index
    %get3A_33 = vector.load %arg9[%get3A_31, %get3A_32] : memref<1x128xf32, #tpu.memory_space<vmem>>, vector<1x128xf32>
    %mul3A_34 = vector.broadcast %sub3A_30 : f32 to vector<1x128xf32>
    %mul3A_35 = arith.mulf %mul3A_34, %get3A_33 : vector<1x128xf32>
    %add3A_36 = arith.addf %mul3A_28, %mul3A_35 : vector<1x128xf32>
    %get3A_37 = arith.constant 0 : index
    %get3A_38 = arith.constant 0 : index
    %get3A_39 = arith.constant 0 : index
    %get3A_40 = vector.load %arg2[%get3A_37, %get3A_38, %get3A_39] : memref<2x1000x128xf32, #tpu.memory_space<vmem>>, vector<2x1000x128xf32>
    %get3A_41 = arith.constant 0 : index
    %get3A_42 = arith.constant 0 : index
    %get3A_43 = arith.constant 0 : index
    %get3A_44 = vector.load %arg3[%get3A_41, %get3A_42, %get3A_43] : memref<2x1000x128xf32, #tpu.memory_space<vmem>>, vector<2x1000x128xf32>
    %slice3A = vector.extract_strided_slice %get3A_40 {offsets = [0, 0, 0], sizes = [1, 1000, 128], strides = [1, 1, 1]} : vector<2x1000x128xf32> to vector<1x1000x128xf32>
    %squeeze3A = vector.shape_cast %slice3A : vector<1x1000x128xf32> to vector<1000x128xf32>
    %slice3A_45 = vector.extract_strided_slice %get3A_40 {offsets = [1, 0, 0], sizes = [1, 1000, 128], strides = [1, 1, 1]} : vector<2x1000x128xf32> to vector<1x1000x128xf32>
    %squeeze3A_46 = vector.shape_cast %slice3A_45 : vector<1x1000x128xf32> to vector<1000x128xf32>
    %add3A_47 = arith.addf %squeeze3A, %squeeze3A_46 : vector<1000x128xf32>
    %slice3A_48 = vector.extract_strided_slice %get3A_44 {offsets = [0, 0, 0], sizes = [1, 1000, 1], strides = [1, 1, 1]} : vector<2x1000x128xf32> to vector<1x1000x1xf32>
    %squeeze3A_49 = vector.shape_cast %slice3A_48 : vector<1x1000x1xf32> to vector<1000x1xf32>
    %slice3A_50 = vector.extract_strided_slice %get3A_44 {offsets = [1, 0, 0], sizes = [1, 1000, 1], strides = [1, 1, 1]} : vector<2x1000x128xf32> to vector<1x1000x1xf32>
    %squeeze3A_51 = vector.shape_cast %slice3A_50 : vector<1x1000x1xf32> to vector<1000x1xf32>
    %add3A_52 = arith.addf %squeeze3A_49, %squeeze3A_51 : vector<1000x1xf32>
    %max3A = arith.constant 1.000000e+00 : f32
    %max3A_53 = vector.broadcast %max3A : f32 to vector<1000x1xf32>
    %max3A_54 = arith.maximumf %add3A_52, %max3A_53 : vector<1000x1xf32>
    %div3A = vector.broadcast %max3A_54 : vector<1000x1xf32> to vector<1000x128xf32>
    %div3A_55 = arith.divf %add3A_47, %div3A : vector<1000x128xf32>
    %dot_general3A = arith.constant dense<0.000000e+00> : vector<1000x128xf32>
    %dot_general3A_56 = tpu.matmul %div3A_55, %add3A, %dot_general3A {dimension_numbers = #tpu.dot_dimension_numbers<[1], [0], [0], [1], [0, 0, 1, 1], [], []>, transpose_lhs_hint = false} : vector<1000x128xf32>, vector<128x128xf32>, vector<1000x128xf32> -> vector<1000x128xf32>
    %add3A_57 = vector.broadcast %add3A_36 : vector<1x128xf32> to vector<1000x128xf32>
    %add3A_58 = arith.addf %dot_general3A_56, %add3A_57 : vector<1000x128xf32>
    %get3A_59 = arith.constant 0 : index
    %get3A_60 = arith.constant 0 : index
    %get3A_61 = vector.load %arg1[%get3A_59, %get3A_60] : memref<1000x128xf32, #tpu.memory_space<vmem>>, vector<1000x128xf32>
    %dot_general3A_62 = arith.constant dense<0.000000e+00> : vector<1000x128xf32>
    %dot_general3A_63 = tpu.matmul %get3A_61, %add3A_23, %dot_general3A_62 {dimension_numbers = #tpu.dot_dimension_numbers<[1], [0], [0], [1], [0, 0, 1, 1], [], []>, transpose_lhs_hint = false} : vector<1000x128xf32>, vector<128x128xf32>, vector<1000x128xf32> -> vector<1000x128xf32>
    %add3A_64 = arith.addf %add3A_58, %dot_general3A_63 : vector<1000x128xf32>
    %max3A_65 = arith.constant 0.000000e+00 : f32
    %max3A_66 = vector.broadcast %max3A_65 : f32 to vector<1000x128xf32>
    %max3A_67 = arith.maximumf %add3A_64, %max3A_66 : vector<1000x128xf32>
    %swap3A = arith.constant 0 : index
    %swap3A_68 = arith.constant 0 : index
    %swap3A_69 = vector.load %arg10[%swap3A, %swap3A_68] : memref<1000x128xf32, #tpu.memory_space<vmem>>, vector<1000x128xf32>
    tpu.vector_store %arg10[%swap3A, %swap3A_68], %max3A_67 {strides = array<i32>} : memref<1000x128xf32, #tpu.memory_space<vmem>>, vector<1000x128xf32>,
    return
  }
  func.func @transform_0(%arg0: i32) -> (i32, i32) {
    %c0_i32 = arith.constant 0 : i32
    %c0_i32_0 = arith.constant 0 : i32
    return %arg0, %c0_i32 : i32, i32
  }
  func.func @transform_1(%arg0: i32) -> (i32, i32, i32) {
    %lt3A = arith.constant 10 : i32
    %lt3A_0 = arith.cmpi slt, %arg0, %lt3A : i32
    %add3A = arith.constant 10 : i32
    %add3A_1 = arith.addi %add3A, %arg0 : i32
    %add3A_2 = arith.constant 22 : i32
    %add3A_3 = arith.addi %add3A_2, %arg0 : i32
    %sub3A = arith.constant 10 : i32
    %sub3A_4 = arith.subi %add3A_3, %sub3A : i32
    %select_n3A = arith.select %lt3A_0, %add3A_1, %sub3A_4 : i32
    %c0_i32 = arith.constant 0 : i32
    %c0_i32_5 = arith.constant 0 : i32
    %c0_i32_6 = arith.constant 0 : i32
    return %c0_i32, %select_n3A, %c0_i32_5 : i32, i32, i32
  }
  func.func @transform_2(%arg0: i32) -> (i32, i32, i32) {
    %lt3A = arith.constant 10 : i32
    %lt3A_0 = arith.cmpi slt, %arg0, %lt3A : i32
    %add3A = arith.constant 34 : i32
    %add3A_1 = arith.addi %add3A, %arg0 : i32
    %add3A_2 = arith.constant 46 : i32
    %add3A_3 = arith.addi %add3A_2, %arg0 : i32
    %sub3A = arith.constant 10 : i32
    %sub3A_4 = arith.subi %add3A_3, %sub3A : i32
    %select_n3A = arith.select %lt3A_0, %add3A_1, %sub3A_4 : i32
    %c0_i32 = arith.constant 0 : i32
    %c0_i32_5 = arith.constant 0 : i32
    %c0_i32_6 = arith.constant 0 : i32
    return %c0_i32, %select_n3A, %c0_i32_5 : i32, i32, i32
  }
  func.func @transform_3(%arg0: i32) -> (i32, i32) {
    %c0_i32 = arith.constant 0 : i32
    %c0_i32_0 = arith.constant 0 : i32
    %c0_i32_1 = arith.constant 0 : i32
    return %c0_i32, %c0_i32_0 : i32, i32
  }
  func.func @transform_4(%arg0: i32) -> (i32, i32) {
    %c0_i32 = arith.constant 0 : i32
    %c0_i32_0 = arith.constant 0 : i32
    %c0_i32_1 = arith.constant 0 : i32
    return %c0_i32, %c0_i32_0 : i32, i32
  }
  func.func @transform_5(%arg0: i32) -> (i32, i32) {
    %c0_i32 = arith.constant 0 : i32
    %c0_i32_0 = arith.constant 0 : i32
    %c0_i32_1 = arith.constant 0 : i32
    return %c0_i32, %c0_i32_0 : i32, i32
  }
  func.func @transform_6(%arg0: i32) -> (i32, i32) {
    %c0_i32 = arith.constant 0 : i32
    %c0_i32_0 = arith.constant 0 : i32
    %c0_i32_1 = arith.constant 0 : i32
    return %c0_i32, %c0_i32_0 : i32, i32
  }
  func.func @transform_7(%arg0: i32) -> (i32, i32) {
    %c0_i32 = arith.constant 0 : i32
    %c0_i32_0 = arith.constant 0 : i32
    %c0_i32_1 = arith.constant 0 : i32
    return %c0_i32, %c0_i32_0 : i32, i32
  }
  func.func @transform_8(%arg0: i32) -> (i32, i32) {
    %c0_i32 = arith.constant 0 : i32
    %c0_i32_0 = arith.constant 0 : i32
    %c0_i32_1 = arith.constant 0 : i32
    return %c0_i32, %c0_i32_0 : i32, i32
  }
  func.func @transform_9(%arg0: i32) -> (i32, i32) {
    %c0_i32 = arith.constant 0 : i32
    %c0_i32_0 = arith.constant 0 : i32
    return %arg0, %c0_i32 : i32, i32
  }
}

module attributes {stable_mosaic.version = 14 : i64} {
  func.func @body(%arg0: i32, %arg1: memref<1000x128xf32, #tpu.memory_space<vmem>>, %arg2: memref<2x1000x128xf32, #tpu.memory_space<vmem>>, %arg3: memref<2x1000x128xf32, #tpu.memory_space<vmem>>, %arg4: memref<2x1000x128xf32, #tpu.memory_space<vmem>>, %arg5: memref<2x1000x128xf32, #tpu.memory_space<vmem>>, %arg6: memref<128x128xf32, #tpu.memory_space<vmem>>, %arg7: memref<128x128xf32, #tpu.memory_space<vmem>>, %arg8: memref<128x128xf32, #tpu.memory_space<vmem>>, %arg9: memref<128x128xf32, #tpu.memory_space<vmem>>, %arg10: memref<1x128xf32, #tpu.memory_space<vmem>>, %arg11: memref<1x128xf32, #tpu.memory_space<vmem>>, %arg12: memref<1000x128xf32, #tpu.memory_space<vmem>>) attributes {dimension_semantics = [#tpu.dimension_semantics<arbitrary>], iteration_bounds = array<i64: 50>, scalar_prefetch = 0 : i64, scratch_operands = 0 : i64, tpu.core_type = #tpu.core_type<tc>, window_params = [{transform_indices = @transform_0, window_bounds = array<i64: 1000, 128>}, {transform_indices = @transform_1, window_bounds = array<i64: 2, 1000, 128>}, {transform_indices = @transform_2, window_bounds = array<i64: 2, 1000, 128>}, {transform_indices = @transform_3, window_bounds = array<i64: 2, 1000, 128>}, {transform_indices = @transform_4, window_bounds = array<i64: 2, 1000, 128>}, {pipeline_mode = #tpu.pipeline_mode<synchronous>, transform_indices = @transform_5, window_bounds = array<i64: 128, 128>}, {pipeline_mode = #tpu.pipeline_mode<synchronous>, transform_indices = @transform_6, window_bounds = array<i64: 128, 128>}, {pipeline_mode = #tpu.pipeline_mode<synchronous>, transform_indices = @transform_7, window_bounds = array<i64: 128, 128>}, {pipeline_mode = #tpu.pipeline_mode<synchronous>, transform_indices = @transform_8, window_bounds = array<i64: 128, 128>}, {pipeline_mode = #tpu.pipeline_mode<synchronous>, transform_indices = @transform_9, window_bounds = array<i64: 1, 128>}, {pipeline_mode = #tpu.pipeline_mode<synchronous>, transform_indices = @transform_10, window_bounds = array<i64: 1, 128>}, {transform_indices = @transform_11, window_bounds = array<i64: 1000, 128>}]} {
    %get3A = arith.constant 0 : index
    %get3A_0 = arith.constant 0 : index
    %get3A_1 = vector.load %arg1[%get3A, %get3A_0] : memref<1000x128xf32, #tpu.memory_space<vmem>>, vector<1000x128xf32>
    %lt3A = arith.constant 10 : i32
    %lt3A_2 = arith.cmpi slt, %arg0, %lt3A : i32
    %jit3A = arith.constant 1.000000e+00 : f32
    %jit3A_3 = arith.constant 0.000000e+00 : f32
    %select_n3A = arith.select %lt3A_2, %jit3A, %jit3A_3 : f32
    %lt3A_4 = arith.constant 2 : i32
    %lt3A_5 = arith.cmpi slt, %arg0, %lt3A_4 : i32
    %jit3A_6 = arith.constant 1.000000e+00 : f32
    %jit3A_7 = arith.constant 0.000000e+00 : f32
    %select_n3A_8 = arith.select %lt3A_5, %jit3A_6, %jit3A_7 : f32
    %get3A_9 = arith.constant 0 : index
    %get3A_10 = arith.constant 0 : index
    %get3A_11 = arith.constant 0 : index
    %get3A_12 = vector.load %arg2[%get3A_9, %get3A_10, %get3A_11] : memref<2x1000x128xf32, #tpu.memory_space<vmem>>, vector<2x1000x128xf32>
    %get3A_13 = arith.constant 0 : index
    %get3A_14 = arith.constant 0 : index
    %get3A_15 = arith.constant 0 : index
    %get3A_16 = vector.load %arg3[%get3A_13, %get3A_14, %get3A_15] : memref<2x1000x128xf32, #tpu.memory_space<vmem>>, vector<2x1000x128xf32>
    %slice3A = vector.extract_strided_slice %get3A_12 {offsets = [0, 0, 0], sizes = [1, 1000, 128], strides = [1, 1, 1]} : vector<2x1000x128xf32> to vector<1x1000x128xf32>
    %squeeze3A = vector.shape_cast %slice3A : vector<1x1000x128xf32> to vector<1000x128xf32>
    %slice3A_17 = vector.extract_strided_slice %get3A_12 {offsets = [1, 0, 0], sizes = [1, 1000, 128], strides = [1, 1, 1]} : vector<2x1000x128xf32> to vector<1x1000x128xf32>
    %squeeze3A_18 = vector.shape_cast %slice3A_17 : vector<1x1000x128xf32> to vector<1000x128xf32>
    %add3A = arith.addf %squeeze3A, %squeeze3A_18 : vector<1000x128xf32>
    %slice3A_19 = vector.extract_strided_slice %get3A_16 {offsets = [0, 0, 0], sizes = [1, 1000, 1], strides = [1, 1, 1]} : vector<2x1000x128xf32> to vector<1x1000x1xf32>
    %squeeze3A_20 = vector.shape_cast %slice3A_19 : vector<1x1000x1xf32> to vector<1000x1xf32>
    %slice3A_21 = vector.extract_strided_slice %get3A_16 {offsets = [1, 0, 0], sizes = [1, 1000, 1], strides = [1, 1, 1]} : vector<2x1000x128xf32> to vector<1x1000x1xf32>
    %squeeze3A_22 = vector.shape_cast %slice3A_21 : vector<1x1000x1xf32> to vector<1000x1xf32>
    %add3A_23 = arith.addf %squeeze3A_20, %squeeze3A_22 : vector<1000x1xf32>
    %max3A = arith.constant 1.000000e+00 : f32
    %max3A_24 = vector.broadcast %max3A : f32 to vector<1000x1xf32>
    %max3A_25 = arith.maximumf %add3A_23, %max3A_24 : vector<1000x1xf32>
    %div3A = vector.broadcast %max3A_25 : vector<1000x1xf32> to vector<1000x128xf32>
    %div3A_26 = arith.divf %add3A, %div3A : vector<1000x128xf32>
    %mul3A = vector.broadcast %select_n3A : f32 to vector<1000x128xf32>
    %mul3A_27 = arith.mulf %mul3A, %div3A_26 : vector<1000x128xf32>
    %get3A_28 = arith.constant 0 : index
    %get3A_29 = arith.constant 0 : index
    %get3A_30 = vector.load %arg6[%get3A_28, %get3A_29] : memref<128x128xf32, #tpu.memory_space<vmem>>, vector<128x128xf32>
    %dot_general3A = arith.constant dense<0.000000e+00> : vector<1000x128xf32>
    %dot_general3A_31 = tpu.matmul %mul3A_27, %get3A_30, %dot_general3A {dimension_numbers = #tpu.dot_dimension_numbers<[1], [0], [0], [1], [0, 0, 1, 1], [], []>, transpose_lhs_hint = false} : vector<1000x128xf32>, vector<128x128xf32>, vector<1000x128xf32> -> vector<1000x128xf32>
    %get3A_32 = arith.constant 0 : index
    %get3A_33 = arith.constant 0 : index
    %get3A_34 = vector.load %arg10[%get3A_32, %get3A_33] : memref<1x128xf32, #tpu.memory_space<vmem>>, vector<1x128xf32>
    %add3A_35 = vector.broadcast %get3A_34 : vector<1x128xf32> to vector<1000x128xf32>
    %add3A_36 = arith.addf %dot_general3A_31, %add3A_35 : vector<1000x128xf32>
    %get3A_37 = arith.constant 0 : index
    %get3A_38 = arith.constant 0 : index
    %get3A_39 = vector.load %arg8[%get3A_37, %get3A_38] : memref<128x128xf32, #tpu.memory_space<vmem>>, vector<128x128xf32>
    %dot_general3A_40 = arith.constant dense<0.000000e+00> : vector<1000x128xf32>
    %dot_general3A_41 = tpu.matmul %get3A_1, %get3A_39, %dot_general3A_40 {dimension_numbers = #tpu.dot_dimension_numbers<[1], [0], [0], [1], [0, 0, 1, 1], [], []>, transpose_lhs_hint = false} : vector<1000x128xf32>, vector<128x128xf32>, vector<1000x128xf32> -> vector<1000x128xf32>
    %add3A_42 = arith.addf %add3A_36, %dot_general3A_41 : vector<1000x128xf32>
    %get3A_43 = arith.constant 0 : index
    %get3A_44 = arith.constant 0 : index
    %get3A_45 = arith.constant 0 : index
    %get3A_46 = vector.load %arg4[%get3A_43, %get3A_44, %get3A_45] : memref<2x1000x128xf32, #tpu.memory_space<vmem>>, vector<2x1000x128xf32>
    %get3A_47 = arith.constant 0 : index
    %get3A_48 = arith.constant 0 : index
    %get3A_49 = arith.constant 0 : index
    %get3A_50 = vector.load %arg5[%get3A_47, %get3A_48, %get3A_49] : memref<2x1000x128xf32, #tpu.memory_space<vmem>>, vector<2x1000x128xf32>
    %slice3A_51 = vector.extract_strided_slice %get3A_46 {offsets = [0, 0, 0], sizes = [1, 1000, 128], strides = [1, 1, 1]} : vector<2x1000x128xf32> to vector<1x1000x128xf32>
    %squeeze3A_52 = vector.shape_cast %slice3A_51 : vector<1x1000x128xf32> to vector<1000x128xf32>
    %slice3A_53 = vector.extract_strided_slice %get3A_46 {offsets = [1, 0, 0], sizes = [1, 1000, 128], strides = [1, 1, 1]} : vector<2x1000x128xf32> to vector<1x1000x128xf32>
    %squeeze3A_54 = vector.shape_cast %slice3A_53 : vector<1x1000x128xf32> to vector<1000x128xf32>
    %add3A_55 = arith.addf %squeeze3A_52, %squeeze3A_54 : vector<1000x128xf32>
    %slice3A_56 = vector.extract_strided_slice %get3A_50 {offsets = [0, 0, 0], sizes = [1, 1000, 1], strides = [1, 1, 1]} : vector<2x1000x128xf32> to vector<1x1000x1xf32>
    %squeeze3A_57 = vector.shape_cast %slice3A_56 : vector<1x1000x1xf32> to vector<1000x1xf32>
    %slice3A_58 = vector.extract_strided_slice %get3A_50 {offsets = [1, 0, 0], sizes = [1, 1000, 1], strides = [1, 1, 1]} : vector<2x1000x128xf32> to vector<1x1000x1xf32>
    %squeeze3A_59 = vector.shape_cast %slice3A_58 : vector<1x1000x1xf32> to vector<1000x1xf32>
    %add3A_60 = arith.addf %squeeze3A_57, %squeeze3A_59 : vector<1000x1xf32>
    %max3A_61 = arith.constant 1.000000e+00 : f32
    %max3A_62 = vector.broadcast %max3A_61 : f32 to vector<1000x1xf32>
    %max3A_63 = arith.maximumf %add3A_60, %max3A_62 : vector<1000x1xf32>
    %div3A_64 = vector.broadcast %max3A_63 : vector<1000x1xf32> to vector<1000x128xf32>
    %div3A_65 = arith.divf %add3A_55, %div3A_64 : vector<1000x128xf32>
    %mul3A_66 = vector.broadcast %select_n3A_8 : f32 to vector<1000x128xf32>
    %mul3A_67 = arith.mulf %mul3A_66, %div3A_65 : vector<1000x128xf32>
    %get3A_68 = arith.constant 0 : index
    %get3A_69 = arith.constant 0 : index
    %get3A_70 = vector.load %arg7[%get3A_68, %get3A_69] : memref<128x128xf32, #tpu.memory_space<vmem>>, vector<128x128xf32>
    %dot_general3A_71 = arith.constant dense<0.000000e+00> : vector<1000x128xf32>
    %dot_general3A_72 = tpu.matmul %mul3A_67, %get3A_70, %dot_general3A_71 {dimension_numbers = #tpu.dot_dimension_numbers<[1], [0], [0], [1], [0, 0, 1, 1], [], []>, transpose_lhs_hint = false} : vector<1000x128xf32>, vector<128x128xf32>, vector<1000x128xf32> -> vector<1000x128xf32>
    %get3A_73 = arith.constant 0 : index
    %get3A_74 = arith.constant 0 : index
    %get3A_75 = vector.load %arg11[%get3A_73, %get3A_74] : memref<1x128xf32, #tpu.memory_space<vmem>>, vector<1x128xf32>
    %add3A_76 = vector.broadcast %get3A_75 : vector<1x128xf32> to vector<1000x128xf32>
    %add3A_77 = arith.addf %dot_general3A_72, %add3A_76 : vector<1000x128xf32>
    %get3A_78 = arith.constant 0 : index
    %get3A_79 = arith.constant 0 : index
    %get3A_80 = vector.load %arg9[%get3A_78, %get3A_79] : memref<128x128xf32, #tpu.memory_space<vmem>>, vector<128x128xf32>
    %dot_general3A_81 = arith.constant dense<0.000000e+00> : vector<1000x128xf32>
    %dot_general3A_82 = tpu.matmul %get3A_1, %get3A_80, %dot_general3A_81 {dimension_numbers = #tpu.dot_dimension_numbers<[1], [0], [0], [1], [0, 0, 1, 1], [], []>, transpose_lhs_hint = false} : vector<1000x128xf32>, vector<128x128xf32>, vector<1000x128xf32> -> vector<1000x128xf32>
    %add3A_83 = arith.addf %add3A_77, %dot_general3A_82 : vector<1000x128xf32>
    %add3A_84 = arith.addf %add3A_42, %add3A_83 : vector<1000x128xf32>
    %max3A_85 = arith.constant 0.000000e+00 : f32
    %max3A_86 = vector.broadcast %max3A_85 : f32 to vector<1000x128xf32>
    %max3A_87 = arith.maximumf %add3A_84, %max3A_86 : vector<1000x128xf32>
    %swap3A = arith.constant 0 : index
    %swap3A_88 = arith.constant 0 : index
    %swap3A_89 = vector.load %arg12[%swap3A, %swap3A_88] : memref<1000x128xf32, #tpu.memory_space<vmem>>, vector<1000x128xf32>
    tpu.vector_store %arg12[%swap3A, %swap3A_88], %max3A_87 {strides = array<i32>} : memref<1000x128xf32, #tpu.memory_space<vmem>>, vector<1000x128xf32>,
    return
  }
  func.func @transform_0(%arg0: i32) -> (i32, i32) {
    %c0_i32 = arith.constant 0 : i32
    %c0_i32_0 = arith.constant 0 : i32
    return %arg0, %c0_i32 : i32, i32
  }
  func.func @transform_1(%arg0: i32) -> (i32, i32, i32) {
    %min3A = arith.constant 9 : i32
    %min3A_0 = arith.minsi %arg0, %min3A : i32
    %add3A = arith.constant 0 : i32
    %add3A_1 = arith.addi %add3A, %min3A_0 : i32
    %c0_i32 = arith.constant 0 : i32
    %c0_i32_2 = arith.constant 0 : i32
    %c0_i32_3 = arith.constant 0 : i32
    return %c0_i32, %add3A_1, %c0_i32_2 : i32, i32, i32
  }
  func.func @transform_2(%arg0: i32) -> (i32, i32, i32) {
    %min3A = arith.constant 9 : i32
    %min3A_0 = arith.minsi %arg0, %min3A : i32
    %add3A = arith.constant 24 : i32
    %add3A_1 = arith.addi %add3A, %min3A_0 : i32
    %c0_i32 = arith.constant 0 : i32
    %c0_i32_2 = arith.constant 0 : i32
    %c0_i32_3 = arith.constant 0 : i32
    return %c0_i32, %add3A_1, %c0_i32_2 : i32, i32, i32
  }
  func.func @transform_3(%arg0: i32) -> (i32, i32, i32) {
    %min3A = arith.constant 1 : i32
    %min3A_0 = arith.minsi %arg0, %min3A : i32
    %add3A = arith.constant 20 : i32
    %add3A_1 = arith.addi %add3A, %min3A_0 : i32
    %c0_i32 = arith.constant 0 : i32
    %c0_i32_2 = arith.constant 0 : i32
    %c0_i32_3 = arith.constant 0 : i32
    return %c0_i32, %add3A_1, %c0_i32_2 : i32, i32, i32
  }
  func.func @transform_4(%arg0: i32) -> (i32, i32, i32) {
    %min3A = arith.constant 1 : i32
    %min3A_0 = arith.minsi %arg0, %min3A : i32
    %add3A = arith.constant 44 : i32
    %add3A_1 = arith.addi %add3A, %min3A_0 : i32
    %c0_i32 = arith.constant 0 : i32
    %c0_i32_2 = arith.constant 0 : i32
    %c0_i32_3 = arith.constant 0 : i32
    return %c0_i32, %add3A_1, %c0_i32_2 : i32, i32, i32
  }
  func.func @transform_5(%arg0: i32) -> (i32, i32) {
    %c0_i32 = arith.constant 0 : i32
    %c0_i32_0 = arith.constant 0 : i32
    %c0_i32_1 = arith.constant 0 : i32
    return %c0_i32, %c0_i32_0 : i32, i32
  }
  func.func @transform_6(%arg0: i32) -> (i32, i32) {
    %c0_i32 = arith.constant 0 : i32
    %c0_i32_0 = arith.constant 0 : i32
    %c0_i32_1 = arith.constant 0 : i32
    return %c0_i32, %c0_i32_0 : i32, i32
  }
  func.func @transform_7(%arg0: i32) -> (i32, i32) {
    %c0_i32 = arith.constant 0 : i32
    %c0_i32_0 = arith.constant 0 : i32
    %c0_i32_1 = arith.constant 0 : i32
    return %c0_i32, %c0_i32_0 : i32, i32
  }
  func.func @transform_8(%arg0: i32) -> (i32, i32) {
    %c0_i32 = arith.constant 0 : i32
    %c0_i32_0 = arith.constant 0 : i32
    %c0_i32_1 = arith.constant 0 : i32
    return %c0_i32, %c0_i32_0 : i32, i32
  }
  func.func @transform_9(%arg0: i32) -> (i32, i32) {
    %c0_i32 = arith.constant 0 : i32
    %c0_i32_0 = arith.constant 0 : i32
    %c0_i32_1 = arith.constant 0 : i32
    return %c0_i32, %c0_i32_0 : i32, i32
  }
  func.func @transform_10(%arg0: i32) -> (i32, i32) {
    %c0_i32 = arith.constant 0 : i32
    %c0_i32_0 = arith.constant 0 : i32
    %c0_i32_1 = arith.constant 0 : i32
    return %c0_i32, %c0_i32_0 : i32, i32
  }
  func.func @transform_11(%arg0: i32) -> (i32, i32) {
    %c0_i32 = arith.constant 0 : i32
    %c0_i32_0 = arith.constant 0 : i32
    return %arg0, %c0_i32 : i32, i32
  }
}

module attributes {stable_mosaic.version = 14 : i64} {
  func.func @body(%arg0: i32, %arg1: memref<1000x128xf32, #tpu.memory_space<vmem>>, %arg2: memref<2x1000x128xf32, #tpu.memory_space<vmem>>, %arg3: memref<2x1000x128xf32, #tpu.memory_space<vmem>>, %arg4: memref<2x1000x128xf32, #tpu.memory_space<vmem>>, %arg5: memref<2x1000x128xf32, #tpu.memory_space<vmem>>, %arg6: memref<128x128xf32, #tpu.memory_space<vmem>>, %arg7: memref<128x128xf32, #tpu.memory_space<vmem>>, %arg8: memref<128x128xf32, #tpu.memory_space<vmem>>, %arg9: memref<128x128xf32, #tpu.memory_space<vmem>>, %arg10: memref<1x128xf32, #tpu.memory_space<vmem>>, %arg11: memref<1x128xf32, #tpu.memory_space<vmem>>, %arg12: memref<128x64xf32, #tpu.memory_space<vmem>>, %arg13: memref<8x128x64xf32, #tpu.memory_space<vmem>>, %arg14: memref<64x2xf32, #tpu.memory_space<vmem>>, %arg15: memref<8x64x2xf32, #tpu.memory_space<vmem>>, %arg16: memref<1000x2xf32, #tpu.memory_space<vmem>>) attributes {dimension_semantics = [#tpu.dimension_semantics<arbitrary>], iteration_bounds = array<i64: 50>, scalar_prefetch = 0 : i64, scratch_operands = 0 : i64, tpu.core_type = #tpu.core_type<tc>, window_params = [{transform_indices = @transform_0, window_bounds = array<i64: 1000, 128>}, {transform_indices = @transform_1, window_bounds = array<i64: 2, 1000, 128>}, {transform_indices = @transform_2, window_bounds = array<i64: 2, 1000, 128>}, {transform_indices = @transform_3, window_bounds = array<i64: 2, 1000, 128>}, {transform_indices = @transform_4, window_bounds = array<i64: 2, 1000, 128>}, {pipeline_mode = #tpu.pipeline_mode<synchronous>, transform_indices = @transform_5, window_bounds = array<i64: 128, 128>}, {pipeline_mode = #tpu.pipeline_mode<synchronous>, transform_indices = @transform_6, window_bounds = array<i64: 128, 128>}, {pipeline_mode = #tpu.pipeline_mode<synchronous>, transform_indices = @transform_7, window_bounds = array<i64: 128, 128>}, {pipeline_mode = #tpu.pipeline_mode<synchronous>, transform_indices = @transform_8, window_bounds = array<i64: 128, 128>}, {pipeline_mode = #tpu.pipeline_mode<synchronous>, transform_indices = @transform_9, window_bounds = array<i64: 1, 128>}, {pipeline_mode = #tpu.pipeline_mode<synchronous>, transform_indices = @transform_10, window_bounds = array<i64: 1, 128>}, {pipeline_mode = #tpu.pipeline_mode<synchronous>, transform_indices = @transform_11, window_bounds = array<i64: 128, 64>}, {pipeline_mode = #tpu.pipeline_mode<synchronous>, transform_indices = @transform_12, window_bounds = array<i64: 8, 128, 64>}, {pipeline_mode = #tpu.pipeline_mode<synchronous>, transform_indices = @transform_13, window_bounds = array<i64: 64, 2>}, {pipeline_mode = #tpu.pipeline_mode<synchronous>, transform_indices = @transform_14, window_bounds = array<i64: 8, 64, 2>}, {transform_indices = @transform_15, window_bounds = array<i64: 1000, 2>}]} {
    %get3A = arith.constant 0 : index
    %get3A_0 = arith.constant 0 : index
    %get3A_1 = vector.load %arg1[%get3A, %get3A_0] : memref<1000x128xf32, #tpu.memory_space<vmem>>, vector<1000x128xf32>
    %lt3A = arith.constant 10 : i32
    %lt3A_2 = arith.cmpi slt, %arg0, %lt3A : i32
    %jit3A = arith.constant 1.000000e+00 : f32
    %jit3A_3 = arith.constant 0.000000e+00 : f32
    %select_n3A = arith.select %lt3A_2, %jit3A, %jit3A_3 : f32
    %lt3A_4 = arith.constant 2 : i32
    %lt3A_5 = arith.cmpi slt, %arg0, %lt3A_4 : i32
    %jit3A_6 = arith.constant 1.000000e+00 : f32
    %jit3A_7 = arith.constant 0.000000e+00 : f32
    %select_n3A_8 = arith.select %lt3A_5, %jit3A_6, %jit3A_7 : f32
    %get3A_9 = arith.constant 0 : index
    %get3A_10 = arith.constant 0 : index
    %get3A_11 = arith.constant 0 : index
    %get3A_12 = vector.load %arg2[%get3A_9, %get3A_10, %get3A_11] : memref<2x1000x128xf32, #tpu.memory_space<vmem>>, vector<2x1000x128xf32>
    %get3A_13 = arith.constant 0 : index
    %get3A_14 = arith.constant 0 : index
    %get3A_15 = arith.constant 0 : index
    %get3A_16 = vector.load %arg3[%get3A_13, %get3A_14, %get3A_15] : memref<2x1000x128xf32, #tpu.memory_space<vmem>>, vector<2x1000x128xf32>
    %slice3A = vector.extract_strided_slice %get3A_12 {offsets = [0, 0, 0], sizes = [1, 1000, 128], strides = [1, 1, 1]} : vector<2x1000x128xf32> to vector<1x1000x128xf32>
    %squeeze3A = vector.shape_cast %slice3A : vector<1x1000x128xf32> to vector<1000x128xf32>
    %slice3A_17 = vector.extract_strided_slice %get3A_12 {offsets = [1, 0, 0], sizes = [1, 1000, 128], strides = [1, 1, 1]} : vector<2x1000x128xf32> to vector<1x1000x128xf32>
    %squeeze3A_18 = vector.shape_cast %slice3A_17 : vector<1x1000x128xf32> to vector<1000x128xf32>
    %add3A = arith.addf %squeeze3A, %squeeze3A_18 : vector<1000x128xf32>
    %slice3A_19 = vector.extract_strided_slice %get3A_16 {offsets = [0, 0, 0], sizes = [1, 1000, 1], strides = [1, 1, 1]} : vector<2x1000x128xf32> to vector<1x1000x1xf32>
    %squeeze3A_20 = vector.shape_cast %slice3A_19 : vector<1x1000x1xf32> to vector<1000x1xf32>
    %slice3A_21 = vector.extract_strided_slice %get3A_16 {offsets = [1, 0, 0], sizes = [1, 1000, 1], strides = [1, 1, 1]} : vector<2x1000x128xf32> to vector<1x1000x1xf32>
    %squeeze3A_22 = vector.shape_cast %slice3A_21 : vector<1x1000x1xf32> to vector<1000x1xf32>
    %add3A_23 = arith.addf %squeeze3A_20, %squeeze3A_22 : vector<1000x1xf32>
    %max3A = arith.constant 1.000000e+00 : f32
    %max3A_24 = vector.broadcast %max3A : f32 to vector<1000x1xf32>
    %max3A_25 = arith.maximumf %add3A_23, %max3A_24 : vector<1000x1xf32>
    %div3A = vector.broadcast %max3A_25 : vector<1000x1xf32> to vector<1000x128xf32>
    %div3A_26 = arith.divf %add3A, %div3A : vector<1000x128xf32>
    %mul3A = vector.broadcast %select_n3A : f32 to vector<1000x128xf32>
    %mul3A_27 = arith.mulf %mul3A, %div3A_26 : vector<1000x128xf32>
    %get3A_28 = arith.constant 0 : index
    %get3A_29 = arith.constant 0 : index
    %get3A_30 = vector.load %arg6[%get3A_28, %get3A_29] : memref<128x128xf32, #tpu.memory_space<vmem>>, vector<128x128xf32>
    %dot_general3A = arith.constant dense<0.000000e+00> : vector<1000x128xf32>
    %dot_general3A_31 = tpu.matmul %mul3A_27, %get3A_30, %dot_general3A {dimension_numbers = #tpu.dot_dimension_numbers<[1], [0], [0], [1], [0, 0, 1, 1], [], []>, transpose_lhs_hint = false} : vector<1000x128xf32>, vector<128x128xf32>, vector<1000x128xf32> -> vector<1000x128xf32>
    %get3A_32 = arith.constant 0 : index
    %get3A_33 = arith.constant 0 : index
    %get3A_34 = vector.load %arg10[%get3A_32, %get3A_33] : memref<1x128xf32, #tpu.memory_space<vmem>>, vector<1x128xf32>
    %add3A_35 = vector.broadcast %get3A_34 : vector<1x128xf32> to vector<1000x128xf32>
    %add3A_36 = arith.addf %dot_general3A_31, %add3A_35 : vector<1000x128xf32>
    %get3A_37 = arith.constant 0 : index
    %get3A_38 = arith.constant 0 : index
    %get3A_39 = vector.load %arg8[%get3A_37, %get3A_38] : memref<128x128xf32, #tpu.memory_space<vmem>>, vector<128x128xf32>
    %dot_general3A_40 = arith.constant dense<0.000000e+00> : vector<1000x128xf32>
    %dot_general3A_41 = tpu.matmul %get3A_1, %get3A_39, %dot_general3A_40 {dimension_numbers = #tpu.dot_dimension_numbers<[1], [0], [0], [1], [0, 0, 1, 1], [], []>, transpose_lhs_hint = false} : vector<1000x128xf32>, vector<128x128xf32>, vector<1000x128xf32> -> vector<1000x128xf32>
    %add3A_42 = arith.addf %add3A_36, %dot_general3A_41 : vector<1000x128xf32>
    %get3A_43 = arith.constant 0 : index
    %get3A_44 = arith.constant 0 : index
    %get3A_45 = arith.constant 0 : index
    %get3A_46 = vector.load %arg4[%get3A_43, %get3A_44, %get3A_45] : memref<2x1000x128xf32, #tpu.memory_space<vmem>>, vector<2x1000x128xf32>
    %get3A_47 = arith.constant 0 : index
    %get3A_48 = arith.constant 0 : index
    %get3A_49 = arith.constant 0 : index
    %get3A_50 = vector.load %arg5[%get3A_47, %get3A_48, %get3A_49] : memref<2x1000x128xf32, #tpu.memory_space<vmem>>, vector<2x1000x128xf32>
    %slice3A_51 = vector.extract_strided_slice %get3A_46 {offsets = [0, 0, 0], sizes = [1, 1000, 128], strides = [1, 1, 1]} : vector<2x1000x128xf32> to vector<1x1000x128xf32>
    %squeeze3A_52 = vector.shape_cast %slice3A_51 : vector<1x1000x128xf32> to vector<1000x128xf32>
    %slice3A_53 = vector.extract_strided_slice %get3A_46 {offsets = [1, 0, 0], sizes = [1, 1000, 128], strides = [1, 1, 1]} : vector<2x1000x128xf32> to vector<1x1000x128xf32>
    %squeeze3A_54 = vector.shape_cast %slice3A_53 : vector<1x1000x128xf32> to vector<1000x128xf32>
    %add3A_55 = arith.addf %squeeze3A_52, %squeeze3A_54 : vector<1000x128xf32>
    %slice3A_56 = vector.extract_strided_slice %get3A_50 {offsets = [0, 0, 0], sizes = [1, 1000, 1], strides = [1, 1, 1]} : vector<2x1000x128xf32> to vector<1x1000x1xf32>
    %squeeze3A_57 = vector.shape_cast %slice3A_56 : vector<1x1000x1xf32> to vector<1000x1xf32>
    %slice3A_58 = vector.extract_strided_slice %get3A_50 {offsets = [1, 0, 0], sizes = [1, 1000, 1], strides = [1, 1, 1]} : vector<2x1000x128xf32> to vector<1x1000x1xf32>
    %squeeze3A_59 = vector.shape_cast %slice3A_58 : vector<1x1000x1xf32> to vector<1000x1xf32>
    %add3A_60 = arith.addf %squeeze3A_57, %squeeze3A_59 : vector<1000x1xf32>
    %max3A_61 = arith.constant 1.000000e+00 : f32
    %max3A_62 = vector.broadcast %max3A_61 : f32 to vector<1000x1xf32>
    %max3A_63 = arith.maximumf %add3A_60, %max3A_62 : vector<1000x1xf32>
    %div3A_64 = vector.broadcast %max3A_63 : vector<1000x1xf32> to vector<1000x128xf32>
    %div3A_65 = arith.divf %add3A_55, %div3A_64 : vector<1000x128xf32>
    %mul3A_66 = vector.broadcast %select_n3A_8 : f32 to vector<1000x128xf32>
    %mul3A_67 = arith.mulf %mul3A_66, %div3A_65 : vector<1000x128xf32>
    %get3A_68 = arith.constant 0 : index
    %get3A_69 = arith.constant 0 : index
    %get3A_70 = vector.load %arg7[%get3A_68, %get3A_69] : memref<128x128xf32, #tpu.memory_space<vmem>>, vector<128x128xf32>
    %dot_general3A_71 = arith.constant dense<0.000000e+00> : vector<1000x128xf32>
    %dot_general3A_72 = tpu.matmul %mul3A_67, %get3A_70, %dot_general3A_71 {dimension_numbers = #tpu.dot_dimension_numbers<[1], [0], [0], [1], [0, 0, 1, 1], [], []>, transpose_lhs_hint = false} : vector<1000x128xf32>, vector<128x128xf32>, vector<1000x128xf32> -> vector<1000x128xf32>
    %get3A_73 = arith.constant 0 : index
    %get3A_74 = arith.constant 0 : index
    %get3A_75 = vector.load %arg11[%get3A_73, %get3A_74] : memref<1x128xf32, #tpu.memory_space<vmem>>, vector<1x128xf32>
    %add3A_76 = vector.broadcast %get3A_75 : vector<1x128xf32> to vector<1000x128xf32>
    %add3A_77 = arith.addf %dot_general3A_72, %add3A_76 : vector<1000x128xf32>
    %get3A_78 = arith.constant 0 : index
    %get3A_79 = arith.constant 0 : index
    %get3A_80 = vector.load %arg9[%get3A_78, %get3A_79] : memref<128x128xf32, #tpu.memory_space<vmem>>, vector<128x128xf32>
    %dot_general3A_81 = arith.constant dense<0.000000e+00> : vector<1000x128xf32>
    %dot_general3A_82 = tpu.matmul %get3A_1, %get3A_80, %dot_general3A_81 {dimension_numbers = #tpu.dot_dimension_numbers<[1], [0], [0], [1], [0, 0, 1, 1], [], []>, transpose_lhs_hint = false} : vector<1000x128xf32>, vector<128x128xf32>, vector<1000x128xf32> -> vector<1000x128xf32>
    %add3A_83 = arith.addf %add3A_77, %dot_general3A_82 : vector<1000x128xf32>
    %add3A_84 = arith.addf %add3A_42, %add3A_83 : vector<1000x128xf32>
    %max3A_85 = arith.constant 0.000000e+00 : f32
    %max3A_86 = vector.broadcast %max3A_85 : f32 to vector<1000x128xf32>
    %max3A_87 = arith.maximumf %add3A_84, %max3A_86 : vector<1000x128xf32>
    %neg3A = arith.constant 0.000000e+00 : f32
    %neg3A_88 = vector.broadcast %neg3A : f32 to vector<1000x128xf32>
    %neg3A_89 = arith.subf %neg3A_88, %max3A_87 : vector<1000x128xf32>
    %exp3A = math.exp %neg3A_89 : vector<1000x128xf32>
    %add3A_90 = arith.constant 1.000000e+00 : f32
    %add3A_91 = vector.broadcast %add3A_90 : f32 to vector<1000x128xf32>
    %add3A_92 = arith.addf %add3A_91, %exp3A : vector<1000x128xf32>
    %div3A_93 = arith.divf %max3A_87, %add3A_92 : vector<1000x128xf32>
    %get3A_94 = arith.constant 0 : index
    %get3A_95 = arith.constant 0 : index
    %get3A_96 = vector.load %arg12[%get3A_94, %get3A_95] : memref<128x64xf32, #tpu.memory_space<vmem>>, vector<128x64xf32>
    %dot_general3A_97 = arith.constant dense<0.000000e+00> : vector<1000x64xf32>
    %dot_general3A_98 = tpu.matmul %div3A_93, %get3A_96, %dot_general3A_97 {dimension_numbers = #tpu.dot_dimension_numbers<[1], [0], [0], [1], [0, 0, 1, 1], [], []>, transpose_lhs_hint = false} : vector<1000x128xf32>, vector<128x64xf32>, vector<1000x64xf32> -> vector<1000x64xf32>
    %ge3A = arith.constant -2.200000e+00 : f32
    %ge3A_99 = vector.broadcast %ge3A : f32 to vector<1000x128xf32>
    %ge3A_100 = arith.cmpf oge, %max3A_87, %ge3A_99 : vector<1000x128xf32>
    %lt3A_101 = arith.constant -1.800000e+00 : f32
    %lt3A_102 = vector.broadcast %lt3A_101 : f32 to vector<1000x128xf32>
    %lt3A_103 = arith.cmpf olt, %max3A_87, %lt3A_102 : vector<1000x128xf32>
    %and3A = arith.andi %ge3A_100, %lt3A_103 : vector<1000x128xi1>
    %jit3A_104 = arith.constant 1.000000e+00 : f32
    %jit3A_105 = arith.constant 0.000000e+00 : f32
    %broadcast_in_dim3A = vector.broadcast %jit3A_104 : f32 to vector<1000x128xf32>
    %broadcast_in_dim3A_106 = vector.broadcast %jit3A_105 : f32 to vector<1000x128xf32>
    %select_n3A_107 = arith.select %and3A, %broadcast_in_dim3A, %broadcast_in_dim3A_106 : vector<1000x128xi1>, vector<1000x128xf32>
    %ge3A_108 = arith.constant -1.800000e+00 : f32
    %ge3A_109 = vector.broadcast %ge3A_108 : f32 to vector<1000x128xf32>
    %ge3A_110 = arith.cmpf oge, %max3A_87, %ge3A_109 : vector<1000x128xf32>
    %lt3A_111 = arith.constant -1.400000e+00 : f32
    %lt3A_112 = vector.broadcast %lt3A_111 : f32 to vector<1000x128xf32>
    %lt3A_113 = arith.cmpf olt, %max3A_87, %lt3A_112 : vector<1000x128xf32>
    %and3A_114 = arith.andi %ge3A_110, %lt3A_113 : vector<1000x128xi1>
    %jit3A_115 = arith.constant 1.000000e+00 : f32
    %jit3A_116 = arith.constant 0.000000e+00 : f32
    %broadcast_in_dim3A_117 = vector.broadcast %jit3A_115 : f32 to vector<1000x128xf32>
    %broadcast_in_dim3A_118 = vector.broadcast %jit3A_116 : f32 to vector<1000x128xf32>
    %select_n3A_119 = arith.select %and3A_114, %broadcast_in_dim3A_117, %broadcast_in_dim3A_118 : vector<1000x128xi1>, vector<1000x128xf32>
    %ge3A_120 = arith.constant -1.400000e+00 : f32
    %ge3A_121 = vector.broadcast %ge3A_120 : f32 to vector<1000x128xf32>
    %ge3A_122 = arith.cmpf oge, %max3A_87, %ge3A_121 : vector<1000x128xf32>
    %lt3A_123 = arith.constant -1.000000e+00 : f32
    %lt3A_124 = vector.broadcast %lt3A_123 : f32 to vector<1000x128xf32>
    %lt3A_125 = arith.cmpf olt, %max3A_87, %lt3A_124 : vector<1000x128xf32>
    %and3A_126 = arith.andi %ge3A_122, %lt3A_125 : vector<1000x128xi1>
    %jit3A_127 = arith.constant 1.000000e+00 : f32
    %jit3A_128 = arith.constant 0.000000e+00 : f32
    %broadcast_in_dim3A_129 = vector.broadcast %jit3A_127 : f32 to vector<1000x128xf32>
    %broadcast_in_dim3A_130 = vector.broadcast %jit3A_128 : f32 to vector<1000x128xf32>
    %select_n3A_131 = arith.select %and3A_126, %broadcast_in_dim3A_129, %broadcast_in_dim3A_130 : vector<1000x128xi1>, vector<1000x128xf32>
    %ge3A_132 = arith.constant -1.000000e+00 : f32
    %ge3A_133 = vector.broadcast %ge3A_132 : f32 to vector<1000x128xf32>
    %ge3A_134 = arith.cmpf oge, %max3A_87, %ge3A_133 : vector<1000x128xf32>
    %lt3A_135 = arith.constant -6.000000e-01 : f32
    %lt3A_136 = vector.broadcast %lt3A_135 : f32 to vector<1000x128xf32>
    %lt3A_137 = arith.cmpf olt, %max3A_87, %lt3A_136 : vector<1000x128xf32>
    %and3A_138 = arith.andi %ge3A_134, %lt3A_137 : vector<1000x128xi1>
    %jit3A_139 = arith.constant 1.000000e+00 : f32
    %jit3A_140 = arith.constant 0.000000e+00 : f32
    %broadcast_in_dim3A_141 = vector.broadcast %jit3A_139 : f32 to vector<1000x128xf32>
    %broadcast_in_dim3A_142 = vector.broadcast %jit3A_140 : f32 to vector<1000x128xf32>
    %select_n3A_143 = arith.select %and3A_138, %broadcast_in_dim3A_141, %broadcast_in_dim3A_142 : vector<1000x128xi1>, vector<1000x128xf32>
    %ge3A_144 = arith.constant -6.000000e-01 : f32
    %ge3A_145 = vector.broadcast %ge3A_144 : f32 to vector<1000x128xf32>
    %ge3A_146 = arith.cmpf oge, %max3A_87, %ge3A_145 : vector<1000x128xf32>
    %lt3A_147 = arith.constant -0.199999988 : f32
    %lt3A_148 = vector.broadcast %lt3A_147 : f32 to vector<1000x128xf32>
    %lt3A_149 = arith.cmpf olt, %max3A_87, %lt3A_148 : vector<1000x128xf32>
    %and3A_150 = arith.andi %ge3A_146, %lt3A_149 : vector<1000x128xi1>
    %jit3A_151 = arith.constant 1.000000e+00 : f32
    %jit3A_152 = arith.constant 0.000000e+00 : f32
    %broadcast_in_dim3A_153 = vector.broadcast %jit3A_151 : f32 to vector<1000x128xf32>
    %broadcast_in_dim3A_154 = vector.broadcast %jit3A_152 : f32 to vector<1000x128xf32>
    %select_n3A_155 = arith.select %and3A_150, %broadcast_in_dim3A_153, %broadcast_in_dim3A_154 : vector<1000x128xi1>, vector<1000x128xf32>
    %ge3A_156 = arith.constant -0.199999988 : f32
    %ge3A_157 = vector.broadcast %ge3A_156 : f32 to vector<1000x128xf32>
    %ge3A_158 = arith.cmpf oge, %max3A_87, %ge3A_157 : vector<1000x128xf32>
    %lt3A_159 = arith.constant 0.200000048 : f32
    %lt3A_160 = vector.broadcast %lt3A_159 : f32 to vector<1000x128xf32>
    %lt3A_161 = arith.cmpf olt, %max3A_87, %lt3A_160 : vector<1000x128xf32>
    %and3A_162 = arith.andi %ge3A_158, %lt3A_161 : vector<1000x128xi1>
    %jit3A_163 = arith.constant 1.000000e+00 : f32
    %jit3A_164 = arith.constant 0.000000e+00 : f32
    %broadcast_in_dim3A_165 = vector.broadcast %jit3A_163 : f32 to vector<1000x128xf32>
    %broadcast_in_dim3A_166 = vector.broadcast %jit3A_164 : f32 to vector<1000x128xf32>
    %select_n3A_167 = arith.select %and3A_162, %broadcast_in_dim3A_165, %broadcast_in_dim3A_166 : vector<1000x128xi1>, vector<1000x128xf32>
    %ge3A_168 = arith.constant 0.200000048 : f32
    %ge3A_169 = vector.broadcast %ge3A_168 : f32 to vector<1000x128xf32>
    %ge3A_170 = arith.cmpf oge, %max3A_87, %ge3A_169 : vector<1000x128xf32>
    %lt3A_171 = arith.constant 6.000000e-01 : f32
    %lt3A_172 = vector.broadcast %lt3A_171 : f32 to vector<1000x128xf32>
    %lt3A_173 = arith.cmpf olt, %max3A_87, %lt3A_172 : vector<1000x128xf32>
    %and3A_174 = arith.andi %ge3A_170, %lt3A_173 : vector<1000x128xi1>
    %jit3A_175 = arith.constant 1.000000e+00 : f32
    %jit3A_176 = arith.constant 0.000000e+00 : f32
    %broadcast_in_dim3A_177 = vector.broadcast %jit3A_175 : f32 to vector<1000x128xf32>
    %broadcast_in_dim3A_178 = vector.broadcast %jit3A_176 : f32 to vector<1000x128xf32>
    %select_n3A_179 = arith.select %and3A_174, %broadcast_in_dim3A_177, %broadcast_in_dim3A_178 : vector<1000x128xi1>, vector<1000x128xf32>
    %ge3A_180 = arith.constant 6.000000e-01 : f32
    %ge3A_181 = vector.broadcast %ge3A_180 : f32 to vector<1000x128xf32>
    %ge3A_182 = arith.cmpf oge, %max3A_87, %ge3A_181 : vector<1000x128xf32>
    %lt3A_183 = arith.constant 1.000000e+00 : f32
    %lt3A_184 = vector.broadcast %lt3A_183 : f32 to vector<1000x128xf32>
    %lt3A_185 = arith.cmpf olt, %max3A_87, %lt3A_184 : vector<1000x128xf32>
    %and3A_186 = arith.andi %ge3A_182, %lt3A_185 : vector<1000x128xi1>
    %jit3A_187 = arith.constant 1.000000e+00 : f32
    %jit3A_188 = arith.constant 0.000000e+00 : f32
    %broadcast_in_dim3A_189 = vector.broadcast %jit3A_187 : f32 to vector<1000x128xf32>
    %broadcast_in_dim3A_190 = vector.broadcast %jit3A_188 : f32 to vector<1000x128xf32>
    %select_n3A_191 = arith.select %and3A_186, %broadcast_in_dim3A_189, %broadcast_in_dim3A_190 : vector<1000x128xi1>, vector<1000x128xf32>
    %ge3A_192 = arith.constant 1.000000e+00 : f32
    %ge3A_193 = vector.broadcast %ge3A_192 : f32 to vector<1000x128xf32>
    %ge3A_194 = arith.cmpf oge, %max3A_87, %ge3A_193 : vector<1000x128xf32>
    %lt3A_195 = arith.constant 1.4000001 : f32
    %lt3A_196 = vector.broadcast %lt3A_195 : f32 to vector<1000x128xf32>
    %lt3A_197 = arith.cmpf olt, %max3A_87, %lt3A_196 : vector<1000x128xf32>
    %and3A_198 = arith.andi %ge3A_194, %lt3A_197 : vector<1000x128xi1>
    %jit3A_199 = arith.constant 1.000000e+00 : f32
    %jit3A_200 = arith.constant 0.000000e+00 : f32
    %broadcast_in_dim3A_201 = vector.broadcast %jit3A_199 : f32 to vector<1000x128xf32>
    %broadcast_in_dim3A_202 = vector.broadcast %jit3A_200 : f32 to vector<1000x128xf32>
    %select_n3A_203 = arith.select %and3A_198, %broadcast_in_dim3A_201, %broadcast_in_dim3A_202 : vector<1000x128xi1>, vector<1000x128xf32>
    %ge3A_204 = arith.constant 1.4000001 : f32
    %ge3A_205 = vector.broadcast %ge3A_204 : f32 to vector<1000x128xf32>
    %ge3A_206 = arith.cmpf oge, %max3A_87, %ge3A_205 : vector<1000x128xf32>
    %lt3A_207 = arith.constant 1.800000e+00 : f32
    %lt3A_208 = vector.broadcast %lt3A_207 : f32 to vector<1000x128xf32>
    %lt3A_209 = arith.cmpf olt, %max3A_87, %lt3A_208 : vector<1000x128xf32>
    %and3A_210 = arith.andi %ge3A_206, %lt3A_209 : vector<1000x128xi1>
    %jit3A_211 = arith.constant 1.000000e+00 : f32
    %jit3A_212 = arith.constant 0.000000e+00 : f32
    %broadcast_in_dim3A_213 = vector.broadcast %jit3A_211 : f32 to vector<1000x128xf32>
    %broadcast_in_dim3A_214 = vector.broadcast %jit3A_212 : f32 to vector<1000x128xf32>
    %select_n3A_215 = arith.select %and3A_210, %broadcast_in_dim3A_213, %broadcast_in_dim3A_214 : vector<1000x128xi1>, vector<1000x128xf32>
    %ge3A_216 = arith.constant 1.800000e+00 : f32
    %ge3A_217 = vector.broadcast %ge3A_216 : f32 to vector<1000x128xf32>
    %ge3A_218 = arith.cmpf oge, %max3A_87, %ge3A_217 : vector<1000x128xf32>
    %lt3A_219 = arith.constant 2.200000e+00 : f32
    %lt3A_220 = vector.broadcast %lt3A_219 : f32 to vector<1000x128xf32>
    %lt3A_221 = arith.cmpf olt, %max3A_87, %lt3A_220 : vector<1000x128xf32>
    %and3A_222 = arith.andi %ge3A_218, %lt3A_221 : vector<1000x128xi1>
    %jit3A_223 = arith.constant 1.000000e+00 : f32
    %jit3A_224 = arith.constant 0.000000e+00 : f32
    %broadcast_in_dim3A_225 = vector.broadcast %jit3A_223 : f32 to vector<1000x128xf32>
    %broadcast_in_dim3A_226 = vector.broadcast %jit3A_224 : f32 to vector<1000x128xf32>
    %select_n3A_227 = arith.select %and3A_222, %broadcast_in_dim3A_225, %broadcast_in_dim3A_226 : vector<1000x128xi1>, vector<1000x128xf32>
    %sub3A = arith.constant -2.200000e+00 : f32
    %sub3A_228 = vector.broadcast %sub3A : f32 to vector<1000x128xf32>
    %sub3A_229 = arith.subf %max3A_87, %sub3A_228 : vector<1000x128xf32>
    %mul3A_230 = arith.constant 2.49999952 : f32
    %mul3A_231 = vector.broadcast %mul3A_230 : f32 to vector<1000x128xf32>
    %mul3A_232 = arith.mulf %sub3A_229, %mul3A_231 : vector<1000x128xf32>
    %mul3A_233 = arith.mulf %mul3A_232, %select_n3A_107 : vector<1000x128xf32>
    %sub3A_234 = arith.constant -1.400000e+00 : f32
    %sub3A_235 = vector.broadcast %sub3A_234 : f32 to vector<1000x128xf32>
    %sub3A_236 = arith.subf %sub3A_235, %max3A_87 : vector<1000x128xf32>
    %mul3A_237 = arith.constant 2.50000024 : f32
    %mul3A_238 = vector.broadcast %mul3A_237 : f32 to vector<1000x128xf32>
    %mul3A_239 = arith.mulf %sub3A_236, %mul3A_238 : vector<1000x128xf32>
    %mul3A_240 = arith.mulf %mul3A_239, %select_n3A_119 : vector<1000x128xf32>
    %add3A_241 = arith.addf %mul3A_233, %mul3A_240 : vector<1000x128xf32>
    %sub3A_242 = arith.constant -1.800000e+00 : f32
    %sub3A_243 = vector.broadcast %sub3A_242 : f32 to vector<1000x128xf32>
    %sub3A_244 = arith.subf %max3A_87, %sub3A_243 : vector<1000x128xf32>
    %mul3A_245 = arith.constant 2.50000024 : f32
    %mul3A_246 = vector.broadcast %mul3A_245 : f32 to vector<1000x128xf32>
    %mul3A_247 = arith.mulf %sub3A_244, %mul3A_246 : vector<1000x128xf32>
    %mul3A_248 = arith.mulf %mul3A_247, %select_n3A_119 : vector<1000x128xf32>
    %sub3A_249 = arith.constant -1.000000e+00 : f32
    %sub3A_250 = vector.broadcast %sub3A_249 : f32 to vector<1000x128xf32>
    %sub3A_251 = arith.subf %sub3A_250, %max3A_87 : vector<1000x128xf32>
    %mul3A_252 = arith.constant 2.50000024 : f32
    %mul3A_253 = vector.broadcast %mul3A_252 : f32 to vector<1000x128xf32>
    %mul3A_254 = arith.mulf %sub3A_251, %mul3A_253 : vector<1000x128xf32>
    %mul3A_255 = arith.mulf %mul3A_254, %select_n3A_131 : vector<1000x128xf32>
    %add3A_256 = arith.addf %mul3A_248, %mul3A_255 : vector<1000x128xf32>
    %sub3A_257 = arith.constant -1.400000e+00 : f32
    %sub3A_258 = vector.broadcast %sub3A_257 : f32 to vector<1000x128xf32>
    %sub3A_259 = arith.subf %max3A_87, %sub3A_258 : vector<1000x128xf32>
    %mul3A_260 = arith.constant 2.50000024 : f32
    %mul3A_261 = vector.broadcast %mul3A_260 : f32 to vector<1000x128xf32>
    %mul3A_262 = arith.mulf %sub3A_259, %mul3A_261 : vector<1000x128xf32>
    %mul3A_263 = arith.mulf %mul3A_262, %select_n3A_131 : vector<1000x128xf32>
    %sub3A_264 = arith.constant -6.000000e-01 : f32
    %sub3A_265 = vector.broadcast %sub3A_264 : f32 to vector<1000x128xf32>
    %sub3A_266 = arith.subf %sub3A_265, %max3A_87 : vector<1000x128xf32>
    %mul3A_267 = arith.constant 2.50000024 : f32
    %mul3A_268 = vector.broadcast %mul3A_267 : f32 to vector<1000x128xf32>
    %mul3A_269 = arith.mulf %sub3A_266, %mul3A_268 : vector<1000x128xf32>
    %mul3A_270 = arith.mulf %mul3A_269, %select_n3A_143 : vector<1000x128xf32>
    %add3A_271 = arith.addf %mul3A_263, %mul3A_270 : vector<1000x128xf32>
    %sub3A_272 = arith.constant -1.000000e+00 : f32
    %sub3A_273 = vector.broadcast %sub3A_272 : f32 to vector<1000x128xf32>
    %sub3A_274 = arith.subf %max3A_87, %sub3A_273 : vector<1000x128xf32>
    %mul3A_275 = arith.constant 2.50000024 : f32
    %mul3A_276 = vector.broadcast %mul3A_275 : f32 to vector<1000x128xf32>
    %mul3A_277 = arith.mulf %sub3A_274, %mul3A_276 : vector<1000x128xf32>
    %mul3A_278 = arith.mulf %mul3A_277, %select_n3A_143 : vector<1000x128xf32>
    %sub3A_279 = arith.constant -0.199999988 : f32
    %sub3A_280 = vector.broadcast %sub3A_279 : f32 to vector<1000x128xf32>
    %sub3A_281 = arith.subf %sub3A_280, %max3A_87 : vector<1000x128xf32>
    %mul3A_282 = arith.constant 2.49999976 : f32
    %mul3A_283 = vector.broadcast %mul3A_282 : f32 to vector<1000x128xf32>
    %mul3A_284 = arith.mulf %sub3A_281, %mul3A_283 : vector<1000x128xf32>
    %mul3A_285 = arith.mulf %mul3A_284, %select_n3A_155 : vector<1000x128xf32>
    %add3A_286 = arith.addf %mul3A_278, %mul3A_285 : vector<1000x128xf32>
    %sub3A_287 = arith.constant -6.000000e-01 : f32
    %sub3A_288 = vector.broadcast %sub3A_287 : f32 to vector<1000x128xf32>
    %sub3A_289 = arith.subf %max3A_87, %sub3A_288 : vector<1000x128xf32>
    %mul3A_290 = arith.constant 2.49999976 : f32
    %mul3A_291 = vector.broadcast %mul3A_290 : f32 to vector<1000x128xf32>
    %mul3A_292 = arith.mulf %sub3A_289, %mul3A_291 : vector<1000x128xf32>
    %mul3A_293 = arith.mulf %mul3A_292, %select_n3A_155 : vector<1000x128xf32>
    %sub3A_294 = arith.constant 0.200000048 : f32
    %sub3A_295 = vector.broadcast %sub3A_294 : f32 to vector<1000x128xf32>
    %sub3A_296 = arith.subf %sub3A_295, %max3A_87 : vector<1000x128xf32>
    %mul3A_297 = arith.constant 2.49999976 : f32
    %mul3A_298 = vector.broadcast %mul3A_297 : f32 to vector<1000x128xf32>
    %mul3A_299 = arith.mulf %sub3A_296, %mul3A_298 : vector<1000x128xf32>
    %mul3A_300 = arith.mulf %mul3A_299, %select_n3A_167 : vector<1000x128xf32>
    %add3A_301 = arith.addf %mul3A_293, %mul3A_300 : vector<1000x128xf32>
    %sub3A_302 = arith.constant -0.199999988 : f32
    %sub3A_303 = vector.broadcast %sub3A_302 : f32 to vector<1000x128xf32>
    %sub3A_304 = arith.subf %max3A_87, %sub3A_303 : vector<1000x128xf32>
    %mul3A_305 = arith.constant 2.49999976 : f32
    %mul3A_306 = vector.broadcast %mul3A_305 : f32 to vector<1000x128xf32>
    %mul3A_307 = arith.mulf %sub3A_304, %mul3A_306 : vector<1000x128xf32>
    %mul3A_308 = arith.mulf %mul3A_307, %select_n3A_167 : vector<1000x128xf32>
    %sub3A_309 = arith.constant 6.000000e-01 : f32
    %sub3A_310 = vector.broadcast %sub3A_309 : f32 to vector<1000x128xf32>
    %sub3A_311 = arith.subf %sub3A_310, %max3A_87 : vector<1000x128xf32>
    %mul3A_312 = arith.constant 2.50000024 : f32
    %mul3A_313 = vector.broadcast %mul3A_312 : f32 to vector<1000x128xf32>
    %mul3A_314 = arith.mulf %sub3A_311, %mul3A_313 : vector<1000x128xf32>
    %mul3A_315 = arith.mulf %mul3A_314, %select_n3A_179 : vector<1000x128xf32>
    %add3A_316 = arith.addf %mul3A_308, %mul3A_315 : vector<1000x128xf32>
    %sub3A_317 = arith.constant 0.200000048 : f32
    %sub3A_318 = vector.broadcast %sub3A_317 : f32 to vector<1000x128xf32>
    %sub3A_319 = arith.subf %max3A_87, %sub3A_318 : vector<1000x128xf32>
    %mul3A_320 = arith.constant 2.50000024 : f32
    %mul3A_321 = vector.broadcast %mul3A_320 : f32 to vector<1000x128xf32>
    %mul3A_322 = arith.mulf %sub3A_319, %mul3A_321 : vector<1000x128xf32>
    %mul3A_323 = arith.mulf %mul3A_322, %select_n3A_179 : vector<1000x128xf32>
    %sub3A_324 = arith.constant 1.000000e+00 : f32
    %sub3A_325 = vector.broadcast %sub3A_324 : f32 to vector<1000x128xf32>
    %sub3A_326 = arith.subf %sub3A_325, %max3A_87 : vector<1000x128xf32>
    %mul3A_327 = arith.constant 2.50000024 : f32
    %mul3A_328 = vector.broadcast %mul3A_327 : f32 to vector<1000x128xf32>
    %mul3A_329 = arith.mulf %sub3A_326, %mul3A_328 : vector<1000x128xf32>
    %mul3A_330 = arith.mulf %mul3A_329, %select_n3A_191 : vector<1000x128xf32>
    %add3A_331 = arith.addf %mul3A_323, %mul3A_330 : vector<1000x128xf32>
    %sub3A_332 = arith.constant 6.000000e-01 : f32
    %sub3A_333 = vector.broadcast %sub3A_332 : f32 to vector<1000x128xf32>
    %sub3A_334 = arith.subf %max3A_87, %sub3A_333 : vector<1000x128xf32>
    %mul3A_335 = arith.constant 2.50000024 : f32
    %mul3A_336 = vector.broadcast %mul3A_335 : f32 to vector<1000x128xf32>
    %mul3A_337 = arith.mulf %sub3A_334, %mul3A_336 : vector<1000x128xf32>
    %mul3A_338 = arith.mulf %mul3A_337, %select_n3A_191 : vector<1000x128xf32>
    %sub3A_339 = arith.constant 1.4000001 : f32
    %sub3A_340 = vector.broadcast %sub3A_339 : f32 to vector<1000x128xf32>
    %sub3A_341 = arith.subf %sub3A_340, %max3A_87 : vector<1000x128xf32>
    %mul3A_342 = arith.constant 2.49999952 : f32
    %mul3A_343 = vector.broadcast %mul3A_342 : f32 to vector<1000x128xf32>
    %mul3A_344 = arith.mulf %sub3A_341, %mul3A_343 : vector<1000x128xf32>
    %mul3A_345 = arith.mulf %mul3A_344, %select_n3A_203 : vector<1000x128xf32>
    %add3A_346 = arith.addf %mul3A_338, %mul3A_345 : vector<1000x128xf32>
    %sub3A_347 = arith.constant 1.000000e+00 : f32
    %sub3A_348 = vector.broadcast %sub3A_347 : f32 to vector<1000x128xf32>
    %sub3A_349 = arith.subf %max3A_87, %sub3A_348 : vector<1000x128xf32>
    %mul3A_350 = arith.constant 2.49999952 : f32
    %mul3A_351 = vector.broadcast %mul3A_350 : f32 to vector<1000x128xf32>
    %mul3A_352 = arith.mulf %sub3A_349, %mul3A_351 : vector<1000x128xf32>
    %mul3A_353 = arith.mulf %mul3A_352, %select_n3A_203 : vector<1000x128xf32>
    %sub3A_354 = arith.constant 1.800000e+00 : f32
    %sub3A_355 = vector.broadcast %sub3A_354 : f32 to vector<1000x128xf32>
    %sub3A_356 = arith.subf %sub3A_355, %max3A_87 : vector<1000x128xf32>
    %mul3A_357 = arith.constant 2.50000095 : f32
    %mul3A_358 = vector.broadcast %mul3A_357 : f32 to vector<1000x128xf32>
    %mul3A_359 = arith.mulf %sub3A_356, %mul3A_358 : vector<1000x128xf32>
    %mul3A_360 = arith.mulf %mul3A_359, %select_n3A_215 : vector<1000x128xf32>
    %add3A_361 = arith.addf %mul3A_353, %mul3A_360 : vector<1000x128xf32>
    %sub3A_362 = arith.constant 1.4000001 : f32
    %sub3A_363 = vector.broadcast %sub3A_362 : f32 to vector<1000x128xf32>
    %sub3A_364 = arith.subf %max3A_87, %sub3A_363 : vector<1000x128xf32>
    %mul3A_365 = arith.constant 2.50000095 : f32
    %mul3A_366 = vector.broadcast %mul3A_365 : f32 to vector<1000x128xf32>
    %mul3A_367 = arith.mulf %sub3A_364, %mul3A_366 : vector<1000x128xf32>
    %mul3A_368 = arith.mulf %mul3A_367, %select_n3A_215 : vector<1000x128xf32>
    %sub3A_369 = arith.constant 2.200000e+00 : f32
    %sub3A_370 = vector.broadcast %sub3A_369 : f32 to vector<1000x128xf32>
    %sub3A_371 = arith.subf %sub3A_370, %max3A_87 : vector<1000x128xf32>
    %mul3A_372 = arith.constant 2.49999952 : f32
    %mul3A_373 = vector.broadcast %mul3A_372 : f32 to vector<1000x128xf32>
    %mul3A_374 = arith.mulf %sub3A_371, %mul3A_373 : vector<1000x128xf32>
    %mul3A_375 = arith.mulf %mul3A_374, %select_n3A_227 : vector<1000x128xf32>
    %add3A_376 = arith.addf %mul3A_368, %mul3A_375 : vector<1000x128xf32>
    %sub3A_377 = arith.constant -2.200000e+00 : f32
    %sub3A_378 = vector.broadcast %sub3A_377 : f32 to vector<1000x128xf32>
    %sub3A_379 = arith.subf %max3A_87, %sub3A_378 : vector<1000x128xf32>
    %mul3A_380 = arith.constant 1.24999988 : f32
    %mul3A_381 = vector.broadcast %mul3A_380 : f32 to vector<1000x128xf32>
    %mul3A_382 = arith.mulf %sub3A_379, %mul3A_381 : vector<1000x128xf32>
    %mul3A_383 = arith.mulf %mul3A_382, %add3A_241 : vector<1000x128xf32>
    %sub3A_384 = arith.constant -1.000000e+00 : f32
    %sub3A_385 = vector.broadcast %sub3A_384 : f32 to vector<1000x128xf32>
    %sub3A_386 = arith.subf %sub3A_385, %max3A_87 : vector<1000x128xf32>
    %mul3A_387 = arith.constant 1.25000012 : f32
    %mul3A_388 = vector.broadcast %mul3A_387 : f32 to vector<1000x128xf32>
    %mul3A_389 = arith.mulf %sub3A_386, %mul3A_388 : vector<1000x128xf32>
    %mul3A_390 = arith.mulf %mul3A_389, %add3A_256 : vector<1000x128xf32>
    %add3A_391 = arith.addf %mul3A_383, %mul3A_390 : vector<1000x128xf32>
    %sub3A_392 = arith.constant -1.800000e+00 : f32
    %sub3A_393 = vector.broadcast %sub3A_392 : f32 to vector<1000x128xf32>
    %sub3A_394 = arith.subf %max3A_87, %sub3A_393 : vector<1000x128xf32>
    %mul3A_395 = arith.constant 1.25000012 : f32
    %mul3A_396 = vector.broadcast %mul3A_395 : f32 to vector<1000x128xf32>
    %mul3A_397 = arith.mulf %sub3A_394, %mul3A_396 : vector<1000x128xf32>
    %mul3A_398 = arith.mulf %mul3A_397, %add3A_256 : vector<1000x128xf32>
    %sub3A_399 = arith.constant -6.000000e-01 : f32
    %sub3A_400 = vector.broadcast %sub3A_399 : f32 to vector<1000x128xf32>
    %sub3A_401 = arith.subf %sub3A_400, %max3A_87 : vector<1000x128xf32>
    %mul3A_402 = arith.constant 1.25000012 : f32
    %mul3A_403 = vector.broadcast %mul3A_402 : f32 to vector<1000x128xf32>
    %mul3A_404 = arith.mulf %sub3A_401, %mul3A_403 : vector<1000x128xf32>
    %mul3A_405 = arith.mulf %mul3A_404, %add3A_271 : vector<1000x128xf32>
    %add3A_406 = arith.addf %mul3A_398, %mul3A_405 : vector<1000x128xf32>
    %sub3A_407 = arith.constant -1.400000e+00 : f32
    %sub3A_408 = vector.broadcast %sub3A_407 : f32 to vector<1000x128xf32>
    %sub3A_409 = arith.subf %max3A_87, %sub3A_408 : vector<1000x128xf32>
    %mul3A_410 = arith.constant 1.25000012 : f32
    %mul3A_411 = vector.broadcast %mul3A_410 : f32 to vector<1000x128xf32>
    %mul3A_412 = arith.mulf %sub3A_409, %mul3A_411 : vector<1000x128xf32>
    %mul3A_413 = arith.mulf %mul3A_412, %add3A_271 : vector<1000x128xf32>
    %sub3A_414 = arith.constant -0.199999988 : f32
    %sub3A_415 = vector.broadcast %sub3A_414 : f32 to vector<1000x128xf32>
    %sub3A_416 = arith.subf %sub3A_415, %max3A_87 : vector<1000x128xf32>
    %mul3A_417 = arith.constant 1.250000e+00 : f32
    %mul3A_418 = vector.broadcast %mul3A_417 : f32 to vector<1000x128xf32>
    %mul3A_419 = arith.mulf %sub3A_416, %mul3A_418 : vector<1000x128xf32>
    %mul3A_420 = arith.mulf %mul3A_419, %add3A_286 : vector<1000x128xf32>
    %add3A_421 = arith.addf %mul3A_413, %mul3A_420 : vector<1000x128xf32>
    %sub3A_422 = arith.constant -1.000000e+00 : f32
    %sub3A_423 = vector.broadcast %sub3A_422 : f32 to vector<1000x128xf32>
    %sub3A_424 = arith.subf %max3A_87, %sub3A_423 : vector<1000x128xf32>
    %mul3A_425 = arith.constant 1.250000e+00 : f32
    %mul3A_426 = vector.broadcast %mul3A_425 : f32 to vector<1000x128xf32>
    %mul3A_427 = arith.mulf %sub3A_424, %mul3A_426 : vector<1000x128xf32>
    %mul3A_428 = arith.mulf %mul3A_427, %add3A_286 : vector<1000x128xf32>
    %sub3A_429 = arith.constant 0.200000048 : f32
    %sub3A_430 = vector.broadcast %sub3A_429 : f32 to vector<1000x128xf32>
    %sub3A_431 = arith.subf %sub3A_430, %max3A_87 : vector<1000x128xf32>
    %mul3A_432 = arith.constant 1.24999988 : f32
    %mul3A_433 = vector.broadcast %mul3A_432 : f32 to vector<1000x128xf32>
    %mul3A_434 = arith.mulf %sub3A_431, %mul3A_433 : vector<1000x128xf32>
    %mul3A_435 = arith.mulf %mul3A_434, %add3A_301 : vector<1000x128xf32>
    %add3A_436 = arith.addf %mul3A_428, %mul3A_435 : vector<1000x128xf32>
    %sub3A_437 = arith.constant -6.000000e-01 : f32
    %sub3A_438 = vector.broadcast %sub3A_437 : f32 to vector<1000x128xf32>
    %sub3A_439 = arith.subf %max3A_87, %sub3A_438 : vector<1000x128xf32>
    %mul3A_440 = arith.constant 1.24999988 : f32
    %mul3A_441 = vector.broadcast %mul3A_440 : f32 to vector<1000x128xf32>
    %mul3A_442 = arith.mulf %sub3A_439, %mul3A_441 : vector<1000x128xf32>
    %mul3A_443 = arith.mulf %mul3A_442, %add3A_301 : vector<1000x128xf32>
    %sub3A_444 = arith.constant 6.000000e-01 : f32
    %sub3A_445 = vector.broadcast %sub3A_444 : f32 to vector<1000x128xf32>
    %sub3A_446 = arith.subf %sub3A_445, %max3A_87 : vector<1000x128xf32>
    %mul3A_447 = arith.constant 1.250000e+00 : f32
    %mul3A_448 = vector.broadcast %mul3A_447 : f32 to vector<1000x128xf32>
    %mul3A_449 = arith.mulf %sub3A_446, %mul3A_448 : vector<1000x128xf32>
    %mul3A_450 = arith.mulf %mul3A_449, %add3A_316 : vector<1000x128xf32>
    %add3A_451 = arith.addf %mul3A_443, %mul3A_450 : vector<1000x128xf32>
    %sub3A_452 = arith.constant -0.199999988 : f32
    %sub3A_453 = vector.broadcast %sub3A_452 : f32 to vector<1000x128xf32>
    %sub3A_454 = arith.subf %max3A_87, %sub3A_453 : vector<1000x128xf32>
    %mul3A_455 = arith.constant 1.250000e+00 : f32
    %mul3A_456 = vector.broadcast %mul3A_455 : f32 to vector<1000x128xf32>
    %mul3A_457 = arith.mulf %sub3A_454, %mul3A_456 : vector<1000x128xf32>
    %mul3A_458 = arith.mulf %mul3A_457, %add3A_316 : vector<1000x128xf32>
    %sub3A_459 = arith.constant 1.000000e+00 : f32
    %sub3A_460 = vector.broadcast %sub3A_459 : f32 to vector<1000x128xf32>
    %sub3A_461 = arith.subf %sub3A_460, %max3A_87 : vector<1000x128xf32>
    %mul3A_462 = arith.constant 1.25000012 : f32
    %mul3A_463 = vector.broadcast %mul3A_462 : f32 to vector<1000x128xf32>
    %mul3A_464 = arith.mulf %sub3A_461, %mul3A_463 : vector<1000x128xf32>
    %mul3A_465 = arith.mulf %mul3A_464, %add3A_331 : vector<1000x128xf32>
    %add3A_466 = arith.addf %mul3A_458, %mul3A_465 : vector<1000x128xf32>
    %sub3A_467 = arith.constant 0.200000048 : f32
    %sub3A_468 = vector.broadcast %sub3A_467 : f32 to vector<1000x128xf32>
    %sub3A_469 = arith.subf %max3A_87, %sub3A_468 : vector<1000x128xf32>
    %mul3A_470 = arith.constant 1.25000012 : f32
    %mul3A_471 = vector.broadcast %mul3A_470 : f32 to vector<1000x128xf32>
    %mul3A_472 = arith.mulf %sub3A_469, %mul3A_471 : vector<1000x128xf32>
    %mul3A_473 = arith.mulf %mul3A_472, %add3A_331 : vector<1000x128xf32>
    %sub3A_474 = arith.constant 1.4000001 : f32
    %sub3A_475 = vector.broadcast %sub3A_474 : f32 to vector<1000x128xf32>
    %sub3A_476 = arith.subf %sub3A_475, %max3A_87 : vector<1000x128xf32>
    %mul3A_477 = arith.constant 1.24999988 : f32
    %mul3A_478 = vector.broadcast %mul3A_477 : f32 to vector<1000x128xf32>
    %mul3A_479 = arith.mulf %sub3A_476, %mul3A_478 : vector<1000x128xf32>
    %mul3A_480 = arith.mulf %mul3A_479, %add3A_346 : vector<1000x128xf32>
    %add3A_481 = arith.addf %mul3A_473, %mul3A_480 : vector<1000x128xf32>
    %sub3A_482 = arith.constant 6.000000e-01 : f32
    %sub3A_483 = vector.broadcast %sub3A_482 : f32 to vector<1000x128xf32>
    %sub3A_484 = arith.subf %max3A_87, %sub3A_483 : vector<1000x128xf32>
    %mul3A_485 = arith.constant 1.24999988 : f32
    %mul3A_486 = vector.broadcast %mul3A_485 : f32 to vector<1000x128xf32>
    %mul3A_487 = arith.mulf %sub3A_484, %mul3A_486 : vector<1000x128xf32>
    %mul3A_488 = arith.mulf %mul3A_487, %add3A_346 : vector<1000x128xf32>
    %sub3A_489 = arith.constant 1.800000e+00 : f32
    %sub3A_490 = vector.broadcast %sub3A_489 : f32 to vector<1000x128xf32>
    %sub3A_491 = arith.subf %sub3A_490, %max3A_87 : vector<1000x128xf32>
    %mul3A_492 = arith.constant 1.25000012 : f32
    %mul3A_493 = vector.broadcast %mul3A_492 : f32 to vector<1000x128xf32>
    %mul3A_494 = arith.mulf %sub3A_491, %mul3A_493 : vector<1000x128xf32>
    %mul3A_495 = arith.mulf %mul3A_494, %add3A_361 : vector<1000x128xf32>
    %add3A_496 = arith.addf %mul3A_488, %mul3A_495 : vector<1000x128xf32>
    %sub3A_497 = arith.constant 1.000000e+00 : f32
    %sub3A_498 = vector.broadcast %sub3A_497 : f32 to vector<1000x128xf32>
    %sub3A_499 = arith.subf %max3A_87, %sub3A_498 : vector<1000x128xf32>
    %mul3A_500 = arith.constant 1.25000012 : f32
    %mul3A_501 = vector.broadcast %mul3A_500 : f32 to vector<1000x128xf32>
    %mul3A_502 = arith.mulf %sub3A_499, %mul3A_501 : vector<1000x128xf32>
    %mul3A_503 = arith.mulf %mul3A_502, %add3A_361 : vector<1000x128xf32>
    %sub3A_504 = arith.constant 2.200000e+00 : f32
    %sub3A_505 = vector.broadcast %sub3A_504 : f32 to vector<1000x128xf32>
    %sub3A_506 = arith.subf %sub3A_505, %max3A_87 : vector<1000x128xf32>
    %mul3A_507 = arith.constant 1.25000012 : f32
    %mul3A_508 = vector.broadcast %mul3A_507 : f32 to vector<1000x128xf32>
    %mul3A_509 = arith.mulf %sub3A_506, %mul3A_508 : vector<1000x128xf32>
    %mul3A_510 = arith.mulf %mul3A_509, %add3A_376 : vector<1000x128xf32>
    %add3A_511 = arith.addf %mul3A_503, %mul3A_510 : vector<1000x128xf32>
    %sub3A_512 = arith.constant -2.200000e+00 : f32
    %sub3A_513 = vector.broadcast %sub3A_512 : f32 to vector<1000x128xf32>
    %sub3A_514 = arith.subf %max3A_87, %sub3A_513 : vector<1000x128xf32>
    %mul3A_515 = arith.constant 0.833333313 : f32
    %mul3A_516 = vector.broadcast %mul3A_515 : f32 to vector<1000x128xf32>
    %mul3A_517 = arith.mulf %sub3A_514, %mul3A_516 : vector<1000x128xf32>
    %mul3A_518 = arith.mulf %mul3A_517, %add3A_391 : vector<1000x128xf32>
    %sub3A_519 = arith.constant -6.000000e-01 : f32
    %sub3A_520 = vector.broadcast %sub3A_519 : f32 to vector<1000x128xf32>
    %sub3A_521 = arith.subf %sub3A_520, %max3A_87 : vector<1000x128xf32>
    %mul3A_522 = arith.constant 0.833333373 : f32
    %mul3A_523 = vector.broadcast %mul3A_522 : f32 to vector<1000x128xf32>
    %mul3A_524 = arith.mulf %sub3A_521, %mul3A_523 : vector<1000x128xf32>
    %mul3A_525 = arith.mulf %mul3A_524, %add3A_406 : vector<1000x128xf32>
    %add3A_526 = arith.addf %mul3A_518, %mul3A_525 : vector<1000x128xf32>
    %sub3A_527 = arith.constant -1.800000e+00 : f32
    %sub3A_528 = vector.broadcast %sub3A_527 : f32 to vector<1000x128xf32>
    %sub3A_529 = arith.subf %max3A_87, %sub3A_528 : vector<1000x128xf32>
    %mul3A_530 = arith.constant 0.833333373 : f32
    %mul3A_531 = vector.broadcast %mul3A_530 : f32 to vector<1000x128xf32>
    %mul3A_532 = arith.mulf %sub3A_529, %mul3A_531 : vector<1000x128xf32>
    %mul3A_533 = arith.mulf %mul3A_532, %add3A_406 : vector<1000x128xf32>
    %sub3A_534 = arith.constant -0.199999988 : f32
    %sub3A_535 = vector.broadcast %sub3A_534 : f32 to vector<1000x128xf32>
    %sub3A_536 = arith.subf %sub3A_535, %max3A_87 : vector<1000x128xf32>
    %mul3A_537 = arith.constant 0.833333313 : f32
    %mul3A_538 = vector.broadcast %mul3A_537 : f32 to vector<1000x128xf32>
    %mul3A_539 = arith.mulf %sub3A_536, %mul3A_538 : vector<1000x128xf32>
    %mul3A_540 = arith.mulf %mul3A_539, %add3A_421 : vector<1000x128xf32>
    %add3A_541 = arith.addf %mul3A_533, %mul3A_540 : vector<1000x128xf32>
    %sub3A_542 = arith.constant -1.400000e+00 : f32
    %sub3A_543 = vector.broadcast %sub3A_542 : f32 to vector<1000x128xf32>
    %sub3A_544 = arith.subf %max3A_87, %sub3A_543 : vector<1000x128xf32>
    %mul3A_545 = arith.constant 0.833333313 : f32
    %mul3A_546 = vector.broadcast %mul3A_545 : f32 to vector<1000x128xf32>
    %mul3A_547 = arith.mulf %sub3A_544, %mul3A_546 : vector<1000x128xf32>
    %mul3A_548 = arith.mulf %mul3A_547, %add3A_421 : vector<1000x128xf32>
    %sub3A_549 = arith.constant 0.200000048 : f32
    %sub3A_550 = vector.broadcast %sub3A_549 : f32 to vector<1000x128xf32>
    %sub3A_551 = arith.subf %sub3A_550, %max3A_87 : vector<1000x128xf32>
    %mul3A_552 = arith.constant 0.833333313 : f32
    %mul3A_553 = vector.broadcast %mul3A_552 : f32 to vector<1000x128xf32>
    %mul3A_554 = arith.mulf %sub3A_551, %mul3A_553 : vector<1000x128xf32>
    %mul3A_555 = arith.mulf %mul3A_554, %add3A_436 : vector<1000x128xf32>
    %add3A_556 = arith.addf %mul3A_548, %mul3A_555 : vector<1000x128xf32>
    %sub3A_557 = arith.constant -1.000000e+00 : f32
    %sub3A_558 = vector.broadcast %sub3A_557 : f32 to vector<1000x128xf32>
    %sub3A_559 = arith.subf %max3A_87, %sub3A_558 : vector<1000x128xf32>
    %mul3A_560 = arith.constant 0.833333313 : f32
    %mul3A_561 = vector.broadcast %mul3A_560 : f32 to vector<1000x128xf32>
    %mul3A_562 = arith.mulf %sub3A_559, %mul3A_561 : vector<1000x128xf32>
    %mul3A_563 = arith.mulf %mul3A_562, %add3A_436 : vector<1000x128xf32>
    %sub3A_564 = arith.constant 6.000000e-01 : f32
    %sub3A_565 = vector.broadcast %sub3A_564 : f32 to vector<1000x128xf32>
    %sub3A_566 = arith.subf %sub3A_565, %max3A_87 : vector<1000x128xf32>
    %mul3A_567 = arith.constant 0.833333313 : f32
    %mul3A_568 = vector.broadcast %mul3A_567 : f32 to vector<1000x128xf32>
    %mul3A_569 = arith.mulf %sub3A_566, %mul3A_568 : vector<1000x128xf32>
    %mul3A_570 = arith.mulf %mul3A_569, %add3A_451 : vector<1000x128xf32>
    %add3A_571 = arith.addf %mul3A_563, %mul3A_570 : vector<1000x128xf32>
    %sub3A_572 = arith.constant -6.000000e-01 : f32
    %sub3A_573 = vector.broadcast %sub3A_572 : f32 to vector<1000x128xf32>
    %sub3A_574 = arith.subf %max3A_87, %sub3A_573 : vector<1000x128xf32>
    %mul3A_575 = arith.constant 0.833333313 : f32
    %mul3A_576 = vector.broadcast %mul3A_575 : f32 to vector<1000x128xf32>
    %mul3A_577 = arith.mulf %sub3A_574, %mul3A_576 : vector<1000x128xf32>
    %mul3A_578 = arith.mulf %mul3A_577, %add3A_451 : vector<1000x128xf32>
    %sub3A_579 = arith.constant 1.000000e+00 : f32
    %sub3A_580 = vector.broadcast %sub3A_579 : f32 to vector<1000x128xf32>
    %sub3A_581 = arith.subf %sub3A_580, %max3A_87 : vector<1000x128xf32>
    %mul3A_582 = arith.constant 0.833333313 : f32
    %mul3A_583 = vector.broadcast %mul3A_582 : f32 to vector<1000x128xf32>
    %mul3A_584 = arith.mulf %sub3A_581, %mul3A_583 : vector<1000x128xf32>
    %mul3A_585 = arith.mulf %mul3A_584, %add3A_466 : vector<1000x128xf32>
    %add3A_586 = arith.addf %mul3A_578, %mul3A_585 : vector<1000x128xf32>
    %sub3A_587 = arith.constant -0.199999988 : f32
    %sub3A_588 = vector.broadcast %sub3A_587 : f32 to vector<1000x128xf32>
    %sub3A_589 = arith.subf %max3A_87, %sub3A_588 : vector<1000x128xf32>
    %mul3A_590 = arith.constant 0.833333313 : f32
    %mul3A_591 = vector.broadcast %mul3A_590 : f32 to vector<1000x128xf32>
    %mul3A_592 = arith.mulf %sub3A_589, %mul3A_591 : vector<1000x128xf32>
    %mul3A_593 = arith.mulf %mul3A_592, %add3A_466 : vector<1000x128xf32>
    %sub3A_594 = arith.constant 1.4000001 : f32
    %sub3A_595 = vector.broadcast %sub3A_594 : f32 to vector<1000x128xf32>
    %sub3A_596 = arith.subf %sub3A_595, %max3A_87 : vector<1000x128xf32>
    %mul3A_597 = arith.constant 0.833333313 : f32
    %mul3A_598 = vector.broadcast %mul3A_597 : f32 to vector<1000x128xf32>
    %mul3A_599 = arith.mulf %sub3A_596, %mul3A_598 : vector<1000x128xf32>
    %mul3A_600 = arith.mulf %mul3A_599, %add3A_481 : vector<1000x128xf32>
    %add3A_601 = arith.addf %mul3A_593, %mul3A_600 : vector<1000x128xf32>
    %sub3A_602 = arith.constant 0.200000048 : f32
    %sub3A_603 = vector.broadcast %sub3A_602 : f32 to vector<1000x128xf32>
    %sub3A_604 = arith.subf %max3A_87, %sub3A_603 : vector<1000x128xf32>
    %mul3A_605 = arith.constant 0.833333313 : f32
    %mul3A_606 = vector.broadcast %mul3A_605 : f32 to vector<1000x128xf32>
    %mul3A_607 = arith.mulf %sub3A_604, %mul3A_606 : vector<1000x128xf32>
    %mul3A_608 = arith.mulf %mul3A_607, %add3A_481 : vector<1000x128xf32>
    %sub3A_609 = arith.constant 1.800000e+00 : f32
    %sub3A_610 = vector.broadcast %sub3A_609 : f32 to vector<1000x128xf32>
    %sub3A_611 = arith.subf %sub3A_610, %max3A_87 : vector<1000x128xf32>
    %mul3A_612 = arith.constant 0.833333373 : f32
    %mul3A_613 = vector.broadcast %mul3A_612 : f32 to vector<1000x128xf32>
    %mul3A_614 = arith.mulf %sub3A_611, %mul3A_613 : vector<1000x128xf32>
    %mul3A_615 = arith.mulf %mul3A_614, %add3A_496 : vector<1000x128xf32>
    %add3A_616 = arith.addf %mul3A_608, %mul3A_615 : vector<1000x128xf32>
    %sub3A_617 = arith.constant 6.000000e-01 : f32
    %sub3A_618 = vector.broadcast %sub3A_617 : f32 to vector<1000x128xf32>
    %sub3A_619 = arith.subf %max3A_87, %sub3A_618 : vector<1000x128xf32>
    %mul3A_620 = arith.constant 0.833333373 : f32
    %mul3A_621 = vector.broadcast %mul3A_620 : f32 to vector<1000x128xf32>
    %mul3A_622 = arith.mulf %sub3A_619, %mul3A_621 : vector<1000x128xf32>
    %mul3A_623 = arith.mulf %mul3A_622, %add3A_496 : vector<1000x128xf32>
    %sub3A_624 = arith.constant 2.200000e+00 : f32
    %sub3A_625 = vector.broadcast %sub3A_624 : f32 to vector<1000x128xf32>
    %sub3A_626 = arith.subf %sub3A_625, %max3A_87 : vector<1000x128xf32>
    %mul3A_627 = arith.constant 0.833333313 : f32
    %mul3A_628 = vector.broadcast %mul3A_627 : f32 to vector<1000x128xf32>
    %mul3A_629 = arith.mulf %sub3A_626, %mul3A_628 : vector<1000x128xf32>
    %mul3A_630 = arith.mulf %mul3A_629, %add3A_511 : vector<1000x128xf32>
    %add3A_631 = arith.addf %mul3A_623, %mul3A_630 : vector<1000x128xf32>
    %get3A_632 = arith.constant 0 : index
    %get3A_633 = arith.constant 0 : index
    %get3A_634 = arith.constant 0 : index
    %get3A_635 = vector.load %arg13[%get3A_632, %get3A_633, %get3A_634] : memref<8x128x64xf32, #tpu.memory_space<vmem>>, vector<1x128x64xf32>
    %get3A_636 = vector.shape_cast %get3A_635 : vector<1x128x64xf32> to vector<128x64xf32>
    %dot_general3A_637 = arith.constant dense<0.000000e+00> : vector<1000x64xf32>
    %dot_general3A_638 = tpu.matmul %add3A_526, %get3A_636, %dot_general3A_637 {dimension_numbers = #tpu.dot_dimension_numbers<[1], [0], [0], [1], [0, 0, 1, 1], [], []>, transpose_lhs_hint = false} : vector<1000x128xf32>, vector<128x64xf32>, vector<1000x64xf32> -> vector<1000x64xf32>
    %add3A_639 = arith.addf %dot_general3A_98, %dot_general3A_638 : vector<1000x64xf32>
    %get3A_640 = arith.constant 1 : index
    %get3A_641 = arith.constant 0 : index
    %get3A_642 = arith.constant 0 : index
    %get3A_643 = vector.load %arg13[%get3A_640, %get3A_641, %get3A_642] : memref<8x128x64xf32, #tpu.memory_space<vmem>>, vector<1x128x64xf32>
    %get3A_644 = vector.shape_cast %get3A_643 : vector<1x128x64xf32> to vector<128x64xf32>
    %dot_general3A_645 = arith.constant dense<0.000000e+00> : vector<1000x64xf32>
    %dot_general3A_646 = tpu.matmul %add3A_541, %get3A_644, %dot_general3A_645 {dimension_numbers = #tpu.dot_dimension_numbers<[1], [0], [0], [1], [0, 0, 1, 1], [], []>, transpose_lhs_hint = false} : vector<1000x128xf32>, vector<128x64xf32>, vector<1000x64xf32> -> vector<1000x64xf32>
    %add3A_647 = arith.addf %add3A_639, %dot_general3A_646 : vector<1000x64xf32>
    %get3A_648 = arith.constant 2 : index
    %get3A_649 = arith.constant 0 : index
    %get3A_650 = arith.constant 0 : index
    %get3A_651 = vector.load %arg13[%get3A_648, %get3A_649, %get3A_650] : memref<8x128x64xf32, #tpu.memory_space<vmem>>, vector<1x128x64xf32>
    %get3A_652 = vector.shape_cast %get3A_651 : vector<1x128x64xf32> to vector<128x64xf32>
    %dot_general3A_653 = arith.constant dense<0.000000e+00> : vector<1000x64xf32>
    %dot_general3A_654 = tpu.matmul %add3A_556, %get3A_652, %dot_general3A_653 {dimension_numbers = #tpu.dot_dimension_numbers<[1], [0], [0], [1], [0, 0, 1, 1], [], []>, transpose_lhs_hint = false} : vector<1000x128xf32>, vector<128x64xf32>, vector<1000x64xf32> -> vector<1000x64xf32>
    %add3A_655 = arith.addf %add3A_647, %dot_general3A_654 : vector<1000x64xf32>
    %get3A_656 = arith.constant 3 : index
    %get3A_657 = arith.constant 0 : index
    %get3A_658 = arith.constant 0 : index
    %get3A_659 = vector.load %arg13[%get3A_656, %get3A_657, %get3A_658] : memref<8x128x64xf32, #tpu.memory_space<vmem>>, vector<1x128x64xf32>
    %get3A_660 = vector.shape_cast %get3A_659 : vector<1x128x64xf32> to vector<128x64xf32>
    %dot_general3A_661 = arith.constant dense<0.000000e+00> : vector<1000x64xf32>
    %dot_general3A_662 = tpu.matmul %add3A_571, %get3A_660, %dot_general3A_661 {dimension_numbers = #tpu.dot_dimension_numbers<[1], [0], [0], [1], [0, 0, 1, 1], [], []>, transpose_lhs_hint = false} : vector<1000x128xf32>, vector<128x64xf32>, vector<1000x64xf32> -> vector<1000x64xf32>
    %add3A_663 = arith.addf %add3A_655, %dot_general3A_662 : vector<1000x64xf32>
    %get3A_664 = arith.constant 4 : index
    %get3A_665 = arith.constant 0 : index
    %get3A_666 = arith.constant 0 : index
    %get3A_667 = vector.load %arg13[%get3A_664, %get3A_665, %get3A_666] : memref<8x128x64xf32, #tpu.memory_space<vmem>>, vector<1x128x64xf32>
    %get3A_668 = vector.shape_cast %get3A_667 : vector<1x128x64xf32> to vector<128x64xf32>
    %dot_general3A_669 = arith.constant dense<0.000000e+00> : vector<1000x64xf32>
    %dot_general3A_670 = tpu.matmul %add3A_586, %get3A_668, %dot_general3A_669 {dimension_numbers = #tpu.dot_dimension_numbers<[1], [0], [0], [1], [0, 0, 1, 1], [], []>, transpose_lhs_hint = false} : vector<1000x128xf32>, vector<128x64xf32>, vector<1000x64xf32> -> vector<1000x64xf32>
    %add3A_671 = arith.addf %add3A_663, %dot_general3A_670 : vector<1000x64xf32>
    %get3A_672 = arith.constant 5 : index
    %get3A_673 = arith.constant 0 : index
    %get3A_674 = arith.constant 0 : index
    %get3A_675 = vector.load %arg13[%get3A_672, %get3A_673, %get3A_674] : memref<8x128x64xf32, #tpu.memory_space<vmem>>, vector<1x128x64xf32>
    %get3A_676 = vector.shape_cast %get3A_675 : vector<1x128x64xf32> to vector<128x64xf32>
    %dot_general3A_677 = arith.constant dense<0.000000e+00> : vector<1000x64xf32>
    %dot_general3A_678 = tpu.matmul %add3A_601, %get3A_676, %dot_general3A_677 {dimension_numbers = #tpu.dot_dimension_numbers<[1], [0], [0], [1], [0, 0, 1, 1], [], []>, transpose_lhs_hint = false} : vector<1000x128xf32>, vector<128x64xf32>, vector<1000x64xf32> -> vector<1000x64xf32>
    %add3A_679 = arith.addf %add3A_671, %dot_general3A_678 : vector<1000x64xf32>
    %get3A_680 = arith.constant 6 : index
    %get3A_681 = arith.constant 0 : index
    %get3A_682 = arith.constant 0 : index
    %get3A_683 = vector.load %arg13[%get3A_680, %get3A_681, %get3A_682] : memref<8x128x64xf32, #tpu.memory_space<vmem>>, vector<1x128x64xf32>
    %get3A_684 = vector.shape_cast %get3A_683 : vector<1x128x64xf32> to vector<128x64xf32>
    %dot_general3A_685 = arith.constant dense<0.000000e+00> : vector<1000x64xf32>
    %dot_general3A_686 = tpu.matmul %add3A_616, %get3A_684, %dot_general3A_685 {dimension_numbers = #tpu.dot_dimension_numbers<[1], [0], [0], [1], [0, 0, 1, 1], [], []>, transpose_lhs_hint = false} : vector<1000x128xf32>, vector<128x64xf32>, vector<1000x64xf32> -> vector<1000x64xf32>
    %add3A_687 = arith.addf %add3A_679, %dot_general3A_686 : vector<1000x64xf32>
    %get3A_688 = arith.constant 7 : index
    %get3A_689 = arith.constant 0 : index
    %get3A_690 = arith.constant 0 : index
    %get3A_691 = vector.load %arg13[%get3A_688, %get3A_689, %get3A_690] : memref<8x128x64xf32, #tpu.memory_space<vmem>>, vector<1x128x64xf32>
    %get3A_692 = vector.shape_cast %get3A_691 : vector<1x128x64xf32> to vector<128x64xf32>
    %dot_general3A_693 = arith.constant dense<0.000000e+00> : vector<1000x64xf32>
    %dot_general3A_694 = tpu.matmul %add3A_631, %get3A_692, %dot_general3A_693 {dimension_numbers = #tpu.dot_dimension_numbers<[1], [0], [0], [1], [0, 0, 1, 1], [], []>, transpose_lhs_hint = false} : vector<1000x128xf32>, vector<128x64xf32>, vector<1000x64xf32> -> vector<1000x64xf32>
    %add3A_695 = arith.addf %add3A_687, %dot_general3A_694 : vector<1000x64xf32>
    %neg3A_696 = arith.constant 0.000000e+00 : f32
    %neg3A_697 = vector.broadcast %neg3A_696 : f32 to vector<1000x64xf32>
    %neg3A_698 = arith.subf %neg3A_697, %add3A_695 : vector<1000x64xf32>
    %exp3A_699 = math.exp %neg3A_698 : vector<1000x64xf32>
    %add3A_700 = arith.constant 1.000000e+00 : f32
    %add3A_701 = vector.broadcast %add3A_700 : f32 to vector<1000x64xf32>
    %add3A_702 = arith.addf %add3A_701, %exp3A_699 : vector<1000x64xf32>
    %div3A_703 = arith.divf %add3A_695, %add3A_702 : vector<1000x64xf32>
    %get3A_704 = arith.constant 0 : index
    %get3A_705 = arith.constant 0 : index
    %get3A_706 = vector.load %arg14[%get3A_704, %get3A_705] : memref<64x2xf32, #tpu.memory_space<vmem>>, vector<64x2xf32>
    %dot_general3A_707 = arith.constant dense<0.000000e+00> : vector<1000x2xf32>
    %dot_general3A_708 = tpu.matmul %div3A_703, %get3A_706, %dot_general3A_707 {dimension_numbers = #tpu.dot_dimension_numbers<[1], [0], [0], [1], [0, 0, 1, 1], [], []>, transpose_lhs_hint = false} : vector<1000x64xf32>, vector<64x2xf32>, vector<1000x2xf32> -> vector<1000x2xf32>
    %ge3A_709 = arith.constant -2.200000e+00 : f32
    %ge3A_710 = vector.broadcast %ge3A_709 : f32 to vector<1000x64xf32>
    %ge3A_711 = arith.cmpf oge, %add3A_695, %ge3A_710 : vector<1000x64xf32>
    %lt3A_712 = arith.constant -1.800000e+00 : f32
    %lt3A_713 = vector.broadcast %lt3A_712 : f32 to vector<1000x64xf32>
    %lt3A_714 = arith.cmpf olt, %add3A_695, %lt3A_713 : vector<1000x64xf32>
    %and3A_715 = arith.andi %ge3A_711, %lt3A_714 : vector<1000x64xi1>
    %jit3A_716 = arith.constant 1.000000e+00 : f32
    %jit3A_717 = arith.constant 0.000000e+00 : f32
    %broadcast_in_dim3A_718 = vector.broadcast %jit3A_716 : f32 to vector<1000x64xf32>
    %broadcast_in_dim3A_719 = vector.broadcast %jit3A_717 : f32 to vector<1000x64xf32>
    %select_n3A_720 = arith.select %and3A_715, %broadcast_in_dim3A_718, %broadcast_in_dim3A_719 : vector<1000x64xi1>, vector<1000x64xf32>
    %ge3A_721 = arith.constant -1.800000e+00 : f32
    %ge3A_722 = vector.broadcast %ge3A_721 : f32 to vector<1000x64xf32>
    %ge3A_723 = arith.cmpf oge, %add3A_695, %ge3A_722 : vector<1000x64xf32>
    %lt3A_724 = arith.constant -1.400000e+00 : f32
    %lt3A_725 = vector.broadcast %lt3A_724 : f32 to vector<1000x64xf32>
    %lt3A_726 = arith.cmpf olt, %add3A_695, %lt3A_725 : vector<1000x64xf32>
    %and3A_727 = arith.andi %ge3A_723, %lt3A_726 : vector<1000x64xi1>
    %jit3A_728 = arith.constant 1.000000e+00 : f32
    %jit3A_729 = arith.constant 0.000000e+00 : f32
    %broadcast_in_dim3A_730 = vector.broadcast %jit3A_728 : f32 to vector<1000x64xf32>
    %broadcast_in_dim3A_731 = vector.broadcast %jit3A_729 : f32 to vector<1000x64xf32>
    %select_n3A_732 = arith.select %and3A_727, %broadcast_in_dim3A_730, %broadcast_in_dim3A_731 : vector<1000x64xi1>, vector<1000x64xf32>
    %ge3A_733 = arith.constant -1.400000e+00 : f32
    %ge3A_734 = vector.broadcast %ge3A_733 : f32 to vector<1000x64xf32>
    %ge3A_735 = arith.cmpf oge, %add3A_695, %ge3A_734 : vector<1000x64xf32>
    %lt3A_736 = arith.constant -1.000000e+00 : f32
    %lt3A_737 = vector.broadcast %lt3A_736 : f32 to vector<1000x64xf32>
    %lt3A_738 = arith.cmpf olt, %add3A_695, %lt3A_737 : vector<1000x64xf32>
    %and3A_739 = arith.andi %ge3A_735, %lt3A_738 : vector<1000x64xi1>
    %jit3A_740 = arith.constant 1.000000e+00 : f32
    %jit3A_741 = arith.constant 0.000000e+00 : f32
    %broadcast_in_dim3A_742 = vector.broadcast %jit3A_740 : f32 to vector<1000x64xf32>
    %broadcast_in_dim3A_743 = vector.broadcast %jit3A_741 : f32 to vector<1000x64xf32>
    %select_n3A_744 = arith.select %and3A_739, %broadcast_in_dim3A_742, %broadcast_in_dim3A_743 : vector<1000x64xi1>, vector<1000x64xf32>
    %ge3A_745 = arith.constant -1.000000e+00 : f32
    %ge3A_746 = vector.broadcast %ge3A_745 : f32 to vector<1000x64xf32>
    %ge3A_747 = arith.cmpf oge, %add3A_695, %ge3A_746 : vector<1000x64xf32>
    %lt3A_748 = arith.constant -6.000000e-01 : f32
    %lt3A_749 = vector.broadcast %lt3A_748 : f32 to vector<1000x64xf32>
    %lt3A_750 = arith.cmpf olt, %add3A_695, %lt3A_749 : vector<1000x64xf32>
    %and3A_751 = arith.andi %ge3A_747, %lt3A_750 : vector<1000x64xi1>
    %jit3A_752 = arith.constant 1.000000e+00 : f32
    %jit3A_753 = arith.constant 0.000000e+00 : f32
    %broadcast_in_dim3A_754 = vector.broadcast %jit3A_752 : f32 to vector<1000x64xf32>
    %broadcast_in_dim3A_755 = vector.broadcast %jit3A_753 : f32 to vector<1000x64xf32>
    %select_n3A_756 = arith.select %and3A_751, %broadcast_in_dim3A_754, %broadcast_in_dim3A_755 : vector<1000x64xi1>, vector<1000x64xf32>
    %ge3A_757 = arith.constant -6.000000e-01 : f32
    %ge3A_758 = vector.broadcast %ge3A_757 : f32 to vector<1000x64xf32>
    %ge3A_759 = arith.cmpf oge, %add3A_695, %ge3A_758 : vector<1000x64xf32>
    %lt3A_760 = arith.constant -0.199999988 : f32
    %lt3A_761 = vector.broadcast %lt3A_760 : f32 to vector<1000x64xf32>
    %lt3A_762 = arith.cmpf olt, %add3A_695, %lt3A_761 : vector<1000x64xf32>
    %and3A_763 = arith.andi %ge3A_759, %lt3A_762 : vector<1000x64xi1>
    %jit3A_764 = arith.constant 1.000000e+00 : f32
    %jit3A_765 = arith.constant 0.000000e+00 : f32
    %broadcast_in_dim3A_766 = vector.broadcast %jit3A_764 : f32 to vector<1000x64xf32>
    %broadcast_in_dim3A_767 = vector.broadcast %jit3A_765 : f32 to vector<1000x64xf32>
    %select_n3A_768 = arith.select %and3A_763, %broadcast_in_dim3A_766, %broadcast_in_dim3A_767 : vector<1000x64xi1>, vector<1000x64xf32>
    %ge3A_769 = arith.constant -0.199999988 : f32
    %ge3A_770 = vector.broadcast %ge3A_769 : f32 to vector<1000x64xf32>
    %ge3A_771 = arith.cmpf oge, %add3A_695, %ge3A_770 : vector<1000x64xf32>
    %lt3A_772 = arith.constant 0.200000048 : f32
    %lt3A_773 = vector.broadcast %lt3A_772 : f32 to vector<1000x64xf32>
    %lt3A_774 = arith.cmpf olt, %add3A_695, %lt3A_773 : vector<1000x64xf32>
    %and3A_775 = arith.andi %ge3A_771, %lt3A_774 : vector<1000x64xi1>
    %jit3A_776 = arith.constant 1.000000e+00 : f32
    %jit3A_777 = arith.constant 0.000000e+00 : f32
    %broadcast_in_dim3A_778 = vector.broadcast %jit3A_776 : f32 to vector<1000x64xf32>
    %broadcast_in_dim3A_779 = vector.broadcast %jit3A_777 : f32 to vector<1000x64xf32>
    %select_n3A_780 = arith.select %and3A_775, %broadcast_in_dim3A_778, %broadcast_in_dim3A_779 : vector<1000x64xi1>, vector<1000x64xf32>
    %ge3A_781 = arith.constant 0.200000048 : f32
    %ge3A_782 = vector.broadcast %ge3A_781 : f32 to vector<1000x64xf32>
    %ge3A_783 = arith.cmpf oge, %add3A_695, %ge3A_782 : vector<1000x64xf32>
    %lt3A_784 = arith.constant 6.000000e-01 : f32
    %lt3A_785 = vector.broadcast %lt3A_784 : f32 to vector<1000x64xf32>
    %lt3A_786 = arith.cmpf olt, %add3A_695, %lt3A_785 : vector<1000x64xf32>
    %and3A_787 = arith.andi %ge3A_783, %lt3A_786 : vector<1000x64xi1>
    %jit3A_788 = arith.constant 1.000000e+00 : f32
    %jit3A_789 = arith.constant 0.000000e+00 : f32
    %broadcast_in_dim3A_790 = vector.broadcast %jit3A_788 : f32 to vector<1000x64xf32>
    %broadcast_in_dim3A_791 = vector.broadcast %jit3A_789 : f32 to vector<1000x64xf32>
    %select_n3A_792 = arith.select %and3A_787, %broadcast_in_dim3A_790, %broadcast_in_dim3A_791 : vector<1000x64xi1>, vector<1000x64xf32>
    %ge3A_793 = arith.constant 6.000000e-01 : f32
    %ge3A_794 = vector.broadcast %ge3A_793 : f32 to vector<1000x64xf32>
    %ge3A_795 = arith.cmpf oge, %add3A_695, %ge3A_794 : vector<1000x64xf32>
    %lt3A_796 = arith.constant 1.000000e+00 : f32
    %lt3A_797 = vector.broadcast %lt3A_796 : f32 to vector<1000x64xf32>
    %lt3A_798 = arith.cmpf olt, %add3A_695, %lt3A_797 : vector<1000x64xf32>
    %and3A_799 = arith.andi %ge3A_795, %lt3A_798 : vector<1000x64xi1>
    %jit3A_800 = arith.constant 1.000000e+00 : f32
    %jit3A_801 = arith.constant 0.000000e+00 : f32
    %broadcast_in_dim3A_802 = vector.broadcast %jit3A_800 : f32 to vector<1000x64xf32>
    %broadcast_in_dim3A_803 = vector.broadcast %jit3A_801 : f32 to vector<1000x64xf32>
    %select_n3A_804 = arith.select %and3A_799, %broadcast_in_dim3A_802, %broadcast_in_dim3A_803 : vector<1000x64xi1>, vector<1000x64xf32>
    %ge3A_805 = arith.constant 1.000000e+00 : f32
    %ge3A_806 = vector.broadcast %ge3A_805 : f32 to vector<1000x64xf32>
    %ge3A_807 = arith.cmpf oge, %add3A_695, %ge3A_806 : vector<1000x64xf32>
    %lt3A_808 = arith.constant 1.4000001 : f32
    %lt3A_809 = vector.broadcast %lt3A_808 : f32 to vector<1000x64xf32>
    %lt3A_810 = arith.cmpf olt, %add3A_695, %lt3A_809 : vector<1000x64xf32>
    %and3A_811 = arith.andi %ge3A_807, %lt3A_810 : vector<1000x64xi1>
    %jit3A_812 = arith.constant 1.000000e+00 : f32
    %jit3A_813 = arith.constant 0.000000e+00 : f32
    %broadcast_in_dim3A_814 = vector.broadcast %jit3A_812 : f32 to vector<1000x64xf32>
    %broadcast_in_dim3A_815 = vector.broadcast %jit3A_813 : f32 to vector<1000x64xf32>
    %select_n3A_816 = arith.select %and3A_811, %broadcast_in_dim3A_814, %broadcast_in_dim3A_815 : vector<1000x64xi1>, vector<1000x64xf32>
    %ge3A_817 = arith.constant 1.4000001 : f32
    %ge3A_818 = vector.broadcast %ge3A_817 : f32 to vector<1000x64xf32>
    %ge3A_819 = arith.cmpf oge, %add3A_695, %ge3A_818 : vector<1000x64xf32>
    %lt3A_820 = arith.constant 1.800000e+00 : f32
    %lt3A_821 = vector.broadcast %lt3A_820 : f32 to vector<1000x64xf32>
    %lt3A_822 = arith.cmpf olt, %add3A_695, %lt3A_821 : vector<1000x64xf32>
    %and3A_823 = arith.andi %ge3A_819, %lt3A_822 : vector<1000x64xi1>
    %jit3A_824 = arith.constant 1.000000e+00 : f32
    %jit3A_825 = arith.constant 0.000000e+00 : f32
    %broadcast_in_dim3A_826 = vector.broadcast %jit3A_824 : f32 to vector<1000x64xf32>
    %broadcast_in_dim3A_827 = vector.broadcast %jit3A_825 : f32 to vector<1000x64xf32>
    %select_n3A_828 = arith.select %and3A_823, %broadcast_in_dim3A_826, %broadcast_in_dim3A_827 : vector<1000x64xi1>, vector<1000x64xf32>
    %ge3A_829 = arith.constant 1.800000e+00 : f32
    %ge3A_830 = vector.broadcast %ge3A_829 : f32 to vector<1000x64xf32>
    %ge3A_831 = arith.cmpf oge, %add3A_695, %ge3A_830 : vector<1000x64xf32>
    %lt3A_832 = arith.constant 2.200000e+00 : f32
    %lt3A_833 = vector.broadcast %lt3A_832 : f32 to vector<1000x64xf32>
    %lt3A_834 = arith.cmpf olt, %add3A_695, %lt3A_833 : vector<1000x64xf32>
    %and3A_835 = arith.andi %ge3A_831, %lt3A_834 : vector<1000x64xi1>
    %jit3A_836 = arith.constant 1.000000e+00 : f32
    %jit3A_837 = arith.constant 0.000000e+00 : f32
    %broadcast_in_dim3A_838 = vector.broadcast %jit3A_836 : f32 to vector<1000x64xf32>
    %broadcast_in_dim3A_839 = vector.broadcast %jit3A_837 : f32 to vector<1000x64xf32>
    %select_n3A_840 = arith.select %and3A_835, %broadcast_in_dim3A_838, %broadcast_in_dim3A_839 : vector<1000x64xi1>, vector<1000x64xf32>
    %sub3A_841 = arith.constant -2.200000e+00 : f32
    %sub3A_842 = vector.broadcast %sub3A_841 : f32 to vector<1000x64xf32>
    %sub3A_843 = arith.subf %add3A_695, %sub3A_842 : vector<1000x64xf32>
    %mul3A_844 = arith.constant 2.49999952 : f32
    %mul3A_845 = vector.broadcast %mul3A_844 : f32 to vector<1000x64xf32>
    %mul3A_846 = arith.mulf %sub3A_843, %mul3A_845 : vector<1000x64xf32>
    %mul3A_847 = arith.mulf %mul3A_846, %select_n3A_720 : vector<1000x64xf32>
    %sub3A_848 = arith.constant -1.400000e+00 : f32
    %sub3A_849 = vector.broadcast %sub3A_848 : f32 to vector<1000x64xf32>
    %sub3A_850 = arith.subf %sub3A_849, %add3A_695 : vector<1000x64xf32>
    %mul3A_851 = arith.constant 2.50000024 : f32
    %mul3A_852 = vector.broadcast %mul3A_851 : f32 to vector<1000x64xf32>
    %mul3A_853 = arith.mulf %sub3A_850, %mul3A_852 : vector<1000x64xf32>
    %mul3A_854 = arith.mulf %mul3A_853, %select_n3A_732 : vector<1000x64xf32>
    %add3A_855 = arith.addf %mul3A_847, %mul3A_854 : vector<1000x64xf32>
    %sub3A_856 = arith.constant -1.800000e+00 : f32
    %sub3A_857 = vector.broadcast %sub3A_856 : f32 to vector<1000x64xf32>
    %sub3A_858 = arith.subf %add3A_695, %sub3A_857 : vector<1000x64xf32>
    %mul3A_859 = arith.constant 2.50000024 : f32
    %mul3A_860 = vector.broadcast %mul3A_859 : f32 to vector<1000x64xf32>
    %mul3A_861 = arith.mulf %sub3A_858, %mul3A_860 : vector<1000x64xf32>
    %mul3A_862 = arith.mulf %mul3A_861, %select_n3A_732 : vector<1000x64xf32>
    %sub3A_863 = arith.constant -1.000000e+00 : f32
    %sub3A_864 = vector.broadcast %sub3A_863 : f32 to vector<1000x64xf32>
    %sub3A_865 = arith.subf %sub3A_864, %add3A_695 : vector<1000x64xf32>
    %mul3A_866 = arith.constant 2.50000024 : f32
    %mul3A_867 = vector.broadcast %mul3A_866 : f32 to vector<1000x64xf32>
    %mul3A_868 = arith.mulf %sub3A_865, %mul3A_867 : vector<1000x64xf32>
    %mul3A_869 = arith.mulf %mul3A_868, %select_n3A_744 : vector<1000x64xf32>
    %add3A_870 = arith.addf %mul3A_862, %mul3A_869 : vector<1000x64xf32>
    %sub3A_871 = arith.constant -1.400000e+00 : f32
    %sub3A_872 = vector.broadcast %sub3A_871 : f32 to vector<1000x64xf32>
    %sub3A_873 = arith.subf %add3A_695, %sub3A_872 : vector<1000x64xf32>
    %mul3A_874 = arith.constant 2.50000024 : f32
    %mul3A_875 = vector.broadcast %mul3A_874 : f32 to vector<1000x64xf32>
    %mul3A_876 = arith.mulf %sub3A_873, %mul3A_875 : vector<1000x64xf32>
    %mul3A_877 = arith.mulf %mul3A_876, %select_n3A_744 : vector<1000x64xf32>
    %sub3A_878 = arith.constant -6.000000e-01 : f32
    %sub3A_879 = vector.broadcast %sub3A_878 : f32 to vector<1000x64xf32>
    %sub3A_880 = arith.subf %sub3A_879, %add3A_695 : vector<1000x64xf32>
    %mul3A_881 = arith.constant 2.50000024 : f32
    %mul3A_882 = vector.broadcast %mul3A_881 : f32 to vector<1000x64xf32>
    %mul3A_883 = arith.mulf %sub3A_880, %mul3A_882 : vector<1000x64xf32>
    %mul3A_884 = arith.mulf %mul3A_883, %select_n3A_756 : vector<1000x64xf32>
    %add3A_885 = arith.addf %mul3A_877, %mul3A_884 : vector<1000x64xf32>
    %sub3A_886 = arith.constant -1.000000e+00 : f32
    %sub3A_887 = vector.broadcast %sub3A_886 : f32 to vector<1000x64xf32>
    %sub3A_888 = arith.subf %add3A_695, %sub3A_887 : vector<1000x64xf32>
    %mul3A_889 = arith.constant 2.50000024 : f32
    %mul3A_890 = vector.broadcast %mul3A_889 : f32 to vector<1000x64xf32>
    %mul3A_891 = arith.mulf %sub3A_888, %mul3A_890 : vector<1000x64xf32>
    %mul3A_892 = arith.mulf %mul3A_891, %select_n3A_756 : vector<1000x64xf32>
    %sub3A_893 = arith.constant -0.199999988 : f32
    %sub3A_894 = vector.broadcast %sub3A_893 : f32 to vector<1000x64xf32>
    %sub3A_895 = arith.subf %sub3A_894, %add3A_695 : vector<1000x64xf32>
    %mul3A_896 = arith.constant 2.49999976 : f32
    %mul3A_897 = vector.broadcast %mul3A_896 : f32 to vector<1000x64xf32>
    %mul3A_898 = arith.mulf %sub3A_895, %mul3A_897 : vector<1000x64xf32>
    %mul3A_899 = arith.mulf %mul3A_898, %select_n3A_768 : vector<1000x64xf32>
    %add3A_900 = arith.addf %mul3A_892, %mul3A_899 : vector<1000x64xf32>
    %sub3A_901 = arith.constant -6.000000e-01 : f32
    %sub3A_902 = vector.broadcast %sub3A_901 : f32 to vector<1000x64xf32>
    %sub3A_903 = arith.subf %add3A_695, %sub3A_902 : vector<1000x64xf32>
    %mul3A_904 = arith.constant 2.49999976 : f32
    %mul3A_905 = vector.broadcast %mul3A_904 : f32 to vector<1000x64xf32>
    %mul3A_906 = arith.mulf %sub3A_903, %mul3A_905 : vector<1000x64xf32>
    %mul3A_907 = arith.mulf %mul3A_906, %select_n3A_768 : vector<1000x64xf32>
    %sub3A_908 = arith.constant 0.200000048 : f32
    %sub3A_909 = vector.broadcast %sub3A_908 : f32 to vector<1000x64xf32>
    %sub3A_910 = arith.subf %sub3A_909, %add3A_695 : vector<1000x64xf32>
    %mul3A_911 = arith.constant 2.49999976 : f32
    %mul3A_912 = vector.broadcast %mul3A_911 : f32 to vector<1000x64xf32>
    %mul3A_913 = arith.mulf %sub3A_910, %mul3A_912 : vector<1000x64xf32>
    %mul3A_914 = arith.mulf %mul3A_913, %select_n3A_780 : vector<1000x64xf32>
    %add3A_915 = arith.addf %mul3A_907, %mul3A_914 : vector<1000x64xf32>
    %sub3A_916 = arith.constant -0.199999988 : f32
    %sub3A_917 = vector.broadcast %sub3A_916 : f32 to vector<1000x64xf32>
    %sub3A_918 = arith.subf %add3A_695, %sub3A_917 : vector<1000x64xf32>
    %mul3A_919 = arith.constant 2.49999976 : f32
    %mul3A_920 = vector.broadcast %mul3A_919 : f32 to vector<1000x64xf32>
    %mul3A_921 = arith.mulf %sub3A_918, %mul3A_920 : vector<1000x64xf32>
    %mul3A_922 = arith.mulf %mul3A_921, %select_n3A_780 : vector<1000x64xf32>
    %sub3A_923 = arith.constant 6.000000e-01 : f32
    %sub3A_924 = vector.broadcast %sub3A_923 : f32 to vector<1000x64xf32>
    %sub3A_925 = arith.subf %sub3A_924, %add3A_695 : vector<1000x64xf32>
    %mul3A_926 = arith.constant 2.50000024 : f32
    %mul3A_927 = vector.broadcast %mul3A_926 : f32 to vector<1000x64xf32>
    %mul3A_928 = arith.mulf %sub3A_925, %mul3A_927 : vector<1000x64xf32>
    %mul3A_929 = arith.mulf %mul3A_928, %select_n3A_792 : vector<1000x64xf32>
    %add3A_930 = arith.addf %mul3A_922, %mul3A_929 : vector<1000x64xf32>
    %sub3A_931 = arith.constant 0.200000048 : f32
    %sub3A_932 = vector.broadcast %sub3A_931 : f32 to vector<1000x64xf32>
    %sub3A_933 = arith.subf %add3A_695, %sub3A_932 : vector<1000x64xf32>
    %mul3A_934 = arith.constant 2.50000024 : f32
    %mul3A_935 = vector.broadcast %mul3A_934 : f32 to vector<1000x64xf32>
    %mul3A_936 = arith.mulf %sub3A_933, %mul3A_935 : vector<1000x64xf32>
    %mul3A_937 = arith.mulf %mul3A_936, %select_n3A_792 : vector<1000x64xf32>
    %sub3A_938 = arith.constant 1.000000e+00 : f32
    %sub3A_939 = vector.broadcast %sub3A_938 : f32 to vector<1000x64xf32>
    %sub3A_940 = arith.subf %sub3A_939, %add3A_695 : vector<1000x64xf32>
    %mul3A_941 = arith.constant 2.50000024 : f32
    %mul3A_942 = vector.broadcast %mul3A_941 : f32 to vector<1000x64xf32>
    %mul3A_943 = arith.mulf %sub3A_940, %mul3A_942 : vector<1000x64xf32>
    %mul3A_944 = arith.mulf %mul3A_943, %select_n3A_804 : vector<1000x64xf32>
    %add3A_945 = arith.addf %mul3A_937, %mul3A_944 : vector<1000x64xf32>
    %sub3A_946 = arith.constant 6.000000e-01 : f32
    %sub3A_947 = vector.broadcast %sub3A_946 : f32 to vector<1000x64xf32>
    %sub3A_948 = arith.subf %add3A_695, %sub3A_947 : vector<1000x64xf32>
    %mul3A_949 = arith.constant 2.50000024 : f32
    %mul3A_950 = vector.broadcast %mul3A_949 : f32 to vector<1000x64xf32>
    %mul3A_951 = arith.mulf %sub3A_948, %mul3A_950 : vector<1000x64xf32>
    %mul3A_952 = arith.mulf %mul3A_951, %select_n3A_804 : vector<1000x64xf32>
    %sub3A_953 = arith.constant 1.4000001 : f32
    %sub3A_954 = vector.broadcast %sub3A_953 : f32 to vector<1000x64xf32>
    %sub3A_955 = arith.subf %sub3A_954, %add3A_695 : vector<1000x64xf32>
    %mul3A_956 = arith.constant 2.49999952 : f32
    %mul3A_957 = vector.broadcast %mul3A_956 : f32 to vector<1000x64xf32>
    %mul3A_958 = arith.mulf %sub3A_955, %mul3A_957 : vector<1000x64xf32>
    %mul3A_959 = arith.mulf %mul3A_958, %select_n3A_816 : vector<1000x64xf32>
    %add3A_960 = arith.addf %mul3A_952, %mul3A_959 : vector<1000x64xf32>
    %sub3A_961 = arith.constant 1.000000e+00 : f32
    %sub3A_962 = vector.broadcast %sub3A_961 : f32 to vector<1000x64xf32>
    %sub3A_963 = arith.subf %add3A_695, %sub3A_962 : vector<1000x64xf32>
    %mul3A_964 = arith.constant 2.49999952 : f32
    %mul3A_965 = vector.broadcast %mul3A_964 : f32 to vector<1000x64xf32>
    %mul3A_966 = arith.mulf %sub3A_963, %mul3A_965 : vector<1000x64xf32>
    %mul3A_967 = arith.mulf %mul3A_966, %select_n3A_816 : vector<1000x64xf32>
    %sub3A_968 = arith.constant 1.800000e+00 : f32
    %sub3A_969 = vector.broadcast %sub3A_968 : f32 to vector<1000x64xf32>
    %sub3A_970 = arith.subf %sub3A_969, %add3A_695 : vector<1000x64xf32>
    %mul3A_971 = arith.constant 2.50000095 : f32
    %mul3A_972 = vector.broadcast %mul3A_971 : f32 to vector<1000x64xf32>
    %mul3A_973 = arith.mulf %sub3A_970, %mul3A_972 : vector<1000x64xf32>
    %mul3A_974 = arith.mulf %mul3A_973, %select_n3A_828 : vector<1000x64xf32>
    %add3A_975 = arith.addf %mul3A_967, %mul3A_974 : vector<1000x64xf32>
    %sub3A_976 = arith.constant 1.4000001 : f32
    %sub3A_977 = vector.broadcast %sub3A_976 : f32 to vector<1000x64xf32>
    %sub3A_978 = arith.subf %add3A_695, %sub3A_977 : vector<1000x64xf32>
    %mul3A_979 = arith.constant 2.50000095 : f32
    %mul3A_980 = vector.broadcast %mul3A_979 : f32 to vector<1000x64xf32>
    %mul3A_981 = arith.mulf %sub3A_978, %mul3A_980 : vector<1000x64xf32>
    %mul3A_982 = arith.mulf %mul3A_981, %select_n3A_828 : vector<1000x64xf32>
    %sub3A_983 = arith.constant 2.200000e+00 : f32
    %sub3A_984 = vector.broadcast %sub3A_983 : f32 to vector<1000x64xf32>
    %sub3A_985 = arith.subf %sub3A_984, %add3A_695 : vector<1000x64xf32>
    %mul3A_986 = arith.constant 2.49999952 : f32
    %mul3A_987 = vector.broadcast %mul3A_986 : f32 to vector<1000x64xf32>
    %mul3A_988 = arith.mulf %sub3A_985, %mul3A_987 : vector<1000x64xf32>
    %mul3A_989 = arith.mulf %mul3A_988, %select_n3A_840 : vector<1000x64xf32>
    %add3A_990 = arith.addf %mul3A_982, %mul3A_989 : vector<1000x64xf32>
    %sub3A_991 = arith.constant -2.200000e+00 : f32
    %sub3A_992 = vector.broadcast %sub3A_991 : f32 to vector<1000x64xf32>
    %sub3A_993 = arith.subf %add3A_695, %sub3A_992 : vector<1000x64xf32>
    %mul3A_994 = arith.constant 1.24999988 : f32
    %mul3A_995 = vector.broadcast %mul3A_994 : f32 to vector<1000x64xf32>
    %mul3A_996 = arith.mulf %sub3A_993, %mul3A_995 : vector<1000x64xf32>
    %mul3A_997 = arith.mulf %mul3A_996, %add3A_855 : vector<1000x64xf32>
    %sub3A_998 = arith.constant -1.000000e+00 : f32
    %sub3A_999 = vector.broadcast %sub3A_998 : f32 to vector<1000x64xf32>
    %sub3A_1000 = arith.subf %sub3A_999, %add3A_695 : vector<1000x64xf32>
    %mul3A_1001 = arith.constant 1.25000012 : f32
    %mul3A_1002 = vector.broadcast %mul3A_1001 : f32 to vector<1000x64xf32>
    %mul3A_1003 = arith.mulf %sub3A_1000, %mul3A_1002 : vector<1000x64xf32>
    %mul3A_1004 = arith.mulf %mul3A_1003, %add3A_870 : vector<1000x64xf32>
    %add3A_1005 = arith.addf %mul3A_997, %mul3A_1004 : vector<1000x64xf32>
    %sub3A_1006 = arith.constant -1.800000e+00 : f32
    %sub3A_1007 = vector.broadcast %sub3A_1006 : f32 to vector<1000x64xf32>
    %sub3A_1008 = arith.subf %add3A_695, %sub3A_1007 : vector<1000x64xf32>
    %mul3A_1009 = arith.constant 1.25000012 : f32
    %mul3A_1010 = vector.broadcast %mul3A_1009 : f32 to vector<1000x64xf32>
    %mul3A_1011 = arith.mulf %sub3A_1008, %mul3A_1010 : vector<1000x64xf32>
    %mul3A_1012 = arith.mulf %mul3A_1011, %add3A_870 : vector<1000x64xf32>
    %sub3A_1013 = arith.constant -6.000000e-01 : f32
    %sub3A_1014 = vector.broadcast %sub3A_1013 : f32 to vector<1000x64xf32>
    %sub3A_1015 = arith.subf %sub3A_1014, %add3A_695 : vector<1000x64xf32>
    %mul3A_1016 = arith.constant 1.25000012 : f32
    %mul3A_1017 = vector.broadcast %mul3A_1016 : f32 to vector<1000x64xf32>
    %mul3A_1018 = arith.mulf %sub3A_1015, %mul3A_1017 : vector<1000x64xf32>
    %mul3A_1019 = arith.mulf %mul3A_1018, %add3A_885 : vector<1000x64xf32>
    %add3A_1020 = arith.addf %mul3A_1012, %mul3A_1019 : vector<1000x64xf32>
    %sub3A_1021 = arith.constant -1.400000e+00 : f32
    %sub3A_1022 = vector.broadcast %sub3A_1021 : f32 to vector<1000x64xf32>
    %sub3A_1023 = arith.subf %add3A_695, %sub3A_1022 : vector<1000x64xf32>
    %mul3A_1024 = arith.constant 1.25000012 : f32
    %mul3A_1025 = vector.broadcast %mul3A_1024 : f32 to vector<1000x64xf32>
    %mul3A_1026 = arith.mulf %sub3A_1023, %mul3A_1025 : vector<1000x64xf32>
    %mul3A_1027 = arith.mulf %mul3A_1026, %add3A_885 : vector<1000x64xf32>
    %sub3A_1028 = arith.constant -0.199999988 : f32
    %sub3A_1029 = vector.broadcast %sub3A_1028 : f32 to vector<1000x64xf32>
    %sub3A_1030 = arith.subf %sub3A_1029, %add3A_695 : vector<1000x64xf32>
    %mul3A_1031 = arith.constant 1.250000e+00 : f32
    %mul3A_1032 = vector.broadcast %mul3A_1031 : f32 to vector<1000x64xf32>
    %mul3A_1033 = arith.mulf %sub3A_1030, %mul3A_1032 : vector<1000x64xf32>
    %mul3A_1034 = arith.mulf %mul3A_1033, %add3A_900 : vector<1000x64xf32>
    %add3A_1035 = arith.addf %mul3A_1027, %mul3A_1034 : vector<1000x64xf32>
    %sub3A_1036 = arith.constant -1.000000e+00 : f32
    %sub3A_1037 = vector.broadcast %sub3A_1036 : f32 to vector<1000x64xf32>
    %sub3A_1038 = arith.subf %add3A_695, %sub3A_1037 : vector<1000x64xf32>
    %mul3A_1039 = arith.constant 1.250000e+00 : f32
    %mul3A_1040 = vector.broadcast %mul3A_1039 : f32 to vector<1000x64xf32>
    %mul3A_1041 = arith.mulf %sub3A_1038, %mul3A_1040 : vector<1000x64xf32>
    %mul3A_1042 = arith.mulf %mul3A_1041, %add3A_900 : vector<1000x64xf32>
    %sub3A_1043 = arith.constant 0.200000048 : f32
    %sub3A_1044 = vector.broadcast %sub3A_1043 : f32 to vector<1000x64xf32>
    %sub3A_1045 = arith.subf %sub3A_1044, %add3A_695 : vector<1000x64xf32>
    %mul3A_1046 = arith.constant 1.24999988 : f32
    %mul3A_1047 = vector.broadcast %mul3A_1046 : f32 to vector<1000x64xf32>
    %mul3A_1048 = arith.mulf %sub3A_1045, %mul3A_1047 : vector<1000x64xf32>
    %mul3A_1049 = arith.mulf %mul3A_1048, %add3A_915 : vector<1000x64xf32>
    %add3A_1050 = arith.addf %mul3A_1042, %mul3A_1049 : vector<1000x64xf32>
    %sub3A_1051 = arith.constant -6.000000e-01 : f32
    %sub3A_1052 = vector.broadcast %sub3A_1051 : f32 to vector<1000x64xf32>
    %sub3A_1053 = arith.subf %add3A_695, %sub3A_1052 : vector<1000x64xf32>
    %mul3A_1054 = arith.constant 1.24999988 : f32
    %mul3A_1055 = vector.broadcast %mul3A_1054 : f32 to vector<1000x64xf32>
    %mul3A_1056 = arith.mulf %sub3A_1053, %mul3A_1055 : vector<1000x64xf32>
    %mul3A_1057 = arith.mulf %mul3A_1056, %add3A_915 : vector<1000x64xf32>
    %sub3A_1058 = arith.constant 6.000000e-01 : f32
    %sub3A_1059 = vector.broadcast %sub3A_1058 : f32 to vector<1000x64xf32>
    %sub3A_1060 = arith.subf %sub3A_1059, %add3A_695 : vector<1000x64xf32>
    %mul3A_1061 = arith.constant 1.250000e+00 : f32
    %mul3A_1062 = vector.broadcast %mul3A_1061 : f32 to vector<1000x64xf32>
    %mul3A_1063 = arith.mulf %sub3A_1060, %mul3A_1062 : vector<1000x64xf32>
    %mul3A_1064 = arith.mulf %mul3A_1063, %add3A_930 : vector<1000x64xf32>
    %add3A_1065 = arith.addf %mul3A_1057, %mul3A_1064 : vector<1000x64xf32>
    %sub3A_1066 = arith.constant -0.199999988 : f32
    %sub3A_1067 = vector.broadcast %sub3A_1066 : f32 to vector<1000x64xf32>
    %sub3A_1068 = arith.subf %add3A_695, %sub3A_1067 : vector<1000x64xf32>
    %mul3A_1069 = arith.constant 1.250000e+00 : f32
    %mul3A_1070 = vector.broadcast %mul3A_1069 : f32 to vector<1000x64xf32>
    %mul3A_1071 = arith.mulf %sub3A_1068, %mul3A_1070 : vector<1000x64xf32>
    %mul3A_1072 = arith.mulf %mul3A_1071, %add3A_930 : vector<1000x64xf32>
    %sub3A_1073 = arith.constant 1.000000e+00 : f32
    %sub3A_1074 = vector.broadcast %sub3A_1073 : f32 to vector<1000x64xf32>
    %sub3A_1075 = arith.subf %sub3A_1074, %add3A_695 : vector<1000x64xf32>
    %mul3A_1076 = arith.constant 1.25000012 : f32
    %mul3A_1077 = vector.broadcast %mul3A_1076 : f32 to vector<1000x64xf32>
    %mul3A_1078 = arith.mulf %sub3A_1075, %mul3A_1077 : vector<1000x64xf32>
    %mul3A_1079 = arith.mulf %mul3A_1078, %add3A_945 : vector<1000x64xf32>
    %add3A_1080 = arith.addf %mul3A_1072, %mul3A_1079 : vector<1000x64xf32>
    %sub3A_1081 = arith.constant 0.200000048 : f32
    %sub3A_1082 = vector.broadcast %sub3A_1081 : f32 to vector<1000x64xf32>
    %sub3A_1083 = arith.subf %add3A_695, %sub3A_1082 : vector<1000x64xf32>
    %mul3A_1084 = arith.constant 1.25000012 : f32
    %mul3A_1085 = vector.broadcast %mul3A_1084 : f32 to vector<1000x64xf32>
    %mul3A_1086 = arith.mulf %sub3A_1083, %mul3A_1085 : vector<1000x64xf32>
    %mul3A_1087 = arith.mulf %mul3A_1086, %add3A_945 : vector<1000x64xf32>
    %sub3A_1088 = arith.constant 1.4000001 : f32
    %sub3A_1089 = vector.broadcast %sub3A_1088 : f32 to vector<1000x64xf32>
    %sub3A_1090 = arith.subf %sub3A_1089, %add3A_695 : vector<1000x64xf32>
    %mul3A_1091 = arith.constant 1.24999988 : f32
    %mul3A_1092 = vector.broadcast %mul3A_1091 : f32 to vector<1000x64xf32>
    %mul3A_1093 = arith.mulf %sub3A_1090, %mul3A_1092 : vector<1000x64xf32>
    %mul3A_1094 = arith.mulf %mul3A_1093, %add3A_960 : vector<1000x64xf32>
    %add3A_1095 = arith.addf %mul3A_1087, %mul3A_1094 : vector<1000x64xf32>
    %sub3A_1096 = arith.constant 6.000000e-01 : f32
    %sub3A_1097 = vector.broadcast %sub3A_1096 : f32 to vector<1000x64xf32>
    %sub3A_1098 = arith.subf %add3A_695, %sub3A_1097 : vector<1000x64xf32>
    %mul3A_1099 = arith.constant 1.24999988 : f32
    %mul3A_1100 = vector.broadcast %mul3A_1099 : f32 to vector<1000x64xf32>
    %mul3A_1101 = arith.mulf %sub3A_1098, %mul3A_1100 : vector<1000x64xf32>
    %mul3A_1102 = arith.mulf %mul3A_1101, %add3A_960 : vector<1000x64xf32>
    %sub3A_1103 = arith.constant 1.800000e+00 : f32
    %sub3A_1104 = vector.broadcast %sub3A_1103 : f32 to vector<1000x64xf32>
    %sub3A_1105 = arith.subf %sub3A_1104, %add3A_695 : vector<1000x64xf32>
    %mul3A_1106 = arith.constant 1.25000012 : f32
    %mul3A_1107 = vector.broadcast %mul3A_1106 : f32 to vector<1000x64xf32>
    %mul3A_1108 = arith.mulf %sub3A_1105, %mul3A_1107 : vector<1000x64xf32>
    %mul3A_1109 = arith.mulf %mul3A_1108, %add3A_975 : vector<1000x64xf32>
    %add3A_1110 = arith.addf %mul3A_1102, %mul3A_1109 : vector<1000x64xf32>
    %sub3A_1111 = arith.constant 1.000000e+00 : f32
    %sub3A_1112 = vector.broadcast %sub3A_1111 : f32 to vector<1000x64xf32>
    %sub3A_1113 = arith.subf %add3A_695, %sub3A_1112 : vector<1000x64xf32>
    %mul3A_1114 = arith.constant 1.25000012 : f32
    %mul3A_1115 = vector.broadcast %mul3A_1114 : f32 to vector<1000x64xf32>
    %mul3A_1116 = arith.mulf %sub3A_1113, %mul3A_1115 : vector<1000x64xf32>
    %mul3A_1117 = arith.mulf %mul3A_1116, %add3A_975 : vector<1000x64xf32>
    %sub3A_1118 = arith.constant 2.200000e+00 : f32
    %sub3A_1119 = vector.broadcast %sub3A_1118 : f32 to vector<1000x64xf32>
    %sub3A_1120 = arith.subf %sub3A_1119, %add3A_695 : vector<1000x64xf32>
    %mul3A_1121 = arith.constant 1.25000012 : f32
    %mul3A_1122 = vector.broadcast %mul3A_1121 : f32 to vector<1000x64xf32>
    %mul3A_1123 = arith.mulf %sub3A_1120, %mul3A_1122 : vector<1000x64xf32>
    %mul3A_1124 = arith.mulf %mul3A_1123, %add3A_990 : vector<1000x64xf32>
    %add3A_1125 = arith.addf %mul3A_1117, %mul3A_1124 : vector<1000x64xf32>
    %sub3A_1126 = arith.constant -2.200000e+00 : f32
    %sub3A_1127 = vector.broadcast %sub3A_1126 : f32 to vector<1000x64xf32>
    %sub3A_1128 = arith.subf %add3A_695, %sub3A_1127 : vector<1000x64xf32>
    %mul3A_1129 = arith.constant 0.833333313 : f32
    %mul3A_1130 = vector.broadcast %mul3A_1129 : f32 to vector<1000x64xf32>
    %mul3A_1131 = arith.mulf %sub3A_1128, %mul3A_1130 : vector<1000x64xf32>
    %mul3A_1132 = arith.mulf %mul3A_1131, %add3A_1005 : vector<1000x64xf32>
    %sub3A_1133 = arith.constant -6.000000e-01 : f32
    %sub3A_1134 = vector.broadcast %sub3A_1133 : f32 to vector<1000x64xf32>
    %sub3A_1135 = arith.subf %sub3A_1134, %add3A_695 : vector<1000x64xf32>
    %mul3A_1136 = arith.constant 0.833333373 : f32
    %mul3A_1137 = vector.broadcast %mul3A_1136 : f32 to vector<1000x64xf32>
    %mul3A_1138 = arith.mulf %sub3A_1135, %mul3A_1137 : vector<1000x64xf32>
    %mul3A_1139 = arith.mulf %mul3A_1138, %add3A_1020 : vector<1000x64xf32>
    %add3A_1140 = arith.addf %mul3A_1132, %mul3A_1139 : vector<1000x64xf32>
    %sub3A_1141 = arith.constant -1.800000e+00 : f32
    %sub3A_1142 = vector.broadcast %sub3A_1141 : f32 to vector<1000x64xf32>
    %sub3A_1143 = arith.subf %add3A_695, %sub3A_1142 : vector<1000x64xf32>
    %mul3A_1144 = arith.constant 0.833333373 : f32
    %mul3A_1145 = vector.broadcast %mul3A_1144 : f32 to vector<1000x64xf32>
    %mul3A_1146 = arith.mulf %sub3A_1143, %mul3A_1145 : vector<1000x64xf32>
    %mul3A_1147 = arith.mulf %mul3A_1146, %add3A_1020 : vector<1000x64xf32>
    %sub3A_1148 = arith.constant -0.199999988 : f32
    %sub3A_1149 = vector.broadcast %sub3A_1148 : f32 to vector<1000x64xf32>
    %sub3A_1150 = arith.subf %sub3A_1149, %add3A_695 : vector<1000x64xf32>
    %mul3A_1151 = arith.constant 0.833333313 : f32
    %mul3A_1152 = vector.broadcast %mul3A_1151 : f32 to vector<1000x64xf32>
    %mul3A_1153 = arith.mulf %sub3A_1150, %mul3A_1152 : vector<1000x64xf32>
    %mul3A_1154 = arith.mulf %mul3A_1153, %add3A_1035 : vector<1000x64xf32>
    %add3A_1155 = arith.addf %mul3A_1147, %mul3A_1154 : vector<1000x64xf32>
    %sub3A_1156 = arith.constant -1.400000e+00 : f32
    %sub3A_1157 = vector.broadcast %sub3A_1156 : f32 to vector<1000x64xf32>
    %sub3A_1158 = arith.subf %add3A_695, %sub3A_1157 : vector<1000x64xf32>
    %mul3A_1159 = arith.constant 0.833333313 : f32
    %mul3A_1160 = vector.broadcast %mul3A_1159 : f32 to vector<1000x64xf32>
    %mul3A_1161 = arith.mulf %sub3A_1158, %mul3A_1160 : vector<1000x64xf32>
    %mul3A_1162 = arith.mulf %mul3A_1161, %add3A_1035 : vector<1000x64xf32>
    %sub3A_1163 = arith.constant 0.200000048 : f32
    %sub3A_1164 = vector.broadcast %sub3A_1163 : f32 to vector<1000x64xf32>
    %sub3A_1165 = arith.subf %sub3A_1164, %add3A_695 : vector<1000x64xf32>
    %mul3A_1166 = arith.constant 0.833333313 : f32
    %mul3A_1167 = vector.broadcast %mul3A_1166 : f32 to vector<1000x64xf32>
    %mul3A_1168 = arith.mulf %sub3A_1165, %mul3A_1167 : vector<1000x64xf32>
    %mul3A_1169 = arith.mulf %mul3A_1168, %add3A_1050 : vector<1000x64xf32>
    %add3A_1170 = arith.addf %mul3A_1162, %mul3A_1169 : vector<1000x64xf32>
    %sub3A_1171 = arith.constant -1.000000e+00 : f32
    %sub3A_1172 = vector.broadcast %sub3A_1171 : f32 to vector<1000x64xf32>
    %sub3A_1173 = arith.subf %add3A_695, %sub3A_1172 : vector<1000x64xf32>
    %mul3A_1174 = arith.constant 0.833333313 : f32
    %mul3A_1175 = vector.broadcast %mul3A_1174 : f32 to vector<1000x64xf32>
    %mul3A_1176 = arith.mulf %sub3A_1173, %mul3A_1175 : vector<1000x64xf32>
    %mul3A_1177 = arith.mulf %mul3A_1176, %add3A_1050 : vector<1000x64xf32>
    %sub3A_1178 = arith.constant 6.000000e-01 : f32
    %sub3A_1179 = vector.broadcast %sub3A_1178 : f32 to vector<1000x64xf32>
    %sub3A_1180 = arith.subf %sub3A_1179, %add3A_695 : vector<1000x64xf32>
    %mul3A_1181 = arith.constant 0.833333313 : f32
    %mul3A_1182 = vector.broadcast %mul3A_1181 : f32 to vector<1000x64xf32>
    %mul3A_1183 = arith.mulf %sub3A_1180, %mul3A_1182 : vector<1000x64xf32>
    %mul3A_1184 = arith.mulf %mul3A_1183, %add3A_1065 : vector<1000x64xf32>
    %add3A_1185 = arith.addf %mul3A_1177, %mul3A_1184 : vector<1000x64xf32>
    %sub3A_1186 = arith.constant -6.000000e-01 : f32
    %sub3A_1187 = vector.broadcast %sub3A_1186 : f32 to vector<1000x64xf32>
    %sub3A_1188 = arith.subf %add3A_695, %sub3A_1187 : vector<1000x64xf32>
    %mul3A_1189 = arith.constant 0.833333313 : f32
    %mul3A_1190 = vector.broadcast %mul3A_1189 : f32 to vector<1000x64xf32>
    %mul3A_1191 = arith.mulf %sub3A_1188, %mul3A_1190 : vector<1000x64xf32>
    %mul3A_1192 = arith.mulf %mul3A_1191, %add3A_1065 : vector<1000x64xf32>
    %sub3A_1193 = arith.constant 1.000000e+00 : f32
    %sub3A_1194 = vector.broadcast %sub3A_1193 : f32 to vector<1000x64xf32>
    %sub3A_1195 = arith.subf %sub3A_1194, %add3A_695 : vector<1000x64xf32>
    %mul3A_1196 = arith.constant 0.833333313 : f32
    %mul3A_1197 = vector.broadcast %mul3A_1196 : f32 to vector<1000x64xf32>
    %mul3A_1198 = arith.mulf %sub3A_1195, %mul3A_1197 : vector<1000x64xf32>
    %mul3A_1199 = arith.mulf %mul3A_1198, %add3A_1080 : vector<1000x64xf32>
    %add3A_1200 = arith.addf %mul3A_1192, %mul3A_1199 : vector<1000x64xf32>
    %sub3A_1201 = arith.constant -0.199999988 : f32
    %sub3A_1202 = vector.broadcast %sub3A_1201 : f32 to vector<1000x64xf32>
    %sub3A_1203 = arith.subf %add3A_695, %sub3A_1202 : vector<1000x64xf32>
    %mul3A_1204 = arith.constant 0.833333313 : f32
    %mul3A_1205 = vector.broadcast %mul3A_1204 : f32 to vector<1000x64xf32>
    %mul3A_1206 = arith.mulf %sub3A_1203, %mul3A_1205 : vector<1000x64xf32>
    %mul3A_1207 = arith.mulf %mul3A_1206, %add3A_1080 : vector<1000x64xf32>
    %sub3A_1208 = arith.constant 1.4000001 : f32
    %sub3A_1209 = vector.broadcast %sub3A_1208 : f32 to vector<1000x64xf32>
    %sub3A_1210 = arith.subf %sub3A_1209, %add3A_695 : vector<1000x64xf32>
    %mul3A_1211 = arith.constant 0.833333313 : f32
    %mul3A_1212 = vector.broadcast %mul3A_1211 : f32 to vector<1000x64xf32>
    %mul3A_1213 = arith.mulf %sub3A_1210, %mul3A_1212 : vector<1000x64xf32>
    %mul3A_1214 = arith.mulf %mul3A_1213, %add3A_1095 : vector<1000x64xf32>
    %add3A_1215 = arith.addf %mul3A_1207, %mul3A_1214 : vector<1000x64xf32>
    %sub3A_1216 = arith.constant 0.200000048 : f32
    %sub3A_1217 = vector.broadcast %sub3A_1216 : f32 to vector<1000x64xf32>
    %sub3A_1218 = arith.subf %add3A_695, %sub3A_1217 : vector<1000x64xf32>
    %mul3A_1219 = arith.constant 0.833333313 : f32
    %mul3A_1220 = vector.broadcast %mul3A_1219 : f32 to vector<1000x64xf32>
    %mul3A_1221 = arith.mulf %sub3A_1218, %mul3A_1220 : vector<1000x64xf32>
    %mul3A_1222 = arith.mulf %mul3A_1221, %add3A_1095 : vector<1000x64xf32>
    %sub3A_1223 = arith.constant 1.800000e+00 : f32
    %sub3A_1224 = vector.broadcast %sub3A_1223 : f32 to vector<1000x64xf32>
    %sub3A_1225 = arith.subf %sub3A_1224, %add3A_695 : vector<1000x64xf32>
    %mul3A_1226 = arith.constant 0.833333373 : f32
    %mul3A_1227 = vector.broadcast %mul3A_1226 : f32 to vector<1000x64xf32>
    %mul3A_1228 = arith.mulf %sub3A_1225, %mul3A_1227 : vector<1000x64xf32>
    %mul3A_1229 = arith.mulf %mul3A_1228, %add3A_1110 : vector<1000x64xf32>
    %add3A_1230 = arith.addf %mul3A_1222, %mul3A_1229 : vector<1000x64xf32>
    %sub3A_1231 = arith.constant 6.000000e-01 : f32
    %sub3A_1232 = vector.broadcast %sub3A_1231 : f32 to vector<1000x64xf32>
    %sub3A_1233 = arith.subf %add3A_695, %sub3A_1232 : vector<1000x64xf32>
    %mul3A_1234 = arith.constant 0.833333373 : f32
    %mul3A_1235 = vector.broadcast %mul3A_1234 : f32 to vector<1000x64xf32>
    %mul3A_1236 = arith.mulf %sub3A_1233, %mul3A_1235 : vector<1000x64xf32>
    %mul3A_1237 = arith.mulf %mul3A_1236, %add3A_1110 : vector<1000x64xf32>
    %sub3A_1238 = arith.constant 2.200000e+00 : f32
    %sub3A_1239 = vector.broadcast %sub3A_1238 : f32 to vector<1000x64xf32>
    %sub3A_1240 = arith.subf %sub3A_1239, %add3A_695 : vector<1000x64xf32>
    %mul3A_1241 = arith.constant 0.833333313 : f32
    %mul3A_1242 = vector.broadcast %mul3A_1241 : f32 to vector<1000x64xf32>
    %mul3A_1243 = arith.mulf %sub3A_1240, %mul3A_1242 : vector<1000x64xf32>
    %mul3A_1244 = arith.mulf %mul3A_1243, %add3A_1125 : vector<1000x64xf32>
    %add3A_1245 = arith.addf %mul3A_1237, %mul3A_1244 : vector<1000x64xf32>
    %get3A_1246 = arith.constant 0 : index
    %get3A_1247 = arith.constant 0 : index
    %get3A_1248 = arith.constant 0 : index
    %get3A_1249 = vector.load %arg15[%get3A_1246, %get3A_1247, %get3A_1248] : memref<8x64x2xf32, #tpu.memory_space<vmem>>, vector<1x64x2xf32>
    %get3A_1250 = vector.shape_cast %get3A_1249 : vector<1x64x2xf32> to vector<64x2xf32>
    %dot_general3A_1251 = arith.constant dense<0.000000e+00> : vector<1000x2xf32>
    %dot_general3A_1252 = tpu.matmul %add3A_1140, %get3A_1250, %dot_general3A_1251 {dimension_numbers = #tpu.dot_dimension_numbers<[1], [0], [0], [1], [0, 0, 1, 1], [], []>, transpose_lhs_hint = false} : vector<1000x64xf32>, vector<64x2xf32>, vector<1000x2xf32> -> vector<1000x2xf32>
    %add3A_1253 = arith.addf %dot_general3A_708, %dot_general3A_1252 : vector<1000x2xf32>
    %get3A_1254 = arith.constant 1 : index
    %get3A_1255 = arith.constant 0 : index
    %get3A_1256 = arith.constant 0 : index
    %get3A_1257 = vector.load %arg15[%get3A_1254, %get3A_1255, %get3A_1256] : memref<8x64x2xf32, #tpu.memory_space<vmem>>, vector<1x64x2xf32>
    %get3A_1258 = vector.shape_cast %get3A_1257 : vector<1x64x2xf32> to vector<64x2xf32>
    %dot_general3A_1259 = arith.constant dense<0.000000e+00> : vector<1000x2xf32>
    %dot_general3A_1260 = tpu.matmul %add3A_1155, %get3A_1258, %dot_general3A_1259 {dimension_numbers = #tpu.dot_dimension_numbers<[1], [0], [0], [1], [0, 0, 1, 1], [], []>, transpose_lhs_hint = false} : vector<1000x64xf32>, vector<64x2xf32>, vector<1000x2xf32> -> vector<1000x2xf32>
    %add3A_1261 = arith.addf %add3A_1253, %dot_general3A_1260 : vector<1000x2xf32>
    %get3A_1262 = arith.constant 2 : index
    %get3A_1263 = arith.constant 0 : index
    %get3A_1264 = arith.constant 0 : index
    %get3A_1265 = vector.load %arg15[%get3A_1262, %get3A_1263, %get3A_1264] : memref<8x64x2xf32, #tpu.memory_space<vmem>>, vector<1x64x2xf32>
    %get3A_1266 = vector.shape_cast %get3A_1265 : vector<1x64x2xf32> to vector<64x2xf32>
    %dot_general3A_1267 = arith.constant dense<0.000000e+00> : vector<1000x2xf32>
    %dot_general3A_1268 = tpu.matmul %add3A_1170, %get3A_1266, %dot_general3A_1267 {dimension_numbers = #tpu.dot_dimension_numbers<[1], [0], [0], [1], [0, 0, 1, 1], [], []>, transpose_lhs_hint = false} : vector<1000x64xf32>, vector<64x2xf32>, vector<1000x2xf32> -> vector<1000x2xf32>
    %add3A_1269 = arith.addf %add3A_1261, %dot_general3A_1268 : vector<1000x2xf32>
    %get3A_1270 = arith.constant 3 : index
    %get3A_1271 = arith.constant 0 : index
    %get3A_1272 = arith.constant 0 : index
    %get3A_1273 = vector.load %arg15[%get3A_1270, %get3A_1271, %get3A_1272] : memref<8x64x2xf32, #tpu.memory_space<vmem>>, vector<1x64x2xf32>
    %get3A_1274 = vector.shape_cast %get3A_1273 : vector<1x64x2xf32> to vector<64x2xf32>
    %dot_general3A_1275 = arith.constant dense<0.000000e+00> : vector<1000x2xf32>
    %dot_general3A_1276 = tpu.matmul %add3A_1185, %get3A_1274, %dot_general3A_1275 {dimension_numbers = #tpu.dot_dimension_numbers<[1], [0], [0], [1], [0, 0, 1, 1], [], []>, transpose_lhs_hint = false} : vector<1000x64xf32>, vector<64x2xf32>, vector<1000x2xf32> -> vector<1000x2xf32>
    %add3A_1277 = arith.addf %add3A_1269, %dot_general3A_1276 : vector<1000x2xf32>
    %get3A_1278 = arith.constant 4 : index
    %get3A_1279 = arith.constant 0 : index
    %get3A_1280 = arith.constant 0 : index
    %get3A_1281 = vector.load %arg15[%get3A_1278, %get3A_1279, %get3A_1280] : memref<8x64x2xf32, #tpu.memory_space<vmem>>, vector<1x64x2xf32>
    %get3A_1282 = vector.shape_cast %get3A_1281 : vector<1x64x2xf32> to vector<64x2xf32>
    %dot_general3A_1283 = arith.constant dense<0.000000e+00> : vector<1000x2xf32>
    %dot_general3A_1284 = tpu.matmul %add3A_1200, %get3A_1282, %dot_general3A_1283 {dimension_numbers = #tpu.dot_dimension_numbers<[1], [0], [0], [1], [0, 0, 1, 1], [], []>, transpose_lhs_hint = false} : vector<1000x64xf32>, vector<64x2xf32>, vector<1000x2xf32> -> vector<1000x2xf32>
    %add3A_1285 = arith.addf %add3A_1277, %dot_general3A_1284 : vector<1000x2xf32>
    %get3A_1286 = arith.constant 5 : index
    %get3A_1287 = arith.constant 0 : index
    %get3A_1288 = arith.constant 0 : index
    %get3A_1289 = vector.load %arg15[%get3A_1286, %get3A_1287, %get3A_1288] : memref<8x64x2xf32, #tpu.memory_space<vmem>>, vector<1x64x2xf32>
    %get3A_1290 = vector.shape_cast %get3A_1289 : vector<1x64x2xf32> to vector<64x2xf32>
    %dot_general3A_1291 = arith.constant dense<0.000000e+00> : vector<1000x2xf32>
    %dot_general3A_1292 = tpu.matmul %add3A_1215, %get3A_1290, %dot_general3A_1291 {dimension_numbers = #tpu.dot_dimension_numbers<[1], [0], [0], [1], [0, 0, 1, 1], [], []>, transpose_lhs_hint = false} : vector<1000x64xf32>, vector<64x2xf32>, vector<1000x2xf32> -> vector<1000x2xf32>
    %add3A_1293 = arith.addf %add3A_1285, %dot_general3A_1292 : vector<1000x2xf32>
    %get3A_1294 = arith.constant 6 : index
    %get3A_1295 = arith.constant 0 : index
    %get3A_1296 = arith.constant 0 : index
    %get3A_1297 = vector.load %arg15[%get3A_1294, %get3A_1295, %get3A_1296] : memref<8x64x2xf32, #tpu.memory_space<vmem>>, vector<1x64x2xf32>
    %get3A_1298 = vector.shape_cast %get3A_1297 : vector<1x64x2xf32> to vector<64x2xf32>
    %dot_general3A_1299 = arith.constant dense<0.000000e+00> : vector<1000x2xf32>
    %dot_general3A_1300 = tpu.matmul %add3A_1230, %get3A_1298, %dot_general3A_1299 {dimension_numbers = #tpu.dot_dimension_numbers<[1], [0], [0], [1], [0, 0, 1, 1], [], []>, transpose_lhs_hint = false} : vector<1000x64xf32>, vector<64x2xf32>, vector<1000x2xf32> -> vector<1000x2xf32>
    %add3A_1301 = arith.addf %add3A_1293, %dot_general3A_1300 : vector<1000x2xf32>
    %get3A_1302 = arith.constant 7 : index
    %get3A_1303 = arith.constant 0 : index
    %get3A_1304 = arith.constant 0 : index
    %get3A_1305 = vector.load %arg15[%get3A_1302, %get3A_1303, %get3A_1304] : memref<8x64x2xf32, #tpu.memory_space<vmem>>, vector<1x64x2xf32>
    %get3A_1306 = vector.shape_cast %get3A_1305 : vector<1x64x2xf32> to vector<64x2xf32>
    %dot_general3A_1307 = arith.constant dense<0.000000e+00> : vector<1000x2xf32>
    %dot_general3A_1308 = tpu.matmul %add3A_1245, %get3A_1306, %dot_general3A_1307 {dimension_numbers = #tpu.dot_dimension_numbers<[1], [0], [0], [1], [0, 0, 1, 1], [], []>, transpose_lhs_hint = false} : vector<1000x64xf32>, vector<64x2xf32>, vector<1000x2xf32> -> vector<1000x2xf32>
    %add3A_1309 = arith.addf %add3A_1301, %dot_general3A_1308 : vector<1000x2xf32>
    %swap3A = arith.constant 0 : index
    %swap3A_1310 = arith.constant 0 : index
    %swap3A_1311 = vector.load %arg16[%swap3A, %swap3A_1310] : memref<1000x2xf32, #tpu.memory_space<vmem>>, vector<1000x2xf32>
    tpu.vector_store %arg16[%swap3A, %swap3A_1310], %add3A_1309 {strides = array<i32>} : memref<1000x2xf32, #tpu.memory_space<vmem>>, vector<1000x2xf32>,
    return
  }
  func.func @transform_0(%arg0: i32) -> (i32, i32) {
    %c0_i32 = arith.constant 0 : i32
    %c0_i32_0 = arith.constant 0 : i32
    return %arg0, %c0_i32 : i32, i32
  }
  func.func @transform_1(%arg0: i32) -> (i32, i32, i32) {
    %min3A = arith.constant 9 : i32
    %min3A_0 = arith.minsi %arg0, %min3A : i32
    %add3A = arith.constant 0 : i32
    %add3A_1 = arith.addi %add3A, %min3A_0 : i32
    %c0_i32 = arith.constant 0 : i32
    %c0_i32_2 = arith.constant 0 : i32
    %c0_i32_3 = arith.constant 0 : i32
    return %c0_i32, %add3A_1, %c0_i32_2 : i32, i32, i32
  }
  func.func @transform_2(%arg0: i32) -> (i32, i32, i32) {
    %min3A = arith.constant 9 : i32
    %min3A_0 = arith.minsi %arg0, %min3A : i32
    %add3A = arith.constant 24 : i32
    %add3A_1 = arith.addi %add3A, %min3A_0 : i32
    %c0_i32 = arith.constant 0 : i32
    %c0_i32_2 = arith.constant 0 : i32
    %c0_i32_3 = arith.constant 0 : i32
    return %c0_i32, %add3A_1, %c0_i32_2 : i32, i32, i32
  }
  func.func @transform_3(%arg0: i32) -> (i32, i32, i32) {
    %min3A = arith.constant 1 : i32
    %min3A_0 = arith.minsi %arg0, %min3A : i32
    %add3A = arith.constant 10 : i32
    %add3A_1 = arith.addi %add3A, %min3A_0 : i32
    %c0_i32 = arith.constant 0 : i32
    %c0_i32_2 = arith.constant 0 : i32
    %c0_i32_3 = arith.constant 0 : i32
    return %c0_i32, %add3A_1, %c0_i32_2 : i32, i32, i32
  }
  func.func @transform_4(%arg0: i32) -> (i32, i32, i32) {
    %min3A = arith.constant 1 : i32
    %min3A_0 = arith.minsi %arg0, %min3A : i32
    %add3A = arith.constant 44 : i32
    %add3A_1 = arith.addi %add3A, %min3A_0 : i32
    %c0_i32 = arith.constant 0 : i32
    %c0_i32_2 = arith.constant 0 : i32
    %c0_i32_3 = arith.constant 0 : i32
    return %c0_i32, %add3A_1, %c0_i32_2 : i32, i32, i32
  }
  func.func @transform_5(%arg0: i32) -> (i32, i32) {
    %c0_i32 = arith.constant 0 : i32
    %c0_i32_0 = arith.constant 0 : i32
    %c0_i32_1 = arith.constant 0 : i32
    return %c0_i32, %c0_i32_0 : i32, i32
  }
  func.func @transform_6(%arg0: i32) -> (i32, i32) {
    %c0_i32 = arith.constant 0 : i32
    %c0_i32_0 = arith.constant 0 : i32
    %c0_i32_1 = arith.constant 0 : i32
    return %c0_i32, %c0_i32_0 : i32, i32
  }
  func.func @transform_7(%arg0: i32) -> (i32, i32) {
    %c0_i32 = arith.constant 0 : i32
    %c0_i32_0 = arith.constant 0 : i32
    %c0_i32_1 = arith.constant 0 : i32
    return %c0_i32, %c0_i32_0 : i32, i32
  }
  func.func @transform_8(%arg0: i32) -> (i32, i32) {
    %c0_i32 = arith.constant 0 : i32
    %c0_i32_0 = arith.constant 0 : i32
    %c0_i32_1 = arith.constant 0 : i32
    return %c0_i32, %c0_i32_0 : i32, i32
  }
  func.func @transform_9(%arg0: i32) -> (i32, i32) {
    %c0_i32 = arith.constant 0 : i32
    %c0_i32_0 = arith.constant 0 : i32
    %c0_i32_1 = arith.constant 0 : i32
    return %c0_i32, %c0_i32_0 : i32, i32
  }
  func.func @transform_10(%arg0: i32) -> (i32, i32) {
    %c0_i32 = arith.constant 0 : i32
    %c0_i32_0 = arith.constant 0 : i32
    %c0_i32_1 = arith.constant 0 : i32
    return %c0_i32, %c0_i32_0 : i32, i32
  }
  func.func @transform_11(%arg0: i32) -> (i32, i32) {
    %c0_i32 = arith.constant 0 : i32
    %c0_i32_0 = arith.constant 0 : i32
    %c0_i32_1 = arith.constant 0 : i32
    return %c0_i32, %c0_i32_0 : i32, i32
  }
  func.func @transform_12(%arg0: i32) -> (i32, i32, i32) {
    %c0_i32 = arith.constant 0 : i32
    %c0_i32_0 = arith.constant 0 : i32
    %c0_i32_1 = arith.constant 0 : i32
    %c0_i32_2 = arith.constant 0 : i32
    return %c0_i32, %c0_i32_0, %c0_i32_1 : i32, i32, i32
  }
  func.func @transform_13(%arg0: i32) -> (i32, i32) {
    %c0_i32 = arith.constant 0 : i32
    %c0_i32_0 = arith.constant 0 : i32
    %c0_i32_1 = arith.constant 0 : i32
    return %c0_i32, %c0_i32_0 : i32, i32
  }
  func.func @transform_14(%arg0: i32) -> (i32, i32, i32) {
    %c0_i32 = arith.constant 0 : i32
    %c0_i32_0 = arith.constant 0 : i32
    %c0_i32_1 = arith.constant 0 : i32
    %c0_i32_2 = arith.constant 0 : i32
    return %c0_i32, %c0_i32_0, %c0_i32_1 : i32, i32, i32
  }
  func.func @transform_15(%arg0: i32) -> (i32, i32) {
    %c0_i32 = arith.constant 0 : i32
    %c0_i32_0 = arith.constant 0 : i32
    return %arg0, %c0_i32 : i32, i32
  }
}

</mosaic_0001>

<sc_bundles>
// kernel: kernel.11.cloned.1.call-start
scs
__scs_entry_jumppad:
0x0: {  	(pc) =	sbr.rel $0x88, $3  }
0x1: {  	(tag) =	ssettag $0x0;
	lr =	simm.s32 $0x1  }
0x2: {  	[smem:$0x3F8F] =	sst lr;
	_ =	strace $0xD0000000  }
0x3: {  	_ = 	snop  }
0x4: {  	_ = 	snop  }
0x5: {  	_ = 	snop  }
0x6: {  	_ = 	snop  }
0x7: {  	_ = 	snop  }
__scs_overlays_trampoline_lowered:
0x8: {  	[smem:$0x3F9E] =	sst s0  }
0x9: {  	[smem:$0x3F9F] =	sst s1  }
0xa: {  	[smem:$0x3FA0] =	sst s2  }
0xb: {  	[smem:$0x3FA1] =	sst s3  }
0xc: {  	[smem:$0x3FA2] =	sst s4  }
0xd: {  	[smem:$0x3FA3] =	sst s5  }
0xe: {  	[smem:$0x3FA4] =	sst s6  }
0xf: {  	[smem:$0x3FA5] =	sst s7  }
0x10: {  	[smem:$0x3FA6] =	sst s8  }
0x11: {  	[smem:$0x3FA7] =	sst s9;
	s0 =	simm.s32 @!p0 $0x0  }
0x12: {  	s1 =	sld [smem:$0x3F8D];
	s0 =	simm.s32 @p0 $0x1  }
0x13: {  	[smem:$0x3FA8] =	sst s0;
	s0 =	simm.s32 @!p1 $0x0  }
0x14: {  	s2 =	sld [smem:$0x3F8C];
	s0 =	simm.s32 @p1 $0x1  }
0x15: {  	[smem:$0x3FA9] =	sst s0;
	s0 =	simm.s32 @!p2 $0x0  }
0x16: {  	s3 =	sld [smem:$0x3FDB];
	s0 =	simm.s32 @p2 $0x1  }
0x17: {  	s4 =	simm.s32 $0x1BF5;
	[smem:$0x3FAB] =	sst s0  }
0x18: {  	s0 =	sld [smem:$0x3F8E];
	_ =	swait.ge [sflag:s4], $0x0  }
0x19: {  	s7 =	sld [smem:$0x3F8F]  }
0x1a: {  	s8 =	sadd.s32 $0xFFFFE003, lr  }
0x1b: {  	s9 =	sadd.s32 $0xFFFFFEF7, lr;
	s5 =	simm.s32 $0xFFFFFFFF;
	p2 =	slt.u32 s8, $0xFFFFF086  }
0x1c: {  	p1 =	slt.u32 s9, $0xF7A;
	s5 =	simm.s32 @!p2 $0x0  }
0x1d: {  	s5 =	simm.s32 @p1 $0x1;
	p0 =	seq.s32 s7, s2  }
0x1e: {  	s7 =	smul.u32 @!p0 $0xF7A, s2;
	p2 =	seq.s32 @!p0 s5, $0x0  }
0x1f: {  	s9 =	smul.u32 $0xF7A, s1;
	s8 =	simm.s32 @!p0 $0x1BF5;
	p2 =	por !p2, p0  }
0x20: {  	[sflag:s8] =	ssyncset.s32 @!p0 $0xFFFFF086;
	s6 =	sadd.s32 @!p0 s3, s7;
	s7 =	simm.s32 @!p0 $0x108  }
0x21: {  	s3 =	sadd.s32 s3, s9;
	s6 =	sadd.s32 @!p0 $0x88, s6;
	s7 =	simm.s32 @p2 $0x1082  }
0x22: {  	[simem:s7], [sflag:s8] =	dma.local @!p0 [hbm:s6], $0xF7A  }
0x23: {  	s9 =	sor.u32 $0xD0000000, s2;
	s6 =	simm.s32 $0x108;
	_ =	swait.ge @!p0 [sflag:s8], $0x0  }
0x24: {  	s3 =	sadd.s32 $0x88, s3;
	s6 =	simm.s32 @!p1 $0x1082;
	[sflag:s4] =	ssyncset.s32 $0xFFFFF086  }
0x25: {  	[simem:s6], [sflag:s4] =	dma.local [hbm:s3], $0xF7A  }
0x26: {  	[smem:$0x3F8F] =	sst s1;
	(tag) =	ssettag s2;
	_ =	strace s9  }
0x27: {  	s1 =	sld [smem:$0x3F9F]  }
0x28: {  	s2 =	sld [smem:$0x3FA0]  }
0x29: {  	s4 =	sld [smem:$0x3FA2]  }
0x2a: {  	p0 =	seq.s32 s5, $0x0;
	s5 =	sld [smem:$0x3FA3]  }
0x2b: {  	s6 =	sld [smem:$0x3FA4]  }
0x2c: {  	s7 =	sld [smem:$0x3FA5]  }
0x2d: {  	s3 =	simm.s32 $0x108;
	s8 =	sld [smem:$0x3FA6]  }
0x2e: {  	s3 =	simm.s32 @!p0 $0x1082;
	s9 =	sld [smem:$0x3FA7]  }
0x2f: {  	lr =	sadd.s32 s0, s3;
	s0 =	sld [smem:$0x3F9E]  }
0x30: {  	s3 =	sld [smem:$0x3FA1]  }
0x31: {  	[smem:$0x3FAA] =	sst s10  }
0x32: {  	s10 =	sld [smem:$0x3FA8];
	_ =	sdelay $0x3  }
0x33: {  	p0 =	seq.s32 s10, $0x1;
	s10 =	sld [smem:$0x3FAA];
	_ =	sdelay $0x3  }
0x34: {  	[smem:$0x3FAA] =	sst s10  }
0x35: {  	s10 =	sld [smem:$0x3FA9];
	_ =	sdelay $0x3  }
0x36: {  	p1 =	seq.s32 s10, $0x1;
	s10 =	sld [smem:$0x3FAA];
	_ =	sdelay $0x3  }
0x37: {  	[smem:$0x3FAA] =	sst s10  }
0x38: {  	s10 =	sld [smem:$0x3FAB]  }
0x39: {  	_ = 	snop;
	(pc) =	sbr.ind lr, $3  }
0x3a: {  	_ = 	snop  }
0x3b: {  	_ = 	snop  }
0x3c: {  	p2 =	seq.s32 s10, $0x1;
	s10 =	sld [smem:$0x3FAA]  }
0x3d: {  	_ =	shalt  }
0x3e: {  	_ =	shalt  }
0x3f: {  	_ =	shalt  }
0x40: {  	_ =	shalt  }
0x41: {  	_ =	shalt  }
0x42: {  	_ =	shalt  }
0x43: {  	_ =	shalt  }
0x44: {  	_ =	shalt  }
0x45: {  	_ =	shalt  }
0x46: {  	_ =	shalt  }
0x47: {  	_ =	shalt  }
0x48: {  	_ =	shalt  }
0x49: {  	_ =	shalt  }
0x4a: {  	_ =	shalt  }
0x4b: {  	_ =	shalt  }
0x4c: {  	_ =	shalt  }
0x4d: {  	_ =	shalt  }
0x4e: {  	_ =	shalt  }
0x4f: {  	_ =	shalt  }
0x50: {  	_ =	shalt  }
0x51: {  	_ =	shalt  }
0x52: {  	_ =	shalt  }
0x53: {  	_ =	shalt  }
0x54: {  	_ =	shalt  }
0x55: {  	_ =	shalt  }
0x56: {  	_ =	shalt  }
0x57: {  	_ =	shalt  }
0x58: {  	_ =	shalt  }
0x59: {  	_ =	shalt  }
0x5a: {  	_ =	shalt  }
0x5b: {  	_ =	shalt  }
0x5c: {  	_ =	shalt  }
0x5d: {  	_ =	shalt  }
0x5e: {  	_ =	shalt  }
0x5f: {  	_ =	shalt  }
0x60: {  	_ =	shalt  }
0x61: {  	_ =	shalt  }
0x62: {  	_ =	shalt  }
0x63: {  	_ =	shalt  }
0x64: {  	_ =	shalt  }
0x65: {  	_ =	shalt  }
0x66: {  	_ =	shalt  }
0x67: {  	_ =	shalt  }
0x68: {  	_ =	shalt  }
0x69: {  	_ =	shalt  }
0x6a: {  	_ =	shalt  }
0x6b: {  	_ =	shalt  }
0x6c: {  	_ =	shalt  }
0x6d: {  	_ =	shalt  }
0x6e: {  	_ =	shalt  }
0x6f: {  	_ =	shalt  }
0x70: {  	_ =	shalt  }
0x71: {  	_ =	shalt  }
0x72: {  	_ =	shalt  }
0x73: {  	_ =	shalt  }
0x74: {  	_ =	shalt  }
0x75: {  	_ =	shalt  }
0x76: {  	_ =	shalt  }
0x77: {  	_ =	shalt  }
0x78: {  	_ =	shalt  }
0x79: {  	_ =	shalt  }
0x7a: {  	_ =	shalt  }
0x7b: {  	_ =	shalt  }
0x7c: {  	_ =	shalt  }
0x7d: {  	_ =	shalt  }
0x7e: {  	_ =	shalt  }
0x7f: {  	_ =	shalt  }
0x80: {  	_ =	shalt  }
0x81: {  	_ =	shalt  }
0x82: {  	_ =	shalt  }
0x83: {  	_ =	shalt  }
0x84: {  	_ =	shalt  }
0x85: {  	_ =	shalt  }
0x86: {  	_ =	shalt  }
0x87: {  	_ =	shalt  }
.Lfunc_end0:
.L_simem_size_0:
called_computation.1_lowered:
.L_overlay_start_0:
0x88: {  	s2 =	sld [smem:$0x3FD9]  }
0x89: {  	s3 =	sld [smem:$0x3FFE];
	_ =	sdelay $0x1  }
0x8a: {  	s1 =	srdreg.scid  }
0x8b: {  	s0 =	sand.u32 $0x1, s1  }
0x8c: {  	s16 =	sshll.u32 s0, $0xA;
	s2 =	sadd.s32 s3, s2  }
0x8d: {  	s2 =	sadd.s32 s2, s16  }
0x8e: {  	[smem:$0x3FB6] =	sst s2  }
0x8f: {  	_ = 	snop  }
0x90: {  	(tm) =	ssettm $0x1  }
0x91: {  	s17 =	sld [smem:$0x3FFB];
	_ =	sdelay $0x3  }
0x92: {  	_ =	strace s17  }
0x93: {  	s2 =	sld [smem:$0x3FFC];
	_ =	sdelay $0x3  }
0x94: {  	_ =	strace s2  }
0x95: {  	s2 =	sld [smem:$0x3FFD];
	_ =	sdelay $0x3  }
0x96: {  	_ =	strace s2  }
0x97: {  	_ =	strace $0x8FFFFFFF  }
0x98: {  	s18 =	sld [smem:$0x3FDB];
	_ =	sdelay $0x1  }
0x99: {  	s19 =	simm.s32 $_scs_section_size  }
0x9a: {  	s4 =	simm.s32 $_size__tile_overlayer_lowered;
	s5 =	simm.s32 $_tile_overlayer_lowered  }
0x9b: {  	s22 =	simm.s32 $0x1BFF;
	s21 =	sshll.u32 s5, $0x1;
	s2 =	sadd.s32 s19, s18  }
0x9c: {  	s6 =	simm.s32 $0x0;
	s20 =	sshll.u32 s4, $0x1;
	s4 =	sadd.s32 s21, s2  }
0x9d: {  	[timem:s6], [sflag:s22] =	dma.local [hbm:s4], s20  }
0x9e: {  	_ =	swait.ge [sflag:s22], s20  }
0x9f: {  	s3 =	ssub.s32 $0x0, s20;
	[sflag:s22] =	ssyncset.done $0x0  }
0xa0: {  	[sflag:s22] =	ssyncadd.s32 s3;
	_ =	sdelay $0x1  }
0xa1: {  	s23 =	simm.s32 $0x1B8B  }
0xa2: {  	_ =	swait.ge [sflag:s23], $0x1  }
0xa3: {  	[sflag:s23] =	ssyncset.done $0x0  }
0xa4: {  	s25 =	simm.s32 $0x1B8E;
	s24 =	sld [smem:$0x3FFE];
	[sflag:s23] =	ssyncadd.s32 $0xFFFFFFFF  }
0xa5: {  	s26 =	simm.s32 $execute0_lowered;
	[smem:$0x3FD2] =	sst s25  }
0xa6: {  	s4 =	sshll.u32 s26, $0x1;
	_ =	strace $0x80000049;
	[dreg:$0x1] =	wrdreg $0xFFFFFFFF  }
0xa7: {  	s28 =	simm.s32 $_size_execute0_lowered;
	s2 =	sadd.s32 s2, s4;
	[dreg:$0x0] =	wrdreg $0x0  }
0xa8: {  	s4 =	sshll.u32 s28, $0x1;
	[dreg:$0x2] =	wrdreg s2  }
0xa9: {  	[dreg:$0x3] =	wrdreg s4  }
0xaa: {  	[dreg:$0x4] =	wrdreg $0xC0  }
0xab: {  	_ =	task [dreg:s6], $0x5FFFF  }
0xac: {  	[dreg:$0x1] =	wrdreg $0xFFFFFFFF  }
0xad: {  	[dreg:$0x0] =	wrdreg $0x60  }
0xae: {  	[dreg:$0x2] =	wrdreg s24  }
0xaf: {  	[dreg:$0x3] =	wrdreg $0x0  }
0xb0: {  	[dreg:$0x4] =	wrdreg $0x9  }
0xb1: {  	_ =	task.clear_ibuf [dreg:s6], $0x5FFFF;
	_ =	strace $0x90000049  }
0xb2: {  	s29 =	simm.s32 $0x9;
	_ =	strace $0x8000004B  }
0xb3: {  	_ =	swait.ge [sflag:s29], $0x1  }
0xb4: {  	[sflag:s29] =	ssyncadd.s32 $0xFFFFFFFF  }
0xb5: {  	_ =	strace $0x9000004B  }
0xb6: {  	_ =	sfence  }
0xb7: {  	s30 =	sld [smem:$0x0];
	_ =	sdelay $0x2  }
0xb8: {  	s31 =	sshll.u32 s1, $0xD;
	s1 =	sshrl.u32 s1, $0x2  }
0xb9: {  	s3 =	sand.u32 $0x4000, s31;
	s1 =	sadd.s32 s1, s30  }
0xba: {  	s0 =	sor.u32 s3, s0;
	s1 =	sshll.u32 s1, $0x11  }
0xbb: {  	s0 =	sor.u32 s1, s0  }
0xbc: {  	s0 =	sadd.s32 $0x8F2B, s0  }
0xbd: {  	[sflag:s0] =	ssyncadd.remote.s32 $0x1  }
0xbe: {  	_ =	sfence.sel $0xFFFF  }
0xbf: {  	[dreg:$0x0] =	wrdreg $0xFFFFFFFF;
	(pc) =	sbr.abs _section_cstart, $3  }
0xc0: {  	[dreg:$0x1] =	wrdreg $0xFFFFFFFF  }
0xc1: {  	_ =	task.clear_ibuf [dreg:s6], $0x2FFFF;
	_ =	strace $0x9FFFFFFF  }
0xc2: {  	(tm) =	ssettm $0x7FFFFFFF  }
0xc3: {  	_ =	shalt  }
tec
execute0_lowered:
.L_overlay_start_1:
0x0: {  	(tag) =	ssettag $0x1  }
0x1: {  	s0 =	rddreg [dreg:$0x0]  }
0x2: {  	s1 =	rddreg [dreg:$0x1];
	s2 =	simm.s32 $0x0;
	s4 =	srdreg.scid  }
0x3: {  	s5 =	stileid.u32;
	s28 =	simm.s32 $0x1;
	s29 =	simm.s32 $0x0  }
0x4: {  	[smem:$0x7FF] =	sst s2;
	s3 =	sadd.s32 $0x28800, s0;
	s7 =	smul.u32 $0x4E000, s5  }
0x5: {  	s4 =	sand.u32 $0x1, s4;
	s8 =	sadd.s32 $0x11AC00, s0;
	s14 =	smul.u32 $0x2700, s5  }
0x6: {  	s18 =	sadd.s32 $0x1600, s0;
	s15 =	sadd.s32 $0x2B8E00, s0;
	s16 =	smul.u32 $0x270, s5  }
0x7: {  	s19 =	sshll.u32 s5, $0x6;
	s10 =	sadd.s32 $0x138000, s1;
	s11 =	smul.u32 $0xF000, s5  }
0x8: {  	s21 =	sadd.s32 $0x141C00, s0;
	s12 =	smul.u32 $0x780, s5;
	p0 =	sne.s32 s5, $0x0  }
0x9: {  	_ =	strace $0x8000004A;
	s20 =	smul.u32 $0x2EE0, s4;
	[dreg:$0x5] =	wrdreg s10  }
0xa: {  	s6 =	ssub.s32 $0x2, s4;
	[dreg:$0x6] =	wrdreg s21;
	s22 =	smul.u32 $0x177000, s4  }
0xb: {  	s4 =	sshll.u32 s4, $0x7;
	s9 =	sshrl.u32 s6, $0x1;
	s13 =	sshrl.u32 s7, $0x2  }
0xc: {  	s7 =	sadd.s32 s8, s14;
	s14 =	sshll.u32 s5, $0x8;
	s11 =	sshrl.u32 s11, $0x2  }
0xd: {  	s12 =	sadd.s32 s8, s12;
	s17 =	ssub.s32 s6, s9;
	s6 =	sadd.s32 s13, s1  }
0xe: {  	[dreg:$0x4] =	wrdreg s7;
	s13 =	smul.u32 $0x78, s5;
	s9 =	sadd.s32 s16, s20  }
0xf: {  	s10 =	sshrl.u32 s22, $0x3;
	s11 =	sadd.s32 s11, s1;
	s4 =	sor.u32 s4, s14  }
0x10: {  	s14 =	sadd.s32 $0x122400, s0;
	s22 =	simm.s32 $0x2;
	[dreg:$0x3] =	wrdreg s6  }
0x11: {  	s6 =	sor.u32 $0x1C02, s19;
	s9 =	sshll.u32 s9, $0x4;
	s16 =	sadd.s32 s15, s10  }
0x12: {  	s24 =	sadd.s32 $0x27100, s4;
	s17 =	smax.u32 s17, $0x1;
	s26 =	sadd.s32 $0xC3500, s4  }
0x13: {  	s30 =	sshrl.u32 s4, $0x3;
	s4 =	sadd.s32 $0x9C400, s4;
	s9 =	sadd.s32 s15, s9  }
0x14: {  	s10 =	sadd.s32 $0x27000, s16;
	s7 =	sadd.s32 s13, s20;
	s13 =	sadd.s32 $0x3C000, s1  }
0x15: {  	s16 =	sadd.s32 $0x2E900, s16;
	s25 =	sshrl.u32 s24, $0x3;
	s0 =	sshrl.u32 s26, $0x3  }
0x16: {  	s8 =	sadd.s32 s30, s18;
	s31 =	sshrl.u32 s4, $0x3;
	s24 =	simm.s32 $0x13880  }
0x17: {  	s26 =	simm.s32 $0x13980;
	s7 =	sshll.u32 s7, $0x4;
	s20 =	sadd.s32 s0, s18  }
0x18: {  	s21 =	sadd.s32 s31, s18;
	s23 =	sadd.s32 s15, s7;
	s7 =	sadd.s32 s25, s18  }
0x19: {  	s25 =	simm.s32 $0x80;
	s15 =	sadd.s32 $0x27100, s23;
	s23 =	simm.s32 $0x13900  }
.LBB2_1:
0x1a: {  	s0 =	rddreg [dreg:$0x3]  }
0x1b: {  	s19 =	rddreg [dreg:$0x4];
	s4 =	sshrl.u32 s0, $0x3  }
0x1c: {  	[spmem:s4], [sflag:s6] =	dma.local [hbm:s19], $0x2700  }
0x1d: {  	_ =	swait.ge [sflag:s22], $0x2700  }
0x1e: {  	s31 =	simm.s32 @!p0 $0x2;
	[sflag:s22] =	ssyncset.done $0x0;
	s0 =	rddreg [dreg:$0x5]  }
0x1f: {  	s5 =	rddreg [dreg:$0x6];
	[sflag:s22] =	ssyncadd.s32 $0xFFFFD900;
	s0 =	sshrl.u32 @!p0 s0, $0x3  }
0x20: {  	[spmem:s0], [sflag:s6] =	dma.local @!p0 [hbm:s5], $0x100  }
0x21: {  	_ =	swait.ge @!p0 [sflag:s31], $0x100  }
0x22: {  	[sflag:s31] =	ssyncset.done @!p0 $0x0  }
0x23: {  	[sflag:s31] =	ssyncadd.s32 @!p0 $0xFFFFFF00  }
0x24: {  	[bflag:$0x0] =	sbarrier.arrive $0xFFFF  }
0x25: {  	[tilespmem:s23], [sflag:$0x2] =	stream.linear.gather [hbm4b:s7+s2], $0x80, $0x38;
	[tilespmem:$0x17980] =	vst v63  }
0x26: {  	_ =	swait.ge [sflag:s22], $0x80  }
0x27: {  	[sflag:s22] =	ssyncset.done $0x0  }
0x28: {  	[sflag:s22] =	ssyncadd.s32 $0xFFFFFF80  }
0x29: {  	[tilespmem:s24], [sflag:$0x2] =	stream.linear.gather [hbm4b:s8+s2], $0x80, $0x38;
	[tilespmem:$0x17980] =	vst v63  }
0x2a: {  	_ =	swait.ge [sflag:s22], $0x80  }
0x2b: {  	s30 =	simm.s32 @!p0 $0x28;
	[sflag:s22] =	ssyncset.done $0x0  }
0x2c: {  	s30 =	simm.s32 @p0 $0x27;
	[sflag:s22] =	ssyncadd.s32 $0xFFFFFF80  }
0x2d: {  	[tilespmem:s26], [sflag:$0x1] =	stream.indirect.gather [hbm4b:s3+s25], $0x80, s24, s25, $0xb8;
	[tilespmem:$0x17980] =	vst v63  }
0x2e: {  	p1 =	sne.s32 s30, $0x1;
	_ =	swait.ge [sflag:s28], $0x4000  }
.Ltmp0:
0x2f: {  	[sflag:s28] =	ssyncset.done $0x0;
	(pc) =	sbr.rel @!p1 .LBB2_3-.Ltmp0, $4  }
0x30: {  	[sflag:s28] =	ssyncadd.s32 $0xFFFFC000  }
0x31: {  	[spmem:s1] =	stream.indirect.scatter.add.f32 [tilespmem:s26], [sflag:$0x2], $0x80, s23, s25, $0xb8;
	[tilespmem:$0x17980] =	vst v63  }
0x32: {  	s18 =	smov.u32 s7;
	_ =	swait.ge [sflag:s22], $0x4000  }
0x33: {  	s19 =	smov.u32 s8;
	s5 =	sadd.s32 $0xFFFFFFFF, s30;
	[sflag:s22] =	ssyncset.done $0x0  }
.LBB2_2:
0x34: {  	[sflag:s22] =	ssyncadd.s32 $0xFFFFC000;
	s18 =	sadd.s32 $0x200, s18;
	s19 =	sadd.s32 $0x200, s19  }
0x35: {  	[tilespmem:s23], [sflag:$0x2] =	stream.linear.gather [hbm4b:s18+s2], $0x80, $0x38;
	[tilespmem:$0x17980] =	vst v63  }
0x36: {  	p2 =	sne.s32 s5, $0x1;
	s5 =	sadd.s32 $0xFFFFFFFF, s5;
	_ =	swait.ge [sflag:s22], $0x80  }
0x37: {  	[sflag:s22] =	ssyncset.done $0x0  }
0x38: {  	[sflag:s22] =	ssyncadd.s32 $0xFFFFFF80  }
0x39: {  	[tilespmem:s24], [sflag:$0x2] =	stream.linear.gather [hbm4b:s19+s2], $0x80, $0x38;
	[tilespmem:$0x17980] =	vst v63  }
0x3a: {  	_ =	swait.ge [sflag:s22], $0x80  }
0x3b: {  	[sflag:s22] =	ssyncset.done $0x0  }
0x3c: {  	[sflag:s22] =	ssyncadd.s32 $0xFFFFFF80  }
0x3d: {  	[tilespmem:s26], [sflag:$0x1] =	stream.indirect.gather [hbm4b:s3+s25], $0x80, s24, s25, $0xb8;
	[tilespmem:$0x17980] =	vst v63  }
0x3e: {  	_ =	swait.ge [sflag:s28], $0x4000  }
.Ltmp1:
0x3f: {  	[sflag:s28] =	ssyncset.done $0x0;
	(pc) =	sbr.rel @p2 .LBB2_2-.Ltmp1, $4  }
0x40: {  	[sflag:s28] =	ssyncadd.s32 $0xFFFFC000  }
0x41: {  	[spmem:s1] =	stream.indirect.scatter.add.f32 [tilespmem:s26], [sflag:$0x2], $0x80, s23, s25, $0xb8;
	[tilespmem:$0x17980] =	vst v63  }
0x42: {  	_ =	swait.ge [sflag:s22], $0x4000  }
0x43: {  	[sflag:s22] =	ssyncset.done $0x0  }
.LBB2_3:
0x44: {  	[sflag:s22] =	ssyncadd.s32 $0xFFFFC000  }
0x45: {  	[bflag:$0x0] =	sbarrier.arrive $0xFFFF  }
0x46: {  	[hbm:s9], [sflag:s6] =	dma.local [spmem:s4], $0x2700  }
0x47: {  	_ =	swait.ge [sflag:s22], $0x2700  }
0x48: {  	[sflag:s22] =	ssyncset.done $0x0  }
0x49: {  	[sflag:s22] =	ssyncadd.s32 $0xFFFFD900  }
0x4a: {  	s4 =	sshrl.u32 @p0 s11, $0x3;
	[bflag:$0x0] =	sbarrier.arrive @p0 $0xFFFF  }
0x4b: {  	[spmem:s4], [sflag:s6] =	dma.local @p0 [hbm:s12], $0x780  }
0x4c: {  	s4 =	simm.s32 @p0 $0x2  }
0x4d: {  	_ =	swait.ge @p0 [sflag:s4], $0x780  }
0x4e: {  	[sflag:s4] =	ssyncset.done @p0 $0x0  }
0x4f: {  	[sflag:s4] =	ssyncadd.s32 @p0 $0xFFFFF880  }
0x50: {  	[hbm:s10], [sflag:s6] =	dma.local @!p0 [spmem:s0], $0x100  }
0x51: {  	_ =	swait.ge @!p0 [sflag:s31], $0x100  }
0x52: {  	[sflag:s31] =	ssyncset.done @!p0 $0x0  }
0x53: {  	[sflag:s31] =	ssyncadd.s32 @!p0 $0xFFFFFF00  }
0x54: {  	s0 =	sshrl.u32 @!p0 s11, $0x3;
	[bflag:$0x0] =	sbarrier.arrive @!p0 $0xFFFF  }
0x55: {  	[spmem:s0], [sflag:s6] =	dma.local @!p0 [hbm:s12], $0x780  }
0x56: {  	_ =	swait.ge @!p0 [sflag:s31], $0x780  }
0x57: {  	[sflag:s31] =	ssyncset.done @!p0 $0x0  }
0x58: {  	s0 =	sshrl.u32 @!p0 s13, $0x3;
	[sflag:s31] =	ssyncadd.s32 @!p0 $0xFFFFF880  }
0x59: {  	[spmem:s0], [sflag:s6] =	dma.local @!p0 [hbm:s14], $0x500  }
0x5a: {  	_ =	swait.ge @!p0 [sflag:s31], $0x500  }
0x5b: {  	[sflag:s31] =	ssyncset.done @!p0 $0x0  }
0x5c: {  	[sflag:s31] =	ssyncadd.s32 @!p0 $0xFFFFFB00  }
0x5d: {  	[bflag:$0x0] =	sbarrier.arrive $0xFFFF  }
0x5e: {  	[tilespmem:s23], [sflag:$0x2] =	stream.linear.gather [hbm4b:s20+s2], $0x80, $0x38;
	[tilespmem:$0x17980] =	vst v63  }
0x5f: {  	_ =	swait.ge [sflag:s22], $0x80  }
0x60: {  	[sflag:s22] =	ssyncset.done $0x0  }
0x61: {  	[sflag:s22] =	ssyncadd.s32 $0xFFFFFF80  }
0x62: {  	[tilespmem:s24], [sflag:$0x2] =	stream.linear.gather [hbm4b:s21+s2], $0x80, $0x38;
	[tilespmem:$0x17980] =	vst v63  }
0x63: {  	_ =	swait.ge [sflag:s22], $0x80  }
0x64: {  	[sflag:s22] =	ssyncset.done $0x0  }
0x65: {  	[sflag:s22] =	ssyncadd.s32 $0xFFFFFF80  }
0x66: {  	[tilespmem:s26], [sflag:$0x1] =	stream.indirect.gather [hbm4b:s3+s25], $0x80, s24, s25, $0xb8;
	[tilespmem:$0x17980] =	vst v63  }
0x67: {  	_ =	swait.ge [sflag:s28], $0x4000  }
.Ltmp2:
0x68: {  	[sflag:s28] =	ssyncset.done $0x0;
	(pc) =	sbr.rel @!p1 .LBB2_5-.Ltmp2, $4  }
0x69: {  	[sflag:s28] =	ssyncadd.s32 $0xFFFFC000  }
0x6a: {  	[spmem:s1] =	stream.indirect.scatter.add.f32 [tilespmem:s26], [sflag:$0x2], $0x80, s23, s25, $0xb8;
	[tilespmem:$0x17980] =	vst v63  }
0x6b: {  	s5 =	smov.u32 s20;
	_ =	swait.ge [sflag:s22], $0x4000  }
0x6c: {  	s18 =	smov.u32 s21;
	s4 =	sadd.s32 $0xFFFFFFFF, s30;
	[sflag:s22] =	ssyncset.done $0x0  }
.LBB2_4:
0x6d: {  	[sflag:s22] =	ssyncadd.s32 $0xFFFFC000;
	s5 =	sadd.s32 $0x200, s5;
	s18 =	sadd.s32 $0x200, s18  }
0x6e: {  	[tilespmem:s23], [sflag:$0x2] =	stream.linear.gather [hbm4b:s5+s2], $0x80, $0x38;
	[tilespmem:$0x17980] =	vst v63  }
0x6f: {  	p1 =	sne.s32 s4, $0x1;
	s4 =	sadd.s32 $0xFFFFFFFF, s4;
	_ =	swait.ge [sflag:s22], $0x80  }
0x70: {  	[sflag:s22] =	ssyncset.done $0x0  }
0x71: {  	[sflag:s22] =	ssyncadd.s32 $0xFFFFFF80  }
0x72: {  	[tilespmem:s24], [sflag:$0x2] =	stream.linear.gather [hbm4b:s18+s2], $0x80, $0x38;
	[tilespmem:$0x17980] =	vst v63  }
0x73: {  	_ =	swait.ge [sflag:s22], $0x80  }
0x74: {  	[sflag:s22] =	ssyncset.done $0x0  }
0x75: {  	[sflag:s22] =	ssyncadd.s32 $0xFFFFFF80  }
0x76: {  	[tilespmem:s26], [sflag:$0x1] =	stream.indirect.gather [hbm4b:s3+s25], $0x80, s24, s25, $0xb8;
	[tilespmem:$0x17980] =	vst v63  }
0x77: {  	_ =	swait.ge [sflag:s28], $0x4000  }
.Ltmp3:
0x78: {  	[sflag:s28] =	ssyncset.done $0x0;
	(pc) =	sbr.rel @p1 .LBB2_4-.Ltmp3, $4  }
0x79: {  	[sflag:s28] =	ssyncadd.s32 $0xFFFFC000  }
0x7a: {  	[spmem:s1] =	stream.indirect.scatter.add.f32 [tilespmem:s26], [sflag:$0x2], $0x80, s23, s25, $0xb8;
	[tilespmem:$0x17980] =	vst v63  }
0x7b: {  	_ =	swait.ge [sflag:s22], $0x4000  }
0x7c: {  	[sflag:s22] =	ssyncset.done $0x0  }
.LBB2_5:
0x7d: {  	[sflag:s22] =	ssyncadd.s32 $0xFFFFC000  }
0x7e: {  	s4 =	sshrl.u32 s11, $0x3;
	[bflag:$0x0] =	sbarrier.arrive $0xFFFF  }
0x7f: {  	[hbm:s15], [sflag:s6] =	dma.local [spmem:s4], $0x780  }
0x80: {  	_ =	swait.ge [sflag:s22], $0x780  }
0x81: {  	[sflag:s22] =	ssyncset.done $0x0  }
0x82: {  	s29 =	sadd.s32 $0x1, s29;
	[sflag:s22] =	ssyncadd.s32 $0xFFFFF880  }
0x83: {  	[hbm:s16], [sflag:s6] =	dma.local @!p0 [spmem:s0], $0x500  }
0x84: {  	p1 =	sne.s32 s29, s17;
	s0 =	simm.s32 @!p0 $0x2  }
.Ltmp4:
0x85: {  	_ =	swait.ge @!p0 [sflag:s0], $0x500;
	(pc) =	sbr.rel @p1 .LBB2_1-.Ltmp4, $3  }
0x86: {  	[sflag:s0] =	ssyncset.done @!p0 $0x0  }
0x87: {  	[sflag:s0] =	ssyncadd.s32 @!p0 $0xFFFFFB00  }
0x88: {  	[bflag:$0x0] =	sbarrier.arrive $0xFFFF;
	_ =	sdelay $0x1  }
0x89: {  	_ =	sfence.sel $0x180000  }
0x8a: {  	[bflag:$0x0] =	sbarrier.arrive $0xFFFF  }
0x8b: {  	_ =	strace $0x9000004A  }
0x8c: {  	[bflag:$0x2] =	sbarrier.arrive $0xFFFF  }
0x8d: {  	s0 =	rddreg [dreg:$0x2]  }
0x8e: {  	s0 =	sadd.s32 @!p0 $0x100000, s0  }
0x8f: {  	[sflag:s0] =	ssyncadd.tile.s32 @!p0 $0x1;
	_ =	shalt  }
.Lfunc_end2:
_tile_overlayer_lowered:
.L_overlay_start_2:
0x90: {  	(tag) =	ssettag $0x2  }
0x91: {  	s0 =	rddreg [dreg:$0x0];
	s2 =	stileid.u32  }
0x92: {  	s1 =	rddreg [dreg:$0x1];
	p0 =	sne.s32 s2, $0x0  }
0x93: {  	s3 =	rddreg [dreg:$0x2];
	[bflag:$0x3] =	sbarrier.arrive $0xFFFF;
	s2 =	simm.s32 @!p0 $0x1C02  }
0x94: {  	[timem:s3], [sflag:s2] =	dma.local @!p0 [hbm:s0], s1  }
0x95: {  	s0 =	simm.s32 @!p0 $0x2  }
0x96: {  	_ =	swait.ge @!p0 [sflag:s0], s1  }
0x97: {  	s1 =	ssub.s32 @!p0 $0x0, s1;
	[sflag:s0] =	ssyncset.done @!p0 $0x0  }
0x98: {  	[sflag:s0] =	ssyncadd.s32 @!p0 s1  }
0x99: {  	[bflag:$0x3] =	sbarrier.arrive $0xFFFF  }
0x9a: {  	_ =	shalt  }

// kernel: kernel.8.cloned.1.call-start
scs
__scs_entry_jumppad:
0x0: {  	(pc) =	sbr.rel $0x88, $3  }
0x1: {  	(tag) =	ssettag $0x0;
	lr =	simm.s32 $0x1  }
0x2: {  	[smem:$0x3F8F] =	sst lr;
	_ =	strace $0xD0000000  }
0x3: {  	_ = 	snop  }
0x4: {  	_ = 	snop  }
0x5: {  	_ = 	snop  }
0x6: {  	_ = 	snop  }
0x7: {  	_ = 	snop  }
__scs_overlays_trampoline_lowered:
0x8: {  	[smem:$0x3F9E] =	sst s0  }
0x9: {  	[smem:$0x3F9F] =	sst s1  }
0xa: {  	[smem:$0x3FA0] =	sst s2  }
0xb: {  	[smem:$0x3FA1] =	sst s3  }
0xc: {  	[smem:$0x3FA2] =	sst s4  }
0xd: {  	[smem:$0x3FA3] =	sst s5  }
0xe: {  	[smem:$0x3FA4] =	sst s6  }
0xf: {  	[smem:$0x3FA5] =	sst s7  }
0x10: {  	[smem:$0x3FA6] =	sst s8  }
0x11: {  	[smem:$0x3FA7] =	sst s9;
	s0 =	simm.s32 @!p0 $0x0  }
0x12: {  	s1 =	sld [smem:$0x3F8D];
	s0 =	simm.s32 @p0 $0x1  }
0x13: {  	[smem:$0x3FA8] =	sst s0;
	s0 =	simm.s32 @!p1 $0x0  }
0x14: {  	s2 =	sld [smem:$0x3F8C];
	s0 =	simm.s32 @p1 $0x1  }
0x15: {  	[smem:$0x3FA9] =	sst s0;
	s0 =	simm.s32 @!p2 $0x0  }
0x16: {  	s3 =	sld [smem:$0x3FDB];
	s0 =	simm.s32 @p2 $0x1  }
0x17: {  	s4 =	simm.s32 $0x1BF5;
	[smem:$0x3FAB] =	sst s0  }
0x18: {  	s0 =	sld [smem:$0x3F8E];
	_ =	swait.ge [sflag:s4], $0x0  }
0x19: {  	s7 =	sld [smem:$0x3F8F]  }
0x1a: {  	s8 =	sadd.s32 $0xFFFFE003, lr  }
0x1b: {  	s9 =	sadd.s32 $0xFFFFFEF7, lr;
	s5 =	simm.s32 $0xFFFFFFFF;
	p2 =	slt.u32 s8, $0xFFFFF086  }
0x1c: {  	p1 =	slt.u32 s9, $0xF7A;
	s5 =	simm.s32 @!p2 $0x0  }
0x1d: {  	s5 =	simm.s32 @p1 $0x1;
	p0 =	seq.s32 s7, s2  }
0x1e: {  	s7 =	smul.u32 @!p0 $0xF7A, s2;
	p2 =	seq.s32 @!p0 s5, $0x0  }
0x1f: {  	s9 =	smul.u32 $0xF7A, s1;
	s8 =	simm.s32 @!p0 $0x1BF5;
	p2 =	por !p2, p0  }
0x20: {  	[sflag:s8] =	ssyncset.s32 @!p0 $0xFFFFF086;
	s6 =	sadd.s32 @!p0 s3, s7;
	s7 =	simm.s32 @!p0 $0x108  }
0x21: {  	s3 =	sadd.s32 s3, s9;
	s6 =	sadd.s32 @!p0 $0x88, s6;
	s7 =	simm.s32 @p2 $0x1082  }
0x22: {  	[simem:s7], [sflag:s8] =	dma.local @!p0 [hbm:s6], $0xF7A  }
0x23: {  	s9 =	sor.u32 $0xD0000000, s2;
	s6 =	simm.s32 $0x108;
	_ =	swait.ge @!p0 [sflag:s8], $0x0  }
0x24: {  	s3 =	sadd.s32 $0x88, s3;
	s6 =	simm.s32 @!p1 $0x1082;
	[sflag:s4] =	ssyncset.s32 $0xFFFFF086  }
0x25: {  	[simem:s6], [sflag:s4] =	dma.local [hbm:s3], $0xF7A  }
0x26: {  	[smem:$0x3F8F] =	sst s1;
	(tag) =	ssettag s2;
	_ =	strace s9  }
0x27: {  	s1 =	sld [smem:$0x3F9F]  }
0x28: {  	s2 =	sld [smem:$0x3FA0]  }
0x29: {  	s4 =	sld [smem:$0x3FA2]  }
0x2a: {  	p0 =	seq.s32 s5, $0x0;
	s5 =	sld [smem:$0x3FA3]  }
0x2b: {  	s6 =	sld [smem:$0x3FA4]  }
0x2c: {  	s7 =	sld [smem:$0x3FA5]  }
0x2d: {  	s3 =	simm.s32 $0x108;
	s8 =	sld [smem:$0x3FA6]  }
0x2e: {  	s3 =	simm.s32 @!p0 $0x1082;
	s9 =	sld [smem:$0x3FA7]  }
0x2f: {  	lr =	sadd.s32 s0, s3;
	s0 =	sld [smem:$0x3F9E]  }
0x30: {  	s3 =	sld [smem:$0x3FA1]  }
0x31: {  	[smem:$0x3FAA] =	sst s10  }
0x32: {  	s10 =	sld [smem:$0x3FA8];
	_ =	sdelay $0x3  }
0x33: {  	p0 =	seq.s32 s10, $0x1;
	s10 =	sld [smem:$0x3FAA];
	_ =	sdelay $0x3  }
0x34: {  	[smem:$0x3FAA] =	sst s10  }
0x35: {  	s10 =	sld [smem:$0x3FA9];
	_ =	sdelay $0x3  }
0x36: {  	p1 =	seq.s32 s10, $0x1;
	s10 =	sld [smem:$0x3FAA];
	_ =	sdelay $0x3  }
0x37: {  	[smem:$0x3FAA] =	sst s10  }
0x38: {  	s10 =	sld [smem:$0x3FAB]  }
0x39: {  	_ = 	snop;
	(pc) =	sbr.ind lr, $3  }
0x3a: {  	_ = 	snop  }
0x3b: {  	_ = 	snop  }
0x3c: {  	p2 =	seq.s32 s10, $0x1;
	s10 =	sld [smem:$0x3FAA]  }
0x3d: {  	_ =	shalt  }
0x3e: {  	_ =	shalt  }
0x3f: {  	_ =	shalt  }
0x40: {  	_ =	shalt  }
0x41: {  	_ =	shalt  }
0x42: {  	_ =	shalt  }
0x43: {  	_ =	shalt  }
0x44: {  	_ =	shalt  }
0x45: {  	_ =	shalt  }
0x46: {  	_ =	shalt  }
0x47: {  	_ =	shalt  }
0x48: {  	_ =	shalt  }
0x49: {  	_ =	shalt  }
0x4a: {  	_ =	shalt  }
0x4b: {  	_ =	shalt  }
0x4c: {  	_ =	shalt  }
0x4d: {  	_ =	shalt  }
0x4e: {  	_ =	shalt  }
0x4f: {  	_ =	shalt  }
0x50: {  	_ =	shalt  }
0x51: {  	_ =	shalt  }
0x52: {  	_ =	shalt  }
0x53: {  	_ =	shalt  }
0x54: {  	_ =	shalt  }
0x55: {  	_ =	shalt  }
0x56: {  	_ =	shalt  }
0x57: {  	_ =	shalt  }
0x58: {  	_ =	shalt  }
0x59: {  	_ =	shalt  }
0x5a: {  	_ =	shalt  }
0x5b: {  	_ =	shalt  }
0x5c: {  	_ =	shalt  }
0x5d: {  	_ =	shalt  }
0x5e: {  	_ =	shalt  }
0x5f: {  	_ =	shalt  }
0x60: {  	_ =	shalt  }
0x61: {  	_ =	shalt  }
0x62: {  	_ =	shalt  }
0x63: {  	_ =	shalt  }
0x64: {  	_ =	shalt  }
0x65: {  	_ =	shalt  }
0x66: {  	_ =	shalt  }
0x67: {  	_ =	shalt  }
0x68: {  	_ =	shalt  }
0x69: {  	_ =	shalt  }
0x6a: {  	_ =	shalt  }
0x6b: {  	_ =	shalt  }
0x6c: {  	_ =	shalt  }
0x6d: {  	_ =	shalt  }
0x6e: {  	_ =	shalt  }
0x6f: {  	_ =	shalt  }
0x70: {  	_ =	shalt  }
0x71: {  	_ =	shalt  }
0x72: {  	_ =	shalt  }
0x73: {  	_ =	shalt  }
0x74: {  	_ =	shalt  }
0x75: {  	_ =	shalt  }
0x76: {  	_ =	shalt  }
0x77: {  	_ =	shalt  }
0x78: {  	_ =	shalt  }
0x79: {  	_ =	shalt  }
0x7a: {  	_ =	shalt  }
0x7b: {  	_ =	shalt  }
0x7c: {  	_ =	shalt  }
0x7d: {  	_ =	shalt  }
0x7e: {  	_ =	shalt  }
0x7f: {  	_ =	shalt  }
0x80: {  	_ =	shalt  }
0x81: {  	_ =	shalt  }
0x82: {  	_ =	shalt  }
0x83: {  	_ =	shalt  }
0x84: {  	_ =	shalt  }
0x85: {  	_ =	shalt  }
0x86: {  	_ =	shalt  }
0x87: {  	_ =	shalt  }
.Lfunc_end0:
.L_simem_size_0:
called_computation_lowered:
.L_overlay_start_0:
0x88: {  	s2 =	sld [smem:$0x3FD9]  }
0x89: {  	s3 =	sld [smem:$0x3FFE];
	_ =	sdelay $0x1  }
0x8a: {  	s1 =	srdreg.scid  }
0x8b: {  	s0 =	sand.u32 $0x1, s1  }
0x8c: {  	s17 =	sshll.u32 s0, $0xA;
	s2 =	sadd.s32 s3, s2  }
0x8d: {  	s2 =	sadd.s32 s2, s17  }
0x8e: {  	[smem:$0x3FB6] =	sst s2  }
0x8f: {  	_ = 	snop  }
0x90: {  	s2 =	sld [smem:$0x3FD0];
	(tm) =	ssettm $0x1  }
0x91: {  	s18 =	sld [smem:$0x3FFB];
	_ =	sdelay $0x3  }
0x92: {  	_ =	strace s18  }
0x93: {  	s3 =	sld [smem:$0x3FFC];
	_ =	sdelay $0x3  }
0x94: {  	_ =	strace s3  }
0x95: {  	s3 =	sld [smem:$0x3FFD];
	_ =	sdelay $0x3  }
0x96: {  	_ =	strace s3  }
0x97: {  	_ =	strace $0x8FFFFFFF  }
0x98: {  	s19 =	sld [smem:$0x3FDB];
	_ =	sdelay $0x1  }
0x99: {  	s4 =	simm.s32 $_scs_section_size  }
0x9a: {  	s5 =	simm.s32 $_size__tile_overlayer_lowered;
	s6 =	simm.s32 $_tile_overlayer_lowered  }
0x9b: {  	s22 =	simm.s32 $0x1BFF;
	s21 =	sshll.u32 s6, $0x1;
	s3 =	sadd.s32 s4, s19  }
0x9c: {  	s7 =	simm.s32 $0x0;
	s20 =	sshll.u32 s5, $0x1;
	s5 =	sadd.s32 s21, s3  }
0x9d: {  	[timem:s7], [sflag:s22] =	dma.local [hbm:s5], s20  }
0x9e: {  	_ =	swait.ge [sflag:s22], s20  }
0x9f: {  	s4 =	ssub.s32 $0x0, s20;
	[sflag:s22] =	ssyncset.done $0x0  }
0xa0: {  	[sflag:s22] =	ssyncadd.s32 s4;
	_ =	sdelay $0x1  }
0xa1: {  	s23 =	simm.s32 $0x1B8B  }
0xa2: {  	_ =	swait.ge [sflag:s23], $0x1  }
0xa3: {  	[sflag:s23] =	ssyncset.done $0x0  }
0xa4: {  	s25 =	simm.s32 $0x1B8E;
	s24 =	sld [smem:$0x3FFE];
	[sflag:s23] =	ssyncadd.s32 $0xFFFFFFFF  }
0xa5: {  	s26 =	simm.s32 $execute0_lowered;
	[smem:$0x3FD2] =	sst s25  }
0xa6: {  	s5 =	sshll.u32 s26, $0x1;
	_ =	strace $0x80000046;
	[dreg:$0x1] =	wrdreg $0xFFFFFFFF  }
0xa7: {  	s28 =	simm.s32 $_size_execute0_lowered;
	s3 =	sadd.s32 s3, s5;
	[dreg:$0x0] =	wrdreg $0x0  }
0xa8: {  	s5 =	sshll.u32 s28, $0x1;
	[dreg:$0x2] =	wrdreg s3  }
0xa9: {  	[dreg:$0x3] =	wrdreg s5  }
0xaa: {  	[dreg:$0x4] =	wrdreg $0xC0  }
0xab: {  	_ =	task [dreg:s7], $0x5FFFF  }
0xac: {  	[dreg:$0x1] =	wrdreg $0xFFFFFFFF  }
0xad: {  	[dreg:$0x0] =	wrdreg $0x60  }
0xae: {  	[dreg:$0x2] =	wrdreg s24  }
0xaf: {  	[dreg:$0x3] =	wrdreg s2  }
0xb0: {  	[dreg:$0x4] =	wrdreg $0x0  }
0xb1: {  	[dreg:$0x5] =	wrdreg $0x9  }
0xb2: {  	_ =	task.clear_ibuf [dreg:s7], $0x6FFFF;
	_ =	strace $0x90000046  }
0xb3: {  	s29 =	simm.s32 $0x9;
	_ =	strace $0x80000048  }
0xb4: {  	_ =	swait.ge [sflag:s29], $0x1  }
0xb5: {  	[sflag:s29] =	ssyncadd.s32 $0xFFFFFFFF  }
0xb6: {  	_ =	strace $0x90000048  }
0xb7: {  	_ =	sfence  }
0xb8: {  	s30 =	sld [smem:$0x0];
	_ =	sdelay $0x2  }
0xb9: {  	s31 =	sshll.u32 s1, $0xD;
	s1 =	sshrl.u32 s1, $0x2  }
0xba: {  	s3 =	sand.u32 $0x4000, s31;
	s1 =	sadd.s32 s1, s30  }
0xbb: {  	s0 =	sor.u32 s3, s0;
	s1 =	sshll.u32 s1, $0x11  }
0xbc: {  	s0 =	sor.u32 s1, s0  }
0xbd: {  	s0 =	sadd.s32 $0x8F2B, s0  }
0xbe: {  	[sflag:s0] =	ssyncadd.remote.s32 $0x1  }
0xbf: {  	_ =	sfence.sel $0xFFFF  }
0xc0: {  	[dreg:$0x0] =	wrdreg $0xFFFFFFFF;
	(pc) =	sbr.abs _section_cstart, $3  }
0xc1: {  	[dreg:$0x1] =	wrdreg $0xFFFFFFFF  }
0xc2: {  	_ =	task.clear_ibuf [dreg:s7], $0x2FFFF;
	_ =	strace $0x9FFFFFFF  }
0xc3: {  	(tm) =	ssettm $0x7FFFFFFF  }
tec
execute0_lowered:
.L_overlay_start_1:
0x0: {  	(tag) =	ssettag $0x1  }
0x1: {  	s0 =	rddreg [dreg:$0x0];
	s17 =	stileid.u32  }
0x2: {  	s2 =	rddreg [dreg:$0x2];
	s7 =	smul.u32 $0x270, s17  }
0x3: {  	s3 =	simm.s32 $0x0;
	s1 =	srdreg.scid;
	s10 =	smul.u32 $0x4E000, s17  }
0x4: {  	[smem:$0x7FF] =	sst s3;
	s4 =	sadd.s32 $0x28800, s0;
	s13 =	smul.u32 $0x2700, s17  }
0x5: {  	s5 =	sadd.s32 $0x57600, s0;
	s9 =	sadd.s32 $0x11AC00, s0;
	s15 =	smul.u32 $0xF000, s17  }
0x6: {  	s6 =	sadd.s32 $0x1600, s0;
	s11 =	sadd.s32 $0x141E00, s0;
	s28 =	smul.u32 $0x780, s17  }
0x7: {  	s1 =	sand.u32 $0x1, s1;
	s20 =	sadd.s32 $0x141C00, s0;
	s16 =	smul.u32 $0x78, s17  }
0x8: {  	s24 =	sshll.u32 s17, $0x8;
	s0 =	sadd.s32 $0x122400, s0;
	s23 =	smul.u32 $0xBB80, s1  }
0x9: {  	_ =	strace $0x80000047;
	s8 =	ssub.s32 $0x2, s1;
	s25 =	smul.u32 $0x5DC000, s1  }
0xa: {  	s1 =	sshll.u32 s1, $0x7;
	[dreg:$0x7] =	wrdreg s0;
	s12 =	sshrl.u32 s8, $0x1  }
0xb: {  	s22 =	sshrl.u32 s10, $0x2;
	s15 =	sshrl.u32 s15, $0x2;
	s1 =	sor.u32 s1, s24  }
0xc: {  	s14 =	ssub.s32 s8, s12;
	s19 =	sadd.s32 s22, s2;
	s8 =	sadd.s32 s9, s13  }
0xd: {  	s7 =	sadd.s32 s7, s23;
	s26 =	sshrl.u32 s25, $0x3;
	s15 =	sadd.s32 s15, s2  }
0xe: {  	s12 =	sadd.s32 s9, s28;
	s18 =	sadd.s32 s16, s23;
	s22 =	sadd.s32 $0x27100, s1  }
0xf: {  	s23 =	sshrl.u32 s1, $0x3;
	s25 =	sadd.s32 $0x75300, s1;
	s28 =	sadd.s32 $0xC3500, s1  }
0x10: {  	s7 =	sshll.u32 s7, $0x4;
	[dreg:$0x6] =	wrdreg s15;
	s0 =	sshll.u32 s18, $0x4  }
0x11: {  	s9 =	sshrl.u32 s22, $0x3;
	s24 =	sadd.s32 s23, s6;
	[dreg:$0x4] =	wrdreg s19  }
0x12: {  	s15 =	sadd.s32 $0x9C400, s1;
	s21 =	sadd.s32 s11, s7;
	[dreg:$0x9] =	wrdreg s24  }
0x13: {  	s16 =	sadd.s32 s9, s6;
	s9 =	sshrl.u32 s25, $0x3;
	[dreg:$0x5] =	wrdreg s21  }
0x14: {  	s0 =	sadd.s32 s11, s0;
	s9 =	sadd.s32 s9, s6;
	[dreg:$0x8] =	wrdreg s16  }
0x15: {  	s22 =	sadd.s32 $0x111700, s1;
	s23 =	sadd.s32 $0x4E200, s0;
	[dreg:$0xa] =	wrdreg s9  }
0x16: {  	s7 =	sadd.s32 s11, s26;
	s24 =	sadd.s32 $0x55F00, s0;
	[dreg:$0xe] =	wrdreg s23  }
0x17: {  	s26 =	sadd.s32 $0x4E200, s1;
	s25 =	sadd.s32 $0xABE00, s0;
	[dreg:$0xf] =	wrdreg s24  }
0x18: {  	s11 =	sshrl.u32 s28, $0x3;
	s0 =	sadd.s32 $0xB3B00, s0;
	[dreg:$0x10] =	wrdreg s25  }
0x19: {  	s10 =	sshrl.u32 s26, $0x3;
	s26 =	sadd.s32 $0x27000, s7;
	[dreg:$0x11] =	wrdreg s0  }
0x1a: {  	s1 =	sadd.s32 $0xEA600, s1;
	s28 =	sadd.s32 $0x4E100, s7;
	[dreg:$0x12] =	wrdreg s26  }
0x1b: {  	s18 =	sadd.s32 s11, s6;
	s11 =	sadd.s32 $0xB3600, s7;
	[dreg:$0x13] =	wrdreg s28  }
0x1c: {  	s1 =	sshrl.u32 s1, $0x3;
	s13 =	sadd.s32 s10, s6;
	[dreg:$0x18] =	wrdreg s11  }
0x1d: {  	s1 =	sadd.s32 s1, s6;
	[dreg:$0xb] =	wrdreg s13  }
0x1e: {  	s9 =	sshrl.u32 s15, $0x3;
	s15 =	sadd.s32 $0xBB300, s7;
	[dreg:$0xd] =	wrdreg s1  }
0x1f: {  	s10 =	sshrl.u32 s22, $0x3;
	s22 =	smax.u32 s14, $0x1;
	[dreg:$0x19] =	wrdreg s15  }
0x20: {  	s23 =	sadd.s32 $0x138000, s2;
	[dreg:$0x1a] =	wrdreg s22  }
0x21: {  	s24 =	sadd.s32 $0x27100, s21;
	[dreg:$0x1b] =	wrdreg s23  }
0x22: {  	s29 =	simm.s32 $0x17980;
	s25 =	sadd.s32 $0x3C000, s2;
	[dreg:$0x1c] =	wrdreg s24  }
0x23: {  	s30 =	simm.s32 $0x2;
	s26 =	sadd.s32 $0x5DC00, s21;
	[dreg:$0x1d] =	wrdreg s25  }
0x24: {  	s31 =	simm.s32 $0x13900;
	s28 =	sadd.s32 $0x84D00, s21;
	[dreg:$0x1e] =	wrdreg s26  }
0x25: {  	p0 =	sne.s32 s17, $0x0;
	s9 =	sadd.s32 s9, s6;
	[dreg:$0x1f] =	wrdreg s28  }
0x26: {  	s0 =	simm.s32 $0x13880;
	s1 =	sadd.s32 $0x55A00, s7;
	[dreg:$0xc] =	wrdreg s9  }
0x27: {  	s13 =	sadd.s32 s10, s6;
	s6 =	sadd.s32 $0x5D700, s7;
	[dreg:$0x14] =	wrdreg s1  }
0x28: {  	s10 =	sadd.s32 $0xABD00, s7;
	s22 =	simm.s32 $0x1;
	[dreg:$0x15] =	wrdreg s6  }
0x29: {  	s23 =	simm.s32 $0x0;
	s9 =	sadd.s32 $0x84C00, s7;
	[dreg:$0x17] =	wrdreg s10  }
0x2a: {  	s1 =	simm.s32 $0x80;
	s6 =	simm.s32 $0x13980;
	[dreg:$0x16] =	wrdreg s9  }
.LBB2_1:
0x2b: {  	s7 =	rddreg [dreg:$0x1]  }
0x2c: {  	[tilespmem:s29], [sflag:$0x2] =	stream.linear.gather [hbm4b:s7+s3], $0x4000, $0x38;
	[tilespmem:$0x1B980] =	vst v63  }
0x2d: {  	s26 =	stileid.u32;
	_ =	swait.ge [sflag:s30], $0x4000  }
0x2e: {  	s7 =	sshll.u32 s26, $0x6;
	[sflag:s30] =	ssyncset.done $0x0  }
0x2f: {  	s28 =	sshrl.u32 s19, $0x3;
	s24 =	sor.u32 $0x1C02, s7;
	[sflag:s30] =	ssyncadd.s32 $0xFFFFC000  }
0x30: {  	[spmem:s28], [sflag:s24] =	dma.local [hbm:s8], $0x2700  }
0x31: {  	_ =	swait.ge [sflag:s30], $0x2700  }
0x32: {  	[sflag:s30] =	ssyncset.done $0x0;
	s7 =	rddreg [dreg:$0x1b]  }
0x33: {  	[sflag:s30] =	ssyncadd.s32 $0xFFFFD900;
	s26 =	sshrl.u32 @!p0 s7, $0x3;
	s7 =	simm.s32 @!p0 $0x2  }
0x34: {  	[spmem:s26], [sflag:s24] =	dma.local @!p0 [hbm:s20], $0x100  }
0x35: {  	_ =	swait.ge @!p0 [sflag:s7], $0x100  }
0x36: {  	[sflag:s7] =	ssyncset.done @!p0 $0x0  }
0x37: {  	[sflag:s7] =	ssyncadd.s32 @!p0 $0xFFFFFF00  }
0x38: {  	[bflag:$0x0] =	sbarrier.arrive $0xFFFF  }
0x39: {  	[tilespmem:s31], [sflag:$0x2] =	stream.linear.gather [hbm4b:s16+s3], $0x80, $0x38;
	[tilespmem:$0x1B980] =	vst v63  }
0x3a: {  	_ =	swait.ge [sflag:s30], $0x80  }
0x3b: {  	[sflag:s30] =	ssyncset.done $0x0  }
0x3c: {  	s11 =	rddreg [dreg:$0x9];
	[sflag:s30] =	ssyncadd.s32 $0xFFFFFF80  }
0x3d: {  	[tilespmem:s0], [sflag:$0x2] =	stream.linear.gather [hbm4b:s11+s3], $0x80, $0x38;
	[tilespmem:$0x1B980] =	vst v63  }
0x3e: {  	_ =	swait.ge [sflag:s30], $0x80  }
0x3f: {  	s25 =	simm.s32 @!p0 $0x28;
	[sflag:s30] =	ssyncset.done $0x0  }
0x40: {  	s25 =	simm.s32 @p0 $0x27;
	[sflag:s30] =	ssyncadd.s32 $0xFFFFFF80  }
0x41: {  	[tilespmem:s6], [sflag:$0x1] =	stream.indirect.gather [hbm4b:s4+s1], $0x80, s0, s1, $0xb8;
	[tilespmem:$0x1B980] =	vst v63  }
0x42: {  	p1 =	sne.s32 s25, $0x1;
	_ =	swait.ge [sflag:s22], $0x4000  }
.Ltmp0:
0x43: {  	[sflag:s22] =	ssyncset.done $0x0;
	(pc) =	sbr.rel @!p1 .LBB2_3-.Ltmp0, $4  }
0x44: {  	[sflag:s22] =	ssyncadd.s32 $0xFFFFC000  }
0x45: {  	[spmem:s2] =	stream.indirect.scatter.add.f32 [tilespmem:s6], [sflag:$0x2], $0x80, s31, s1, $0xb8;
	[tilespmem:$0x1B980] =	vst v63  }
0x46: {  	_ =	swait.ge [sflag:s30], $0x4000  }
0x47: {  	s10 =	smov.u32 s16;
	s9 =	sadd.s32 $0xFFFFFFFF, s25;
	[sflag:s30] =	ssyncset.done $0x0  }
.LBB2_2:
0x48: {  	[sflag:s30] =	ssyncadd.s32 $0xFFFFC000;
	s10 =	sadd.s32 $0x200, s10;
	s11 =	sadd.s32 $0x200, s11  }
0x49: {  	[tilespmem:s31], [sflag:$0x2] =	stream.linear.gather [hbm4b:s10+s3], $0x80, $0x38;
	[tilespmem:$0x1B980] =	vst v63  }
0x4a: {  	p2 =	sne.s32 s9, $0x1;
	s9 =	sadd.s32 $0xFFFFFFFF, s9;
	_ =	swait.ge [sflag:s30], $0x80  }
0x4b: {  	[sflag:s30] =	ssyncset.done $0x0  }
0x4c: {  	[sflag:s30] =	ssyncadd.s32 $0xFFFFFF80  }
0x4d: {  	[tilespmem:s0], [sflag:$0x2] =	stream.linear.gather [hbm4b:s11+s3], $0x80, $0x38;
	[tilespmem:$0x1B980] =	vst v63  }
0x4e: {  	_ =	swait.ge [sflag:s30], $0x80  }
0x4f: {  	[sflag:s30] =	ssyncset.done $0x0  }
0x50: {  	[sflag:s30] =	ssyncadd.s32 $0xFFFFFF80  }
0x51: {  	[tilespmem:s6], [sflag:$0x1] =	stream.indirect.gather [hbm4b:s4+s1], $0x80, s0, s1, $0xb8;
	[tilespmem:$0x1B980] =	vst v63  }
0x52: {  	_ =	swait.ge [sflag:s22], $0x4000  }
.Ltmp1:
0x53: {  	[sflag:s22] =	ssyncset.done $0x0;
	(pc) =	sbr.rel @p2 .LBB2_2-.Ltmp1, $4  }
0x54: {  	[sflag:s22] =	ssyncadd.s32 $0xFFFFC000  }
0x55: {  	[spmem:s2] =	stream.indirect.scatter.add.f32 [tilespmem:s6], [sflag:$0x2], $0x80, s31, s1, $0xb8;
	[tilespmem:$0x1B980] =	vst v63  }
0x56: {  	_ =	swait.ge [sflag:s30], $0x4000  }
0x57: {  	[sflag:s30] =	ssyncset.done $0x0  }
.LBB2_3:
0x58: {  	[sflag:s30] =	ssyncadd.s32 $0xFFFFC000  }
0x59: {  	[bflag:$0x0] =	sbarrier.arrive $0xFFFF  }
0x5a: {  	s9 =	rddreg [dreg:$0x5]  }
0x5b: {  	[hbm:s9], [sflag:s24] =	dma.local [spmem:s28], $0x2700  }
0x5c: {  	_ =	swait.ge [sflag:s30], $0x2700  }
0x5d: {  	[sflag:s30] =	ssyncset.done $0x0  }
0x5e: {  	[sflag:s30] =	ssyncadd.s32 $0xFFFFD900  }
0x5f: {  	s17 =	sshrl.u32 @p0 s19, $0x3;
	s9 =	simm.s32 @p0 $0x2;
	[bflag:$0x0] =	sbarrier.arrive @p0 $0xFFFF  }
0x60: {  	[spmem:s17], [sflag:s24] =	dma.local @p0 [hbm:s8], $0x2700  }
0x61: {  	_ =	swait.ge @p0 [sflag:s9], $0x2700  }
0x62: {  	[sflag:s9] =	ssyncset.done @p0 $0x0  }
0x63: {  	[sflag:s9] =	ssyncadd.s32 @p0 $0xFFFFD900;
	s9 =	rddreg [dreg:$0x12]  }
0x64: {  	[hbm:s9], [sflag:s24] =	dma.local @!p0 [spmem:s26], $0x100  }
0x65: {  	_ =	swait.ge @!p0 [sflag:s7], $0x100  }
0x66: {  	[sflag:s7] =	ssyncset.done @!p0 $0x0  }
0x67: {  	[sflag:s7] =	ssyncadd.s32 @!p0 $0xFFFFFF00  }
0x68: {  	s19 =	sshrl.u32 @!p0 s19, $0x3;
	[bflag:$0x0] =	sbarrier.arrive @!p0 $0xFFFF  }
0x69: {  	[spmem:s19], [sflag:s24] =	dma.local @!p0 [hbm:s8], $0x2700  }
0x6a: {  	_ =	swait.ge @!p0 [sflag:s7], $0x2700  }
0x6b: {  	[sflag:s7] =	ssyncset.done @!p0 $0x0  }
0x6c: {  	[sflag:s7] =	ssyncadd.s32 @!p0 $0xFFFFD900  }
0x6d: {  	[spmem:s26], [sflag:s24] =	dma.local @!p0 [hbm:s20], $0x100  }
0x6e: {  	_ =	swait.ge @!p0 [sflag:s7], $0x100  }
0x6f: {  	[sflag:s7] =	ssyncset.done @!p0 $0x0  }
0x70: {  	[sflag:s7] =	ssyncadd.s32 @!p0 $0xFFFFFF00  }
0x71: {  	[bflag:$0x0] =	sbarrier.arrive $0xFFFF  }
0x72: {  	s9 =	rddreg [dreg:$0xa]  }
0x73: {  	[tilespmem:s31], [sflag:$0x2] =	stream.linear.gather [hbm4b:s9+s3], $0x80, $0x38;
	[tilespmem:$0x1B980] =	vst v63  }
0x74: {  	_ =	swait.ge [sflag:s30], $0x80  }
0x75: {  	[sflag:s30] =	ssyncset.done $0x0  }
0x76: {  	s10 =	rddreg [dreg:$0xb];
	[sflag:s30] =	ssyncadd.s32 $0xFFFFFF80  }
0x77: {  	[tilespmem:s0], [sflag:$0x2] =	stream.linear.gather [hbm4b:s10+s3], $0x80, $0x38;
	[tilespmem:$0x1B980] =	vst v63  }
0x78: {  	_ =	swait.ge [sflag:s30], $0x80  }
0x79: {  	[sflag:s30] =	ssyncset.done $0x0  }
0x7a: {  	[sflag:s30] =	ssyncadd.s32 $0xFFFFFF80  }
0x7b: {  	[tilespmem:s6], [sflag:$0x1] =	stream.indirect.gather [hbm4b:s5+s1], $0x80, s0, s1, $0xb8;
	[tilespmem:$0x1B980] =	vst v63  }
0x7c: {  	_ =	swait.ge [sflag:s22], $0x4000  }
.Ltmp2:
0x7d: {  	[sflag:s22] =	ssyncset.done $0x0;
	(pc) =	sbr.rel @!p1 .LBB2_5-.Ltmp2, $4  }
0x7e: {  	[sflag:s22] =	ssyncadd.s32 $0xFFFFC000  }
0x7f: {  	[spmem:s2] =	stream.indirect.scatter.add.f32 [tilespmem:s6], [sflag:$0x2], $0x80, s31, s1, $0xb8;
	[tilespmem:$0x1B980] =	vst v63  }
0x80: {  	_ =	swait.ge [sflag:s30], $0x4000  }
0x81: {  	s16 =	smov.u32 s20;
	s7 =	sadd.s32 $0xFFFFFFFF, s25;
	[sflag:s30] =	ssyncset.done $0x0  }
.LBB2_4:
0x82: {  	[sflag:s30] =	ssyncadd.s32 $0xFFFFC000;
	s9 =	sadd.s32 $0x200, s9;
	s10 =	sadd.s32 $0x200, s10  }
0x83: {  	[tilespmem:s31], [sflag:$0x2] =	stream.linear.gather [hbm4b:s9+s3], $0x80, $0x38;
	[tilespmem:$0x1B980] =	vst v63  }
0x84: {  	p2 =	sne.s32 s7, $0x1;
	s7 =	sadd.s32 $0xFFFFFFFF, s7;
	_ =	swait.ge [sflag:s30], $0x80  }
0x85: {  	[sflag:s30] =	ssyncset.done $0x0  }
0x86: {  	[sflag:s30] =	ssyncadd.s32 $0xFFFFFF80  }
0x87: {  	[tilespmem:s0], [sflag:$0x2] =	stream.linear.gather [hbm4b:s10+s3], $0x80, $0x38;
	[tilespmem:$0x1B980] =	vst v63  }
0x88: {  	_ =	swait.ge [sflag:s30], $0x80  }
0x89: {  	[sflag:s30] =	ssyncset.done $0x0  }
0x8a: {  	[sflag:s30] =	ssyncadd.s32 $0xFFFFFF80  }
0x8b: {  	[tilespmem:s6], [sflag:$0x1] =	stream.indirect.gather [hbm4b:s5+s1], $0x80, s0, s1, $0xb8;
	[tilespmem:$0x1B980] =	vst v63  }
0x8c: {  	_ =	swait.ge [sflag:s22], $0x4000  }
.Ltmp3:
0x8d: {  	[sflag:s22] =	ssyncset.done $0x0;
	(pc) =	sbr.rel @p2 .LBB2_4-.Ltmp3, $4  }
0x8e: {  	[sflag:s22] =	ssyncadd.s32 $0xFFFFC000  }
0x8f: {  	[spmem:s2] =	stream.indirect.scatter.add.f32 [tilespmem:s6], [sflag:$0x2], $0x80, s31, s1, $0xb8;
	[tilespmem:$0x1B980] =	vst v63  }
0x90: {  	_ =	swait.ge [sflag:s30], $0x4000  }
0x91: {  	[sflag:s30] =	ssyncset.done $0x0  }
.LBB2_5:
0x92: {  	[sflag:s30] =	ssyncadd.s32 $0xFFFFC000  }
0x93: {  	[bflag:$0x0] =	sbarrier.arrive $0xFFFF  }
0x94: {  	s7 =	rddreg [dreg:$0x1c]  }
0x95: {  	[hbm:s7], [sflag:s24] =	dma.local [spmem:s28], $0x2700  }
0x96: {  	_ =	swait.ge [sflag:s30], $0x2700  }
0x97: {  	[sflag:s30] =	ssyncset.done $0x0  }
0x98: {  	s11 =	simm.s32 @!p0 $0x2;
	s7 =	rddreg [dreg:$0x13];
	[sflag:s30] =	ssyncadd.s32 $0xFFFFD900  }
0x99: {  	[hbm:s7], [sflag:s24] =	dma.local @!p0 [spmem:s26], $0x100  }
0x9a: {  	_ =	swait.ge @!p0 [sflag:s11], $0x100  }
0x9b: {  	[sflag:s11] =	ssyncset.done @!p0 $0x0  }
0x9c: {  	[sflag:s11] =	ssyncadd.s32 @!p0 $0xFFFFFF00  }
0x9d: {  	[bflag:$0x0] =	sbarrier.arrive $0xFFFF  }
0x9e: {  	s21 =	rddreg [dreg:$0x6]  }
0x9f: {  	s10 =	sshrl.u32 s21, $0x3  }
0xa0: {  	[spmem:s10], [sflag:s24] =	dma.local [hbm:s12], $0x780  }
0xa1: {  	_ =	swait.ge [sflag:s30], $0x780  }
0xa2: {  	[sflag:s30] =	ssyncset.done $0x0;
	s7 =	rddreg [dreg:$0x1d]  }
0xa3: {  	[sflag:s30] =	ssyncadd.s32 $0xFFFFF880;
	s15 =	sshrl.u32 @!p0 s7, $0x3;
	s7 =	rddreg [dreg:$0x7]  }
0xa4: {  	[spmem:s15], [sflag:s24] =	dma.local @!p0 [hbm:s7], $0x500  }
0xa5: {  	_ =	swait.ge @!p0 [sflag:s11], $0x500  }
0xa6: {  	[sflag:s11] =	ssyncset.done @!p0 $0x0  }
0xa7: {  	[sflag:s11] =	ssyncadd.s32 @!p0 $0xFFFFFB00  }
0xa8: {  	[bflag:$0x0] =	sbarrier.arrive $0xFFFF  }
0xa9: {  	[tilespmem:s31], [sflag:$0x2] =	stream.linear.gather [hbm4b:s18+s3], $0x80, $0x38;
	[tilespmem:$0x1B980] =	vst v63  }
0xaa: {  	_ =	swait.ge [sflag:s30], $0x80  }
0xab: {  	[sflag:s30] =	ssyncset.done $0x0  }
0xac: {  	s20 =	rddreg [dreg:$0xc];
	[sflag:s30] =	ssyncadd.s32 $0xFFFFFF80  }
0xad: {  	[tilespmem:s0], [sflag:$0x2] =	stream.linear.gather [hbm4b:s20+s3], $0x80, $0x38;
	[tilespmem:$0x1B980] =	vst v63  }
0xae: {  	_ =	swait.ge [sflag:s30], $0x80  }
0xaf: {  	[sflag:s30] =	ssyncset.done $0x0  }
0xb0: {  	[sflag:s30] =	ssyncadd.s32 $0xFFFFFF80  }
0xb1: {  	[tilespmem:s6], [sflag:$0x1] =	stream.indirect.gather [hbm4b:s4+s1], $0x80, s0, s1, $0xb8;
	[tilespmem:$0x1B980] =	vst v63  }
0xb2: {  	_ =	swait.ge [sflag:s22], $0x4000  }
.Ltmp4:
0xb3: {  	[sflag:s22] =	ssyncset.done $0x0;
	(pc) =	sbr.rel @!p1 .LBB2_7-.Ltmp4, $4  }
0xb4: {  	[sflag:s22] =	ssyncadd.s32 $0xFFFFC000  }
0xb5: {  	[spmem:s2] =	stream.indirect.scatter.add.f32 [tilespmem:s6], [sflag:$0x2], $0x80, s31, s1, $0xb8;
	[tilespmem:$0x1B980] =	vst v63  }
0xb6: {  	_ =	swait.ge [sflag:s30], $0x4000  }
0xb7: {  	s9 =	smov.u32 s18;
	s7 =	sadd.s32 $0xFFFFFFFF, s25;
	[sflag:s30] =	ssyncset.done $0x0  }
.LBB2_6:
0xb8: {  	[sflag:s30] =	ssyncadd.s32 $0xFFFFC000;
	s9 =	sadd.s32 $0x200, s9;
	s20 =	sadd.s32 $0x200, s20  }
0xb9: {  	[tilespmem:s31], [sflag:$0x2] =	stream.linear.gather [hbm4b:s9+s3], $0x80, $0x38;
	[tilespmem:$0x1B980] =	vst v63  }
0xba: {  	p2 =	sne.s32 s7, $0x1;
	s7 =	sadd.s32 $0xFFFFFFFF, s7;
	_ =	swait.ge [sflag:s30], $0x80  }
0xbb: {  	[sflag:s30] =	ssyncset.done $0x0  }
0xbc: {  	[sflag:s30] =	ssyncadd.s32 $0xFFFFFF80  }
0xbd: {  	[tilespmem:s0], [sflag:$0x2] =	stream.linear.gather [hbm4b:s20+s3], $0x80, $0x38;
	[tilespmem:$0x1B980] =	vst v63  }
0xbe: {  	_ =	swait.ge [sflag:s30], $0x80  }
0xbf: {  	[sflag:s30] =	ssyncset.done $0x0  }
0xc0: {  	[sflag:s30] =	ssyncadd.s32 $0xFFFFFF80  }
0xc1: {  	[tilespmem:s6], [sflag:$0x1] =	stream.indirect.gather [hbm4b:s4+s1], $0x80, s0, s1, $0xb8;
	[tilespmem:$0x1B980] =	vst v63  }
0xc2: {  	_ =	swait.ge [sflag:s22], $0x4000  }
.Ltmp5:
0xc3: {  	[sflag:s22] =	ssyncset.done $0x0;
	(pc) =	sbr.rel @p2 .LBB2_6-.Ltmp5, $4  }
0xc4: {  	[sflag:s22] =	ssyncadd.s32 $0xFFFFC000  }
0xc5: {  	[spmem:s2] =	stream.indirect.scatter.add.f32 [tilespmem:s6], [sflag:$0x2], $0x80, s31, s1, $0xb8;
	[tilespmem:$0x1B980] =	vst v63  }
0xc6: {  	_ =	swait.ge [sflag:s30], $0x4000  }
0xc7: {  	[sflag:s30] =	ssyncset.done $0x0  }
.LBB2_7:
0xc8: {  	[sflag:s30] =	ssyncadd.s32 $0xFFFFC000  }
0xc9: {  	[bflag:$0x0] =	sbarrier.arrive $0xFFFF  }
0xca: {  	s7 =	rddreg [dreg:$0xe]  }
0xcb: {  	[hbm:s7], [sflag:s24] =	dma.local [spmem:s10], $0x780  }
0xcc: {  	_ =	swait.ge [sflag:s30], $0x780  }
0xcd: {  	[sflag:s30] =	ssyncset.done $0x0  }
0xce: {  	[sflag:s30] =	ssyncadd.s32 $0xFFFFF880  }
0xcf: {  	[bflag:$0x0] =	sbarrier.arrive @p0 $0xFFFF  }
0xd0: {  	s7 =	rddreg [dreg:$0x6]  }
0xd1: {  	s9 =	simm.s32 @p0 $0x2;
	s21 =	sshrl.u32 @p0 s7, $0x3  }
0xd2: {  	[spmem:s21], [sflag:s24] =	dma.local @p0 [hbm:s12], $0x780  }
0xd3: {  	_ =	swait.ge @p0 [sflag:s9], $0x780  }
0xd4: {  	[sflag:s9] =	ssyncset.done @p0 $0x0  }
0xd5: {  	s14 =	rddreg [dreg:$0x14];
	[sflag:s9] =	ssyncadd.s32 @p0 $0xFFFFF880  }
0xd6: {  	[hbm:s14], [sflag:s24] =	dma.local @!p0 [spmem:s15], $0x500  }
0xd7: {  	_ =	swait.ge @!p0 [sflag:s11], $0x500  }
0xd8: {  	[sflag:s11] =	ssyncset.done @!p0 $0x0  }
0xd9: {  	[sflag:s11] =	ssyncadd.s32 @!p0 $0xFFFFFB00  }
0xda: {  	s7 =	sshrl.u32 @!p0 s7, $0x3;
	[bflag:$0x0] =	sbarrier.arrive @!p0 $0xFFFF  }
0xdb: {  	[spmem:s7], [sflag:s24] =	dma.local @!p0 [hbm:s12], $0x780  }
0xdc: {  	_ =	swait.ge @!p0 [sflag:s11], $0x780  }
0xdd: {  	[sflag:s11] =	ssyncset.done @!p0 $0x0  }
0xde: {  	s14 =	rddreg [dreg:$0x7];
	[sflag:s11] =	ssyncadd.s32 @!p0 $0xFFFFF880  }
0xdf: {  	[spmem:s15], [sflag:s24] =	dma.local @!p0 [hbm:s14], $0x500  }
0xe0: {  	_ =	swait.ge @!p0 [sflag:s11], $0x500  }
0xe1: {  	[sflag:s11] =	ssyncset.done @!p0 $0x0  }
0xe2: {  	[sflag:s11] =	ssyncadd.s32 @!p0 $0xFFFFFB00  }
0xe3: {  	[bflag:$0x0] =	sbarrier.arrive $0xFFFF  }
0xe4: {  	[tilespmem:s31], [sflag:$0x2] =	stream.linear.gather [hbm4b:s13+s3], $0x80, $0x38;
	[tilespmem:$0x1B980] =	vst v63  }
0xe5: {  	_ =	swait.ge [sflag:s30], $0x80  }
0xe6: {  	[sflag:s30] =	ssyncset.done $0x0  }
0xe7: {  	s14 =	rddreg [dreg:$0xd];
	[sflag:s30] =	ssyncadd.s32 $0xFFFFFF80  }
0xe8: {  	[tilespmem:s0], [sflag:$0x2] =	stream.linear.gather [hbm4b:s14+s3], $0x80, $0x38;
	[tilespmem:$0x1B980] =	vst v63  }
0xe9: {  	_ =	swait.ge [sflag:s30], $0x80  }
0xea: {  	[sflag:s30] =	ssyncset.done $0x0  }
0xeb: {  	[sflag:s30] =	ssyncadd.s32 $0xFFFFFF80  }
0xec: {  	[tilespmem:s6], [sflag:$0x1] =	stream.indirect.gather [hbm4b:s5+s1], $0x80, s0, s1, $0xb8;
	[tilespmem:$0x1B980] =	vst v63  }
0xed: {  	_ =	swait.ge [sflag:s22], $0x4000  }
.Ltmp6:
0xee: {  	[sflag:s22] =	ssyncset.done $0x0;
	(pc) =	sbr.rel @!p1 .LBB2_9-.Ltmp6, $4  }
0xef: {  	[sflag:s22] =	ssyncadd.s32 $0xFFFFC000  }
0xf0: {  	[spmem:s2] =	stream.indirect.scatter.add.f32 [tilespmem:s6], [sflag:$0x2], $0x80, s31, s1, $0xb8;
	[tilespmem:$0x1B980] =	vst v63  }
0xf1: {  	_ =	swait.ge [sflag:s30], $0x4000  }
0xf2: {  	s20 =	smov.u32 s13;
	s11 =	sadd.s32 $0xFFFFFFFF, s25;
	[sflag:s30] =	ssyncset.done $0x0  }
.LBB2_8:
0xf3: {  	[sflag:s30] =	ssyncadd.s32 $0xFFFFC000;
	s20 =	sadd.s32 $0x200, s20;
	s14 =	sadd.s32 $0x200, s14  }
0xf4: {  	[tilespmem:s31], [sflag:$0x2] =	stream.linear.gather [hbm4b:s20+s3], $0x80, $0x38;
	[tilespmem:$0x1B980] =	vst v63  }
0xf5: {  	p2 =	sne.s32 s11, $0x1;
	s11 =	sadd.s32 $0xFFFFFFFF, s11;
	_ =	swait.ge [sflag:s30], $0x80  }
0xf6: {  	[sflag:s30] =	ssyncset.done $0x0  }
0xf7: {  	[sflag:s30] =	ssyncadd.s32 $0xFFFFFF80  }
0xf8: {  	[tilespmem:s0], [sflag:$0x2] =	stream.linear.gather [hbm4b:s14+s3], $0x80, $0x38;
	[tilespmem:$0x1B980] =	vst v63  }
0xf9: {  	_ =	swait.ge [sflag:s30], $0x80  }
0xfa: {  	[sflag:s30] =	ssyncset.done $0x0  }
0xfb: {  	[sflag:s30] =	ssyncadd.s32 $0xFFFFFF80  }
0xfc: {  	[tilespmem:s6], [sflag:$0x1] =	stream.indirect.gather [hbm4b:s5+s1], $0x80, s0, s1, $0xb8;
	[tilespmem:$0x1B980] =	vst v63  }
0xfd: {  	_ =	swait.ge [sflag:s22], $0x4000  }
.Ltmp7:
0xfe: {  	[sflag:s22] =	ssyncset.done $0x0;
	(pc) =	sbr.rel @p2 .LBB2_8-.Ltmp7, $4  }
0xff: {  	[sflag:s22] =	ssyncadd.s32 $0xFFFFC000  }
0x100: {  	[spmem:s2] =	stream.indirect.scatter.add.f32 [tilespmem:s6], [sflag:$0x2], $0x80, s31, s1, $0xb8;
	[tilespmem:$0x1B980] =	vst v63  }
0x101: {  	_ =	swait.ge [sflag:s30], $0x4000  }
0x102: {  	[sflag:s30] =	ssyncset.done $0x0  }
.LBB2_9:
0x103: {  	[sflag:s30] =	ssyncadd.s32 $0xFFFFC000  }
0x104: {  	[bflag:$0x0] =	sbarrier.arrive $0xFFFF  }
0x105: {  	s11 =	rddreg [dreg:$0xf]  }
0x106: {  	[hbm:s11], [sflag:s24] =	dma.local [spmem:s10], $0x780  }
0x107: {  	_ =	swait.ge [sflag:s30], $0x780  }
0x108: {  	[sflag:s30] =	ssyncset.done $0x0  }
0x109: {  	[sflag:s30] =	ssyncadd.s32 $0xFFFFF880  }
0x10a: {  	[bflag:$0x0] =	sbarrier.arrive @p0 $0xFFFF  }
0x10b: {  	[spmem:s17], [sflag:s24] =	dma.local @p0 [hbm:s8], $0x2700  }
0x10c: {  	_ =	swait.ge @p0 [sflag:s9], $0x2700  }
0x10d: {  	[sflag:s9] =	ssyncset.done @p0 $0x0  }
0x10e: {  	[sflag:s9] =	ssyncadd.s32 @p0 $0xFFFFD900;
	s9 =	rddreg [dreg:$0x15]  }
0x10f: {  	[hbm:s9], [sflag:s24] =	dma.local @!p0 [spmem:s15], $0x500  }
0x110: {  	s9 =	simm.s32 @!p0 $0x2  }
0x111: {  	_ =	swait.ge @!p0 [sflag:s9], $0x500  }
0x112: {  	[sflag:s9] =	ssyncset.done @!p0 $0x0  }
0x113: {  	[sflag:s9] =	ssyncadd.s32 @!p0 $0xFFFFFB00  }
0x114: {  	[bflag:$0x0] =	sbarrier.arrive @!p0 $0xFFFF  }
0x115: {  	[spmem:s19], [sflag:s24] =	dma.local @!p0 [hbm:s8], $0x2700  }
0x116: {  	_ =	swait.ge @!p0 [sflag:s9], $0x2700  }
0x117: {  	[sflag:s9] =	ssyncset.done @!p0 $0x0  }
0x118: {  	[sflag:s9] =	ssyncadd.s32 @!p0 $0xFFFFD900  }
0x119: {  	[spmem:s26], [sflag:s24] =	dma.local @!p0 [hbm:s16], $0x100  }
0x11a: {  	_ =	swait.ge @!p0 [sflag:s9], $0x100  }
0x11b: {  	[sflag:s9] =	ssyncset.done @!p0 $0x0  }
0x11c: {  	[sflag:s9] =	ssyncadd.s32 @!p0 $0xFFFFFF00  }
0x11d: {  	[bflag:$0x0] =	sbarrier.arrive $0xFFFF  }
0x11e: {  	s20 =	smov.u32 s16;
	s16 =	rddreg [dreg:$0x8]  }
0x11f: {  	[tilespmem:s31], [sflag:$0x2] =	stream.linear.gather [hbm4b:s16+s3], $0x80, $0x38;
	[tilespmem:$0x1B980] =	vst v63  }
0x120: {  	_ =	swait.ge [sflag:s30], $0x80  }
.Ltmp8:
0x121: {  	[sflag:s30] =	ssyncset.done $0x0;
	(pc) =	sbr.rel @!p1 .LBB2_11-.Ltmp8, $4  }
0x122: {  	[sflag:s30] =	ssyncadd.s32 $0xFFFFFF80  }
0x123: {  	[spmem:s2] =	stream.indirect.scatter.add.f32 [tilespmem:s29], [sflag:$0x2], $0x80, s31, s1, $0xb8;
	[tilespmem:$0x1B980] =	vst v63  }
0x124: {  	_ =	swait.ge [sflag:s30], $0x4000  }
0x125: {  	s11 =	sadd.s32 $0xFFFFFFFF, s25;
	s14 =	smov.u32 s16;
	[sflag:s30] =	ssyncset.done $0x0  }
.LBB2_10:
0x126: {  	p2 =	sne.s32 s11, $0x1;
	[sflag:s30] =	ssyncadd.s32 $0xFFFFC000;
	s14 =	sadd.s32 $0x200, s14  }
0x127: {  	[tilespmem:s31], [sflag:$0x2] =	stream.linear.gather [hbm4b:s14+s3], $0x80, $0x38;
	[tilespmem:$0x1B980] =	vst v63  }
0x128: {  	s11 =	sadd.s32 $0xFFFFFFFF, s11;
	_ =	swait.ge [sflag:s30], $0x80  }
.Ltmp9:
0x129: {  	[sflag:s30] =	ssyncset.done $0x0;
	(pc) =	sbr.rel @p2 .LBB2_10-.Ltmp9, $4  }
0x12a: {  	[sflag:s30] =	ssyncadd.s32 $0xFFFFFF80  }
0x12b: {  	[spmem:s2] =	stream.indirect.scatter.add.f32 [tilespmem:s29], [sflag:$0x2], $0x80, s31, s1, $0xb8;
	[tilespmem:$0x1B980] =	vst v63  }
0x12c: {  	_ =	swait.ge [sflag:s30], $0x4000  }
0x12d: {  	[sflag:s30] =	ssyncset.done $0x0  }
.LBB2_11:
0x12e: {  	[sflag:s30] =	ssyncadd.s32 $0xFFFFC000  }
0x12f: {  	[bflag:$0x0] =	sbarrier.arrive $0xFFFF  }
0x130: {  	s11 =	rddreg [dreg:$0x1e]  }
0x131: {  	[hbm:s11], [sflag:s24] =	dma.local [spmem:s28], $0x2700  }
0x132: {  	_ =	swait.ge [sflag:s30], $0x2700  }
0x133: {  	[sflag:s30] =	ssyncset.done $0x0  }
0x134: {  	[sflag:s30] =	ssyncadd.s32 $0xFFFFD900  }
0x135: {  	s11 =	simm.s32 @p0 $0x2;
	[bflag:$0x0] =	sbarrier.arrive @p0 $0xFFFF  }
0x136: {  	[spmem:s17], [sflag:s24] =	dma.local @p0 [hbm:s8], $0x2700  }
0x137: {  	_ =	swait.ge @p0 [sflag:s11], $0x2700  }
0x138: {  	[sflag:s11] =	ssyncset.done @p0 $0x0  }
0x139: {  	s14 =	rddreg [dreg:$0x16];
	[sflag:s11] =	ssyncadd.s32 @p0 $0xFFFFD900  }
0x13a: {  	[hbm:s14], [sflag:s24] =	dma.local @!p0 [spmem:s26], $0x100  }
0x13b: {  	_ =	swait.ge @!p0 [sflag:s9], $0x100  }
0x13c: {  	[sflag:s9] =	ssyncset.done @!p0 $0x0  }
0x13d: {  	[sflag:s9] =	ssyncadd.s32 @!p0 $0xFFFFFF00  }
0x13e: {  	[bflag:$0x0] =	sbarrier.arrive @!p0 $0xFFFF  }
0x13f: {  	[spmem:s19], [sflag:s24] =	dma.local @!p0 [hbm:s8], $0x2700  }
0x140: {  	_ =	swait.ge @!p0 [sflag:s9], $0x2700  }
0x141: {  	[sflag:s9] =	ssyncset.done @!p0 $0x0  }
0x142: {  	[sflag:s9] =	ssyncadd.s32 @!p0 $0xFFFFD900  }
0x143: {  	[spmem:s26], [sflag:s24] =	dma.local @!p0 [hbm:s20], $0x100  }
0x144: {  	_ =	swait.ge @!p0 [sflag:s9], $0x100  }
0x145: {  	[sflag:s9] =	ssyncset.done @!p0 $0x0  }
0x146: {  	[sflag:s9] =	ssyncadd.s32 @!p0 $0xFFFFFF00  }
0x147: {  	[bflag:$0x0] =	sbarrier.arrive $0xFFFF  }
0x148: {  	s14 =	rddreg [dreg:$0xa]  }
0x149: {  	[tilespmem:s31], [sflag:$0x2] =	stream.linear.gather [hbm4b:s14+s3], $0x80, $0x38;
	[tilespmem:$0x1B980] =	vst v63  }
0x14a: {  	_ =	swait.ge [sflag:s30], $0x80  }
.Ltmp10:
0x14b: {  	[sflag:s30] =	ssyncset.done $0x0;
	(pc) =	sbr.rel @!p1 .LBB2_13-.Ltmp10, $4  }
0x14c: {  	[sflag:s30] =	ssyncadd.s32 $0xFFFFFF80  }
0x14d: {  	[spmem:s2] =	stream.indirect.scatter.add.f32 [tilespmem:s29], [sflag:$0x2], $0x80, s31, s1, $0xb8;
	[tilespmem:$0x1B980] =	vst v63  }
0x14e: {  	_ =	swait.ge [sflag:s30], $0x4000  }
0x14f: {  	s9 =	sadd.s32 $0xFFFFFFFF, s25;
	[sflag:s30] =	ssyncset.done $0x0  }
.LBB2_12:
0x150: {  	p2 =	sne.s32 s9, $0x1;
	[sflag:s30] =	ssyncadd.s32 $0xFFFFC000;
	s14 =	sadd.s32 $0x200, s14  }
0x151: {  	[tilespmem:s31], [sflag:$0x2] =	stream.linear.gather [hbm4b:s14+s3], $0x80, $0x38;
	[tilespmem:$0x1B980] =	vst v63  }
0x152: {  	s9 =	sadd.s32 $0xFFFFFFFF, s9;
	_ =	swait.ge [sflag:s30], $0x80  }
.Ltmp11:
0x153: {  	[sflag:s30] =	ssyncset.done $0x0;
	(pc) =	sbr.rel @p2 .LBB2_12-.Ltmp11, $4  }
0x154: {  	[sflag:s30] =	ssyncadd.s32 $0xFFFFFF80  }
0x155: {  	[spmem:s2] =	stream.indirect.scatter.add.f32 [tilespmem:s29], [sflag:$0x2], $0x80, s31, s1, $0xb8;
	[tilespmem:$0x1B980] =	vst v63  }
0x156: {  	_ =	swait.ge [sflag:s30], $0x4000  }
0x157: {  	[sflag:s30] =	ssyncset.done $0x0  }
.LBB2_13:
0x158: {  	[sflag:s30] =	ssyncadd.s32 $0xFFFFC000  }
0x159: {  	[bflag:$0x0] =	sbarrier.arrive $0xFFFF  }
0x15a: {  	s9 =	rddreg [dreg:$0x1f]  }
0x15b: {  	[hbm:s9], [sflag:s24] =	dma.local [spmem:s28], $0x2700  }
0x15c: {  	_ =	swait.ge [sflag:s30], $0x2700  }
0x15d: {  	[sflag:s30] =	ssyncset.done $0x0  }
0x15e: {  	[sflag:s30] =	ssyncadd.s32 $0xFFFFD900  }
0x15f: {  	[bflag:$0x0] =	sbarrier.arrive @p0 $0xFFFF  }
0x160: {  	[spmem:s21], [sflag:s24] =	dma.local @p0 [hbm:s12], $0x780  }
0x161: {  	_ =	swait.ge @p0 [sflag:s11], $0x780  }
0x162: {  	[sflag:s11] =	ssyncset.done @p0 $0x0  }
0x163: {  	s9 =	rddreg [dreg:$0x17];
	[sflag:s11] =	ssyncadd.s32 @p0 $0xFFFFF880  }
0x164: {  	[hbm:s9], [sflag:s24] =	dma.local @!p0 [spmem:s26], $0x100  }
0x165: {  	s9 =	simm.s32 @!p0 $0x2  }
0x166: {  	_ =	swait.ge @!p0 [sflag:s9], $0x100  }
0x167: {  	[sflag:s9] =	ssyncset.done @!p0 $0x0  }
0x168: {  	[sflag:s9] =	ssyncadd.s32 @!p0 $0xFFFFFF00  }
0x169: {  	[bflag:$0x0] =	sbarrier.arrive @!p0 $0xFFFF  }
0x16a: {  	[spmem:s7], [sflag:s24] =	dma.local @!p0 [hbm:s12], $0x780  }
0x16b: {  	_ =	swait.ge @!p0 [sflag:s9], $0x780  }
0x16c: {  	[sflag:s9] =	ssyncset.done @!p0 $0x0  }
0x16d: {  	s11 =	rddreg [dreg:$0x7];
	[sflag:s9] =	ssyncadd.s32 @!p0 $0xFFFFF880  }
0x16e: {  	[spmem:s15], [sflag:s24] =	dma.local @!p0 [hbm:s11], $0x500  }
0x16f: {  	_ =	swait.ge @!p0 [sflag:s9], $0x500  }
0x170: {  	[sflag:s9] =	ssyncset.done @!p0 $0x0  }
0x171: {  	[sflag:s9] =	ssyncadd.s32 @!p0 $0xFFFFFB00  }
0x172: {  	[bflag:$0x0] =	sbarrier.arrive $0xFFFF  }
0x173: {  	[tilespmem:s31], [sflag:$0x2] =	stream.linear.gather [hbm4b:s18+s3], $0x80, $0x38;
	[tilespmem:$0x1B980] =	vst v63  }
0x174: {  	_ =	swait.ge [sflag:s30], $0x80  }
.Ltmp12:
0x175: {  	[sflag:s30] =	ssyncset.done $0x0;
	(pc) =	sbr.rel @!p1 .LBB2_15-.Ltmp12, $4  }
0x176: {  	[sflag:s30] =	ssyncadd.s32 $0xFFFFFF80  }
0x177: {  	[spmem:s2] =	stream.indirect.scatter.add.f32 [tilespmem:s29], [sflag:$0x2], $0x80, s31, s1, $0xb8;
	[tilespmem:$0x1B980] =	vst v63  }
0x178: {  	s14 =	smov.u32 s18;
	_ =	swait.ge [sflag:s30], $0x4000  }
0x179: {  	s11 =	sadd.s32 $0xFFFFFFFF, s25;
	[sflag:s30] =	ssyncset.done $0x0;
	s19 =	rddreg [dreg:$0x4]  }
.LBB2_14:
0x17a: {  	p2 =	sne.s32 s11, $0x1;
	[sflag:s30] =	ssyncadd.s32 $0xFFFFC000;
	s14 =	sadd.s32 $0x200, s14  }
0x17b: {  	[tilespmem:s31], [sflag:$0x2] =	stream.linear.gather [hbm4b:s14+s3], $0x80, $0x38;
	[tilespmem:$0x1B980] =	vst v63  }
0x17c: {  	s11 =	sadd.s32 $0xFFFFFFFF, s11;
	_ =	swait.ge [sflag:s30], $0x80  }
.Ltmp13:
0x17d: {  	[sflag:s30] =	ssyncset.done $0x0;
	(pc) =	sbr.rel @p2 .LBB2_14-.Ltmp13, $4  }
0x17e: {  	[sflag:s30] =	ssyncadd.s32 $0xFFFFFF80  }
0x17f: {  	[spmem:s2] =	stream.indirect.scatter.add.f32 [tilespmem:s29], [sflag:$0x2], $0x80, s31, s1, $0xb8;
	[tilespmem:$0x1B980] =	vst v63  }
0x180: {  	_ =	swait.ge [sflag:s30], $0x4000  }
0x181: {  	[sflag:s30] =	ssyncset.done $0x0  }
.LBB2_15:
0x182: {  	[sflag:s30] =	ssyncadd.s32 $0xFFFFC000  }
0x183: {  	[bflag:$0x0] =	sbarrier.arrive $0xFFFF  }
0x184: {  	s11 =	rddreg [dreg:$0x10]  }
0x185: {  	[hbm:s11], [sflag:s24] =	dma.local [spmem:s10], $0x780  }
0x186: {  	_ =	swait.ge [sflag:s30], $0x780  }
0x187: {  	[sflag:s30] =	ssyncset.done $0x0  }
0x188: {  	[sflag:s30] =	ssyncadd.s32 $0xFFFFF880  }
0x189: {  	s11 =	simm.s32 @p0 $0x2;
	[bflag:$0x0] =	sbarrier.arrive @p0 $0xFFFF  }
0x18a: {  	[spmem:s21], [sflag:s24] =	dma.local @p0 [hbm:s12], $0x780  }
0x18b: {  	_ =	swait.ge @p0 [sflag:s11], $0x780  }
0x18c: {  	[sflag:s11] =	ssyncset.done @p0 $0x0  }
0x18d: {  	[sflag:s11] =	ssyncadd.s32 @p0 $0xFFFFF880;
	s11 =	rddreg [dreg:$0x18]  }
0x18e: {  	[hbm:s11], [sflag:s24] =	dma.local @!p0 [spmem:s15], $0x500  }
0x18f: {  	_ =	swait.ge @!p0 [sflag:s9], $0x500  }
0x190: {  	[sflag:s9] =	ssyncset.done @!p0 $0x0  }
0x191: {  	[sflag:s9] =	ssyncadd.s32 @!p0 $0xFFFFFB00  }
0x192: {  	[bflag:$0x0] =	sbarrier.arrive @!p0 $0xFFFF  }
0x193: {  	[spmem:s7], [sflag:s24] =	dma.local @!p0 [hbm:s12], $0x780  }
0x194: {  	_ =	swait.ge @!p0 [sflag:s9], $0x780  }
0x195: {  	[sflag:s9] =	ssyncset.done @!p0 $0x0  }
0x196: {  	s7 =	rddreg [dreg:$0x7];
	[sflag:s9] =	ssyncadd.s32 @!p0 $0xFFFFF880  }
0x197: {  	[spmem:s15], [sflag:s24] =	dma.local @!p0 [hbm:s7], $0x500  }
0x198: {  	_ =	swait.ge @!p0 [sflag:s9], $0x500  }
0x199: {  	[sflag:s9] =	ssyncset.done @!p0 $0x0  }
0x19a: {  	[sflag:s9] =	ssyncadd.s32 @!p0 $0xFFFFFB00  }
0x19b: {  	[bflag:$0x0] =	sbarrier.arrive $0xFFFF  }
0x19c: {  	[tilespmem:s31], [sflag:$0x2] =	stream.linear.gather [hbm4b:s13+s3], $0x80, $0x38;
	[tilespmem:$0x1B980] =	vst v63  }
0x19d: {  	_ =	swait.ge [sflag:s30], $0x80  }
.Ltmp14:
0x19e: {  	[sflag:s30] =	ssyncset.done $0x0;
	(pc) =	sbr.rel @!p1 .LBB2_17-.Ltmp14, $4  }
0x19f: {  	[sflag:s30] =	ssyncadd.s32 $0xFFFFFF80  }
0x1a0: {  	[spmem:s2] =	stream.indirect.scatter.add.f32 [tilespmem:s29], [sflag:$0x2], $0x80, s31, s1, $0xb8;
	[tilespmem:$0x1B980] =	vst v63  }
0x1a1: {  	_ =	swait.ge [sflag:s30], $0x4000  }
0x1a2: {  	s7 =	sadd.s32 $0xFFFFFFFF, s25;
	s9 =	smov.u32 s13;
	[sflag:s30] =	ssyncset.done $0x0  }
.LBB2_16:
0x1a3: {  	p1 =	sne.s32 s7, $0x1;
	[sflag:s30] =	ssyncadd.s32 $0xFFFFC000;
	s9 =	sadd.s32 $0x200, s9  }
0x1a4: {  	[tilespmem:s31], [sflag:$0x2] =	stream.linear.gather [hbm4b:s9+s3], $0x80, $0x38;
	[tilespmem:$0x1B980] =	vst v63  }
0x1a5: {  	s7 =	sadd.s32 $0xFFFFFFFF, s7;
	_ =	swait.ge [sflag:s30], $0x80  }
.Ltmp15:
0x1a6: {  	[sflag:s30] =	ssyncset.done $0x0;
	(pc) =	sbr.rel @p1 .LBB2_16-.Ltmp15, $4  }
0x1a7: {  	[sflag:s30] =	ssyncadd.s32 $0xFFFFFF80  }
0x1a8: {  	[spmem:s2] =	stream.indirect.scatter.add.f32 [tilespmem:s29], [sflag:$0x2], $0x80, s31, s1, $0xb8;
	[tilespmem:$0x1B980] =	vst v63  }
0x1a9: {  	_ =	swait.ge [sflag:s30], $0x4000  }
0x1aa: {  	[sflag:s30] =	ssyncset.done $0x0  }
.LBB2_17:
0x1ab: {  	[sflag:s30] =	ssyncadd.s32 $0xFFFFC000  }
0x1ac: {  	[bflag:$0x0] =	sbarrier.arrive $0xFFFF  }
0x1ad: {  	s7 =	rddreg [dreg:$0x11]  }
0x1ae: {  	[hbm:s7], [sflag:s24] =	dma.local [spmem:s10], $0x780  }
0x1af: {  	_ =	swait.ge [sflag:s30], $0x780  }
0x1b0: {  	[sflag:s30] =	ssyncset.done $0x0  }
0x1b1: {  	s7 =	rddreg [dreg:$0x19];
	[sflag:s30] =	ssyncadd.s32 $0xFFFFF880  }
0x1b2: {  	[hbm:s7], [sflag:s24] =	dma.local @!p0 [spmem:s15], $0x500  }
0x1b3: {  	s7 =	simm.s32 @!p0 $0x2  }
0x1b4: {  	_ =	swait.ge @!p0 [sflag:s7], $0x500  }
0x1b5: {  	s23 =	sadd.s32 $0x1, s23;
	s28 =	rddreg [dreg:$0x1a]  }
0x1b6: {  	p1 =	sne.s32 s23, s28  }
.Ltmp16:
0x1b7: {  	_ = 	snop;
	(pc) =	sbr.rel @p1 .LBB2_1-.Ltmp16, $3  }
0x1b8: {  	[sflag:s7] =	ssyncset.done @!p0 $0x0  }
0x1b9: {  	[sflag:s7] =	ssyncadd.s32 @!p0 $0xFFFFFB00  }
0x1ba: {  	[bflag:$0x0] =	sbarrier.arrive $0xFFFF;
	_ =	sdelay $0x1  }
0x1bb: {  	_ =	sfence.sel $0x180000  }
0x1bc: {  	[bflag:$0x0] =	sbarrier.arrive $0xFFFF  }
0x1bd: {  	_ =	strace $0x90000047  }
0x1be: {  	[bflag:$0x2] =	sbarrier.arrive $0xFFFF  }
0x1bf: {  	s0 =	rddreg [dreg:$0x3]  }
0x1c0: {  	s0 =	sadd.s32 @!p0 $0x100000, s0  }
0x1c1: {  	[sflag:s0] =	ssyncadd.tile.s32 @!p0 $0x1;
	_ =	shalt  }
.Lfunc_end2:
_tile_overlayer_lowered:
.L_overlay_start_2:
0x1c2: {  	(tag) =	ssettag $0x2  }
0x1c3: {  	s0 =	rddreg [dreg:$0x0];
	s2 =	stileid.u32  }
0x1c4: {  	s1 =	rddreg [dreg:$0x1];
	p0 =	sne.s32 s2, $0x0  }
0x1c5: {  	s3 =	rddreg [dreg:$0x2];
	[bflag:$0x3] =	sbarrier.arrive $0xFFFF;
	s2 =	simm.s32 @!p0 $0x1C02  }
0x1c6: {  	[timem:s3], [sflag:s2] =	dma.local @!p0 [hbm:s0], s1  }
0x1c7: {  	s0 =	simm.s32 @!p0 $0x2  }
0x1c8: {  	_ =	swait.ge @!p0 [sflag:s0], s1  }
0x1c9: {  	s1 =	ssub.s32 @!p0 $0x0, s1;
	[sflag:s0] =	ssyncset.done @!p0 $0x0  }
0x1ca: {  	[sflag:s0] =	ssyncadd.s32 @!p0 s1  }
0x1cb: {  	[bflag:$0x3] =	sbarrier.arrive $0xFFFF  }
0x1cc: {  	_ =	shalt  }

</sc_bundles>
